<compile_context>
chip_gen: v7x
topology: tpu7x:2x2x1
jax: 0.10.2.dev20260603
libtpu: 0.0.44.dev20260713+nightly
codegen_flags: <defaults>
</compile_context>

<pallas_src>
import functools

import jax
import jax.numpy as jnp
from jax import lax
from jax.experimental import pallas as pl
from jax.experimental.pallas import tpu as pltpu
from jax.experimental.pallas import tpu_sc as plsc

D_IN = 768
NUM_LATENTS = 12288
K = 32
N_TOKENS = 4096

TOK_BLK = 256
LAT_TILE = 1536

NW = 32
B_PER_W = N_TOKENS // NW
LANES = 16


def _encode_topk_kernel(x_ref, wenc_ref, benc_ref, bdec_ref,
                        vals_ref, idxs_ref, acts_ref):
    B = x_ref.shape[0]
    L = wenc_ref.shape[0]
    sae_in = x_ref[...] - bdec_ref[...]
    for t in range(L // LAT_TILE):
        w = wenc_ref[t * LAT_TILE:(t + 1) * LAT_TILE, :]
        a = lax.dot_general(sae_in, w, (((1,), (1,)), ((), ())),
                            preferred_element_type=jnp.float32)
        b = benc_ref[0, t * LAT_TILE:(t + 1) * LAT_TILE][None, :]
        acts_ref[:, t * LAT_TILE:(t + 1) * LAT_TILE] = jnp.maximum(a + b, 0.0)

    iota = lax.broadcasted_iota(jnp.int32, (B, L), 1)
    kiota = lax.broadcasted_iota(jnp.int32, (B, K), 1)
    big = jnp.int32(2 ** 30)

    def body(k, carry):
        vals, idxs = carry
        a = acts_ref[...]
        m = jnp.max(a, axis=1, keepdims=True)
        idx = jnp.min(jnp.where(a == m, iota, big),
                      axis=1, keepdims=True)
        acts_ref[...] = jnp.where(iota == idx, -jnp.inf, a)
        vals = jnp.where(kiota == k, m, vals)
        idxs = jnp.where(kiota == k, idx, idxs)
        return vals, idxs

    init = (jnp.zeros((B, K), jnp.float32), jnp.zeros((B, K), jnp.int32))
    vals, idxs = lax.fori_loop(0, K, body, init)
    vals_ref[...] = vals
    idxs_ref[...] = idxs


def _loss_kernel(x_ref, out_ref, l2_ref, tv_ref):
    xv = x_ref[...]
    ov = out_ref[...]
    e = ov - xv
    l2_ref[0, 0] = jnp.sum(e * e)
    mu = jnp.mean(xv, axis=0, keepdims=True)
    d = xv - mu
    tv_ref[0, 0] = jnp.sum(d * d)


def _decode_kernel(wdec_hbm, idx_hbm, vals_hbm, bdec_hbm, out_hbm,
                   idx_v, vals_v, rows_v, bcast_v, bdec_v, orow0_v, orow1_v,
                   sem0, sem1, osem0, osem1):
    wid = lax.axis_index("s") * 2 + lax.axis_index("c")
    base = wid * B_PER_W
    pltpu.sync_copy(idx_hbm.at[pl.ds(base, B_PER_W)], idx_v)
    pltpu.sync_copy(vals_hbm.at[pl.ds(base, B_PER_W)], vals_v)
    pltpu.sync_copy(bdec_hbm, bdec_v)

    lane = lax.iota(jnp.int32, LANES)
    sems = (sem0, sem1)
    osems = (osem0, osem1)
    obufs = (orow0_v, orow1_v)

    pltpu.async_copy(wdec_hbm.at[idx_v.at[0]], rows_v.at[0], sems[0])

    def pair_body(p, carry):
        for b in range(2):
            t = 2 * p + b
            nxt = 1 - b

            @pl.when(t + 1 < B_PER_W)
            def _():
                pltpu.async_copy(wdec_hbm.at[idx_v.at[t + 1]],
                                 rows_v.at[nxt], sems[nxt])

            vrow_a = vals_v[t, pl.ds(0, LANES)]
            vrow_b = vals_v[t, pl.ds(LANES, LANES)]
            for k in range(K):
                src = vrow_a if k < LANES else vrow_b
                bval = jnp.sum(jnp.where(lane == (k % LANES), src, 0.0))
                bcast_v[k, :] = jnp.full((LANES,), bval)

            pltpu.make_async_copy(wdec_hbm.at[idx_v.at[t]],
                                  rows_v.at[b], sems[b]).wait()

            @pl.when(t >= 2)
            def _():
                pltpu.make_async_copy(obufs[b], out_hbm.at[base + t - 2],
                                      osems[b]).wait()

            rbuf = rows_v.at[b]
            obuf = obufs[b]
            for g in range(3):
                def kbody(k, acc):
                    bval = bcast_v[k, pl.ds(0, LANES)]
                    return tuple(
                        acc[c] + bval * rbuf[k, pl.ds((g * 16 + c) * LANES, LANES)]
                        for c in range(16))
                init = tuple(bdec_v[pl.ds((g * 16 + c) * LANES, LANES)]
                             for c in range(16))
                acc = lax.fori_loop(0, K, kbody, init)
                for c in range(16):
                    obuf[pl.ds((g * 16 + c) * LANES, LANES)] = acc[c]
            pltpu.async_copy(obuf, out_hbm.at[base + t], osems[b])
        return carry

    lax.fori_loop(0, B_PER_W // 2, pair_body, 0)
    for b in range(2):
        pltpu.make_async_copy(obufs[b], out_hbm.at[base + B_PER_W - 2 + b],
                              osems[b]).wait()


def _encode_topk(x, W_enc, b_enc, b_dec):
    grid = (N_TOKENS // TOK_BLK,)
    return pl.pallas_call(
        _encode_topk_kernel,
        grid=grid,
        in_specs=[
            pl.BlockSpec((TOK_BLK, D_IN), lambda i: (i, 0)),
            pl.BlockSpec((NUM_LATENTS, D_IN), lambda i: (0, 0)),
            pl.BlockSpec((1, NUM_LATENTS), lambda i: (0, 0)),
            pl.BlockSpec((1, D_IN), lambda i: (0, 0)),
        ],
        out_specs=[
            pl.BlockSpec((TOK_BLK, K), lambda i: (i, 0)),
            pl.BlockSpec((TOK_BLK, K), lambda i: (i, 0)),
        ],
        out_shape=[
            jax.ShapeDtypeStruct((N_TOKENS, K), jnp.float32),
            jax.ShapeDtypeStruct((N_TOKENS, K), jnp.int32),
        ],
        scratch_shapes=[pltpu.VMEM((TOK_BLK, NUM_LATENTS), jnp.float32)],
        compiler_params=pltpu.CompilerParams(
            vmem_limit_bytes=100 * 1024 * 1024),
    )(x, W_enc, b_enc.reshape(1, NUM_LATENTS), b_dec.reshape(1, D_IN))


def _decode(W_dec, top_idx, top_vals, b_dec):
    mesh = plsc.VectorSubcoreMesh(core_axis_name="c", subcore_axis_name="s")
    fn = functools.partial(
        pl.kernel,
        mesh=mesh,
        out_type=jax.ShapeDtypeStruct((N_TOKENS, D_IN), jnp.float32),
        scratch_types=[
            pltpu.VMEM((B_PER_W, K), jnp.int32),
            pltpu.VMEM((B_PER_W, K), jnp.float32),
            pltpu.VMEM((2, K, D_IN), jnp.float32),
            pltpu.VMEM((K, LANES), jnp.float32),
            pltpu.VMEM((D_IN,), jnp.float32),
            pltpu.VMEM((D_IN,), jnp.float32),
            pltpu.VMEM((D_IN,), jnp.float32),
            pltpu.SemaphoreType.DMA,
            pltpu.SemaphoreType.DMA,
            pltpu.SemaphoreType.DMA,
            pltpu.SemaphoreType.DMA,
        ],
        compiler_params=pltpu.CompilerParams(needs_layout_passes=False),
    )(_decode_kernel)
    return fn(W_dec, top_idx, top_vals, b_dec)


def _losses(x, sae_out):
    return pl.pallas_call(
        _loss_kernel,
        out_specs=[
            pl.BlockSpec(memory_space=pltpu.SMEM),
            pl.BlockSpec(memory_space=pltpu.SMEM),
        ],
        out_shape=[
            jax.ShapeDtypeStruct((1, 1), jnp.float32),
            jax.ShapeDtypeStruct((1, 1), jnp.float32),
        ],
    )(x, sae_out)


def kernel(x, W_enc, b_enc, W_dec, b_dec):
    top_vals, top_idx = _encode_topk(x, W_enc, b_enc, b_dec)
    sae_out = _decode(W_dec, top_idx, top_vals, b_dec)
    l2, tv = _losses(x, sae_out)
    fvu = (l2 / tv)[0, 0]
    zero = jnp.array(0.0, dtype=sae_out.dtype)
    return (sae_out, top_vals, top_idx, fvu, zero, zero)

# --- scband reference (transcript-rebuilt; emitter-appended) ---
"""Pipeline reference for scband-sae-21620865368722 (READ-ONLY COPY).

The authoritative reference and input builder live on the scoring server;
editing this copy changes nothing except your own understanding.
"""

import jax, jax.numpy as jnp
import numpy as np

D_IN = 768
NUM_LATENTS = 12288
K = 32
N_TOKENS = 4096


def setup_inputs(seed: int = 0) -> dict:
    key = jax.random.key(seed)
    k1, k2 = jax.random.split(key, 2)
    x = jax.random.normal(k1, (N_TOKENS, D_IN), dtype=jnp.float32)
    # encoder weight: kaiming-uniform-ish init scaled by 1/sqrt(d_in)
    W_enc = jax.random.normal(k2, (NUM_LATENTS, D_IN), dtype=jnp.float32) / jnp.sqrt(D_IN)
    b_enc = jnp.zeros((NUM_LATENTS,), dtype=jnp.float32)
    # decoder initialized as a copy of encoder weight, rows normalized to unit norm
    eps = jnp.finfo(jnp.float32).eps
    norm = jnp.linalg.norm(W_enc, axis=1, keepdims=True)
    W_dec = W_enc / (norm + eps)
    b_dec = jnp.zeros((D_IN,), dtype=jnp.float32)
    return {"x": x, "W_enc": W_enc, "b_enc": b_enc, "W_dec": W_dec, "b_dec": b_dec}


def reference(x, W_enc, b_enc, W_dec, b_dec):
    # pre_acts: relu(encoder(x - b_dec))
    sae_in = x - b_dec
    pre_acts = jax.nn.relu(sae_in @ W_enc.T + b_enc)
    # select top-k latents (torch topk(sorted=False) -> same set of values/indices)
    top_acts, top_indices = jax.lax.top_k(pre_acts, K)
    # sparse decode: gather k decoder rows per token and weighted-sum
    dec_rows = jnp.take(W_dec, top_indices, axis=0)  # [N, K, d_in]
    sae_out = jnp.einsum("nk,nkd->nd", top_acts, dec_rows) + b_dec
    # losses (y = x, dead_mask = None, multi_topk = False)
    y = x
    e = sae_out - y
    total_variance = jnp.sum((y - jnp.mean(y, axis=0)) ** 2)
    l2_loss = jnp.sum(e ** 2)
    fvu = l2_loss / total_variance
    auxk_loss = jnp.array(0.0, dtype=sae_out.dtype)
    multi_topk_fvu = jnp.array(0.0, dtype=sae_out.dtype)
    return (sae_out, top_acts, top_indices, fvu, auxk_loss, multi_topk_fvu)

if __name__ == "__main__":
    import jax
    _d = setup_inputs()
    print(jax.jit(kernel)(*tuple(_d.values())))

</pallas_src>

<mosaic_0001>
#map = affine_map<(d0, d1) -> (0, 0)>
#map1 = affine_map<(d0, d1) -> (0)>
module attributes {stable_mosaic.version = 14 : i64} {
  func.func @_decode_kernel(%arg0: i32, %arg1: i32, %arg2: memref<12288x768xf32, #tpu.memory_space<hbm>>, %arg3: memref<4096x32xi32, #tpu.memory_space<hbm>>, %arg4: memref<4096x32xf32, #tpu.memory_space<hbm>>, %arg5: memref<768xf32, #tpu.memory_space<hbm>>, %arg6: memref<4096x768xf32, #tpu.memory_space<hbm>>, %arg7: memref<128x32xi32, #tpu.memory_space<vmem>>, %arg8: memref<128x32xf32, #tpu.memory_space<vmem>>, %arg9: memref<2x32x768xf32, #tpu.memory_space<vmem>>, %arg10: memref<32x16xf32, #tpu.memory_space<vmem>>, %arg11: memref<768xf32, #tpu.memory_space<vmem>>, %arg12: memref<768xf32, #tpu.memory_space<vmem>>, %arg13: memref<768xf32, #tpu.memory_space<vmem>>, %arg14: memref<!tpu.dma_semaphore, #tpu.memory_space<semaphore_mem>>, %arg15: memref<!tpu.dma_semaphore, #tpu.memory_space<semaphore_mem>>, %arg16: memref<!tpu.dma_semaphore, #tpu.memory_space<semaphore_mem>>, %arg17: memref<!tpu.dma_semaphore, #tpu.memory_space<semaphore_mem>>) attributes {dimension_semantics = [#tpu.dimension_semantics<core_parallel>, #tpu.dimension_semantics<subcore_parallel>], iteration_bounds = array<i64: 2, 16>, scalar_prefetch = 0 : i64, scratch_operands = 11 : i64, tpu.core_type = #tpu.core_type<sc_vector_subcore>, window_params = [{transform_indices = #map}, {transform_indices = #map}, {transform_indices = #map}, {transform_indices = #map1}, {transform_indices = #map}]} {
    %mul3A = arith.constant 2 : i32
    %mul3A_0 = arith.muli %arg1, %mul3A : i32
    %add3A = arith.addi %mul3A_0, %arg0 : i32
    %mul3A_1 = arith.constant 128 : i32
    %mul3A_2 = arith.muli %add3A, %mul3A_1 : i32
    "tpu.region"() ({
      %run_scoped3A = tpu.sem_alloc : memref<!tpu.dma_semaphore, #tpu.memory_space<semaphore_mem>>
      %dma_start3A_41 = arith.constant 0 : i32
      %dma_start3A_42 = tpu.memref_slice %arg3[%mul3A_2, %dma_start3A_41] : memref<4096x32xi32, #tpu.memory_space<hbm>> -> memref<128x32xi32, #tpu.memory_space<hbm>>
      %dma_start3A_43 = arith.constant 0 : i32
      %dma_start3A_44 = tpu.memref_slice %arg3[%mul3A_2, %dma_start3A_43] : memref<4096x32xi32, #tpu.memory_space<hbm>> -> memref<128x32xi32, #tpu.memory_space<hbm>>
      tpu.enqueue_dma source(%dma_start3A_44 : memref<128x32xi32, #tpu.memory_space<hbm>>) target(%arg7 : memref<128x32xi32, #tpu.memory_space<vmem>>) target_semaphore(%run_scoped3A : memref<!tpu.dma_semaphore, #tpu.memory_space<semaphore_mem>>)
      %dma_wait3A_45 = arith.constant 0 : i32
      %dma_wait3A_46 = tpu.memref_slice %arg3[%mul3A_2, %dma_wait3A_45] : memref<4096x32xi32, #tpu.memory_space<hbm>> -> memref<128x32xi32, #tpu.memory_space<hbm>>
      %dma_wait3A_47 = arith.constant 0 : i32
      %dma_wait3A_48 = tpu.memref_slice %arg3[%mul3A_2, %dma_wait3A_47] : memref<4096x32xi32, #tpu.memory_space<hbm>> -> memref<128x32xi32, #tpu.memory_space<hbm>>
      tpu.wait_dma2 semaphore(%run_scoped3A : memref<!tpu.dma_semaphore, #tpu.memory_space<semaphore_mem>>) src(%dma_wait3A_48 : memref<128x32xi32, #tpu.memory_space<hbm>>) dst(%arg7 : memref<128x32xi32, #tpu.memory_space<vmem>>)
      tpu.yield
    }) : () -> ()
    "tpu.region"() ({
      %run_scoped3A = tpu.sem_alloc : memref<!tpu.dma_semaphore, #tpu.memory_space<semaphore_mem>>
      %dma_start3A_41 = arith.constant 0 : i32
      %dma_start3A_42 = tpu.memref_slice %arg4[%mul3A_2, %dma_start3A_41] : memref<4096x32xf32, #tpu.memory_space<hbm>> -> memref<128x32xf32, #tpu.memory_space<hbm>>
      %dma_start3A_43 = arith.constant 0 : i32
      %dma_start3A_44 = tpu.memref_slice %arg4[%mul3A_2, %dma_start3A_43] : memref<4096x32xf32, #tpu.memory_space<hbm>> -> memref<128x32xf32, #tpu.memory_space<hbm>>
      tpu.enqueue_dma source(%dma_start3A_44 : memref<128x32xf32, #tpu.memory_space<hbm>>) target(%arg8 : memref<128x32xf32, #tpu.memory_space<vmem>>) target_semaphore(%run_scoped3A : memref<!tpu.dma_semaphore, #tpu.memory_space<semaphore_mem>>)
      %dma_wait3A_45 = arith.constant 0 : i32
      %dma_wait3A_46 = tpu.memref_slice %arg4[%mul3A_2, %dma_wait3A_45] : memref<4096x32xf32, #tpu.memory_space<hbm>> -> memref<128x32xf32, #tpu.memory_space<hbm>>
      %dma_wait3A_47 = arith.constant 0 : i32
      %dma_wait3A_48 = tpu.memref_slice %arg4[%mul3A_2, %dma_wait3A_47] : memref<4096x32xf32, #tpu.memory_space<hbm>> -> memref<128x32xf32, #tpu.memory_space<hbm>>
      tpu.wait_dma2 semaphore(%run_scoped3A : memref<!tpu.dma_semaphore, #tpu.memory_space<semaphore_mem>>) src(%dma_wait3A_48 : memref<128x32xf32, #tpu.memory_space<hbm>>) dst(%arg8 : memref<128x32xf32, #tpu.memory_space<vmem>>)
      tpu.yield
    }) : () -> ()
    "tpu.region"() ({
      %run_scoped3A = tpu.sem_alloc : memref<!tpu.dma_semaphore, #tpu.memory_space<semaphore_mem>>
      tpu.enqueue_dma source(%arg5 : memref<768xf32, #tpu.memory_space<hbm>>) target(%arg11 : memref<768xf32, #tpu.memory_space<vmem>>) target_semaphore(%run_scoped3A : memref<!tpu.dma_semaphore, #tpu.memory_space<semaphore_mem>>)
      tpu.wait_dma2 semaphore(%run_scoped3A : memref<!tpu.dma_semaphore, #tpu.memory_space<semaphore_mem>>) src(%arg5 : memref<768xf32, #tpu.memory_space<hbm>>) dst(%arg11 : memref<768xf32, #tpu.memory_space<vmem>>)
      tpu.yield
    }) : () -> ()
    %iota3A = tpu.iota {dimensions = array<i32: 0>} : vector<16xi32>
    %dma_start3A = arith.constant 0 : i32
    %dma_start3A_3 = arith.constant 0 : i32
    %dma_start3A_4 = arith.constant 0 : i32
    %dma_start3A_5 = arith.constant 0 : i32
    %dma_start3A_6 = tpu.memref_slice %arg9[%dma_start3A_3, %dma_start3A_4, %dma_start3A_5] : memref<2x32x768xf32, #tpu.memory_space<vmem>> -> memref<1x32x768xf32, #tpu.memory_space<vmem>>
    %dma_start3A_7 = tpu.memref_squeeze %dma_start3A_6 : memref<1x32x768xf32, #tpu.memory_space<vmem>> -> memref<32x768xf32, #tpu.memory_space<vmem>>
    %dma_start3A_8 = arith.constant 0 : i32
    %dma_start3A_9 = tpu.memref_slice %arg7[%dma_start3A, %dma_start3A_8] : memref<128x32xi32, #tpu.memory_space<vmem>> -> memref<1x32xi32, #tpu.memory_space<vmem>>
    %dma_start3A_10 = tpu.memref_squeeze %dma_start3A_9 : memref<1x32xi32, #tpu.memory_space<vmem>> -> memref<32xi32, #tpu.memory_space<vmem>>
    %dma_start3A_11 = arith.constant 0 : i32
    %dma_start3A_12 = arith.constant 0 : i32
    %dma_start3A_13 = tpu.memref_slice %arg2[%dma_start3A_11, %dma_start3A_12] : memref<12288x768xf32, #tpu.memory_space<hbm>> -> memref<12288x768xf32, #tpu.memory_space<hbm>>
    tpu.enqueue_indirect_dma source(%dma_start3A_13 : memref<12288x768xf32, #tpu.memory_space<hbm>>) target(%dma_start3A_7 : memref<32x768xf32, #tpu.memory_space<vmem>>) offsets(%dma_start3A_10 : memref<32xi32, #tpu.memory_space<vmem>>) semaphore(%arg14 : memref<!tpu.dma_semaphore, #tpu.memory_space<semaphore_mem>>)
    %scan3A = arith.constant 0 : i32
    %scan3A_14 = arith.constant 0 : i32
    %scan3A_15 = arith.constant 64 : i32
    %scan3A_16 = arith.addi %scan3A_14, %scan3A_15 : i32
    %scan3A_17 = arith.constant 1 : i32
    scf.for %scan3A_41 = %scan3A_14 to %scan3A_16 step %scan3A_17  : i32 {
      %mul3A_42 = arith.constant 2 : i32
      %mul3A_43 = arith.muli %mul3A_42, %scan3A_41 : i32
      %add3A_44 = arith.constant 0 : i32
      %add3A_45 = arith.addi %mul3A_43, %add3A_44 : i32
      %add3A_46 = arith.constant 1 : i32
      %add3A_47 = arith.addi %add3A_45, %add3A_46 : i32
      %lt3A = arith.constant 128 : i32
      %lt3A_48 = arith.cmpi slt, %add3A_47, %lt3A : i32
      %convert_element_type3A = arith.extui %lt3A_48 : i1 to i32
      %cond3A = arith.constant 0 : i32
      %cond3A_49 = arith.cmpi ne, %convert_element_type3A, %cond3A : i32
      scf.if %cond3A_49 {
        %add3A_1497 = arith.constant 1 : i32
        %add3A_1498 = arith.addi %add3A_45, %add3A_1497 : i32
        %dma_start3A_1499 = arith.constant 1 : i32
        %dma_start3A_1500 = arith.constant 0 : i32
        %dma_start3A_1501 = arith.constant 0 : i32
        %dma_start3A_1502 = tpu.memref_slice %arg9[%dma_start3A_1499, %dma_start3A_1500, %dma_start3A_1501] : memref<2x32x768xf32, #tpu.memory_space<vmem>> -> memref<1x32x768xf32, #tpu.memory_space<vmem>>
        %dma_start3A_1503 = tpu.memref_squeeze %dma_start3A_1502 : memref<1x32x768xf32, #tpu.memory_space<vmem>> -> memref<32x768xf32, #tpu.memory_space<vmem>>
        %dma_start3A_1504 = arith.constant 0 : i32
        %dma_start3A_1505 = tpu.memref_slice %arg7[%add3A_1498, %dma_start3A_1504] : memref<128x32xi32, #tpu.memory_space<vmem>> -> memref<1x32xi32, #tpu.memory_space<vmem>>
        %dma_start3A_1506 = tpu.memref_squeeze %dma_start3A_1505 : memref<1x32xi32, #tpu.memory_space<vmem>> -> memref<32xi32, #tpu.memory_space<vmem>>
        %dma_start3A_1507 = arith.constant 0 : i32
        %dma_start3A_1508 = arith.constant 0 : i32
        %dma_start3A_1509 = tpu.memref_slice %arg2[%dma_start3A_1507, %dma_start3A_1508] : memref<12288x768xf32, #tpu.memory_space<hbm>> -> memref<12288x768xf32, #tpu.memory_space<hbm>>
        tpu.enqueue_indirect_dma source(%dma_start3A_1509 : memref<12288x768xf32, #tpu.memory_space<hbm>>) target(%dma_start3A_1503 : memref<32x768xf32, #tpu.memory_space<vmem>>) offsets(%dma_start3A_1506 : memref<32xi32, #tpu.memory_space<vmem>>) semaphore(%arg15 : memref<!tpu.dma_semaphore, #tpu.memory_space<semaphore_mem>>)
      } else {
      }
      %get3A = arith.index_cast %add3A_45 : i32 to index
      %get3A_50 = arith.constant 0 : index
      %get3A_51 = tpu.vector_load %arg8[%get3A, %get3A_50] {strides = array<i32>} : memref<128x32xf32, #tpu.memory_space<vmem>>, vector<16xf32>,
      %get3A_52 = arith.index_cast %add3A_45 : i32 to index
      %get3A_53 = arith.constant 16 : index
      %get3A_54 = tpu.vector_load %arg8[%get3A_52, %get3A_53] {strides = array<i32>} : memref<128x32xf32, #tpu.memory_space<vmem>>, vector<16xf32>,
      %eq3A = arith.constant 0 : i32
      %eq3A_55 = vector.broadcast %eq3A : i32 to vector<16xi32>
      %eq3A_56 = arith.cmpi eq, %iota3A, %eq3A_55 : vector<16xi32>
      %jit3A = arith.constant 0.000000e+00 : f32
      %broadcast_in_dim3A = vector.broadcast %jit3A : f32 to vector<16xf32>
      %select_n3A = arith.select %eq3A_56, %get3A_51, %broadcast_in_dim3A : vector<16xi1>, vector<16xf32>
      %reduce_sum3A = arith.constant true
      %reduce_sum3A_57 = vector.broadcast %reduce_sum3A : i1 to vector<16xi1>
      %reduce_sum3A_58 = tpu.scan <sum>, %select_n3A masked %reduce_sum3A_57 : vector<16xf32>, vector<16xi1> -> vector<16xf32>
      %reduce_sum3A_59 = vector.extract %reduce_sum3A_58[15] : f32 from vector<16xf32>
      %broadcast_in_dim3A_60 = vector.broadcast %reduce_sum3A_59 : f32 to vector<16xf32>
      %swap3A = arith.constant 0 : i32
      %swap3A_61 = arith.index_cast %swap3A : i32 to index
      %swap3A_62 = arith.constant 0 : index
      %swap3A_63 = tpu.vector_load %arg10[%swap3A_61, %swap3A_62] {strides = array<i32>} : memref<32x16xf32, #tpu.memory_space<vmem>>, vector<16xf32>,
      tpu.vector_store %arg10[%swap3A_61, %swap3A_62], %broadcast_in_dim3A_60 {strides = array<i32>} : memref<32x16xf32, #tpu.memory_space<vmem>>, vector<16xf32>,
      %eq3A_64 = arith.constant 1 : i32
      %eq3A_65 = vector.broadcast %eq3A_64 : i32 to vector<16xi32>
      %eq3A_66 = arith.cmpi eq, %iota3A, %eq3A_65 : vector<16xi32>
      %jit3A_67 = arith.constant 0.000000e+00 : f32
      %broadcast_in_dim3A_68 = vector.broadcast %jit3A_67 : f32 to vector<16xf32>
      %select_n3A_69 = arith.select %eq3A_66, %get3A_51, %broadcast_in_dim3A_68 : vector<16xi1>, vector<16xf32>
      %reduce_sum3A_70 = arith.constant true
      %reduce_sum3A_71 = vector.broadcast %reduce_sum3A_70 : i1 to vector<16xi1>
      %reduce_sum3A_72 = tpu.scan <sum>, %select_n3A_69 masked %reduce_sum3A_71 : vector<16xf32>, vector<16xi1> -> vector<16xf32>
      %reduce_sum3A_73 = vector.extract %reduce_sum3A_72[15] : f32 from vector<16xf32>
      %broadcast_in_dim3A_74 = vector.broadcast %reduce_sum3A_73 : f32 to vector<16xf32>
      %swap3A_75 = arith.constant 1 : i32
      %swap3A_76 = arith.index_cast %swap3A_75 : i32 to index
      %swap3A_77 = arith.constant 0 : index
      %swap3A_78 = tpu.vector_load %arg10[%swap3A_76, %swap3A_77] {strides = array<i32>} : memref<32x16xf32, #tpu.memory_space<vmem>>, vector<16xf32>,
      tpu.vector_store %arg10[%swap3A_76, %swap3A_77], %broadcast_in_dim3A_74 {strides = array<i32>} : memref<32x16xf32, #tpu.memory_space<vmem>>, vector<16xf32>,
      %eq3A_79 = arith.constant 2 : i32
      %eq3A_80 = vector.broadcast %eq3A_79 : i32 to vector<16xi32>
      %eq3A_81 = arith.cmpi eq, %iota3A, %eq3A_80 : vector<16xi32>
      %jit3A_82 = arith.constant 0.000000e+00 : f32
      %broadcast_in_dim3A_83 = vector.broadcast %jit3A_82 : f32 to vector<16xf32>
      %select_n3A_84 = arith.select %eq3A_81, %get3A_51, %broadcast_in_dim3A_83 : vector<16xi1>, vector<16xf32>
      %reduce_sum3A_85 = arith.constant true
      %reduce_sum3A_86 = vector.broadcast %reduce_sum3A_85 : i1 to vector<16xi1>
      %reduce_sum3A_87 = tpu.scan <sum>, %select_n3A_84 masked %reduce_sum3A_86 : vector<16xf32>, vector<16xi1> -> vector<16xf32>
      %reduce_sum3A_88 = vector.extract %reduce_sum3A_87[15] : f32 from vector<16xf32>
      %broadcast_in_dim3A_89 = vector.broadcast %reduce_sum3A_88 : f32 to vector<16xf32>
      %swap3A_90 = arith.constant 2 : i32
      %swap3A_91 = arith.index_cast %swap3A_90 : i32 to index
      %swap3A_92 = arith.constant 0 : index
      %swap3A_93 = tpu.vector_load %arg10[%swap3A_91, %swap3A_92] {strides = array<i32>} : memref<32x16xf32, #tpu.memory_space<vmem>>, vector<16xf32>,
      tpu.vector_store %arg10[%swap3A_91, %swap3A_92], %broadcast_in_dim3A_89 {strides = array<i32>} : memref<32x16xf32, #tpu.memory_space<vmem>>, vector<16xf32>,
      %eq3A_94 = arith.constant 3 : i32
      %eq3A_95 = vector.broadcast %eq3A_94 : i32 to vector<16xi32>
      %eq3A_96 = arith.cmpi eq, %iota3A, %eq3A_95 : vector<16xi32>
      %jit3A_97 = arith.constant 0.000000e+00 : f32
      %broadcast_in_dim3A_98 = vector.broadcast %jit3A_97 : f32 to vector<16xf32>
      %select_n3A_99 = arith.select %eq3A_96, %get3A_51, %broadcast_in_dim3A_98 : vector<16xi1>, vector<16xf32>
      %reduce_sum3A_100 = arith.constant true
      %reduce_sum3A_101 = vector.broadcast %reduce_sum3A_100 : i1 to vector<16xi1>
      %reduce_sum3A_102 = tpu.scan <sum>, %select_n3A_99 masked %reduce_sum3A_101 : vector<16xf32>, vector<16xi1> -> vector<16xf32>
      %reduce_sum3A_103 = vector.extract %reduce_sum3A_102[15] : f32 from vector<16xf32>
      %broadcast_in_dim3A_104 = vector.broadcast %reduce_sum3A_103 : f32 to vector<16xf32>
      %swap3A_105 = arith.constant 3 : i32
      %swap3A_106 = arith.index_cast %swap3A_105 : i32 to index
      %swap3A_107 = arith.constant 0 : index
      %swap3A_108 = tpu.vector_load %arg10[%swap3A_106, %swap3A_107] {strides = array<i32>} : memref<32x16xf32, #tpu.memory_space<vmem>>, vector<16xf32>,
      tpu.vector_store %arg10[%swap3A_106, %swap3A_107], %broadcast_in_dim3A_104 {strides = array<i32>} : memref<32x16xf32, #tpu.memory_space<vmem>>, vector<16xf32>,
      %eq3A_109 = arith.constant 4 : i32
      %eq3A_110 = vector.broadcast %eq3A_109 : i32 to vector<16xi32>
      %eq3A_111 = arith.cmpi eq, %iota3A, %eq3A_110 : vector<16xi32>
      %jit3A_112 = arith.constant 0.000000e+00 : f32
      %broadcast_in_dim3A_113 = vector.broadcast %jit3A_112 : f32 to vector<16xf32>
      %select_n3A_114 = arith.select %eq3A_111, %get3A_51, %broadcast_in_dim3A_113 : vector<16xi1>, vector<16xf32>
      %reduce_sum3A_115 = arith.constant true
      %reduce_sum3A_116 = vector.broadcast %reduce_sum3A_115 : i1 to vector<16xi1>
      %reduce_sum3A_117 = tpu.scan <sum>, %select_n3A_114 masked %reduce_sum3A_116 : vector<16xf32>, vector<16xi1> -> vector<16xf32>
      %reduce_sum3A_118 = vector.extract %reduce_sum3A_117[15] : f32 from vector<16xf32>
      %broadcast_in_dim3A_119 = vector.broadcast %reduce_sum3A_118 : f32 to vector<16xf32>
      %swap3A_120 = arith.constant 4 : i32
      %swap3A_121 = arith.index_cast %swap3A_120 : i32 to index
      %swap3A_122 = arith.constant 0 : index
      %swap3A_123 = tpu.vector_load %arg10[%swap3A_121, %swap3A_122] {strides = array<i32>} : memref<32x16xf32, #tpu.memory_space<vmem>>, vector<16xf32>,
      tpu.vector_store %arg10[%swap3A_121, %swap3A_122], %broadcast_in_dim3A_119 {strides = array<i32>} : memref<32x16xf32, #tpu.memory_space<vmem>>, vector<16xf32>,
      %eq3A_124 = arith.constant 5 : i32
      %eq3A_125 = vector.broadcast %eq3A_124 : i32 to vector<16xi32>
      %eq3A_126 = arith.cmpi eq, %iota3A, %eq3A_125 : vector<16xi32>
      %jit3A_127 = arith.constant 0.000000e+00 : f32
      %broadcast_in_dim3A_128 = vector.broadcast %jit3A_127 : f32 to vector<16xf32>
      %select_n3A_129 = arith.select %eq3A_126, %get3A_51, %broadcast_in_dim3A_128 : vector<16xi1>, vector<16xf32>
      %reduce_sum3A_130 = arith.constant true
      %reduce_sum3A_131 = vector.broadcast %reduce_sum3A_130 : i1 to vector<16xi1>
      %reduce_sum3A_132 = tpu.scan <sum>, %select_n3A_129 masked %reduce_sum3A_131 : vector<16xf32>, vector<16xi1> -> vector<16xf32>
      %reduce_sum3A_133 = vector.extract %reduce_sum3A_132[15] : f32 from vector<16xf32>
      %broadcast_in_dim3A_134 = vector.broadcast %reduce_sum3A_133 : f32 to vector<16xf32>
      %swap3A_135 = arith.constant 5 : i32
      %swap3A_136 = arith.index_cast %swap3A_135 : i32 to index
      %swap3A_137 = arith.constant 0 : index
      %swap3A_138 = tpu.vector_load %arg10[%swap3A_136, %swap3A_137] {strides = array<i32>} : memref<32x16xf32, #tpu.memory_space<vmem>>, vector<16xf32>,
      tpu.vector_store %arg10[%swap3A_136, %swap3A_137], %broadcast_in_dim3A_134 {strides = array<i32>} : memref<32x16xf32, #tpu.memory_space<vmem>>, vector<16xf32>,
      %eq3A_139 = arith.constant 6 : i32
      %eq3A_140 = vector.broadcast %eq3A_139 : i32 to vector<16xi32>
      %eq3A_141 = arith.cmpi eq, %iota3A, %eq3A_140 : vector<16xi32>
      %jit3A_142 = arith.constant 0.000000e+00 : f32
      %broadcast_in_dim3A_143 = vector.broadcast %jit3A_142 : f32 to vector<16xf32>
      %select_n3A_144 = arith.select %eq3A_141, %get3A_51, %broadcast_in_dim3A_143 : vector<16xi1>, vector<16xf32>
      %reduce_sum3A_145 = arith.constant true
      %reduce_sum3A_146 = vector.broadcast %reduce_sum3A_145 : i1 to vector<16xi1>
      %reduce_sum3A_147 = tpu.scan <sum>, %select_n3A_144 masked %reduce_sum3A_146 : vector<16xf32>, vector<16xi1> -> vector<16xf32>
      %reduce_sum3A_148 = vector.extract %reduce_sum3A_147[15] : f32 from vector<16xf32>
      %broadcast_in_dim3A_149 = vector.broadcast %reduce_sum3A_148 : f32 to vector<16xf32>
      %swap3A_150 = arith.constant 6 : i32
      %swap3A_151 = arith.index_cast %swap3A_150 : i32 to index
      %swap3A_152 = arith.constant 0 : index
      %swap3A_153 = tpu.vector_load %arg10[%swap3A_151, %swap3A_152] {strides = array<i32>} : memref<32x16xf32, #tpu.memory_space<vmem>>, vector<16xf32>,
      tpu.vector_store %arg10[%swap3A_151, %swap3A_152], %broadcast_in_dim3A_149 {strides = array<i32>} : memref<32x16xf32, #tpu.memory_space<vmem>>, vector<16xf32>,
      %eq3A_154 = arith.constant 7 : i32
      %eq3A_155 = vector.broadcast %eq3A_154 : i32 to vector<16xi32>
      %eq3A_156 = arith.cmpi eq, %iota3A, %eq3A_155 : vector<16xi32>
      %jit3A_157 = arith.constant 0.000000e+00 : f32
      %broadcast_in_dim3A_158 = vector.broadcast %jit3A_157 : f32 to vector<16xf32>
      %select_n3A_159 = arith.select %eq3A_156, %get3A_51, %broadcast_in_dim3A_158 : vector<16xi1>, vector<16xf32>
      %reduce_sum3A_160 = arith.constant true
      %reduce_sum3A_161 = vector.broadcast %reduce_sum3A_160 : i1 to vector<16xi1>
      %reduce_sum3A_162 = tpu.scan <sum>, %select_n3A_159 masked %reduce_sum3A_161 : vector<16xf32>, vector<16xi1> -> vector<16xf32>
      %reduce_sum3A_163 = vector.extract %reduce_sum3A_162[15] : f32 from vector<16xf32>
      %broadcast_in_dim3A_164 = vector.broadcast %reduce_sum3A_163 : f32 to vector<16xf32>
      %swap3A_165 = arith.constant 7 : i32
      %swap3A_166 = arith.index_cast %swap3A_165 : i32 to index
      %swap3A_167 = arith.constant 0 : index
      %swap3A_168 = tpu.vector_load %arg10[%swap3A_166, %swap3A_167] {strides = array<i32>} : memref<32x16xf32, #tpu.memory_space<vmem>>, vector<16xf32>,
      tpu.vector_store %arg10[%swap3A_166, %swap3A_167], %broadcast_in_dim3A_164 {strides = array<i32>} : memref<32x16xf32, #tpu.memory_space<vmem>>, vector<16xf32>,
      %eq3A_169 = arith.constant 8 : i32
      %eq3A_170 = vector.broadcast %eq3A_169 : i32 to vector<16xi32>
      %eq3A_171 = arith.cmpi eq, %iota3A, %eq3A_170 : vector<16xi32>
      %jit3A_172 = arith.constant 0.000000e+00 : f32
      %broadcast_in_dim3A_173 = vector.broadcast %jit3A_172 : f32 to vector<16xf32>
      %select_n3A_174 = arith.select %eq3A_171, %get3A_51, %broadcast_in_dim3A_173 : vector<16xi1>, vector<16xf32>
      %reduce_sum3A_175 = arith.constant true
      %reduce_sum3A_176 = vector.broadcast %reduce_sum3A_175 : i1 to vector<16xi1>
      %reduce_sum3A_177 = tpu.scan <sum>, %select_n3A_174 masked %reduce_sum3A_176 : vector<16xf32>, vector<16xi1> -> vector<16xf32>
      %reduce_sum3A_178 = vector.extract %reduce_sum3A_177[15] : f32 from vector<16xf32>
      %broadcast_in_dim3A_179 = vector.broadcast %reduce_sum3A_178 : f32 to vector<16xf32>
      %swap3A_180 = arith.constant 8 : i32
      %swap3A_181 = arith.index_cast %swap3A_180 : i32 to index
      %swap3A_182 = arith.constant 0 : index
      %swap3A_183 = tpu.vector_load %arg10[%swap3A_181, %swap3A_182] {strides = array<i32>} : memref<32x16xf32, #tpu.memory_space<vmem>>, vector<16xf32>,
      tpu.vector_store %arg10[%swap3A_181, %swap3A_182], %broadcast_in_dim3A_179 {strides = array<i32>} : memref<32x16xf32, #tpu.memory_space<vmem>>, vector<16xf32>,
      %eq3A_184 = arith.constant 9 : i32
      %eq3A_185 = vector.broadcast %eq3A_184 : i32 to vector<16xi32>
      %eq3A_186 = arith.cmpi eq, %iota3A, %eq3A_185 : vector<16xi32>
      %jit3A_187 = arith.constant 0.000000e+00 : f32
      %broadcast_in_dim3A_188 = vector.broadcast %jit3A_187 : f32 to vector<16xf32>
      %select_n3A_189 = arith.select %eq3A_186, %get3A_51, %broadcast_in_dim3A_188 : vector<16xi1>, vector<16xf32>
      %reduce_sum3A_190 = arith.constant true
      %reduce_sum3A_191 = vector.broadcast %reduce_sum3A_190 : i1 to vector<16xi1>
      %reduce_sum3A_192 = tpu.scan <sum>, %select_n3A_189 masked %reduce_sum3A_191 : vector<16xf32>, vector<16xi1> -> vector<16xf32>
      %reduce_sum3A_193 = vector.extract %reduce_sum3A_192[15] : f32 from vector<16xf32>
      %broadcast_in_dim3A_194 = vector.broadcast %reduce_sum3A_193 : f32 to vector<16xf32>
      %swap3A_195 = arith.constant 9 : i32
      %swap3A_196 = arith.index_cast %swap3A_195 : i32 to index
      %swap3A_197 = arith.constant 0 : index
      %swap3A_198 = tpu.vector_load %arg10[%swap3A_196, %swap3A_197] {strides = array<i32>} : memref<32x16xf32, #tpu.memory_space<vmem>>, vector<16xf32>,
      tpu.vector_store %arg10[%swap3A_196, %swap3A_197], %broadcast_in_dim3A_194 {strides = array<i32>} : memref<32x16xf32, #tpu.memory_space<vmem>>, vector<16xf32>,
      %eq3A_199 = arith.constant 10 : i32
      %eq3A_200 = vector.broadcast %eq3A_199 : i32 to vector<16xi32>
      %eq3A_201 = arith.cmpi eq, %iota3A, %eq3A_200 : vector<16xi32>
      %jit3A_202 = arith.constant 0.000000e+00 : f32
      %broadcast_in_dim3A_203 = vector.broadcast %jit3A_202 : f32 to vector<16xf32>
      %select_n3A_204 = arith.select %eq3A_201, %get3A_51, %broadcast_in_dim3A_203 : vector<16xi1>, vector<16xf32>
      %reduce_sum3A_205 = arith.constant true
      %reduce_sum3A_206 = vector.broadcast %reduce_sum3A_205 : i1 to vector<16xi1>
      %reduce_sum3A_207 = tpu.scan <sum>, %select_n3A_204 masked %reduce_sum3A_206 : vector<16xf32>, vector<16xi1> -> vector<16xf32>
      %reduce_sum3A_208 = vector.extract %reduce_sum3A_207[15] : f32 from vector<16xf32>
      %broadcast_in_dim3A_209 = vector.broadcast %reduce_sum3A_208 : f32 to vector<16xf32>
      %swap3A_210 = arith.constant 10 : i32
      %swap3A_211 = arith.index_cast %swap3A_210 : i32 to index
      %swap3A_212 = arith.constant 0 : index
      %swap3A_213 = tpu.vector_load %arg10[%swap3A_211, %swap3A_212] {strides = array<i32>} : memref<32x16xf32, #tpu.memory_space<vmem>>, vector<16xf32>,
      tpu.vector_store %arg10[%swap3A_211, %swap3A_212], %broadcast_in_dim3A_209 {strides = array<i32>} : memref<32x16xf32, #tpu.memory_space<vmem>>, vector<16xf32>,
      %eq3A_214 = arith.constant 11 : i32
      %eq3A_215 = vector.broadcast %eq3A_214 : i32 to vector<16xi32>
      %eq3A_216 = arith.cmpi eq, %iota3A, %eq3A_215 : vector<16xi32>
      %jit3A_217 = arith.constant 0.000000e+00 : f32
      %broadcast_in_dim3A_218 = vector.broadcast %jit3A_217 : f32 to vector<16xf32>
      %select_n3A_219 = arith.select %eq3A_216, %get3A_51, %broadcast_in_dim3A_218 : vector<16xi1>, vector<16xf32>
      %reduce_sum3A_220 = arith.constant true
      %reduce_sum3A_221 = vector.broadcast %reduce_sum3A_220 : i1 to vector<16xi1>
      %reduce_sum3A_222 = tpu.scan <sum>, %select_n3A_219 masked %reduce_sum3A_221 : vector<16xf32>, vector<16xi1> -> vector<16xf32>
      %reduce_sum3A_223 = vector.extract %reduce_sum3A_222[15] : f32 from vector<16xf32>
      %broadcast_in_dim3A_224 = vector.broadcast %reduce_sum3A_223 : f32 to vector<16xf32>
      %swap3A_225 = arith.constant 11 : i32
      %swap3A_226 = arith.index_cast %swap3A_225 : i32 to index
      %swap3A_227 = arith.constant 0 : index
      %swap3A_228 = tpu.vector_load %arg10[%swap3A_226, %swap3A_227] {strides = array<i32>} : memref<32x16xf32, #tpu.memory_space<vmem>>, vector<16xf32>,
      tpu.vector_store %arg10[%swap3A_226, %swap3A_227], %broadcast_in_dim3A_224 {strides = array<i32>} : memref<32x16xf32, #tpu.memory_space<vmem>>, vector<16xf32>,
      %eq3A_229 = arith.constant 12 : i32
      %eq3A_230 = vector.broadcast %eq3A_229 : i32 to vector<16xi32>
      %eq3A_231 = arith.cmpi eq, %iota3A, %eq3A_230 : vector<16xi32>
      %jit3A_232 = arith.constant 0.000000e+00 : f32
      %broadcast_in_dim3A_233 = vector.broadcast %jit3A_232 : f32 to vector<16xf32>
      %select_n3A_234 = arith.select %eq3A_231, %get3A_51, %broadcast_in_dim3A_233 : vector<16xi1>, vector<16xf32>
      %reduce_sum3A_235 = arith.constant true
      %reduce_sum3A_236 = vector.broadcast %reduce_sum3A_235 : i1 to vector<16xi1>
      %reduce_sum3A_237 = tpu.scan <sum>, %select_n3A_234 masked %reduce_sum3A_236 : vector<16xf32>, vector<16xi1> -> vector<16xf32>
      %reduce_sum3A_238 = vector.extract %reduce_sum3A_237[15] : f32 from vector<16xf32>
      %broadcast_in_dim3A_239 = vector.broadcast %reduce_sum3A_238 : f32 to vector<16xf32>
      %swap3A_240 = arith.constant 12 : i32
      %swap3A_241 = arith.index_cast %swap3A_240 : i32 to index
      %swap3A_242 = arith.constant 0 : index
      %swap3A_243 = tpu.vector_load %arg10[%swap3A_241, %swap3A_242] {strides = array<i32>} : memref<32x16xf32, #tpu.memory_space<vmem>>, vector<16xf32>,
      tpu.vector_store %arg10[%swap3A_241, %swap3A_242], %broadcast_in_dim3A_239 {strides = array<i32>} : memref<32x16xf32, #tpu.memory_space<vmem>>, vector<16xf32>,
      %eq3A_244 = arith.constant 13 : i32
      %eq3A_245 = vector.broadcast %eq3A_244 : i32 to vector<16xi32>
      %eq3A_246 = arith.cmpi eq, %iota3A, %eq3A_245 : vector<16xi32>
      %jit3A_247 = arith.constant 0.000000e+00 : f32
      %broadcast_in_dim3A_248 = vector.broadcast %jit3A_247 : f32 to vector<16xf32>
      %select_n3A_249 = arith.select %eq3A_246, %get3A_51, %broadcast_in_dim3A_248 : vector<16xi1>, vector<16xf32>
      %reduce_sum3A_250 = arith.constant true
      %reduce_sum3A_251 = vector.broadcast %reduce_sum3A_250 : i1 to vector<16xi1>
      %reduce_sum3A_252 = tpu.scan <sum>, %select_n3A_249 masked %reduce_sum3A_251 : vector<16xf32>, vector<16xi1> -> vector<16xf32>
      %reduce_sum3A_253 = vector.extract %reduce_sum3A_252[15] : f32 from vector<16xf32>
      %broadcast_in_dim3A_254 = vector.broadcast %reduce_sum3A_253 : f32 to vector<16xf32>
      %swap3A_255 = arith.constant 13 : i32
      %swap3A_256 = arith.index_cast %swap3A_255 : i32 to index
      %swap3A_257 = arith.constant 0 : index
      %swap3A_258 = tpu.vector_load %arg10[%swap3A_256, %swap3A_257] {strides = array<i32>} : memref<32x16xf32, #tpu.memory_space<vmem>>, vector<16xf32>,
      tpu.vector_store %arg10[%swap3A_256, %swap3A_257], %broadcast_in_dim3A_254 {strides = array<i32>} : memref<32x16xf32, #tpu.memory_space<vmem>>, vector<16xf32>,
      %eq3A_259 = arith.constant 14 : i32
      %eq3A_260 = vector.broadcast %eq3A_259 : i32 to vector<16xi32>
      %eq3A_261 = arith.cmpi eq, %iota3A, %eq3A_260 : vector<16xi32>
      %jit3A_262 = arith.constant 0.000000e+00 : f32
      %broadcast_in_dim3A_263 = vector.broadcast %jit3A_262 : f32 to vector<16xf32>
      %select_n3A_264 = arith.select %eq3A_261, %get3A_51, %broadcast_in_dim3A_263 : vector<16xi1>, vector<16xf32>
      %reduce_sum3A_265 = arith.constant true
      %reduce_sum3A_266 = vector.broadcast %reduce_sum3A_265 : i1 to vector<16xi1>
      %reduce_sum3A_267 = tpu.scan <sum>, %select_n3A_264 masked %reduce_sum3A_266 : vector<16xf32>, vector<16xi1> -> vector<16xf32>
      %reduce_sum3A_268 = vector.extract %reduce_sum3A_267[15] : f32 from vector<16xf32>
      %broadcast_in_dim3A_269 = vector.broadcast %reduce_sum3A_268 : f32 to vector<16xf32>
      %swap3A_270 = arith.constant 14 : i32
      %swap3A_271 = arith.index_cast %swap3A_270 : i32 to index
      %swap3A_272 = arith.constant 0 : index
      %swap3A_273 = tpu.vector_load %arg10[%swap3A_271, %swap3A_272] {strides = array<i32>} : memref<32x16xf32, #tpu.memory_space<vmem>>, vector<16xf32>,
      tpu.vector_store %arg10[%swap3A_271, %swap3A_272], %broadcast_in_dim3A_269 {strides = array<i32>} : memref<32x16xf32, #tpu.memory_space<vmem>>, vector<16xf32>,
      %eq3A_274 = arith.constant 15 : i32
      %eq3A_275 = vector.broadcast %eq3A_274 : i32 to vector<16xi32>
      %eq3A_276 = arith.cmpi eq, %iota3A, %eq3A_275 : vector<16xi32>
      %jit3A_277 = arith.constant 0.000000e+00 : f32
      %broadcast_in_dim3A_278 = vector.broadcast %jit3A_277 : f32 to vector<16xf32>
      %select_n3A_279 = arith.select %eq3A_276, %get3A_51, %broadcast_in_dim3A_278 : vector<16xi1>, vector<16xf32>
      %reduce_sum3A_280 = arith.constant true
      %reduce_sum3A_281 = vector.broadcast %reduce_sum3A_280 : i1 to vector<16xi1>
      %reduce_sum3A_282 = tpu.scan <sum>, %select_n3A_279 masked %reduce_sum3A_281 : vector<16xf32>, vector<16xi1> -> vector<16xf32>
      %reduce_sum3A_283 = vector.extract %reduce_sum3A_282[15] : f32 from vector<16xf32>
      %broadcast_in_dim3A_284 = vector.broadcast %reduce_sum3A_283 : f32 to vector<16xf32>
      %swap3A_285 = arith.constant 15 : i32
      %swap3A_286 = arith.index_cast %swap3A_285 : i32 to index
      %swap3A_287 = arith.constant 0 : index
      %swap3A_288 = tpu.vector_load %arg10[%swap3A_286, %swap3A_287] {strides = array<i32>} : memref<32x16xf32, #tpu.memory_space<vmem>>, vector<16xf32>,
      tpu.vector_store %arg10[%swap3A_286, %swap3A_287], %broadcast_in_dim3A_284 {strides = array<i32>} : memref<32x16xf32, #tpu.memory_space<vmem>>, vector<16xf32>,
      %eq3A_289 = arith.constant 0 : i32
      %eq3A_290 = vector.broadcast %eq3A_289 : i32 to vector<16xi32>
      %eq3A_291 = arith.cmpi eq, %iota3A, %eq3A_290 : vector<16xi32>
      %jit3A_292 = arith.constant 0.000000e+00 : f32
      %broadcast_in_dim3A_293 = vector.broadcast %jit3A_292 : f32 to vector<16xf32>
      %select_n3A_294 = arith.select %eq3A_291, %get3A_54, %broadcast_in_dim3A_293 : vector<16xi1>, vector<16xf32>
      %reduce_sum3A_295 = arith.constant true
      %reduce_sum3A_296 = vector.broadcast %reduce_sum3A_295 : i1 to vector<16xi1>
      %reduce_sum3A_297 = tpu.scan <sum>, %select_n3A_294 masked %reduce_sum3A_296 : vector<16xf32>, vector<16xi1> -> vector<16xf32>
      %reduce_sum3A_298 = vector.extract %reduce_sum3A_297[15] : f32 from vector<16xf32>
      %broadcast_in_dim3A_299 = vector.broadcast %reduce_sum3A_298 : f32 to vector<16xf32>
      %swap3A_300 = arith.constant 16 : i32
      %swap3A_301 = arith.index_cast %swap3A_300 : i32 to index
      %swap3A_302 = arith.constant 0 : index
      %swap3A_303 = tpu.vector_load %arg10[%swap3A_301, %swap3A_302] {strides = array<i32>} : memref<32x16xf32, #tpu.memory_space<vmem>>, vector<16xf32>,
      tpu.vector_store %arg10[%swap3A_301, %swap3A_302], %broadcast_in_dim3A_299 {strides = array<i32>} : memref<32x16xf32, #tpu.memory_space<vmem>>, vector<16xf32>,
      %eq3A_304 = arith.constant 1 : i32
      %eq3A_305 = vector.broadcast %eq3A_304 : i32 to vector<16xi32>
      %eq3A_306 = arith.cmpi eq, %iota3A, %eq3A_305 : vector<16xi32>
      %jit3A_307 = arith.constant 0.000000e+00 : f32
      %broadcast_in_dim3A_308 = vector.broadcast %jit3A_307 : f32 to vector<16xf32>
      %select_n3A_309 = arith.select %eq3A_306, %get3A_54, %broadcast_in_dim3A_308 : vector<16xi1>, vector<16xf32>
      %reduce_sum3A_310 = arith.constant true
      %reduce_sum3A_311 = vector.broadcast %reduce_sum3A_310 : i1 to vector<16xi1>
      %reduce_sum3A_312 = tpu.scan <sum>, %select_n3A_309 masked %reduce_sum3A_311 : vector<16xf32>, vector<16xi1> -> vector<16xf32>
      %reduce_sum3A_313 = vector.extract %reduce_sum3A_312[15] : f32 from vector<16xf32>
      %broadcast_in_dim3A_314 = vector.broadcast %reduce_sum3A_313 : f32 to vector<16xf32>
      %swap3A_315 = arith.constant 17 : i32
      %swap3A_316 = arith.index_cast %swap3A_315 : i32 to index
      %swap3A_317 = arith.constant 0 : index
      %swap3A_318 = tpu.vector_load %arg10[%swap3A_316, %swap3A_317] {strides = array<i32>} : memref<32x16xf32, #tpu.memory_space<vmem>>, vector<16xf32>,
      tpu.vector_store %arg10[%swap3A_316, %swap3A_317], %broadcast_in_dim3A_314 {strides = array<i32>} : memref<32x16xf32, #tpu.memory_space<vmem>>, vector<16xf32>,
      %eq3A_319 = arith.constant 2 : i32
      %eq3A_320 = vector.broadcast %eq3A_319 : i32 to vector<16xi32>
      %eq3A_321 = arith.cmpi eq, %iota3A, %eq3A_320 : vector<16xi32>
      %jit3A_322 = arith.constant 0.000000e+00 : f32
      %broadcast_in_dim3A_323 = vector.broadcast %jit3A_322 : f32 to vector<16xf32>
      %select_n3A_324 = arith.select %eq3A_321, %get3A_54, %broadcast_in_dim3A_323 : vector<16xi1>, vector<16xf32>
      %reduce_sum3A_325 = arith.constant true
      %reduce_sum3A_326 = vector.broadcast %reduce_sum3A_325 : i1 to vector<16xi1>
      %reduce_sum3A_327 = tpu.scan <sum>, %select_n3A_324 masked %reduce_sum3A_326 : vector<16xf32>, vector<16xi1> -> vector<16xf32>
      %reduce_sum3A_328 = vector.extract %reduce_sum3A_327[15] : f32 from vector<16xf32>
      %broadcast_in_dim3A_329 = vector.broadcast %reduce_sum3A_328 : f32 to vector<16xf32>
      %swap3A_330 = arith.constant 18 : i32
      %swap3A_331 = arith.index_cast %swap3A_330 : i32 to index
      %swap3A_332 = arith.constant 0 : index
      %swap3A_333 = tpu.vector_load %arg10[%swap3A_331, %swap3A_332] {strides = array<i32>} : memref<32x16xf32, #tpu.memory_space<vmem>>, vector<16xf32>,
      tpu.vector_store %arg10[%swap3A_331, %swap3A_332], %broadcast_in_dim3A_329 {strides = array<i32>} : memref<32x16xf32, #tpu.memory_space<vmem>>, vector<16xf32>,
      %eq3A_334 = arith.constant 3 : i32
      %eq3A_335 = vector.broadcast %eq3A_334 : i32 to vector<16xi32>
      %eq3A_336 = arith.cmpi eq, %iota3A, %eq3A_335 : vector<16xi32>
      %jit3A_337 = arith.constant 0.000000e+00 : f32
      %broadcast_in_dim3A_338 = vector.broadcast %jit3A_337 : f32 to vector<16xf32>
      %select_n3A_339 = arith.select %eq3A_336, %get3A_54, %broadcast_in_dim3A_338 : vector<16xi1>, vector<16xf32>
      %reduce_sum3A_340 = arith.constant true
      %reduce_sum3A_341 = vector.broadcast %reduce_sum3A_340 : i1 to vector<16xi1>
      %reduce_sum3A_342 = tpu.scan <sum>, %select_n3A_339 masked %reduce_sum3A_341 : vector<16xf32>, vector<16xi1> -> vector<16xf32>
      %reduce_sum3A_343 = vector.extract %reduce_sum3A_342[15] : f32 from vector<16xf32>
      %broadcast_in_dim3A_344 = vector.broadcast %reduce_sum3A_343 : f32 to vector<16xf32>
      %swap3A_345 = arith.constant 19 : i32
      %swap3A_346 = arith.index_cast %swap3A_345 : i32 to index
      %swap3A_347 = arith.constant 0 : index
      %swap3A_348 = tpu.vector_load %arg10[%swap3A_346, %swap3A_347] {strides = array<i32>} : memref<32x16xf32, #tpu.memory_space<vmem>>, vector<16xf32>,
      tpu.vector_store %arg10[%swap3A_346, %swap3A_347], %broadcast_in_dim3A_344 {strides = array<i32>} : memref<32x16xf32, #tpu.memory_space<vmem>>, vector<16xf32>,
      %eq3A_349 = arith.constant 4 : i32
      %eq3A_350 = vector.broadcast %eq3A_349 : i32 to vector<16xi32>
      %eq3A_351 = arith.cmpi eq, %iota3A, %eq3A_350 : vector<16xi32>
      %jit3A_352 = arith.constant 0.000000e+00 : f32
      %broadcast_in_dim3A_353 = vector.broadcast %jit3A_352 : f32 to vector<16xf32>
      %select_n3A_354 = arith.select %eq3A_351, %get3A_54, %broadcast_in_dim3A_353 : vector<16xi1>, vector<16xf32>
      %reduce_sum3A_355 = arith.constant true
      %reduce_sum3A_356 = vector.broadcast %reduce_sum3A_355 : i1 to vector<16xi1>
      %reduce_sum3A_357 = tpu.scan <sum>, %select_n3A_354 masked %reduce_sum3A_356 : vector<16xf32>, vector<16xi1> -> vector<16xf32>
      %reduce_sum3A_358 = vector.extract %reduce_sum3A_357[15] : f32 from vector<16xf32>
      %broadcast_in_dim3A_359 = vector.broadcast %reduce_sum3A_358 : f32 to vector<16xf32>
      %swap3A_360 = arith.constant 20 : i32
      %swap3A_361 = arith.index_cast %swap3A_360 : i32 to index
      %swap3A_362 = arith.constant 0 : index
      %swap3A_363 = tpu.vector_load %arg10[%swap3A_361, %swap3A_362] {strides = array<i32>} : memref<32x16xf32, #tpu.memory_space<vmem>>, vector<16xf32>,
      tpu.vector_store %arg10[%swap3A_361, %swap3A_362], %broadcast_in_dim3A_359 {strides = array<i32>} : memref<32x16xf32, #tpu.memory_space<vmem>>, vector<16xf32>,
      %eq3A_364 = arith.constant 5 : i32
      %eq3A_365 = vector.broadcast %eq3A_364 : i32 to vector<16xi32>
      %eq3A_366 = arith.cmpi eq, %iota3A, %eq3A_365 : vector<16xi32>
      %jit3A_367 = arith.constant 0.000000e+00 : f32
      %broadcast_in_dim3A_368 = vector.broadcast %jit3A_367 : f32 to vector<16xf32>
      %select_n3A_369 = arith.select %eq3A_366, %get3A_54, %broadcast_in_dim3A_368 : vector<16xi1>, vector<16xf32>
      %reduce_sum3A_370 = arith.constant true
      %reduce_sum3A_371 = vector.broadcast %reduce_sum3A_370 : i1 to vector<16xi1>
      %reduce_sum3A_372 = tpu.scan <sum>, %select_n3A_369 masked %reduce_sum3A_371 : vector<16xf32>, vector<16xi1> -> vector<16xf32>
      %reduce_sum3A_373 = vector.extract %reduce_sum3A_372[15] : f32 from vector<16xf32>
      %broadcast_in_dim3A_374 = vector.broadcast %reduce_sum3A_373 : f32 to vector<16xf32>
      %swap3A_375 = arith.constant 21 : i32
      %swap3A_376 = arith.index_cast %swap3A_375 : i32 to index
      %swap3A_377 = arith.constant 0 : index
      %swap3A_378 = tpu.vector_load %arg10[%swap3A_376, %swap3A_377] {strides = array<i32>} : memref<32x16xf32, #tpu.memory_space<vmem>>, vector<16xf32>,
      tpu.vector_store %arg10[%swap3A_376, %swap3A_377], %broadcast_in_dim3A_374 {strides = array<i32>} : memref<32x16xf32, #tpu.memory_space<vmem>>, vector<16xf32>,
      %eq3A_379 = arith.constant 6 : i32
      %eq3A_380 = vector.broadcast %eq3A_379 : i32 to vector<16xi32>
      %eq3A_381 = arith.cmpi eq, %iota3A, %eq3A_380 : vector<16xi32>
      %jit3A_382 = arith.constant 0.000000e+00 : f32
      %broadcast_in_dim3A_383 = vector.broadcast %jit3A_382 : f32 to vector<16xf32>
      %select_n3A_384 = arith.select %eq3A_381, %get3A_54, %broadcast_in_dim3A_383 : vector<16xi1>, vector<16xf32>
      %reduce_sum3A_385 = arith.constant true
      %reduce_sum3A_386 = vector.broadcast %reduce_sum3A_385 : i1 to vector<16xi1>
      %reduce_sum3A_387 = tpu.scan <sum>, %select_n3A_384 masked %reduce_sum3A_386 : vector<16xf32>, vector<16xi1> -> vector<16xf32>
      %reduce_sum3A_388 = vector.extract %reduce_sum3A_387[15] : f32 from vector<16xf32>
      %broadcast_in_dim3A_389 = vector.broadcast %reduce_sum3A_388 : f32 to vector<16xf32>
      %swap3A_390 = arith.constant 22 : i32
      %swap3A_391 = arith.index_cast %swap3A_390 : i32 to index
      %swap3A_392 = arith.constant 0 : index
      %swap3A_393 = tpu.vector_load %arg10[%swap3A_391, %swap3A_392] {strides = array<i32>} : memref<32x16xf32, #tpu.memory_space<vmem>>, vector<16xf32>,
      tpu.vector_store %arg10[%swap3A_391, %swap3A_392], %broadcast_in_dim3A_389 {strides = array<i32>} : memref<32x16xf32, #tpu.memory_space<vmem>>, vector<16xf32>,
      %eq3A_394 = arith.constant 7 : i32
      %eq3A_395 = vector.broadcast %eq3A_394 : i32 to vector<16xi32>
      %eq3A_396 = arith.cmpi eq, %iota3A, %eq3A_395 : vector<16xi32>
      %jit3A_397 = arith.constant 0.000000e+00 : f32
      %broadcast_in_dim3A_398 = vector.broadcast %jit3A_397 : f32 to vector<16xf32>
      %select_n3A_399 = arith.select %eq3A_396, %get3A_54, %broadcast_in_dim3A_398 : vector<16xi1>, vector<16xf32>
      %reduce_sum3A_400 = arith.constant true
      %reduce_sum3A_401 = vector.broadcast %reduce_sum3A_400 : i1 to vector<16xi1>
      %reduce_sum3A_402 = tpu.scan <sum>, %select_n3A_399 masked %reduce_sum3A_401 : vector<16xf32>, vector<16xi1> -> vector<16xf32>
      %reduce_sum3A_403 = vector.extract %reduce_sum3A_402[15] : f32 from vector<16xf32>
      %broadcast_in_dim3A_404 = vector.broadcast %reduce_sum3A_403 : f32 to vector<16xf32>
      %swap3A_405 = arith.constant 23 : i32
      %swap3A_406 = arith.index_cast %swap3A_405 : i32 to index
      %swap3A_407 = arith.constant 0 : index
      %swap3A_408 = tpu.vector_load %arg10[%swap3A_406, %swap3A_407] {strides = array<i32>} : memref<32x16xf32, #tpu.memory_space<vmem>>, vector<16xf32>,
      tpu.vector_store %arg10[%swap3A_406, %swap3A_407], %broadcast_in_dim3A_404 {strides = array<i32>} : memref<32x16xf32, #tpu.memory_space<vmem>>, vector<16xf32>,
      %eq3A_409 = arith.constant 8 : i32
      %eq3A_410 = vector.broadcast %eq3A_409 : i32 to vector<16xi32>
      %eq3A_411 = arith.cmpi eq, %iota3A, %eq3A_410 : vector<16xi32>
      %jit3A_412 = arith.constant 0.000000e+00 : f32
      %broadcast_in_dim3A_413 = vector.broadcast %jit3A_412 : f32 to vector<16xf32>
      %select_n3A_414 = arith.select %eq3A_411, %get3A_54, %broadcast_in_dim3A_413 : vector<16xi1>, vector<16xf32>
      %reduce_sum3A_415 = arith.constant true
      %reduce_sum3A_416 = vector.broadcast %reduce_sum3A_415 : i1 to vector<16xi1>
      %reduce_sum3A_417 = tpu.scan <sum>, %select_n3A_414 masked %reduce_sum3A_416 : vector<16xf32>, vector<16xi1> -> vector<16xf32>
      %reduce_sum3A_418 = vector.extract %reduce_sum3A_417[15] : f32 from vector<16xf32>
      %broadcast_in_dim3A_419 = vector.broadcast %reduce_sum3A_418 : f32 to vector<16xf32>
      %swap3A_420 = arith.constant 24 : i32
      %swap3A_421 = arith.index_cast %swap3A_420 : i32 to index
      %swap3A_422 = arith.constant 0 : index
      %swap3A_423 = tpu.vector_load %arg10[%swap3A_421, %swap3A_422] {strides = array<i32>} : memref<32x16xf32, #tpu.memory_space<vmem>>, vector<16xf32>,
      tpu.vector_store %arg10[%swap3A_421, %swap3A_422], %broadcast_in_dim3A_419 {strides = array<i32>} : memref<32x16xf32, #tpu.memory_space<vmem>>, vector<16xf32>,
      %eq3A_424 = arith.constant 9 : i32
      %eq3A_425 = vector.broadcast %eq3A_424 : i32 to vector<16xi32>
      %eq3A_426 = arith.cmpi eq, %iota3A, %eq3A_425 : vector<16xi32>
      %jit3A_427 = arith.constant 0.000000e+00 : f32
      %broadcast_in_dim3A_428 = vector.broadcast %jit3A_427 : f32 to vector<16xf32>
      %select_n3A_429 = arith.select %eq3A_426, %get3A_54, %broadcast_in_dim3A_428 : vector<16xi1>, vector<16xf32>
      %reduce_sum3A_430 = arith.constant true
      %reduce_sum3A_431 = vector.broadcast %reduce_sum3A_430 : i1 to vector<16xi1>
      %reduce_sum3A_432 = tpu.scan <sum>, %select_n3A_429 masked %reduce_sum3A_431 : vector<16xf32>, vector<16xi1> -> vector<16xf32>
      %reduce_sum3A_433 = vector.extract %reduce_sum3A_432[15] : f32 from vector<16xf32>
      %broadcast_in_dim3A_434 = vector.broadcast %reduce_sum3A_433 : f32 to vector<16xf32>
      %swap3A_435 = arith.constant 25 : i32
      %swap3A_436 = arith.index_cast %swap3A_435 : i32 to index
      %swap3A_437 = arith.constant 0 : index
      %swap3A_438 = tpu.vector_load %arg10[%swap3A_436, %swap3A_437] {strides = array<i32>} : memref<32x16xf32, #tpu.memory_space<vmem>>, vector<16xf32>,
      tpu.vector_store %arg10[%swap3A_436, %swap3A_437], %broadcast_in_dim3A_434 {strides = array<i32>} : memref<32x16xf32, #tpu.memory_space<vmem>>, vector<16xf32>,
      %eq3A_439 = arith.constant 10 : i32
      %eq3A_440 = vector.broadcast %eq3A_439 : i32 to vector<16xi32>
      %eq3A_441 = arith.cmpi eq, %iota3A, %eq3A_440 : vector<16xi32>
      %jit3A_442 = arith.constant 0.000000e+00 : f32
      %broadcast_in_dim3A_443 = vector.broadcast %jit3A_442 : f32 to vector<16xf32>
      %select_n3A_444 = arith.select %eq3A_441, %get3A_54, %broadcast_in_dim3A_443 : vector<16xi1>, vector<16xf32>
      %reduce_sum3A_445 = arith.constant true
      %reduce_sum3A_446 = vector.broadcast %reduce_sum3A_445 : i1 to vector<16xi1>
      %reduce_sum3A_447 = tpu.scan <sum>, %select_n3A_444 masked %reduce_sum3A_446 : vector<16xf32>, vector<16xi1> -> vector<16xf32>
      %reduce_sum3A_448 = vector.extract %reduce_sum3A_447[15] : f32 from vector<16xf32>
      %broadcast_in_dim3A_449 = vector.broadcast %reduce_sum3A_448 : f32 to vector<16xf32>
      %swap3A_450 = arith.constant 26 : i32
      %swap3A_451 = arith.index_cast %swap3A_450 : i32 to index
      %swap3A_452 = arith.constant 0 : index
      %swap3A_453 = tpu.vector_load %arg10[%swap3A_451, %swap3A_452] {strides = array<i32>} : memref<32x16xf32, #tpu.memory_space<vmem>>, vector<16xf32>,
      tpu.vector_store %arg10[%swap3A_451, %swap3A_452], %broadcast_in_dim3A_449 {strides = array<i32>} : memref<32x16xf32, #tpu.memory_space<vmem>>, vector<16xf32>,
      %eq3A_454 = arith.constant 11 : i32
      %eq3A_455 = vector.broadcast %eq3A_454 : i32 to vector<16xi32>
      %eq3A_456 = arith.cmpi eq, %iota3A, %eq3A_455 : vector<16xi32>
      %jit3A_457 = arith.constant 0.000000e+00 : f32
      %broadcast_in_dim3A_458 = vector.broadcast %jit3A_457 : f32 to vector<16xf32>
      %select_n3A_459 = arith.select %eq3A_456, %get3A_54, %broadcast_in_dim3A_458 : vector<16xi1>, vector<16xf32>
      %reduce_sum3A_460 = arith.constant true
      %reduce_sum3A_461 = vector.broadcast %reduce_sum3A_460 : i1 to vector<16xi1>
      %reduce_sum3A_462 = tpu.scan <sum>, %select_n3A_459 masked %reduce_sum3A_461 : vector<16xf32>, vector<16xi1> -> vector<16xf32>
      %reduce_sum3A_463 = vector.extract %reduce_sum3A_462[15] : f32 from vector<16xf32>
      %broadcast_in_dim3A_464 = vector.broadcast %reduce_sum3A_463 : f32 to vector<16xf32>
      %swap3A_465 = arith.constant 27 : i32
      %swap3A_466 = arith.index_cast %swap3A_465 : i32 to index
      %swap3A_467 = arith.constant 0 : index
      %swap3A_468 = tpu.vector_load %arg10[%swap3A_466, %swap3A_467] {strides = array<i32>} : memref<32x16xf32, #tpu.memory_space<vmem>>, vector<16xf32>,
      tpu.vector_store %arg10[%swap3A_466, %swap3A_467], %broadcast_in_dim3A_464 {strides = array<i32>} : memref<32x16xf32, #tpu.memory_space<vmem>>, vector<16xf32>,
      %eq3A_469 = arith.constant 12 : i32
      %eq3A_470 = vector.broadcast %eq3A_469 : i32 to vector<16xi32>
      %eq3A_471 = arith.cmpi eq, %iota3A, %eq3A_470 : vector<16xi32>
      %jit3A_472 = arith.constant 0.000000e+00 : f32
      %broadcast_in_dim3A_473 = vector.broadcast %jit3A_472 : f32 to vector<16xf32>
      %select_n3A_474 = arith.select %eq3A_471, %get3A_54, %broadcast_in_dim3A_473 : vector<16xi1>, vector<16xf32>
      %reduce_sum3A_475 = arith.constant true
      %reduce_sum3A_476 = vector.broadcast %reduce_sum3A_475 : i1 to vector<16xi1>
      %reduce_sum3A_477 = tpu.scan <sum>, %select_n3A_474 masked %reduce_sum3A_476 : vector<16xf32>, vector<16xi1> -> vector<16xf32>
      %reduce_sum3A_478 = vector.extract %reduce_sum3A_477[15] : f32 from vector<16xf32>
      %broadcast_in_dim3A_479 = vector.broadcast %reduce_sum3A_478 : f32 to vector<16xf32>
      %swap3A_480 = arith.constant 28 : i32
      %swap3A_481 = arith.index_cast %swap3A_480 : i32 to index
      %swap3A_482 = arith.constant 0 : index
      %swap3A_483 = tpu.vector_load %arg10[%swap3A_481, %swap3A_482] {strides = array<i32>} : memref<32x16xf32, #tpu.memory_space<vmem>>, vector<16xf32>,
      tpu.vector_store %arg10[%swap3A_481, %swap3A_482], %broadcast_in_dim3A_479 {strides = array<i32>} : memref<32x16xf32, #tpu.memory_space<vmem>>, vector<16xf32>,
      %eq3A_484 = arith.constant 13 : i32
      %eq3A_485 = vector.broadcast %eq3A_484 : i32 to vector<16xi32>
      %eq3A_486 = arith.cmpi eq, %iota3A, %eq3A_485 : vector<16xi32>
      %jit3A_487 = arith.constant 0.000000e+00 : f32
      %broadcast_in_dim3A_488 = vector.broadcast %jit3A_487 : f32 to vector<16xf32>
      %select_n3A_489 = arith.select %eq3A_486, %get3A_54, %broadcast_in_dim3A_488 : vector<16xi1>, vector<16xf32>
      %reduce_sum3A_490 = arith.constant true
      %reduce_sum3A_491 = vector.broadcast %reduce_sum3A_490 : i1 to vector<16xi1>
      %reduce_sum3A_492 = tpu.scan <sum>, %select_n3A_489 masked %reduce_sum3A_491 : vector<16xf32>, vector<16xi1> -> vector<16xf32>
      %reduce_sum3A_493 = vector.extract %reduce_sum3A_492[15] : f32 from vector<16xf32>
      %broadcast_in_dim3A_494 = vector.broadcast %reduce_sum3A_493 : f32 to vector<16xf32>
      %swap3A_495 = arith.constant 29 : i32
      %swap3A_496 = arith.index_cast %swap3A_495 : i32 to index
      %swap3A_497 = arith.constant 0 : index
      %swap3A_498 = tpu.vector_load %arg10[%swap3A_496, %swap3A_497] {strides = array<i32>} : memref<32x16xf32, #tpu.memory_space<vmem>>, vector<16xf32>,
      tpu.vector_store %arg10[%swap3A_496, %swap3A_497], %broadcast_in_dim3A_494 {strides = array<i32>} : memref<32x16xf32, #tpu.memory_space<vmem>>, vector<16xf32>,
      %eq3A_499 = arith.constant 14 : i32
      %eq3A_500 = vector.broadcast %eq3A_499 : i32 to vector<16xi32>
      %eq3A_501 = arith.cmpi eq, %iota3A, %eq3A_500 : vector<16xi32>
      %jit3A_502 = arith.constant 0.000000e+00 : f32
      %broadcast_in_dim3A_503 = vector.broadcast %jit3A_502 : f32 to vector<16xf32>
      %select_n3A_504 = arith.select %eq3A_501, %get3A_54, %broadcast_in_dim3A_503 : vector<16xi1>, vector<16xf32>
      %reduce_sum3A_505 = arith.constant true
      %reduce_sum3A_506 = vector.broadcast %reduce_sum3A_505 : i1 to vector<16xi1>
      %reduce_sum3A_507 = tpu.scan <sum>, %select_n3A_504 masked %reduce_sum3A_506 : vector<16xf32>, vector<16xi1> -> vector<16xf32>
      %reduce_sum3A_508 = vector.extract %reduce_sum3A_507[15] : f32 from vector<16xf32>
      %broadcast_in_dim3A_509 = vector.broadcast %reduce_sum3A_508 : f32 to vector<16xf32>
      %swap3A_510 = arith.constant 30 : i32
      %swap3A_511 = arith.index_cast %swap3A_510 : i32 to index
      %swap3A_512 = arith.constant 0 : index
      %swap3A_513 = tpu.vector_load %arg10[%swap3A_511, %swap3A_512] {strides = array<i32>} : memref<32x16xf32, #tpu.memory_space<vmem>>, vector<16xf32>,
      tpu.vector_store %arg10[%swap3A_511, %swap3A_512], %broadcast_in_dim3A_509 {strides = array<i32>} : memref<32x16xf32, #tpu.memory_space<vmem>>, vector<16xf32>,
      %eq3A_514 = arith.constant 15 : i32
      %eq3A_515 = vector.broadcast %eq3A_514 : i32 to vector<16xi32>
      %eq3A_516 = arith.cmpi eq, %iota3A, %eq3A_515 : vector<16xi32>
      %jit3A_517 = arith.constant 0.000000e+00 : f32
      %broadcast_in_dim3A_518 = vector.broadcast %jit3A_517 : f32 to vector<16xf32>
      %select_n3A_519 = arith.select %eq3A_516, %get3A_54, %broadcast_in_dim3A_518 : vector<16xi1>, vector<16xf32>
      %reduce_sum3A_520 = arith.constant true
      %reduce_sum3A_521 = vector.broadcast %reduce_sum3A_520 : i1 to vector<16xi1>
      %reduce_sum3A_522 = tpu.scan <sum>, %select_n3A_519 masked %reduce_sum3A_521 : vector<16xf32>, vector<16xi1> -> vector<16xf32>
      %reduce_sum3A_523 = vector.extract %reduce_sum3A_522[15] : f32 from vector<16xf32>
      %broadcast_in_dim3A_524 = vector.broadcast %reduce_sum3A_523 : f32 to vector<16xf32>
      %swap3A_525 = arith.constant 31 : i32
      %swap3A_526 = arith.index_cast %swap3A_525 : i32 to index
      %swap3A_527 = arith.constant 0 : index
      %swap3A_528 = tpu.vector_load %arg10[%swap3A_526, %swap3A_527] {strides = array<i32>} : memref<32x16xf32, #tpu.memory_space<vmem>>, vector<16xf32>,
      tpu.vector_store %arg10[%swap3A_526, %swap3A_527], %broadcast_in_dim3A_524 {strides = array<i32>} : memref<32x16xf32, #tpu.memory_space<vmem>>, vector<16xf32>,
      %dma_wait3A_529 = arith.constant 0 : i32
      %dma_wait3A_530 = arith.constant 0 : i32
      %dma_wait3A_531 = arith.constant 0 : i32
      %dma_wait3A_532 = tpu.memref_slice %arg9[%dma_wait3A_529, %dma_wait3A_530, %dma_wait3A_531] : memref<2x32x768xf32, #tpu.memory_space<vmem>> -> memref<1x32x768xf32, #tpu.memory_space<vmem>>
      %dma_wait3A_533 = tpu.memref_squeeze %dma_wait3A_532 : memref<1x32x768xf32, #tpu.memory_space<vmem>> -> memref<32x768xf32, #tpu.memory_space<vmem>>
      %dma_wait3A_534 = arith.constant 0 : i32
      %dma_wait3A_535 = tpu.memref_slice %arg7[%add3A_45, %dma_wait3A_534] : memref<128x32xi32, #tpu.memory_space<vmem>> -> memref<1x32xi32, #tpu.memory_space<vmem>>
      %dma_wait3A_536 = tpu.memref_squeeze %dma_wait3A_535 : memref<1x32xi32, #tpu.memory_space<vmem>> -> memref<32xi32, #tpu.memory_space<vmem>>
      %dma_wait3A_537 = arith.constant 0 : i32
      %dma_wait3A_538 = arith.constant 0 : i32
      %dma_wait3A_539 = tpu.memref_slice %arg2[%dma_wait3A_537, %dma_wait3A_538] : memref<12288x768xf32, #tpu.memory_space<hbm>> -> memref<12288x768xf32, #tpu.memory_space<hbm>>
      tpu.wait_indirect_dma semaphore(%arg14 : memref<!tpu.dma_semaphore, #tpu.memory_space<semaphore_mem>>) src(%dma_wait3A_539 : memref<12288x768xf32, #tpu.memory_space<hbm>>) dst(%dma_wait3A_533 : memref<32x768xf32, #tpu.memory_space<vmem>>)
      %ge3A = arith.constant 2 : i32
      %ge3A_540 = arith.cmpi sge, %add3A_45, %ge3A : i32
      %convert_element_type3A_541 = arith.extui %ge3A_540 : i1 to i32
      %cond3A_542 = arith.constant 0 : i32
      %cond3A_543 = arith.cmpi ne, %convert_element_type3A_541, %cond3A_542 : i32
      scf.if %cond3A_543 {
        %add3A_1497 = arith.addi %mul3A_2, %add3A_45 : i32
        %sub3A_1498 = arith.constant 2 : i32
        %sub3A_1499 = arith.subi %add3A_1497, %sub3A_1498 : i32
        %dma_wait3A_1500 = arith.constant 0 : i32
        %dma_wait3A_1501 = tpu.memref_slice %arg6[%sub3A_1499, %dma_wait3A_1500] : memref<4096x768xf32, #tpu.memory_space<hbm>> -> memref<1x768xf32, #tpu.memory_space<hbm>>
        %dma_wait3A_1502 = tpu.memref_squeeze %dma_wait3A_1501 : memref<1x768xf32, #tpu.memory_space<hbm>> -> memref<768xf32, #tpu.memory_space<hbm>>
        %dma_wait3A_1503 = arith.constant 0 : i32
        %dma_wait3A_1504 = tpu.memref_slice %arg6[%sub3A_1499, %dma_wait3A_1503] : memref<4096x768xf32, #tpu.memory_space<hbm>> -> memref<1x768xf32, #tpu.memory_space<hbm>>
        %dma_wait3A_1505 = tpu.memref_squeeze %dma_wait3A_1504 : memref<1x768xf32, #tpu.memory_space<hbm>> -> memref<768xf32, #tpu.memory_space<hbm>>
        tpu.wait_dma2 semaphore(%arg16 : memref<!tpu.dma_semaphore, #tpu.memory_space<semaphore_mem>>) src(%arg12 : memref<768xf32, #tpu.memory_space<vmem>>) dst(%dma_wait3A_1505 : memref<768xf32, #tpu.memory_space<hbm>>)
      } else {
      }
      %get3A_544 = arith.constant 0 : index
      %get3A_545 = tpu.vector_load %arg11[%get3A_544] {strides = array<i32>} : memref<768xf32, #tpu.memory_space<vmem>>, vector<16xf32>,
      %get3A_546 = arith.constant 16 : index
      %get3A_547 = tpu.vector_load %arg11[%get3A_546] {strides = array<i32>} : memref<768xf32, #tpu.memory_space<vmem>>, vector<16xf32>,
      %get3A_548 = arith.constant 32 : index
      %get3A_549 = tpu.vector_load %arg11[%get3A_548] {strides = array<i32>} : memref<768xf32, #tpu.memory_space<vmem>>, vector<16xf32>,
      %get3A_550 = arith.constant 48 : index
      %get3A_551 = tpu.vector_load %arg11[%get3A_550] {strides = array<i32>} : memref<768xf32, #tpu.memory_space<vmem>>, vector<16xf32>,
      %get3A_552 = arith.constant 64 : index
      %get3A_553 = tpu.vector_load %arg11[%get3A_552] {strides = array<i32>} : memref<768xf32, #tpu.memory_space<vmem>>, vector<16xf32>,
      %get3A_554 = arith.constant 80 : index
      %get3A_555 = tpu.vector_load %arg11[%get3A_554] {strides = array<i32>} : memref<768xf32, #tpu.memory_space<vmem>>, vector<16xf32>,
      %get3A_556 = arith.constant 96 : index
      %get3A_557 = tpu.vector_load %arg11[%get3A_556] {strides = array<i32>} : memref<768xf32, #tpu.memory_space<vmem>>, vector<16xf32>,
      %get3A_558 = arith.constant 112 : index
      %get3A_559 = tpu.vector_load %arg11[%get3A_558] {strides = array<i32>} : memref<768xf32, #tpu.memory_space<vmem>>, vector<16xf32>,
      %get3A_560 = arith.constant 128 : index
      %get3A_561 = tpu.vector_load %arg11[%get3A_560] {strides = array<i32>} : memref<768xf32, #tpu.memory_space<vmem>>, vector<16xf32>,
      %get3A_562 = arith.constant 144 : index
      %get3A_563 = tpu.vector_load %arg11[%get3A_562] {strides = array<i32>} : memref<768xf32, #tpu.memory_space<vmem>>, vector<16xf32>,
      %get3A_564 = arith.constant 160 : index
      %get3A_565 = tpu.vector_load %arg11[%get3A_564] {strides = array<i32>} : memref<768xf32, #tpu.memory_space<vmem>>, vector<16xf32>,
      %get3A_566 = arith.constant 176 : index
      %get3A_567 = tpu.vector_load %arg11[%get3A_566] {strides = array<i32>} : memref<768xf32, #tpu.memory_space<vmem>>, vector<16xf32>,
      %get3A_568 = arith.constant 192 : index
      %get3A_569 = tpu.vector_load %arg11[%get3A_568] {strides = array<i32>} : memref<768xf32, #tpu.memory_space<vmem>>, vector<16xf32>,
      %get3A_570 = arith.constant 208 : index
      %get3A_571 = tpu.vector_load %arg11[%get3A_570] {strides = array<i32>} : memref<768xf32, #tpu.memory_space<vmem>>, vector<16xf32>,
      %get3A_572 = arith.constant 224 : index
      %get3A_573 = tpu.vector_load %arg11[%get3A_572] {strides = array<i32>} : memref<768xf32, #tpu.memory_space<vmem>>, vector<16xf32>,
      %get3A_574 = arith.constant 240 : index
      %get3A_575 = tpu.vector_load %arg11[%get3A_574] {strides = array<i32>} : memref<768xf32, #tpu.memory_space<vmem>>, vector<16xf32>,
      %scan3A_576 = arith.constant 0 : i32
      %scan3A_577 = arith.constant 0 : i32
      %scan3A_578 = arith.constant 32 : i32
      %scan3A_579 = arith.addi %scan3A_577, %scan3A_578 : i32
      %scan3A_580 = arith.constant 1 : i32
      %scan3A_581:16 = scf.for %scan3A_1497 = %scan3A_577 to %scan3A_579 step %scan3A_580 iter_args(%scan3A_1498 = %get3A_545, %scan3A_1499 = %get3A_547, %scan3A_1500 = %get3A_549, %scan3A_1501 = %get3A_551, %scan3A_1502 = %get3A_553, %scan3A_1503 = %get3A_555, %scan3A_1504 = %get3A_557, %scan3A_1505 = %get3A_559, %scan3A_1506 = %get3A_561, %scan3A_1507 = %get3A_563, %scan3A_1508 = %get3A_565, %scan3A_1509 = %get3A_567, %scan3A_1510 = %get3A_569, %scan3A_1511 = %get3A_571, %scan3A_1512 = %get3A_573, %scan3A_1513 = %get3A_575) -> (vector<16xf32>, vector<16xf32>, vector<16xf32>, vector<16xf32>, vector<16xf32>, vector<16xf32>, vector<16xf32>, vector<16xf32>, vector<16xf32>, vector<16xf32>, vector<16xf32>, vector<16xf32>, vector<16xf32>, vector<16xf32>, vector<16xf32>, vector<16xf32>)  : i32 {
        %get3A_1514 = arith.index_cast %scan3A_1497 : i32 to index
        %get3A_1515 = arith.constant 0 : index
        %get3A_1516 = tpu.vector_load %arg10[%get3A_1514, %get3A_1515] {strides = array<i32>} : memref<32x16xf32, #tpu.memory_space<vmem>>, vector<16xf32>,
        %get3A_1517 = arith.constant 0 : i32
        %get3A_1518 = arith.constant 0 : i32
        %get3A_1519 = tpu.memref_slice %arg9[%scan3A_576, %get3A_1517, %get3A_1518] : memref<2x32x768xf32, #tpu.memory_space<vmem>> -> memref<1x32x768xf32, #tpu.memory_space<vmem>>
        %get3A_1520 = tpu.memref_squeeze %get3A_1519 : memref<1x32x768xf32, #tpu.memory_space<vmem>> -> memref<32x768xf32, #tpu.memory_space<vmem>>
        %get3A_1521 = arith.index_cast %scan3A_1497 : i32 to index
        %get3A_1522 = arith.constant 0 : index
        %get3A_1523 = tpu.vector_load %get3A_1520[%get3A_1521, %get3A_1522] {strides = array<i32>} : memref<32x768xf32, #tpu.memory_space<vmem>>, vector<16xf32>,
        %mul3A_1524 = arith.mulf %get3A_1516, %get3A_1523 : vector<16xf32>
        %add3A_1525 = arith.addf %scan3A_1498, %mul3A_1524 : vector<16xf32>
        %get3A_1526 = arith.constant 0 : i32
        %get3A_1527 = arith.constant 0 : i32
        %get3A_1528 = tpu.memref_slice %arg9[%scan3A_576, %get3A_1526, %get3A_1527] : memref<2x32x768xf32, #tpu.memory_space<vmem>> -> memref<1x32x768xf32, #tpu.memory_space<vmem>>
        %get3A_1529 = tpu.memref_squeeze %get3A_1528 : memref<1x32x768xf32, #tpu.memory_space<vmem>> -> memref<32x768xf32, #tpu.memory_space<vmem>>
        %get3A_1530 = arith.index_cast %scan3A_1497 : i32 to index
        %get3A_1531 = arith.constant 16 : index
        %get3A_1532 = tpu.vector_load %get3A_1529[%get3A_1530, %get3A_1531] {strides = array<i32>} : memref<32x768xf32, #tpu.memory_space<vmem>>, vector<16xf32>,
        %mul3A_1533 = arith.mulf %get3A_1516, %get3A_1532 : vector<16xf32>
        %add3A_1534 = arith.addf %scan3A_1499, %mul3A_1533 : vector<16xf32>
        %get3A_1535 = arith.constant 0 : i32
        %get3A_1536 = arith.constant 0 : i32
        %get3A_1537 = tpu.memref_slice %arg9[%scan3A_576, %get3A_1535, %get3A_1536] : memref<2x32x768xf32, #tpu.memory_space<vmem>> -> memref<1x32x768xf32, #tpu.memory_space<vmem>>
        %get3A_1538 = tpu.memref_squeeze %get3A_1537 : memref<1x32x768xf32, #tpu.memory_space<vmem>> -> memref<32x768xf32, #tpu.memory_space<vmem>>
        %get3A_1539 = arith.index_cast %scan3A_1497 : i32 to index
        %get3A_1540 = arith.constant 32 : index
        %get3A_1541 = tpu.vector_load %get3A_1538[%get3A_1539, %get3A_1540] {strides = array<i32>} : memref<32x768xf32, #tpu.memory_space<vmem>>, vector<16xf32>,
        %mul3A_1542 = arith.mulf %get3A_1516, %get3A_1541 : vector<16xf32>
        %add3A_1543 = arith.addf %scan3A_1500, %mul3A_1542 : vector<16xf32>
        %get3A_1544 = arith.constant 0 : i32
        %get3A_1545 = arith.constant 0 : i32
        %get3A_1546 = tpu.memref_slice %arg9[%scan3A_576, %get3A_1544, %get3A_1545] : memref<2x32x768xf32, #tpu.memory_space<vmem>> -> memref<1x32x768xf32, #tpu.memory_space<vmem>>
        %get3A_1547 = tpu.memref_squeeze %get3A_1546 : memref<1x32x768xf32, #tpu.memory_space<vmem>> -> memref<32x768xf32, #tpu.memory_space<vmem>>
        %get3A_1548 = arith.index_cast %scan3A_1497 : i32 to index
        %get3A_1549 = arith.constant 48 : index
        %get3A_1550 = tpu.vector_load %get3A_1547[%get3A_1548, %get3A_1549] {strides = array<i32>} : memref<32x768xf32, #tpu.memory_space<vmem>>, vector<16xf32>,
        %mul3A_1551 = arith.mulf %get3A_1516, %get3A_1550 : vector<16xf32>
        %add3A_1552 = arith.addf %scan3A_1501, %mul3A_1551 : vector<16xf32>
        %get3A_1553 = arith.constant 0 : i32
        %get3A_1554 = arith.constant 0 : i32
        %get3A_1555 = tpu.memref_slice %arg9[%scan3A_576, %get3A_1553, %get3A_1554] : memref<2x32x768xf32, #tpu.memory_space<vmem>> -> memref<1x32x768xf32, #tpu.memory_space<vmem>>
        %get3A_1556 = tpu.memref_squeeze %get3A_1555 : memref<1x32x768xf32, #tpu.memory_space<vmem>> -> memref<32x768xf32, #tpu.memory_space<vmem>>
        %get3A_1557 = arith.index_cast %scan3A_1497 : i32 to index
        %get3A_1558 = arith.constant 64 : index
        %get3A_1559 = tpu.vector_load %get3A_1556[%get3A_1557, %get3A_1558] {strides = array<i32>} : memref<32x768xf32, #tpu.memory_space<vmem>>, vector<16xf32>,
        %mul3A_1560 = arith.mulf %get3A_1516, %get3A_1559 : vector<16xf32>
        %add3A_1561 = arith.addf %scan3A_1502, %mul3A_1560 : vector<16xf32>
        %get3A_1562 = arith.constant 0 : i32
        %get3A_1563 = arith.constant 0 : i32
        %get3A_1564 = tpu.memref_slice %arg9[%scan3A_576, %get3A_1562, %get3A_1563] : memref<2x32x768xf32, #tpu.memory_space<vmem>> -> memref<1x32x768xf32, #tpu.memory_space<vmem>>
        %get3A_1565 = tpu.memref_squeeze %get3A_1564 : memref<1x32x768xf32, #tpu.memory_space<vmem>> -> memref<32x768xf32, #tpu.memory_space<vmem>>
        %get3A_1566 = arith.index_cast %scan3A_1497 : i32 to index
        %get3A_1567 = arith.constant 80 : index
        %get3A_1568 = tpu.vector_load %get3A_1565[%get3A_1566, %get3A_1567] {strides = array<i32>} : memref<32x768xf32, #tpu.memory_space<vmem>>, vector<16xf32>,
        %mul3A_1569 = arith.mulf %get3A_1516, %get3A_1568 : vector<16xf32>
        %add3A_1570 = arith.addf %scan3A_1503, %mul3A_1569 : vector<16xf32>
        %get3A_1571 = arith.constant 0 : i32
        %get3A_1572 = arith.constant 0 : i32
        %get3A_1573 = tpu.memref_slice %arg9[%scan3A_576, %get3A_1571, %get3A_1572] : memref<2x32x768xf32, #tpu.memory_space<vmem>> -> memref<1x32x768xf32, #tpu.memory_space<vmem>>
        %get3A_1574 = tpu.memref_squeeze %get3A_1573 : memref<1x32x768xf32, #tpu.memory_space<vmem>> -> memref<32x768xf32, #tpu.memory_space<vmem>>
        %get3A_1575 = arith.index_cast %scan3A_1497 : i32 to index
        %get3A_1576 = arith.constant 96 : index
        %get3A_1577 = tpu.vector_load %get3A_1574[%get3A_1575, %get3A_1576] {strides = array<i32>} : memref<32x768xf32, #tpu.memory_space<vmem>>, vector<16xf32>,
        %mul3A_1578 = arith.mulf %get3A_1516, %get3A_1577 : vector<16xf32>
        %add3A_1579 = arith.addf %scan3A_1504, %mul3A_1578 : vector<16xf32>
        %get3A_1580 = arith.constant 0 : i32
        %get3A_1581 = arith.constant 0 : i32
        %get3A_1582 = tpu.memref_slice %arg9[%scan3A_576, %get3A_1580, %get3A_1581] : memref<2x32x768xf32, #tpu.memory_space<vmem>> -> memref<1x32x768xf32, #tpu.memory_space<vmem>>
        %get3A_1583 = tpu.memref_squeeze %get3A_1582 : memref<1x32x768xf32, #tpu.memory_space<vmem>> -> memref<32x768xf32, #tpu.memory_space<vmem>>
        %get3A_1584 = arith.index_cast %scan3A_1497 : i32 to index
        %get3A_1585 = arith.constant 112 : index
        %get3A_1586 = tpu.vector_load %get3A_1583[%get3A_1584, %get3A_1585] {strides = array<i32>} : memref<32x768xf32, #tpu.memory_space<vmem>>, vector<16xf32>,
        %mul3A_1587 = arith.mulf %get3A_1516, %get3A_1586 : vector<16xf32>
        %add3A_1588 = arith.addf %scan3A_1505, %mul3A_1587 : vector<16xf32>
        %get3A_1589 = arith.constant 0 : i32
        %get3A_1590 = arith.constant 0 : i32
        %get3A_1591 = tpu.memref_slice %arg9[%scan3A_576, %get3A_1589, %get3A_1590] : memref<2x32x768xf32, #tpu.memory_space<vmem>> -> memref<1x32x768xf32, #tpu.memory_space<vmem>>
        %get3A_1592 = tpu.memref_squeeze %get3A_1591 : memref<1x32x768xf32, #tpu.memory_space<vmem>> -> memref<32x768xf32, #tpu.memory_space<vmem>>
        %get3A_1593 = arith.index_cast %scan3A_1497 : i32 to index
        %get3A_1594 = arith.constant 128 : index
        %get3A_1595 = tpu.vector_load %get3A_1592[%get3A_1593, %get3A_1594] {strides = array<i32>} : memref<32x768xf32, #tpu.memory_space<vmem>>, vector<16xf32>,
        %mul3A_1596 = arith.mulf %get3A_1516, %get3A_1595 : vector<16xf32>
        %add3A_1597 = arith.addf %scan3A_1506, %mul3A_1596 : vector<16xf32>
        %get3A_1598 = arith.constant 0 : i32
        %get3A_1599 = arith.constant 0 : i32
        %get3A_1600 = tpu.memref_slice %arg9[%scan3A_576, %get3A_1598, %get3A_1599] : memref<2x32x768xf32, #tpu.memory_space<vmem>> -> memref<1x32x768xf32, #tpu.memory_space<vmem>>
        %get3A_1601 = tpu.memref_squeeze %get3A_1600 : memref<1x32x768xf32, #tpu.memory_space<vmem>> -> memref<32x768xf32, #tpu.memory_space<vmem>>
        %get3A_1602 = arith.index_cast %scan3A_1497 : i32 to index
        %get3A_1603 = arith.constant 144 : index
        %get3A_1604 = tpu.vector_load %get3A_1601[%get3A_1602, %get3A_1603] {strides = array<i32>} : memref<32x768xf32, #tpu.memory_space<vmem>>, vector<16xf32>,
        %mul3A_1605 = arith.mulf %get3A_1516, %get3A_1604 : vector<16xf32>
        %add3A_1606 = arith.addf %scan3A_1507, %mul3A_1605 : vector<16xf32>
        %get3A_1607 = arith.constant 0 : i32
        %get3A_1608 = arith.constant 0 : i32
        %get3A_1609 = tpu.memref_slice %arg9[%scan3A_576, %get3A_1607, %get3A_1608] : memref<2x32x768xf32, #tpu.memory_space<vmem>> -> memref<1x32x768xf32, #tpu.memory_space<vmem>>
        %get3A_1610 = tpu.memref_squeeze %get3A_1609 : memref<1x32x768xf32, #tpu.memory_space<vmem>> -> memref<32x768xf32, #tpu.memory_space<vmem>>
        %get3A_1611 = arith.index_cast %scan3A_1497 : i32 to index
        %get3A_1612 = arith.constant 160 : index
        %get3A_1613 = tpu.vector_load %get3A_1610[%get3A_1611, %get3A_1612] {strides = array<i32>} : memref<32x768xf32, #tpu.memory_space<vmem>>, vector<16xf32>,
        %mul3A_1614 = arith.mulf %get3A_1516, %get3A_1613 : vector<16xf32>
        %add3A_1615 = arith.addf %scan3A_1508, %mul3A_1614 : vector<16xf32>
        %get3A_1616 = arith.constant 0 : i32
        %get3A_1617 = arith.constant 0 : i32
        %get3A_1618 = tpu.memref_slice %arg9[%scan3A_576, %get3A_1616, %get3A_1617] : memref<2x32x768xf32, #tpu.memory_space<vmem>> -> memref<1x32x768xf32, #tpu.memory_space<vmem>>
        %get3A_1619 = tpu.memref_squeeze %get3A_1618 : memref<1x32x768xf32, #tpu.memory_space<vmem>> -> memref<32x768xf32, #tpu.memory_space<vmem>>
        %get3A_1620 = arith.index_cast %scan3A_1497 : i32 to index
        %get3A_1621 = arith.constant 176 : index
        %get3A_1622 = tpu.vector_load %get3A_1619[%get3A_1620, %get3A_1621] {strides = array<i32>} : memref<32x768xf32, #tpu.memory_space<vmem>>, vector<16xf32>,
        %mul3A_1623 = arith.mulf %get3A_1516, %get3A_1622 : vector<16xf32>
        %add3A_1624 = arith.addf %scan3A_1509, %mul3A_1623 : vector<16xf32>
        %get3A_1625 = arith.constant 0 : i32
        %get3A_1626 = arith.constant 0 : i32
        %get3A_1627 = tpu.memref_slice %arg9[%scan3A_576, %get3A_1625, %get3A_1626] : memref<2x32x768xf32, #tpu.memory_space<vmem>> -> memref<1x32x768xf32, #tpu.memory_space<vmem>>
        %get3A_1628 = tpu.memref_squeeze %get3A_1627 : memref<1x32x768xf32, #tpu.memory_space<vmem>> -> memref<32x768xf32, #tpu.memory_space<vmem>>
        %get3A_1629 = arith.index_cast %scan3A_1497 : i32 to index
        %get3A_1630 = arith.constant 192 : index
        %get3A_1631 = tpu.vector_load %get3A_1628[%get3A_1629, %get3A_1630] {strides = array<i32>} : memref<32x768xf32, #tpu.memory_space<vmem>>, vector<16xf32>,
        %mul3A_1632 = arith.mulf %get3A_1516, %get3A_1631 : vector<16xf32>
        %add3A_1633 = arith.addf %scan3A_1510, %mul3A_1632 : vector<16xf32>
        %get3A_1634 = arith.constant 0 : i32
        %get3A_1635 = arith.constant 0 : i32
        %get3A_1636 = tpu.memref_slice %arg9[%scan3A_576, %get3A_1634, %get3A_1635] : memref<2x32x768xf32, #tpu.memory_space<vmem>> -> memref<1x32x768xf32, #tpu.memory_space<vmem>>
        %get3A_1637 = tpu.memref_squeeze %get3A_1636 : memref<1x32x768xf32, #tpu.memory_space<vmem>> -> memref<32x768xf32, #tpu.memory_space<vmem>>
        %get3A_1638 = arith.index_cast %scan3A_1497 : i32 to index
        %get3A_1639 = arith.constant 208 : index
        %get3A_1640 = tpu.vector_load %get3A_1637[%get3A_1638, %get3A_1639] {strides = array<i32>} : memref<32x768xf32, #tpu.memory_space<vmem>>, vector<16xf32>,
        %mul3A_1641 = arith.mulf %get3A_1516, %get3A_1640 : vector<16xf32>
        %add3A_1642 = arith.addf %scan3A_1511, %mul3A_1641 : vector<16xf32>
        %get3A_1643 = arith.constant 0 : i32
        %get3A_1644 = arith.constant 0 : i32
        %get3A_1645 = tpu.memref_slice %arg9[%scan3A_576, %get3A_1643, %get3A_1644] : memref<2x32x768xf32, #tpu.memory_space<vmem>> -> memref<1x32x768xf32, #tpu.memory_space<vmem>>
        %get3A_1646 = tpu.memref_squeeze %get3A_1645 : memref<1x32x768xf32, #tpu.memory_space<vmem>> -> memref<32x768xf32, #tpu.memory_space<vmem>>
        %get3A_1647 = arith.index_cast %scan3A_1497 : i32 to index
        %get3A_1648 = arith.constant 224 : index
        %get3A_1649 = tpu.vector_load %get3A_1646[%get3A_1647, %get3A_1648] {strides = array<i32>} : memref<32x768xf32, #tpu.memory_space<vmem>>, vector<16xf32>,
        %mul3A_1650 = arith.mulf %get3A_1516, %get3A_1649 : vector<16xf32>
        %add3A_1651 = arith.addf %scan3A_1512, %mul3A_1650 : vector<16xf32>
        %get3A_1652 = arith.constant 0 : i32
        %get3A_1653 = arith.constant 0 : i32
        %get3A_1654 = tpu.memref_slice %arg9[%scan3A_576, %get3A_1652, %get3A_1653] : memref<2x32x768xf32, #tpu.memory_space<vmem>> -> memref<1x32x768xf32, #tpu.memory_space<vmem>>
        %get3A_1655 = tpu.memref_squeeze %get3A_1654 : memref<1x32x768xf32, #tpu.memory_space<vmem>> -> memref<32x768xf32, #tpu.memory_space<vmem>>
        %get3A_1656 = arith.index_cast %scan3A_1497 : i32 to index
        %get3A_1657 = arith.constant 240 : index
        %get3A_1658 = tpu.vector_load %get3A_1655[%get3A_1656, %get3A_1657] {strides = array<i32>} : memref<32x768xf32, #tpu.memory_space<vmem>>, vector<16xf32>,
        %mul3A_1659 = arith.mulf %get3A_1516, %get3A_1658 : vector<16xf32>
        %add3A_1660 = arith.addf %scan3A_1513, %mul3A_1659 : vector<16xf32>
        scf.yield %add3A_1525, %add3A_1534, %add3A_1543, %add3A_1552, %add3A_1561, %add3A_1570, %add3A_1579, %add3A_1588, %add3A_1597, %add3A_1606, %add3A_1615, %add3A_1624, %add3A_1633, %add3A_1642, %add3A_1651, %add3A_1660 : vector<16xf32>, vector<16xf32>, vector<16xf32>, vector<16xf32>, vector<16xf32>, vector<16xf32>, vector<16xf32>, vector<16xf32>, vector<16xf32>, vector<16xf32>, vector<16xf32>, vector<16xf32>, vector<16xf32>, vector<16xf32>, vector<16xf32>, vector<16xf32>
      }
      %scan3A_582 = arith.constant 32 : i32
      %swap3A_583 = arith.constant 0 : index
      %swap3A_584 = tpu.vector_load %arg12[%swap3A_583] {strides = array<i32>} : memref<768xf32, #tpu.memory_space<vmem>>, vector<16xf32>,
      tpu.vector_store %arg12[%swap3A_583], %scan3A_581#0 {strides = array<i32>} : memref<768xf32, #tpu.memory_space<vmem>>, vector<16xf32>,
      %swap3A_585 = arith.constant 16 : index
      %swap3A_586 = tpu.vector_load %arg12[%swap3A_585] {strides = array<i32>} : memref<768xf32, #tpu.memory_space<vmem>>, vector<16xf32>,
      tpu.vector_store %arg12[%swap3A_585], %scan3A_581#1 {strides = array<i32>} : memref<768xf32, #tpu.memory_space<vmem>>, vector<16xf32>,
      %swap3A_587 = arith.constant 32 : index
      %swap3A_588 = tpu.vector_load %arg12[%swap3A_587] {strides = array<i32>} : memref<768xf32, #tpu.memory_space<vmem>>, vector<16xf32>,
      tpu.vector_store %arg12[%swap3A_587], %scan3A_581#2 {strides = array<i32>} : memref<768xf32, #tpu.memory_space<vmem>>, vector<16xf32>,
      %swap3A_589 = arith.constant 48 : index
      %swap3A_590 = tpu.vector_load %arg12[%swap3A_589] {strides = array<i32>} : memref<768xf32, #tpu.memory_space<vmem>>, vector<16xf32>,
      tpu.vector_store %arg12[%swap3A_589], %scan3A_581#3 {strides = array<i32>} : memref<768xf32, #tpu.memory_space<vmem>>, vector<16xf32>,
      %swap3A_591 = arith.constant 64 : index
      %swap3A_592 = tpu.vector_load %arg12[%swap3A_591] {strides = array<i32>} : memref<768xf32, #tpu.memory_space<vmem>>, vector<16xf32>,
      tpu.vector_store %arg12[%swap3A_591], %scan3A_581#4 {strides = array<i32>} : memref<768xf32, #tpu.memory_space<vmem>>, vector<16xf32>,
      %swap3A_593 = arith.constant 80 : index
      %swap3A_594 = tpu.vector_load %arg12[%swap3A_593] {strides = array<i32>} : memref<768xf32, #tpu.memory_space<vmem>>, vector<16xf32>,
      tpu.vector_store %arg12[%swap3A_593], %scan3A_581#5 {strides = array<i32>} : memref<768xf32, #tpu.memory_space<vmem>>, vector<16xf32>,
      %swap3A_595 = arith.constant 96 : index
      %swap3A_596 = tpu.vector_load %arg12[%swap3A_595] {strides = array<i32>} : memref<768xf32, #tpu.memory_space<vmem>>, vector<16xf32>,
      tpu.vector_store %arg12[%swap3A_595], %scan3A_581#6 {strides = array<i32>} : memref<768xf32, #tpu.memory_space<vmem>>, vector<16xf32>,
      %swap3A_597 = arith.constant 112 : index
      %swap3A_598 = tpu.vector_load %arg12[%swap3A_597] {strides = array<i32>} : memref<768xf32, #tpu.memory_space<vmem>>, vector<16xf32>,
      tpu.vector_store %arg12[%swap3A_597], %scan3A_581#7 {strides = array<i32>} : memref<768xf32, #tpu.memory_space<vmem>>, vector<16xf32>,
      %swap3A_599 = arith.constant 128 : index
      %swap3A_600 = tpu.vector_load %arg12[%swap3A_599] {strides = array<i32>} : memref<768xf32, #tpu.memory_space<vmem>>, vector<16xf32>,
      tpu.vector_store %arg12[%swap3A_599], %scan3A_581#8 {strides = array<i32>} : memref<768xf32, #tpu.memory_space<vmem>>, vector<16xf32>,
      %swap3A_601 = arith.constant 144 : index
      %swap3A_602 = tpu.vector_load %arg12[%swap3A_601] {strides = array<i32>} : memref<768xf32, #tpu.memory_space<vmem>>, vector<16xf32>,
      tpu.vector_store %arg12[%swap3A_601], %scan3A_581#9 {strides = array<i32>} : memref<768xf32, #tpu.memory_space<vmem>>, vector<16xf32>,
      %swap3A_603 = arith.constant 160 : index
      %swap3A_604 = tpu.vector_load %arg12[%swap3A_603] {strides = array<i32>} : memref<768xf32, #tpu.memory_space<vmem>>, vector<16xf32>,
      tpu.vector_store %arg12[%swap3A_603], %scan3A_581#10 {strides = array<i32>} : memref<768xf32, #tpu.memory_space<vmem>>, vector<16xf32>,
      %swap3A_605 = arith.constant 176 : index
      %swap3A_606 = tpu.vector_load %arg12[%swap3A_605] {strides = array<i32>} : memref<768xf32, #tpu.memory_space<vmem>>, vector<16xf32>,
      tpu.vector_store %arg12[%swap3A_605], %scan3A_581#11 {strides = array<i32>} : memref<768xf32, #tpu.memory_space<vmem>>, vector<16xf32>,
      %swap3A_607 = arith.constant 192 : index
      %swap3A_608 = tpu.vector_load %arg12[%swap3A_607] {strides = array<i32>} : memref<768xf32, #tpu.memory_space<vmem>>, vector<16xf32>,
      tpu.vector_store %arg12[%swap3A_607], %scan3A_581#12 {strides = array<i32>} : memref<768xf32, #tpu.memory_space<vmem>>, vector<16xf32>,
      %swap3A_609 = arith.constant 208 : index
      %swap3A_610 = tpu.vector_load %arg12[%swap3A_609] {strides = array<i32>} : memref<768xf32, #tpu.memory_space<vmem>>, vector<16xf32>,
      tpu.vector_store %arg12[%swap3A_609], %scan3A_581#13 {strides = array<i32>} : memref<768xf32, #tpu.memory_space<vmem>>, vector<16xf32>,
      %swap3A_611 = arith.constant 224 : index
      %swap3A_612 = tpu.vector_load %arg12[%swap3A_611] {strides = array<i32>} : memref<768xf32, #tpu.memory_space<vmem>>, vector<16xf32>,
      tpu.vector_store %arg12[%swap3A_611], %scan3A_581#14 {strides = array<i32>} : memref<768xf32, #tpu.memory_space<vmem>>, vector<16xf32>,
      %swap3A_613 = arith.constant 240 : index
      %swap3A_614 = tpu.vector_load %arg12[%swap3A_613] {strides = array<i32>} : memref<768xf32, #tpu.memory_space<vmem>>, vector<16xf32>,
      tpu.vector_store %arg12[%swap3A_613], %scan3A_581#15 {strides = array<i32>} : memref<768xf32, #tpu.memory_space<vmem>>, vector<16xf32>,
      %get3A_615 = arith.constant 256 : index
      %get3A_616 = tpu.vector_load %arg11[%get3A_615] {strides = array<i32>} : memref<768xf32, #tpu.memory_space<vmem>>, vector<16xf32>,
      %get3A_617 = arith.constant 272 : index
      %get3A_618 = tpu.vector_load %arg11[%get3A_617] {strides = array<i32>} : memref<768xf32, #tpu.memory_space<vmem>>, vector<16xf32>,
      %get3A_619 = arith.constant 288 : index
      %get3A_620 = tpu.vector_load %arg11[%get3A_619] {strides = array<i32>} : memref<768xf32, #tpu.memory_space<vmem>>, vector<16xf32>,
      %get3A_621 = arith.constant 304 : index
      %get3A_622 = tpu.vector_load %arg11[%get3A_621] {strides = array<i32>} : memref<768xf32, #tpu.memory_space<vmem>>, vector<16xf32>,
      %get3A_623 = arith.constant 320 : index
      %get3A_624 = tpu.vector_load %arg11[%get3A_623] {strides = array<i32>} : memref<768xf32, #tpu.memory_space<vmem>>, vector<16xf32>,
      %get3A_625 = arith.constant 336 : index
      %get3A_626 = tpu.vector_load %arg11[%get3A_625] {strides = array<i32>} : memref<768xf32, #tpu.memory_space<vmem>>, vector<16xf32>,
      %get3A_627 = arith.constant 352 : index
      %get3A_628 = tpu.vector_load %arg11[%get3A_627] {strides = array<i32>} : memref<768xf32, #tpu.memory_space<vmem>>, vector<16xf32>,
      %get3A_629 = arith.constant 368 : index
      %get3A_630 = tpu.vector_load %arg11[%get3A_629] {strides = array<i32>} : memref<768xf32, #tpu.memory_space<vmem>>, vector<16xf32>,
      %get3A_631 = arith.constant 384 : index
      %get3A_632 = tpu.vector_load %arg11[%get3A_631] {strides = array<i32>} : memref<768xf32, #tpu.memory_space<vmem>>, vector<16xf32>,
      %get3A_633 = arith.constant 400 : index
      %get3A_634 = tpu.vector_load %arg11[%get3A_633] {strides = array<i32>} : memref<768xf32, #tpu.memory_space<vmem>>, vector<16xf32>,
      %get3A_635 = arith.constant 416 : index
      %get3A_636 = tpu.vector_load %arg11[%get3A_635] {strides = array<i32>} : memref<768xf32, #tpu.memory_space<vmem>>, vector<16xf32>,
      %get3A_637 = arith.constant 432 : index
      %get3A_638 = tpu.vector_load %arg11[%get3A_637] {strides = array<i32>} : memref<768xf32, #tpu.memory_space<vmem>>, vector<16xf32>,
      %get3A_639 = arith.constant 448 : index
      %get3A_640 = tpu.vector_load %arg11[%get3A_639] {strides = array<i32>} : memref<768xf32, #tpu.memory_space<vmem>>, vector<16xf32>,
      %get3A_641 = arith.constant 464 : index
      %get3A_642 = tpu.vector_load %arg11[%get3A_641] {strides = array<i32>} : memref<768xf32, #tpu.memory_space<vmem>>, vector<16xf32>,
      %get3A_643 = arith.constant 480 : index
      %get3A_644 = tpu.vector_load %arg11[%get3A_643] {strides = array<i32>} : memref<768xf32, #tpu.memory_space<vmem>>, vector<16xf32>,
      %get3A_645 = arith.constant 496 : index
      %get3A_646 = tpu.vector_load %arg11[%get3A_645] {strides = array<i32>} : memref<768xf32, #tpu.memory_space<vmem>>, vector<16xf32>,
      %scan3A_647 = arith.constant 0 : i32
      %scan3A_648 = arith.constant 0 : i32
      %scan3A_649 = arith.constant 32 : i32
      %scan3A_650 = arith.addi %scan3A_648, %scan3A_649 : i32
      %scan3A_651 = arith.constant 1 : i32
      %scan3A_652:16 = scf.for %scan3A_1497 = %scan3A_648 to %scan3A_650 step %scan3A_651 iter_args(%scan3A_1498 = %get3A_616, %scan3A_1499 = %get3A_618, %scan3A_1500 = %get3A_620, %scan3A_1501 = %get3A_622, %scan3A_1502 = %get3A_624, %scan3A_1503 = %get3A_626, %scan3A_1504 = %get3A_628, %scan3A_1505 = %get3A_630, %scan3A_1506 = %get3A_632, %scan3A_1507 = %get3A_634, %scan3A_1508 = %get3A_636, %scan3A_1509 = %get3A_638, %scan3A_1510 = %get3A_640, %scan3A_1511 = %get3A_642, %scan3A_1512 = %get3A_644, %scan3A_1513 = %get3A_646) -> (vector<16xf32>, vector<16xf32>, vector<16xf32>, vector<16xf32>, vector<16xf32>, vector<16xf32>, vector<16xf32>, vector<16xf32>, vector<16xf32>, vector<16xf32>, vector<16xf32>, vector<16xf32>, vector<16xf32>, vector<16xf32>, vector<16xf32>, vector<16xf32>)  : i32 {
        %get3A_1514 = arith.index_cast %scan3A_1497 : i32 to index
        %get3A_1515 = arith.constant 0 : index
        %get3A_1516 = tpu.vector_load %arg10[%get3A_1514, %get3A_1515] {strides = array<i32>} : memref<32x16xf32, #tpu.memory_space<vmem>>, vector<16xf32>,
        %get3A_1517 = arith.constant 0 : i32
        %get3A_1518 = arith.constant 0 : i32
        %get3A_1519 = tpu.memref_slice %arg9[%scan3A_647, %get3A_1517, %get3A_1518] : memref<2x32x768xf32, #tpu.memory_space<vmem>> -> memref<1x32x768xf32, #tpu.memory_space<vmem>>
        %get3A_1520 = tpu.memref_squeeze %get3A_1519 : memref<1x32x768xf32, #tpu.memory_space<vmem>> -> memref<32x768xf32, #tpu.memory_space<vmem>>
        %get3A_1521 = arith.index_cast %scan3A_1497 : i32 to index
        %get3A_1522 = arith.constant 256 : index
        %get3A_1523 = tpu.vector_load %get3A_1520[%get3A_1521, %get3A_1522] {strides = array<i32>} : memref<32x768xf32, #tpu.memory_space<vmem>>, vector<16xf32>,
        %mul3A_1524 = arith.mulf %get3A_1516, %get3A_1523 : vector<16xf32>
        %add3A_1525 = arith.addf %scan3A_1498, %mul3A_1524 : vector<16xf32>
        %get3A_1526 = arith.constant 0 : i32
        %get3A_1527 = arith.constant 0 : i32
        %get3A_1528 = tpu.memref_slice %arg9[%scan3A_647, %get3A_1526, %get3A_1527] : memref<2x32x768xf32, #tpu.memory_space<vmem>> -> memref<1x32x768xf32, #tpu.memory_space<vmem>>
        %get3A_1529 = tpu.memref_squeeze %get3A_1528 : memref<1x32x768xf32, #tpu.memory_space<vmem>> -> memref<32x768xf32, #tpu.memory_space<vmem>>
        %get3A_1530 = arith.index_cast %scan3A_1497 : i32 to index
        %get3A_1531 = arith.constant 272 : index
        %get3A_1532 = tpu.vector_load %get3A_1529[%get3A_1530, %get3A_1531] {strides = array<i32>} : memref<32x768xf32, #tpu.memory_space<vmem>>, vector<16xf32>,
        %mul3A_1533 = arith.mulf %get3A_1516, %get3A_1532 : vector<16xf32>
        %add3A_1534 = arith.addf %scan3A_1499, %mul3A_1533 : vector<16xf32>
        %get3A_1535 = arith.constant 0 : i32
        %get3A_1536 = arith.constant 0 : i32
        %get3A_1537 = tpu.memref_slice %arg9[%scan3A_647, %get3A_1535, %get3A_1536] : memref<2x32x768xf32, #tpu.memory_space<vmem>> -> memref<1x32x768xf32, #tpu.memory_space<vmem>>
        %get3A_1538 = tpu.memref_squeeze %get3A_1537 : memref<1x32x768xf32, #tpu.memory_space<vmem>> -> memref<32x768xf32, #tpu.memory_space<vmem>>
        %get3A_1539 = arith.index_cast %scan3A_1497 : i32 to index
        %get3A_1540 = arith.constant 288 : index
        %get3A_1541 = tpu.vector_load %get3A_1538[%get3A_1539, %get3A_1540] {strides = array<i32>} : memref<32x768xf32, #tpu.memory_space<vmem>>, vector<16xf32>,
        %mul3A_1542 = arith.mulf %get3A_1516, %get3A_1541 : vector<16xf32>
        %add3A_1543 = arith.addf %scan3A_1500, %mul3A_1542 : vector<16xf32>
        %get3A_1544 = arith.constant 0 : i32
        %get3A_1545 = arith.constant 0 : i32
        %get3A_1546 = tpu.memref_slice %arg9[%scan3A_647, %get3A_1544, %get3A_1545] : memref<2x32x768xf32, #tpu.memory_space<vmem>> -> memref<1x32x768xf32, #tpu.memory_space<vmem>>
        %get3A_1547 = tpu.memref_squeeze %get3A_1546 : memref<1x32x768xf32, #tpu.memory_space<vmem>> -> memref<32x768xf32, #tpu.memory_space<vmem>>
        %get3A_1548 = arith.index_cast %scan3A_1497 : i32 to index
        %get3A_1549 = arith.constant 304 : index
        %get3A_1550 = tpu.vector_load %get3A_1547[%get3A_1548, %get3A_1549] {strides = array<i32>} : memref<32x768xf32, #tpu.memory_space<vmem>>, vector<16xf32>,
        %mul3A_1551 = arith.mulf %get3A_1516, %get3A_1550 : vector<16xf32>
        %add3A_1552 = arith.addf %scan3A_1501, %mul3A_1551 : vector<16xf32>
        %get3A_1553 = arith.constant 0 : i32
        %get3A_1554 = arith.constant 0 : i32
        %get3A_1555 = tpu.memref_slice %arg9[%scan3A_647, %get3A_1553, %get3A_1554] : memref<2x32x768xf32, #tpu.memory_space<vmem>> -> memref<1x32x768xf32, #tpu.memory_space<vmem>>
        %get3A_1556 = tpu.memref_squeeze %get3A_1555 : memref<1x32x768xf32, #tpu.memory_space<vmem>> -> memref<32x768xf32, #tpu.memory_space<vmem>>
        %get3A_1557 = arith.index_cast %scan3A_1497 : i32 to index
        %get3A_1558 = arith.constant 320 : index
        %get3A_1559 = tpu.vector_load %get3A_1556[%get3A_1557, %get3A_1558] {strides = array<i32>} : memref<32x768xf32, #tpu.memory_space<vmem>>, vector<16xf32>,
        %mul3A_1560 = arith.mulf %get3A_1516, %get3A_1559 : vector<16xf32>
        %add3A_1561 = arith.addf %scan3A_1502, %mul3A_1560 : vector<16xf32>
        %get3A_1562 = arith.constant 0 : i32
        %get3A_1563 = arith.constant 0 : i32
        %get3A_1564 = tpu.memref_slice %arg9[%scan3A_647, %get3A_1562, %get3A_1563] : memref<2x32x768xf32, #tpu.memory_space<vmem>> -> memref<1x32x768xf32, #tpu.memory_space<vmem>>
        %get3A_1565 = tpu.memref_squeeze %get3A_1564 : memref<1x32x768xf32, #tpu.memory_space<vmem>> -> memref<32x768xf32, #tpu.memory_space<vmem>>
        %get3A_1566 = arith.index_cast %scan3A_1497 : i32 to index
        %get3A_1567 = arith.constant 336 : index
        %get3A_1568 = tpu.vector_load %get3A_1565[%get3A_1566, %get3A_1567] {strides = array<i32>} : memref<32x768xf32, #tpu.memory_space<vmem>>, vector<16xf32>,
        %mul3A_1569 = arith.mulf %get3A_1516, %get3A_1568 : vector<16xf32>
        %add3A_1570 = arith.addf %scan3A_1503, %mul3A_1569 : vector<16xf32>
        %get3A_1571 = arith.constant 0 : i32
        %get3A_1572 = arith.constant 0 : i32
        %get3A_1573 = tpu.memref_slice %arg9[%scan3A_647, %get3A_1571, %get3A_1572] : memref<2x32x768xf32, #tpu.memory_space<vmem>> -> memref<1x32x768xf32, #tpu.memory_space<vmem>>
        %get3A_1574 = tpu.memref_squeeze %get3A_1573 : memref<1x32x768xf32, #tpu.memory_space<vmem>> -> memref<32x768xf32, #tpu.memory_space<vmem>>
        %get3A_1575 = arith.index_cast %scan3A_1497 : i32 to index
        %get3A_1576 = arith.constant 352 : index
        %get3A_1577 = tpu.vector_load %get3A_1574[%get3A_1575, %get3A_1576] {strides = array<i32>} : memref<32x768xf32, #tpu.memory_space<vmem>>, vector<16xf32>,
        %mul3A_1578 = arith.mulf %get3A_1516, %get3A_1577 : vector<16xf32>
        %add3A_1579 = arith.addf %scan3A_1504, %mul3A_1578 : vector<16xf32>
        %get3A_1580 = arith.constant 0 : i32
        %get3A_1581 = arith.constant 0 : i32
        %get3A_1582 = tpu.memref_slice %arg9[%scan3A_647, %get3A_1580, %get3A_1581] : memref<2x32x768xf32, #tpu.memory_space<vmem>> -> memref<1x32x768xf32, #tpu.memory_space<vmem>>
        %get3A_1583 = tpu.memref_squeeze %get3A_1582 : memref<1x32x768xf32, #tpu.memory_space<vmem>> -> memref<32x768xf32, #tpu.memory_space<vmem>>
        %get3A_1584 = arith.index_cast %scan3A_1497 : i32 to index
        %get3A_1585 = arith.constant 368 : index
        %get3A_1586 = tpu.vector_load %get3A_1583[%get3A_1584, %get3A_1585] {strides = array<i32>} : memref<32x768xf32, #tpu.memory_space<vmem>>, vector<16xf32>,
        %mul3A_1587 = arith.mulf %get3A_1516, %get3A_1586 : vector<16xf32>
        %add3A_1588 = arith.addf %scan3A_1505, %mul3A_1587 : vector<16xf32>
        %get3A_1589 = arith.constant 0 : i32
        %get3A_1590 = arith.constant 0 : i32
        %get3A_1591 = tpu.memref_slice %arg9[%scan3A_647, %get3A_1589, %get3A_1590] : memref<2x32x768xf32, #tpu.memory_space<vmem>> -> memref<1x32x768xf32, #tpu.memory_space<vmem>>
        %get3A_1592 = tpu.memref_squeeze %get3A_1591 : memref<1x32x768xf32, #tpu.memory_space<vmem>> -> memref<32x768xf32, #tpu.memory_space<vmem>>
        %get3A_1593 = arith.index_cast %scan3A_1497 : i32 to index
        %get3A_1594 = arith.constant 384 : index
        %get3A_1595 = tpu.vector_load %get3A_1592[%get3A_1593, %get3A_1594] {strides = array<i32>} : memref<32x768xf32, #tpu.memory_space<vmem>>, vector<16xf32>,
        %mul3A_1596 = arith.mulf %get3A_1516, %get3A_1595 : vector<16xf32>
        %add3A_1597 = arith.addf %scan3A_1506, %mul3A_1596 : vector<16xf32>
        %get3A_1598 = arith.constant 0 : i32
        %get3A_1599 = arith.constant 0 : i32
        %get3A_1600 = tpu.memref_slice %arg9[%scan3A_647, %get3A_1598, %get3A_1599] : memref<2x32x768xf32, #tpu.memory_space<vmem>> -> memref<1x32x768xf32, #tpu.memory_space<vmem>>
        %get3A_1601 = tpu.memref_squeeze %get3A_1600 : memref<1x32x768xf32, #tpu.memory_space<vmem>> -> memref<32x768xf32, #tpu.memory_space<vmem>>
        %get3A_1602 = arith.index_cast %scan3A_1497 : i32 to index
        %get3A_1603 = arith.constant 400 : index
        %get3A_1604 = tpu.vector_load %get3A_1601[%get3A_1602, %get3A_1603] {strides = array<i32>} : memref<32x768xf32, #tpu.memory_space<vmem>>, vector<16xf32>,
        %mul3A_1605 = arith.mulf %get3A_1516, %get3A_1604 : vector<16xf32>
        %add3A_1606 = arith.addf %scan3A_1507, %mul3A_1605 : vector<16xf32>
        %get3A_1607 = arith.constant 0 : i32
        %get3A_1608 = arith.constant 0 : i32
        %get3A_1609 = tpu.memref_slice %arg9[%scan3A_647, %get3A_1607, %get3A_1608] : memref<2x32x768xf32, #tpu.memory_space<vmem>> -> memref<1x32x768xf32, #tpu.memory_space<vmem>>
        %get3A_1610 = tpu.memref_squeeze %get3A_1609 : memref<1x32x768xf32, #tpu.memory_space<vmem>> -> memref<32x768xf32, #tpu.memory_space<vmem>>
        %get3A_1611 = arith.index_cast %scan3A_1497 : i32 to index
        %get3A_1612 = arith.constant 416 : index
        %get3A_1613 = tpu.vector_load %get3A_1610[%get3A_1611, %get3A_1612] {strides = array<i32>} : memref<32x768xf32, #tpu.memory_space<vmem>>, vector<16xf32>,
        %mul3A_1614 = arith.mulf %get3A_1516, %get3A_1613 : vector<16xf32>
        %add3A_1615 = arith.addf %scan3A_1508, %mul3A_1614 : vector<16xf32>
        %get3A_1616 = arith.constant 0 : i32
        %get3A_1617 = arith.constant 0 : i32
        %get3A_1618 = tpu.memref_slice %arg9[%scan3A_647, %get3A_1616, %get3A_1617] : memref<2x32x768xf32, #tpu.memory_space<vmem>> -> memref<1x32x768xf32, #tpu.memory_space<vmem>>
        %get3A_1619 = tpu.memref_squeeze %get3A_1618 : memref<1x32x768xf32, #tpu.memory_space<vmem>> -> memref<32x768xf32, #tpu.memory_space<vmem>>
        %get3A_1620 = arith.index_cast %scan3A_1497 : i32 to index
        %get3A_1621 = arith.constant 432 : index
        %get3A_1622 = tpu.vector_load %get3A_1619[%get3A_1620, %get3A_1621] {strides = array<i32>} : memref<32x768xf32, #tpu.memory_space<vmem>>, vector<16xf32>,
        %mul3A_1623 = arith.mulf %get3A_1516, %get3A_1622 : vector<16xf32>
        %add3A_1624 = arith.addf %scan3A_1509, %mul3A_1623 : vector<16xf32>
        %get3A_1625 = arith.constant 0 : i32
        %get3A_1626 = arith.constant 0 : i32
        %get3A_1627 = tpu.memref_slice %arg9[%scan3A_647, %get3A_1625, %get3A_1626] : memref<2x32x768xf32, #tpu.memory_space<vmem>> -> memref<1x32x768xf32, #tpu.memory_space<vmem>>
        %get3A_1628 = tpu.memref_squeeze %get3A_1627 : memref<1x32x768xf32, #tpu.memory_space<vmem>> -> memref<32x768xf32, #tpu.memory_space<vmem>>
        %get3A_1629 = arith.index_cast %scan3A_1497 : i32 to index
        %get3A_1630 = arith.constant 448 : index
        %get3A_1631 = tpu.vector_load %get3A_1628[%get3A_1629, %get3A_1630] {strides = array<i32>} : memref<32x768xf32, #tpu.memory_space<vmem>>, vector<16xf32>,
        %mul3A_1632 = arith.mulf %get3A_1516, %get3A_1631 : vector<16xf32>
        %add3A_1633 = arith.addf %scan3A_1510, %mul3A_1632 : vector<16xf32>
        %get3A_1634 = arith.constant 0 : i32
        %get3A_1635 = arith.constant 0 : i32
        %get3A_1636 = tpu.memref_slice %arg9[%scan3A_647, %get3A_1634, %get3A_1635] : memref<2x32x768xf32, #tpu.memory_space<vmem>> -> memref<1x32x768xf32, #tpu.memory_space<vmem>>
        %get3A_1637 = tpu.memref_squeeze %get3A_1636 : memref<1x32x768xf32, #tpu.memory_space<vmem>> -> memref<32x768xf32, #tpu.memory_space<vmem>>
        %get3A_1638 = arith.index_cast %scan3A_1497 : i32 to index
        %get3A_1639 = arith.constant 464 : index
        %get3A_1640 = tpu.vector_load %get3A_1637[%get3A_1638, %get3A_1639] {strides = array<i32>} : memref<32x768xf32, #tpu.memory_space<vmem>>, vector<16xf32>,
        %mul3A_1641 = arith.mulf %get3A_1516, %get3A_1640 : vector<16xf32>
        %add3A_1642 = arith.addf %scan3A_1511, %mul3A_1641 : vector<16xf32>
        %get3A_1643 = arith.constant 0 : i32
        %get3A_1644 = arith.constant 0 : i32
        %get3A_1645 = tpu.memref_slice %arg9[%scan3A_647, %get3A_1643, %get3A_1644] : memref<2x32x768xf32, #tpu.memory_space<vmem>> -> memref<1x32x768xf32, #tpu.memory_space<vmem>>
        %get3A_1646 = tpu.memref_squeeze %get3A_1645 : memref<1x32x768xf32, #tpu.memory_space<vmem>> -> memref<32x768xf32, #tpu.memory_space<vmem>>
        %get3A_1647 = arith.index_cast %scan3A_1497 : i32 to index
        %get3A_1648 = arith.constant 480 : index
        %get3A_1649 = tpu.vector_load %get3A_1646[%get3A_1647, %get3A_1648] {strides = array<i32>} : memref<32x768xf32, #tpu.memory_space<vmem>>, vector<16xf32>,
        %mul3A_1650 = arith.mulf %get3A_1516, %get3A_1649 : vector<16xf32>
        %add3A_1651 = arith.addf %scan3A_1512, %mul3A_1650 : vector<16xf32>
        %get3A_1652 = arith.constant 0 : i32
        %get3A_1653 = arith.constant 0 : i32
        %get3A_1654 = tpu.memref_slice %arg9[%scan3A_647, %get3A_1652, %get3A_1653] : memref<2x32x768xf32, #tpu.memory_space<vmem>> -> memref<1x32x768xf32, #tpu.memory_space<vmem>>
        %get3A_1655 = tpu.memref_squeeze %get3A_1654 : memref<1x32x768xf32, #tpu.memory_space<vmem>> -> memref<32x768xf32, #tpu.memory_space<vmem>>
        %get3A_1656 = arith.index_cast %scan3A_1497 : i32 to index
        %get3A_1657 = arith.constant 496 : index
        %get3A_1658 = tpu.vector_load %get3A_1655[%get3A_1656, %get3A_1657] {strides = array<i32>} : memref<32x768xf32, #tpu.memory_space<vmem>>, vector<16xf32>,
        %mul3A_1659 = arith.mulf %get3A_1516, %get3A_1658 : vector<16xf32>
        %add3A_1660 = arith.addf %scan3A_1513, %mul3A_1659 : vector<16xf32>
        scf.yield %add3A_1525, %add3A_1534, %add3A_1543, %add3A_1552, %add3A_1561, %add3A_1570, %add3A_1579, %add3A_1588, %add3A_1597, %add3A_1606, %add3A_1615, %add3A_1624, %add3A_1633, %add3A_1642, %add3A_1651, %add3A_1660 : vector<16xf32>, vector<16xf32>, vector<16xf32>, vector<16xf32>, vector<16xf32>, vector<16xf32>, vector<16xf32>, vector<16xf32>, vector<16xf32>, vector<16xf32>, vector<16xf32>, vector<16xf32>, vector<16xf32>, vector<16xf32>, vector<16xf32>, vector<16xf32>
      }
      %scan3A_653 = arith.constant 32 : i32
      %swap3A_654 = arith.constant 256 : index
      %swap3A_655 = tpu.vector_load %arg12[%swap3A_654] {strides = array<i32>} : memref<768xf32, #tpu.memory_space<vmem>>, vector<16xf32>,
      tpu.vector_store %arg12[%swap3A_654], %scan3A_652#0 {strides = array<i32>} : memref<768xf32, #tpu.memory_space<vmem>>, vector<16xf32>,
      %swap3A_656 = arith.constant 272 : index
      %swap3A_657 = tpu.vector_load %arg12[%swap3A_656] {strides = array<i32>} : memref<768xf32, #tpu.memory_space<vmem>>, vector<16xf32>,
      tpu.vector_store %arg12[%swap3A_656], %scan3A_652#1 {strides = array<i32>} : memref<768xf32, #tpu.memory_space<vmem>>, vector<16xf32>,
      %swap3A_658 = arith.constant 288 : index
      %swap3A_659 = tpu.vector_load %arg12[%swap3A_658] {strides = array<i32>} : memref<768xf32, #tpu.memory_space<vmem>>, vector<16xf32>,
      tpu.vector_store %arg12[%swap3A_658], %scan3A_652#2 {strides = array<i32>} : memref<768xf32, #tpu.memory_space<vmem>>, vector<16xf32>,
      %swap3A_660 = arith.constant 304 : index
      %swap3A_661 = tpu.vector_load %arg12[%swap3A_660] {strides = array<i32>} : memref<768xf32, #tpu.memory_space<vmem>>, vector<16xf32>,
      tpu.vector_store %arg12[%swap3A_660], %scan3A_652#3 {strides = array<i32>} : memref<768xf32, #tpu.memory_space<vmem>>, vector<16xf32>,
      %swap3A_662 = arith.constant 320 : index
      %swap3A_663 = tpu.vector_load %arg12[%swap3A_662] {strides = array<i32>} : memref<768xf32, #tpu.memory_space<vmem>>, vector<16xf32>,
      tpu.vector_store %arg12[%swap3A_662], %scan3A_652#4 {strides = array<i32>} : memref<768xf32, #tpu.memory_space<vmem>>, vector<16xf32>,
      %swap3A_664 = arith.constant 336 : index
      %swap3A_665 = tpu.vector_load %arg12[%swap3A_664] {strides = array<i32>} : memref<768xf32, #tpu.memory_space<vmem>>, vector<16xf32>,
      tpu.vector_store %arg12[%swap3A_664], %scan3A_652#5 {strides = array<i32>} : memref<768xf32, #tpu.memory_space<vmem>>, vector<16xf32>,
      %swap3A_666 = arith.constant 352 : index
      %swap3A_667 = tpu.vector_load %arg12[%swap3A_666] {strides = array<i32>} : memref<768xf32, #tpu.memory_space<vmem>>, vector<16xf32>,
      tpu.vector_store %arg12[%swap3A_666], %scan3A_652#6 {strides = array<i32>} : memref<768xf32, #tpu.memory_space<vmem>>, vector<16xf32>,
      %swap3A_668 = arith.constant 368 : index
      %swap3A_669 = tpu.vector_load %arg12[%swap3A_668] {strides = array<i32>} : memref<768xf32, #tpu.memory_space<vmem>>, vector<16xf32>,
      tpu.vector_store %arg12[%swap3A_668], %scan3A_652#7 {strides = array<i32>} : memref<768xf32, #tpu.memory_space<vmem>>, vector<16xf32>,
      %swap3A_670 = arith.constant 384 : index
      %swap3A_671 = tpu.vector_load %arg12[%swap3A_670] {strides = array<i32>} : memref<768xf32, #tpu.memory_space<vmem>>, vector<16xf32>,
      tpu.vector_store %arg12[%swap3A_670], %scan3A_652#8 {strides = array<i32>} : memref<768xf32, #tpu.memory_space<vmem>>, vector<16xf32>,
      %swap3A_672 = arith.constant 400 : index
      %swap3A_673 = tpu.vector_load %arg12[%swap3A_672] {strides = array<i32>} : memref<768xf32, #tpu.memory_space<vmem>>, vector<16xf32>,
      tpu.vector_store %arg12[%swap3A_672], %scan3A_652#9 {strides = array<i32>} : memref<768xf32, #tpu.memory_space<vmem>>, vector<16xf32>,
      %swap3A_674 = arith.constant 416 : index
      %swap3A_675 = tpu.vector_load %arg12[%swap3A_674] {strides = array<i32>} : memref<768xf32, #tpu.memory_space<vmem>>, vector<16xf32>,
      tpu.vector_store %arg12[%swap3A_674], %scan3A_652#10 {strides = array<i32>} : memref<768xf32, #tpu.memory_space<vmem>>, vector<16xf32>,
      %swap3A_676 = arith.constant 432 : index
      %swap3A_677 = tpu.vector_load %arg12[%swap3A_676] {strides = array<i32>} : memref<768xf32, #tpu.memory_space<vmem>>, vector<16xf32>,
      tpu.vector_store %arg12[%swap3A_676], %scan3A_652#11 {strides = array<i32>} : memref<768xf32, #tpu.memory_space<vmem>>, vector<16xf32>,
      %swap3A_678 = arith.constant 448 : index
      %swap3A_679 = tpu.vector_load %arg12[%swap3A_678] {strides = array<i32>} : memref<768xf32, #tpu.memory_space<vmem>>, vector<16xf32>,
      tpu.vector_store %arg12[%swap3A_678], %scan3A_652#12 {strides = array<i32>} : memref<768xf32, #tpu.memory_space<vmem>>, vector<16xf32>,
      %swap3A_680 = arith.constant 464 : index
      %swap3A_681 = tpu.vector_load %arg12[%swap3A_680] {strides = array<i32>} : memref<768xf32, #tpu.memory_space<vmem>>, vector<16xf32>,
      tpu.vector_store %arg12[%swap3A_680], %scan3A_652#13 {strides = array<i32>} : memref<768xf32, #tpu.memory_space<vmem>>, vector<16xf32>,
      %swap3A_682 = arith.constant 480 : index
      %swap3A_683 = tpu.vector_load %arg12[%swap3A_682] {strides = array<i32>} : memref<768xf32, #tpu.memory_space<vmem>>, vector<16xf32>,
      tpu.vector_store %arg12[%swap3A_682], %scan3A_652#14 {strides = array<i32>} : memref<768xf32, #tpu.memory_space<vmem>>, vector<16xf32>,
      %swap3A_684 = arith.constant 496 : index
      %swap3A_685 = tpu.vector_load %arg12[%swap3A_684] {strides = array<i32>} : memref<768xf32, #tpu.memory_space<vmem>>, vector<16xf32>,
      tpu.vector_store %arg12[%swap3A_684], %scan3A_652#15 {strides = array<i32>} : memref<768xf32, #tpu.memory_space<vmem>>, vector<16xf32>,
      %get3A_686 = arith.constant 512 : index
      %get3A_687 = tpu.vector_load %arg11[%get3A_686] {strides = array<i32>} : memref<768xf32, #tpu.memory_space<vmem>>, vector<16xf32>,
      %get3A_688 = arith.constant 528 : index
      %get3A_689 = tpu.vector_load %arg11[%get3A_688] {strides = array<i32>} : memref<768xf32, #tpu.memory_space<vmem>>, vector<16xf32>,
      %get3A_690 = arith.constant 544 : index
      %get3A_691 = tpu.vector_load %arg11[%get3A_690] {strides = array<i32>} : memref<768xf32, #tpu.memory_space<vmem>>, vector<16xf32>,
      %get3A_692 = arith.constant 560 : index
      %get3A_693 = tpu.vector_load %arg11[%get3A_692] {strides = array<i32>} : memref<768xf32, #tpu.memory_space<vmem>>, vector<16xf32>,
      %get3A_694 = arith.constant 576 : index
      %get3A_695 = tpu.vector_load %arg11[%get3A_694] {strides = array<i32>} : memref<768xf32, #tpu.memory_space<vmem>>, vector<16xf32>,
      %get3A_696 = arith.constant 592 : index
      %get3A_697 = tpu.vector_load %arg11[%get3A_696] {strides = array<i32>} : memref<768xf32, #tpu.memory_space<vmem>>, vector<16xf32>,
      %get3A_698 = arith.constant 608 : index
      %get3A_699 = tpu.vector_load %arg11[%get3A_698] {strides = array<i32>} : memref<768xf32, #tpu.memory_space<vmem>>, vector<16xf32>,
      %get3A_700 = arith.constant 624 : index
      %get3A_701 = tpu.vector_load %arg11[%get3A_700] {strides = array<i32>} : memref<768xf32, #tpu.memory_space<vmem>>, vector<16xf32>,
      %get3A_702 = arith.constant 640 : index
      %get3A_703 = tpu.vector_load %arg11[%get3A_702] {strides = array<i32>} : memref<768xf32, #tpu.memory_space<vmem>>, vector<16xf32>,
      %get3A_704 = arith.constant 656 : index
      %get3A_705 = tpu.vector_load %arg11[%get3A_704] {strides = array<i32>} : memref<768xf32, #tpu.memory_space<vmem>>, vector<16xf32>,
      %get3A_706 = arith.constant 672 : index
      %get3A_707 = tpu.vector_load %arg11[%get3A_706] {strides = array<i32>} : memref<768xf32, #tpu.memory_space<vmem>>, vector<16xf32>,
      %get3A_708 = arith.constant 688 : index
      %get3A_709 = tpu.vector_load %arg11[%get3A_708] {strides = array<i32>} : memref<768xf32, #tpu.memory_space<vmem>>, vector<16xf32>,
      %get3A_710 = arith.constant 704 : index
      %get3A_711 = tpu.vector_load %arg11[%get3A_710] {strides = array<i32>} : memref<768xf32, #tpu.memory_space<vmem>>, vector<16xf32>,
      %get3A_712 = arith.constant 720 : index
      %get3A_713 = tpu.vector_load %arg11[%get3A_712] {strides = array<i32>} : memref<768xf32, #tpu.memory_space<vmem>>, vector<16xf32>,
      %get3A_714 = arith.constant 736 : index
      %get3A_715 = tpu.vector_load %arg11[%get3A_714] {strides = array<i32>} : memref<768xf32, #tpu.memory_space<vmem>>, vector<16xf32>,
      %get3A_716 = arith.constant 752 : index
      %get3A_717 = tpu.vector_load %arg11[%get3A_716] {strides = array<i32>} : memref<768xf32, #tpu.memory_space<vmem>>, vector<16xf32>,
      %scan3A_718 = arith.constant 0 : i32
      %scan3A_719 = arith.constant 0 : i32
      %scan3A_720 = arith.constant 32 : i32
      %scan3A_721 = arith.addi %scan3A_719, %scan3A_720 : i32
      %scan3A_722 = arith.constant 1 : i32
      %scan3A_723:16 = scf.for %scan3A_1497 = %scan3A_719 to %scan3A_721 step %scan3A_722 iter_args(%scan3A_1498 = %get3A_687, %scan3A_1499 = %get3A_689, %scan3A_1500 = %get3A_691, %scan3A_1501 = %get3A_693, %scan3A_1502 = %get3A_695, %scan3A_1503 = %get3A_697, %scan3A_1504 = %get3A_699, %scan3A_1505 = %get3A_701, %scan3A_1506 = %get3A_703, %scan3A_1507 = %get3A_705, %scan3A_1508 = %get3A_707, %scan3A_1509 = %get3A_709, %scan3A_1510 = %get3A_711, %scan3A_1511 = %get3A_713, %scan3A_1512 = %get3A_715, %scan3A_1513 = %get3A_717) -> (vector<16xf32>, vector<16xf32>, vector<16xf32>, vector<16xf32>, vector<16xf32>, vector<16xf32>, vector<16xf32>, vector<16xf32>, vector<16xf32>, vector<16xf32>, vector<16xf32>, vector<16xf32>, vector<16xf32>, vector<16xf32>, vector<16xf32>, vector<16xf32>)  : i32 {
        %get3A_1514 = arith.index_cast %scan3A_1497 : i32 to index
        %get3A_1515 = arith.constant 0 : index
        %get3A_1516 = tpu.vector_load %arg10[%get3A_1514, %get3A_1515] {strides = array<i32>} : memref<32x16xf32, #tpu.memory_space<vmem>>, vector<16xf32>,
        %get3A_1517 = arith.constant 0 : i32
        %get3A_1518 = arith.constant 0 : i32
        %get3A_1519 = tpu.memref_slice %arg9[%scan3A_718, %get3A_1517, %get3A_1518] : memref<2x32x768xf32, #tpu.memory_space<vmem>> -> memref<1x32x768xf32, #tpu.memory_space<vmem>>
        %get3A_1520 = tpu.memref_squeeze %get3A_1519 : memref<1x32x768xf32, #tpu.memory_space<vmem>> -> memref<32x768xf32, #tpu.memory_space<vmem>>
        %get3A_1521 = arith.index_cast %scan3A_1497 : i32 to index
        %get3A_1522 = arith.constant 512 : index
        %get3A_1523 = tpu.vector_load %get3A_1520[%get3A_1521, %get3A_1522] {strides = array<i32>} : memref<32x768xf32, #tpu.memory_space<vmem>>, vector<16xf32>,
        %mul3A_1524 = arith.mulf %get3A_1516, %get3A_1523 : vector<16xf32>
        %add3A_1525 = arith.addf %scan3A_1498, %mul3A_1524 : vector<16xf32>
        %get3A_1526 = arith.constant 0 : i32
        %get3A_1527 = arith.constant 0 : i32
        %get3A_1528 = tpu.memref_slice %arg9[%scan3A_718, %get3A_1526, %get3A_1527] : memref<2x32x768xf32, #tpu.memory_space<vmem>> -> memref<1x32x768xf32, #tpu.memory_space<vmem>>
        %get3A_1529 = tpu.memref_squeeze %get3A_1528 : memref<1x32x768xf32, #tpu.memory_space<vmem>> -> memref<32x768xf32, #tpu.memory_space<vmem>>
        %get3A_1530 = arith.index_cast %scan3A_1497 : i32 to index
        %get3A_1531 = arith.constant 528 : index
        %get3A_1532 = tpu.vector_load %get3A_1529[%get3A_1530, %get3A_1531] {strides = array<i32>} : memref<32x768xf32, #tpu.memory_space<vmem>>, vector<16xf32>,
        %mul3A_1533 = arith.mulf %get3A_1516, %get3A_1532 : vector<16xf32>
        %add3A_1534 = arith.addf %scan3A_1499, %mul3A_1533 : vector<16xf32>
        %get3A_1535 = arith.constant 0 : i32
        %get3A_1536 = arith.constant 0 : i32
        %get3A_1537 = tpu.memref_slice %arg9[%scan3A_718, %get3A_1535, %get3A_1536] : memref<2x32x768xf32, #tpu.memory_space<vmem>> -> memref<1x32x768xf32, #tpu.memory_space<vmem>>
        %get3A_1538 = tpu.memref_squeeze %get3A_1537 : memref<1x32x768xf32, #tpu.memory_space<vmem>> -> memref<32x768xf32, #tpu.memory_space<vmem>>
        %get3A_1539 = arith.index_cast %scan3A_1497 : i32 to index
        %get3A_1540 = arith.constant 544 : index
        %get3A_1541 = tpu.vector_load %get3A_1538[%get3A_1539, %get3A_1540] {strides = array<i32>} : memref<32x768xf32, #tpu.memory_space<vmem>>, vector<16xf32>,
        %mul3A_1542 = arith.mulf %get3A_1516, %get3A_1541 : vector<16xf32>
        %add3A_1543 = arith.addf %scan3A_1500, %mul3A_1542 : vector<16xf32>
        %get3A_1544 = arith.constant 0 : i32
        %get3A_1545 = arith.constant 0 : i32
        %get3A_1546 = tpu.memref_slice %arg9[%scan3A_718, %get3A_1544, %get3A_1545] : memref<2x32x768xf32, #tpu.memory_space<vmem>> -> memref<1x32x768xf32, #tpu.memory_space<vmem>>
        %get3A_1547 = tpu.memref_squeeze %get3A_1546 : memref<1x32x768xf32, #tpu.memory_space<vmem>> -> memref<32x768xf32, #tpu.memory_space<vmem>>
        %get3A_1548 = arith.index_cast %scan3A_1497 : i32 to index
        %get3A_1549 = arith.constant 560 : index
        %get3A_1550 = tpu.vector_load %get3A_1547[%get3A_1548, %get3A_1549] {strides = array<i32>} : memref<32x768xf32, #tpu.memory_space<vmem>>, vector<16xf32>,
        %mul3A_1551 = arith.mulf %get3A_1516, %get3A_1550 : vector<16xf32>
        %add3A_1552 = arith.addf %scan3A_1501, %mul3A_1551 : vector<16xf32>
        %get3A_1553 = arith.constant 0 : i32
        %get3A_1554 = arith.constant 0 : i32
        %get3A_1555 = tpu.memref_slice %arg9[%scan3A_718, %get3A_1553, %get3A_1554] : memref<2x32x768xf32, #tpu.memory_space<vmem>> -> memref<1x32x768xf32, #tpu.memory_space<vmem>>
        %get3A_1556 = tpu.memref_squeeze %get3A_1555 : memref<1x32x768xf32, #tpu.memory_space<vmem>> -> memref<32x768xf32, #tpu.memory_space<vmem>>
        %get3A_1557 = arith.index_cast %scan3A_1497 : i32 to index
        %get3A_1558 = arith.constant 576 : index
        %get3A_1559 = tpu.vector_load %get3A_1556[%get3A_1557, %get3A_1558] {strides = array<i32>} : memref<32x768xf32, #tpu.memory_space<vmem>>, vector<16xf32>,
        %mul3A_1560 = arith.mulf %get3A_1516, %get3A_1559 : vector<16xf32>
        %add3A_1561 = arith.addf %scan3A_1502, %mul3A_1560 : vector<16xf32>
        %get3A_1562 = arith.constant 0 : i32
        %get3A_1563 = arith.constant 0 : i32
        %get3A_1564 = tpu.memref_slice %arg9[%scan3A_718, %get3A_1562, %get3A_1563] : memref<2x32x768xf32, #tpu.memory_space<vmem>> -> memref<1x32x768xf32, #tpu.memory_space<vmem>>
        %get3A_1565 = tpu.memref_squeeze %get3A_1564 : memref<1x32x768xf32, #tpu.memory_space<vmem>> -> memref<32x768xf32, #tpu.memory_space<vmem>>
        %get3A_1566 = arith.index_cast %scan3A_1497 : i32 to index
        %get3A_1567 = arith.constant 592 : index
        %get3A_1568 = tpu.vector_load %get3A_1565[%get3A_1566, %get3A_1567] {strides = array<i32>} : memref<32x768xf32, #tpu.memory_space<vmem>>, vector<16xf32>,
        %mul3A_1569 = arith.mulf %get3A_1516, %get3A_1568 : vector<16xf32>
        %add3A_1570 = arith.addf %scan3A_1503, %mul3A_1569 : vector<16xf32>
        %get3A_1571 = arith.constant 0 : i32
        %get3A_1572 = arith.constant 0 : i32
        %get3A_1573 = tpu.memref_slice %arg9[%scan3A_718, %get3A_1571, %get3A_1572] : memref<2x32x768xf32, #tpu.memory_space<vmem>> -> memref<1x32x768xf32, #tpu.memory_space<vmem>>
        %get3A_1574 = tpu.memref_squeeze %get3A_1573 : memref<1x32x768xf32, #tpu.memory_space<vmem>> -> memref<32x768xf32, #tpu.memory_space<vmem>>
        %get3A_1575 = arith.index_cast %scan3A_1497 : i32 to index
        %get3A_1576 = arith.constant 608 : index
        %get3A_1577 = tpu.vector_load %get3A_1574[%get3A_1575, %get3A_1576] {strides = array<i32>} : memref<32x768xf32, #tpu.memory_space<vmem>>, vector<16xf32>,
        %mul3A_1578 = arith.mulf %get3A_1516, %get3A_1577 : vector<16xf32>
        %add3A_1579 = arith.addf %scan3A_1504, %mul3A_1578 : vector<16xf32>
        %get3A_1580 = arith.constant 0 : i32
        %get3A_1581 = arith.constant 0 : i32
        %get3A_1582 = tpu.memref_slice %arg9[%scan3A_718, %get3A_1580, %get3A_1581] : memref<2x32x768xf32, #tpu.memory_space<vmem>> -> memref<1x32x768xf32, #tpu.memory_space<vmem>>
        %get3A_1583 = tpu.memref_squeeze %get3A_1582 : memref<1x32x768xf32, #tpu.memory_space<vmem>> -> memref<32x768xf32, #tpu.memory_space<vmem>>
        %get3A_1584 = arith.index_cast %scan3A_1497 : i32 to index
        %get3A_1585 = arith.constant 624 : index
        %get3A_1586 = tpu.vector_load %get3A_1583[%get3A_1584, %get3A_1585] {strides = array<i32>} : memref<32x768xf32, #tpu.memory_space<vmem>>, vector<16xf32>,
        %mul3A_1587 = arith.mulf %get3A_1516, %get3A_1586 : vector<16xf32>
        %add3A_1588 = arith.addf %scan3A_1505, %mul3A_1587 : vector<16xf32>
        %get3A_1589 = arith.constant 0 : i32
        %get3A_1590 = arith.constant 0 : i32
        %get3A_1591 = tpu.memref_slice %arg9[%scan3A_718, %get3A_1589, %get3A_1590] : memref<2x32x768xf32, #tpu.memory_space<vmem>> -> memref<1x32x768xf32, #tpu.memory_space<vmem>>
        %get3A_1592 = tpu.memref_squeeze %get3A_1591 : memref<1x32x768xf32, #tpu.memory_space<vmem>> -> memref<32x768xf32, #tpu.memory_space<vmem>>
        %get3A_1593 = arith.index_cast %scan3A_1497 : i32 to index
        %get3A_1594 = arith.constant 640 : index
        %get3A_1595 = tpu.vector_load %get3A_1592[%get3A_1593, %get3A_1594] {strides = array<i32>} : memref<32x768xf32, #tpu.memory_space<vmem>>, vector<16xf32>,
        %mul3A_1596 = arith.mulf %get3A_1516, %get3A_1595 : vector<16xf32>
        %add3A_1597 = arith.addf %scan3A_1506, %mul3A_1596 : vector<16xf32>
        %get3A_1598 = arith.constant 0 : i32
        %get3A_1599 = arith.constant 0 : i32
        %get3A_1600 = tpu.memref_slice %arg9[%scan3A_718, %get3A_1598, %get3A_1599] : memref<2x32x768xf32, #tpu.memory_space<vmem>> -> memref<1x32x768xf32, #tpu.memory_space<vmem>>
        %get3A_1601 = tpu.memref_squeeze %get3A_1600 : memref<1x32x768xf32, #tpu.memory_space<vmem>> -> memref<32x768xf32, #tpu.memory_space<vmem>>
        %get3A_1602 = arith.index_cast %scan3A_1497 : i32 to index
        %get3A_1603 = arith.constant 656 : index
        %get3A_1604 = tpu.vector_load %get3A_1601[%get3A_1602, %get3A_1603] {strides = array<i32>} : memref<32x768xf32, #tpu.memory_space<vmem>>, vector<16xf32>,
        %mul3A_1605 = arith.mulf %get3A_1516, %get3A_1604 : vector<16xf32>
        %add3A_1606 = arith.addf %scan3A_1507, %mul3A_1605 : vector<16xf32>
        %get3A_1607 = arith.constant 0 : i32
        %get3A_1608 = arith.constant 0 : i32
        %get3A_1609 = tpu.memref_slice %arg9[%scan3A_718, %get3A_1607, %get3A_1608] : memref<2x32x768xf32, #tpu.memory_space<vmem>> -> memref<1x32x768xf32, #tpu.memory_space<vmem>>
        %get3A_1610 = tpu.memref_squeeze %get3A_1609 : memref<1x32x768xf32, #tpu.memory_space<vmem>> -> memref<32x768xf32, #tpu.memory_space<vmem>>
        %get3A_1611 = arith.index_cast %scan3A_1497 : i32 to index
        %get3A_1612 = arith.constant 672 : index
        %get3A_1613 = tpu.vector_load %get3A_1610[%get3A_1611, %get3A_1612] {strides = array<i32>} : memref<32x768xf32, #tpu.memory_space<vmem>>, vector<16xf32>,
        %mul3A_1614 = arith.mulf %get3A_1516, %get3A_1613 : vector<16xf32>
        %add3A_1615 = arith.addf %scan3A_1508, %mul3A_1614 : vector<16xf32>
        %get3A_1616 = arith.constant 0 : i32
        %get3A_1617 = arith.constant 0 : i32
        %get3A_1618 = tpu.memref_slice %arg9[%scan3A_718, %get3A_1616, %get3A_1617] : memref<2x32x768xf32, #tpu.memory_space<vmem>> -> memref<1x32x768xf32, #tpu.memory_space<vmem>>
        %get3A_1619 = tpu.memref_squeeze %get3A_1618 : memref<1x32x768xf32, #tpu.memory_space<vmem>> -> memref<32x768xf32, #tpu.memory_space<vmem>>
        %get3A_1620 = arith.index_cast %scan3A_1497 : i32 to index
        %get3A_1621 = arith.constant 688 : index
        %get3A_1622 = tpu.vector_load %get3A_1619[%get3A_1620, %get3A_1621] {strides = array<i32>} : memref<32x768xf32, #tpu.memory_space<vmem>>, vector<16xf32>,
        %mul3A_1623 = arith.mulf %get3A_1516, %get3A_1622 : vector<16xf32>
        %add3A_1624 = arith.addf %scan3A_1509, %mul3A_1623 : vector<16xf32>
        %get3A_1625 = arith.constant 0 : i32
        %get3A_1626 = arith.constant 0 : i32
        %get3A_1627 = tpu.memref_slice %arg9[%scan3A_718, %get3A_1625, %get3A_1626] : memref<2x32x768xf32, #tpu.memory_space<vmem>> -> memref<1x32x768xf32, #tpu.memory_space<vmem>>
        %get3A_1628 = tpu.memref_squeeze %get3A_1627 : memref<1x32x768xf32, #tpu.memory_space<vmem>> -> memref<32x768xf32, #tpu.memory_space<vmem>>
        %get3A_1629 = arith.index_cast %scan3A_1497 : i32 to index
        %get3A_1630 = arith.constant 704 : index
        %get3A_1631 = tpu.vector_load %get3A_1628[%get3A_1629, %get3A_1630] {strides = array<i32>} : memref<32x768xf32, #tpu.memory_space<vmem>>, vector<16xf32>,
        %mul3A_1632 = arith.mulf %get3A_1516, %get3A_1631 : vector<16xf32>
        %add3A_1633 = arith.addf %scan3A_1510, %mul3A_1632 : vector<16xf32>
        %get3A_1634 = arith.constant 0 : i32
        %get3A_1635 = arith.constant 0 : i32
        %get3A_1636 = tpu.memref_slice %arg9[%scan3A_718, %get3A_1634, %get3A_1635] : memref<2x32x768xf32, #tpu.memory_space<vmem>> -> memref<1x32x768xf32, #tpu.memory_space<vmem>>
        %get3A_1637 = tpu.memref_squeeze %get3A_1636 : memref<1x32x768xf32, #tpu.memory_space<vmem>> -> memref<32x768xf32, #tpu.memory_space<vmem>>
        %get3A_1638 = arith.index_cast %scan3A_1497 : i32 to index
        %get3A_1639 = arith.constant 720 : index
        %get3A_1640 = tpu.vector_load %get3A_1637[%get3A_1638, %get3A_1639] {strides = array<i32>} : memref<32x768xf32, #tpu.memory_space<vmem>>, vector<16xf32>,
        %mul3A_1641 = arith.mulf %get3A_1516, %get3A_1640 : vector<16xf32>
        %add3A_1642 = arith.addf %scan3A_1511, %mul3A_1641 : vector<16xf32>
        %get3A_1643 = arith.constant 0 : i32
        %get3A_1644 = arith.constant 0 : i32
        %get3A_1645 = tpu.memref_slice %arg9[%scan3A_718, %get3A_1643, %get3A_1644] : memref<2x32x768xf32, #tpu.memory_space<vmem>> -> memref<1x32x768xf32, #tpu.memory_space<vmem>>
        %get3A_1646 = tpu.memref_squeeze %get3A_1645 : memref<1x32x768xf32, #tpu.memory_space<vmem>> -> memref<32x768xf32, #tpu.memory_space<vmem>>
        %get3A_1647 = arith.index_cast %scan3A_1497 : i32 to index
        %get3A_1648 = arith.constant 736 : index
        %get3A_1649 = tpu.vector_load %get3A_1646[%get3A_1647, %get3A_1648] {strides = array<i32>} : memref<32x768xf32, #tpu.memory_space<vmem>>, vector<16xf32>,
        %mul3A_1650 = arith.mulf %get3A_1516, %get3A_1649 : vector<16xf32>
        %add3A_1651 = arith.addf %scan3A_1512, %mul3A_1650 : vector<16xf32>
        %get3A_1652 = arith.constant 0 : i32
        %get3A_1653 = arith.constant 0 : i32
        %get3A_1654 = tpu.memref_slice %arg9[%scan3A_718, %get3A_1652, %get3A_1653] : memref<2x32x768xf32, #tpu.memory_space<vmem>> -> memref<1x32x768xf32, #tpu.memory_space<vmem>>
        %get3A_1655 = tpu.memref_squeeze %get3A_1654 : memref<1x32x768xf32, #tpu.memory_space<vmem>> -> memref<32x768xf32, #tpu.memory_space<vmem>>
        %get3A_1656 = arith.index_cast %scan3A_1497 : i32 to index
        %get3A_1657 = arith.constant 752 : index
        %get3A_1658 = tpu.vector_load %get3A_1655[%get3A_1656, %get3A_1657] {strides = array<i32>} : memref<32x768xf32, #tpu.memory_space<vmem>>, vector<16xf32>,
        %mul3A_1659 = arith.mulf %get3A_1516, %get3A_1658 : vector<16xf32>
        %add3A_1660 = arith.addf %scan3A_1513, %mul3A_1659 : vector<16xf32>
        scf.yield %add3A_1525, %add3A_1534, %add3A_1543, %add3A_1552, %add3A_1561, %add3A_1570, %add3A_1579, %add3A_1588, %add3A_1597, %add3A_1606, %add3A_1615, %add3A_1624, %add3A_1633, %add3A_1642, %add3A_1651, %add3A_1660 : vector<16xf32>, vector<16xf32>, vector<16xf32>, vector<16xf32>, vector<16xf32>, vector<16xf32>, vector<16xf32>, vector<16xf32>, vector<16xf32>, vector<16xf32>, vector<16xf32>, vector<16xf32>, vector<16xf32>, vector<16xf32>, vector<16xf32>, vector<16xf32>
      }
      %scan3A_724 = arith.constant 32 : i32
      %swap3A_725 = arith.constant 512 : index
      %swap3A_726 = tpu.vector_load %arg12[%swap3A_725] {strides = array<i32>} : memref<768xf32, #tpu.memory_space<vmem>>, vector<16xf32>,
      tpu.vector_store %arg12[%swap3A_725], %scan3A_723#0 {strides = array<i32>} : memref<768xf32, #tpu.memory_space<vmem>>, vector<16xf32>,
      %swap3A_727 = arith.constant 528 : index
      %swap3A_728 = tpu.vector_load %arg12[%swap3A_727] {strides = array<i32>} : memref<768xf32, #tpu.memory_space<vmem>>, vector<16xf32>,
      tpu.vector_store %arg12[%swap3A_727], %scan3A_723#1 {strides = array<i32>} : memref<768xf32, #tpu.memory_space<vmem>>, vector<16xf32>,
      %swap3A_729 = arith.constant 544 : index
      %swap3A_730 = tpu.vector_load %arg12[%swap3A_729] {strides = array<i32>} : memref<768xf32, #tpu.memory_space<vmem>>, vector<16xf32>,
      tpu.vector_store %arg12[%swap3A_729], %scan3A_723#2 {strides = array<i32>} : memref<768xf32, #tpu.memory_space<vmem>>, vector<16xf32>,
      %swap3A_731 = arith.constant 560 : index
      %swap3A_732 = tpu.vector_load %arg12[%swap3A_731] {strides = array<i32>} : memref<768xf32, #tpu.memory_space<vmem>>, vector<16xf32>,
      tpu.vector_store %arg12[%swap3A_731], %scan3A_723#3 {strides = array<i32>} : memref<768xf32, #tpu.memory_space<vmem>>, vector<16xf32>,
      %swap3A_733 = arith.constant 576 : index
      %swap3A_734 = tpu.vector_load %arg12[%swap3A_733] {strides = array<i32>} : memref<768xf32, #tpu.memory_space<vmem>>, vector<16xf32>,
      tpu.vector_store %arg12[%swap3A_733], %scan3A_723#4 {strides = array<i32>} : memref<768xf32, #tpu.memory_space<vmem>>, vector<16xf32>,
      %swap3A_735 = arith.constant 592 : index
      %swap3A_736 = tpu.vector_load %arg12[%swap3A_735] {strides = array<i32>} : memref<768xf32, #tpu.memory_space<vmem>>, vector<16xf32>,
      tpu.vector_store %arg12[%swap3A_735], %scan3A_723#5 {strides = array<i32>} : memref<768xf32, #tpu.memory_space<vmem>>, vector<16xf32>,
      %swap3A_737 = arith.constant 608 : index
      %swap3A_738 = tpu.vector_load %arg12[%swap3A_737] {strides = array<i32>} : memref<768xf32, #tpu.memory_space<vmem>>, vector<16xf32>,
      tpu.vector_store %arg12[%swap3A_737], %scan3A_723#6 {strides = array<i32>} : memref<768xf32, #tpu.memory_space<vmem>>, vector<16xf32>,
      %swap3A_739 = arith.constant 624 : index
      %swap3A_740 = tpu.vector_load %arg12[%swap3A_739] {strides = array<i32>} : memref<768xf32, #tpu.memory_space<vmem>>, vector<16xf32>,
      tpu.vector_store %arg12[%swap3A_739], %scan3A_723#7 {strides = array<i32>} : memref<768xf32, #tpu.memory_space<vmem>>, vector<16xf32>,
      %swap3A_741 = arith.constant 640 : index
      %swap3A_742 = tpu.vector_load %arg12[%swap3A_741] {strides = array<i32>} : memref<768xf32, #tpu.memory_space<vmem>>, vector<16xf32>,
      tpu.vector_store %arg12[%swap3A_741], %scan3A_723#8 {strides = array<i32>} : memref<768xf32, #tpu.memory_space<vmem>>, vector<16xf32>,
      %swap3A_743 = arith.constant 656 : index
      %swap3A_744 = tpu.vector_load %arg12[%swap3A_743] {strides = array<i32>} : memref<768xf32, #tpu.memory_space<vmem>>, vector<16xf32>,
      tpu.vector_store %arg12[%swap3A_743], %scan3A_723#9 {strides = array<i32>} : memref<768xf32, #tpu.memory_space<vmem>>, vector<16xf32>,
      %swap3A_745 = arith.constant 672 : index
      %swap3A_746 = tpu.vector_load %arg12[%swap3A_745] {strides = array<i32>} : memref<768xf32, #tpu.memory_space<vmem>>, vector<16xf32>,
      tpu.vector_store %arg12[%swap3A_745], %scan3A_723#10 {strides = array<i32>} : memref<768xf32, #tpu.memory_space<vmem>>, vector<16xf32>,
      %swap3A_747 = arith.constant 688 : index
      %swap3A_748 = tpu.vector_load %arg12[%swap3A_747] {strides = array<i32>} : memref<768xf32, #tpu.memory_space<vmem>>, vector<16xf32>,
      tpu.vector_store %arg12[%swap3A_747], %scan3A_723#11 {strides = array<i32>} : memref<768xf32, #tpu.memory_space<vmem>>, vector<16xf32>,
      %swap3A_749 = arith.constant 704 : index
      %swap3A_750 = tpu.vector_load %arg12[%swap3A_749] {strides = array<i32>} : memref<768xf32, #tpu.memory_space<vmem>>, vector<16xf32>,
      tpu.vector_store %arg12[%swap3A_749], %scan3A_723#12 {strides = array<i32>} : memref<768xf32, #tpu.memory_space<vmem>>, vector<16xf32>,
      %swap3A_751 = arith.constant 720 : index
      %swap3A_752 = tpu.vector_load %arg12[%swap3A_751] {strides = array<i32>} : memref<768xf32, #tpu.memory_space<vmem>>, vector<16xf32>,
      tpu.vector_store %arg12[%swap3A_751], %scan3A_723#13 {strides = array<i32>} : memref<768xf32, #tpu.memory_space<vmem>>, vector<16xf32>,
      %swap3A_753 = arith.constant 736 : index
      %swap3A_754 = tpu.vector_load %arg12[%swap3A_753] {strides = array<i32>} : memref<768xf32, #tpu.memory_space<vmem>>, vector<16xf32>,
      tpu.vector_store %arg12[%swap3A_753], %scan3A_723#14 {strides = array<i32>} : memref<768xf32, #tpu.memory_space<vmem>>, vector<16xf32>,
      %swap3A_755 = arith.constant 752 : index
      %swap3A_756 = tpu.vector_load %arg12[%swap3A_755] {strides = array<i32>} : memref<768xf32, #tpu.memory_space<vmem>>, vector<16xf32>,
      tpu.vector_store %arg12[%swap3A_755], %scan3A_723#15 {strides = array<i32>} : memref<768xf32, #tpu.memory_space<vmem>>, vector<16xf32>,
      %add3A_757 = arith.addi %mul3A_2, %add3A_45 : i32
      %dma_start3A_758 = arith.constant 0 : i32
      %dma_start3A_759 = tpu.memref_slice %arg6[%add3A_757, %dma_start3A_758] : memref<4096x768xf32, #tpu.memory_space<hbm>> -> memref<1x768xf32, #tpu.memory_space<hbm>>
      %dma_start3A_760 = tpu.memref_squeeze %dma_start3A_759 : memref<1x768xf32, #tpu.memory_space<hbm>> -> memref<768xf32, #tpu.memory_space<hbm>>
      %dma_start3A_761 = arith.constant 0 : i32
      %dma_start3A_762 = tpu.memref_slice %arg6[%add3A_757, %dma_start3A_761] : memref<4096x768xf32, #tpu.memory_space<hbm>> -> memref<1x768xf32, #tpu.memory_space<hbm>>
      %dma_start3A_763 = tpu.memref_squeeze %dma_start3A_762 : memref<1x768xf32, #tpu.memory_space<hbm>> -> memref<768xf32, #tpu.memory_space<hbm>>
      tpu.enqueue_dma source(%arg12 : memref<768xf32, #tpu.memory_space<vmem>>) target(%dma_start3A_763 : memref<768xf32, #tpu.memory_space<hbm>>) target_semaphore(%arg16 : memref<!tpu.dma_semaphore, #tpu.memory_space<semaphore_mem>>)
      %mul3A_764 = arith.constant 2 : i32
      %mul3A_765 = arith.muli %mul3A_764, %scan3A_41 : i32
      %add3A_766 = arith.constant 1 : i32
      %add3A_767 = arith.addi %mul3A_765, %add3A_766 : i32
      %add3A_768 = arith.constant 1 : i32
      %add3A_769 = arith.addi %add3A_767, %add3A_768 : i32
      %lt3A_770 = arith.constant 128 : i32
      %lt3A_771 = arith.cmpi slt, %add3A_769, %lt3A_770 : i32
      %convert_element_type3A_772 = arith.extui %lt3A_771 : i1 to i32
      %cond3A_773 = arith.constant 0 : i32
      %cond3A_774 = arith.cmpi ne, %convert_element_type3A_772, %cond3A_773 : i32
      scf.if %cond3A_774 {
        %add3A_1497 = arith.constant 1 : i32
        %add3A_1498 = arith.addi %add3A_767, %add3A_1497 : i32
        %dma_start3A_1499 = arith.constant 0 : i32
        %dma_start3A_1500 = arith.constant 0 : i32
        %dma_start3A_1501 = arith.constant 0 : i32
        %dma_start3A_1502 = tpu.memref_slice %arg9[%dma_start3A_1499, %dma_start3A_1500, %dma_start3A_1501] : memref<2x32x768xf32, #tpu.memory_space<vmem>> -> memref<1x32x768xf32, #tpu.memory_space<vmem>>
        %dma_start3A_1503 = tpu.memref_squeeze %dma_start3A_1502 : memref<1x32x768xf32, #tpu.memory_space<vmem>> -> memref<32x768xf32, #tpu.memory_space<vmem>>
        %dma_start3A_1504 = arith.constant 0 : i32
        %dma_start3A_1505 = tpu.memref_slice %arg7[%add3A_1498, %dma_start3A_1504] : memref<128x32xi32, #tpu.memory_space<vmem>> -> memref<1x32xi32, #tpu.memory_space<vmem>>
        %dma_start3A_1506 = tpu.memref_squeeze %dma_start3A_1505 : memref<1x32xi32, #tpu.memory_space<vmem>> -> memref<32xi32, #tpu.memory_space<vmem>>
        %dma_start3A_1507 = arith.constant 0 : i32
        %dma_start3A_1508 = arith.constant 0 : i32
        %dma_start3A_1509 = tpu.memref_slice %arg2[%dma_start3A_1507, %dma_start3A_1508] : memref<12288x768xf32, #tpu.memory_space<hbm>> -> memref<12288x768xf32, #tpu.memory_space<hbm>>
        tpu.enqueue_indirect_dma source(%dma_start3A_1509 : memref<12288x768xf32, #tpu.memory_space<hbm>>) target(%dma_start3A_1503 : memref<32x768xf32, #tpu.memory_space<vmem>>) offsets(%dma_start3A_1506 : memref<32xi32, #tpu.memory_space<vmem>>) semaphore(%arg14 : memref<!tpu.dma_semaphore, #tpu.memory_space<semaphore_mem>>)
      } else {
      }
      %get3A_775 = arith.index_cast %add3A_767 : i32 to index
      %get3A_776 = arith.constant 0 : index
      %get3A_777 = tpu.vector_load %arg8[%get3A_775, %get3A_776] {strides = array<i32>} : memref<128x32xf32, #tpu.memory_space<vmem>>, vector<16xf32>,
      %get3A_778 = arith.index_cast %add3A_767 : i32 to index
      %get3A_779 = arith.constant 16 : index
      %get3A_780 = tpu.vector_load %arg8[%get3A_778, %get3A_779] {strides = array<i32>} : memref<128x32xf32, #tpu.memory_space<vmem>>, vector<16xf32>,
      %eq3A_781 = arith.constant 0 : i32
      %eq3A_782 = vector.broadcast %eq3A_781 : i32 to vector<16xi32>
      %eq3A_783 = arith.cmpi eq, %iota3A, %eq3A_782 : vector<16xi32>
      %jit3A_784 = arith.constant 0.000000e+00 : f32
      %broadcast_in_dim3A_785 = vector.broadcast %jit3A_784 : f32 to vector<16xf32>
      %select_n3A_786 = arith.select %eq3A_783, %get3A_777, %broadcast_in_dim3A_785 : vector<16xi1>, vector<16xf32>
      %reduce_sum3A_787 = arith.constant true
      %reduce_sum3A_788 = vector.broadcast %reduce_sum3A_787 : i1 to vector<16xi1>
      %reduce_sum3A_789 = tpu.scan <sum>, %select_n3A_786 masked %reduce_sum3A_788 : vector<16xf32>, vector<16xi1> -> vector<16xf32>
      %reduce_sum3A_790 = vector.extract %reduce_sum3A_789[15] : f32 from vector<16xf32>
      %broadcast_in_dim3A_791 = vector.broadcast %reduce_sum3A_790 : f32 to vector<16xf32>
      %swap3A_792 = arith.constant 0 : i32
      %swap3A_793 = arith.index_cast %swap3A_792 : i32 to index
      %swap3A_794 = arith.constant 0 : index
      %swap3A_795 = tpu.vector_load %arg10[%swap3A_793, %swap3A_794] {strides = array<i32>} : memref<32x16xf32, #tpu.memory_space<vmem>>, vector<16xf32>,
      tpu.vector_store %arg10[%swap3A_793, %swap3A_794], %broadcast_in_dim3A_791 {strides = array<i32>} : memref<32x16xf32, #tpu.memory_space<vmem>>, vector<16xf32>,
      %eq3A_796 = arith.constant 1 : i32
      %eq3A_797 = vector.broadcast %eq3A_796 : i32 to vector<16xi32>
      %eq3A_798 = arith.cmpi eq, %iota3A, %eq3A_797 : vector<16xi32>
      %jit3A_799 = arith.constant 0.000000e+00 : f32
      %broadcast_in_dim3A_800 = vector.broadcast %jit3A_799 : f32 to vector<16xf32>
      %select_n3A_801 = arith.select %eq3A_798, %get3A_777, %broadcast_in_dim3A_800 : vector<16xi1>, vector<16xf32>
      %reduce_sum3A_802 = arith.constant true
      %reduce_sum3A_803 = vector.broadcast %reduce_sum3A_802 : i1 to vector<16xi1>
      %reduce_sum3A_804 = tpu.scan <sum>, %select_n3A_801 masked %reduce_sum3A_803 : vector<16xf32>, vector<16xi1> -> vector<16xf32>
      %reduce_sum3A_805 = vector.extract %reduce_sum3A_804[15] : f32 from vector<16xf32>
      %broadcast_in_dim3A_806 = vector.broadcast %reduce_sum3A_805 : f32 to vector<16xf32>
      %swap3A_807 = arith.constant 1 : i32
      %swap3A_808 = arith.index_cast %swap3A_807 : i32 to index
      %swap3A_809 = arith.constant 0 : index
      %swap3A_810 = tpu.vector_load %arg10[%swap3A_808, %swap3A_809] {strides = array<i32>} : memref<32x16xf32, #tpu.memory_space<vmem>>, vector<16xf32>,
      tpu.vector_store %arg10[%swap3A_808, %swap3A_809], %broadcast_in_dim3A_806 {strides = array<i32>} : memref<32x16xf32, #tpu.memory_space<vmem>>, vector<16xf32>,
      %eq3A_811 = arith.constant 2 : i32
      %eq3A_812 = vector.broadcast %eq3A_811 : i32 to vector<16xi32>
      %eq3A_813 = arith.cmpi eq, %iota3A, %eq3A_812 : vector<16xi32>
      %jit3A_814 = arith.constant 0.000000e+00 : f32
      %broadcast_in_dim3A_815 = vector.broadcast %jit3A_814 : f32 to vector<16xf32>
      %select_n3A_816 = arith.select %eq3A_813, %get3A_777, %broadcast_in_dim3A_815 : vector<16xi1>, vector<16xf32>
      %reduce_sum3A_817 = arith.constant true
      %reduce_sum3A_818 = vector.broadcast %reduce_sum3A_817 : i1 to vector<16xi1>
      %reduce_sum3A_819 = tpu.scan <sum>, %select_n3A_816 masked %reduce_sum3A_818 : vector<16xf32>, vector<16xi1> -> vector<16xf32>
      %reduce_sum3A_820 = vector.extract %reduce_sum3A_819[15] : f32 from vector<16xf32>
      %broadcast_in_dim3A_821 = vector.broadcast %reduce_sum3A_820 : f32 to vector<16xf32>
      %swap3A_822 = arith.constant 2 : i32
      %swap3A_823 = arith.index_cast %swap3A_822 : i32 to index
      %swap3A_824 = arith.constant 0 : index
      %swap3A_825 = tpu.vector_load %arg10[%swap3A_823, %swap3A_824] {strides = array<i32>} : memref<32x16xf32, #tpu.memory_space<vmem>>, vector<16xf32>,
      tpu.vector_store %arg10[%swap3A_823, %swap3A_824], %broadcast_in_dim3A_821 {strides = array<i32>} : memref<32x16xf32, #tpu.memory_space<vmem>>, vector<16xf32>,
      %eq3A_826 = arith.constant 3 : i32
      %eq3A_827 = vector.broadcast %eq3A_826 : i32 to vector<16xi32>
      %eq3A_828 = arith.cmpi eq, %iota3A, %eq3A_827 : vector<16xi32>
      %jit3A_829 = arith.constant 0.000000e+00 : f32
      %broadcast_in_dim3A_830 = vector.broadcast %jit3A_829 : f32 to vector<16xf32>
      %select_n3A_831 = arith.select %eq3A_828, %get3A_777, %broadcast_in_dim3A_830 : vector<16xi1>, vector<16xf32>
      %reduce_sum3A_832 = arith.constant true
      %reduce_sum3A_833 = vector.broadcast %reduce_sum3A_832 : i1 to vector<16xi1>
      %reduce_sum3A_834 = tpu.scan <sum>, %select_n3A_831 masked %reduce_sum3A_833 : vector<16xf32>, vector<16xi1> -> vector<16xf32>
      %reduce_sum3A_835 = vector.extract %reduce_sum3A_834[15] : f32 from vector<16xf32>
      %broadcast_in_dim3A_836 = vector.broadcast %reduce_sum3A_835 : f32 to vector<16xf32>
      %swap3A_837 = arith.constant 3 : i32
      %swap3A_838 = arith.index_cast %swap3A_837 : i32 to index
      %swap3A_839 = arith.constant 0 : index
      %swap3A_840 = tpu.vector_load %arg10[%swap3A_838, %swap3A_839] {strides = array<i32>} : memref<32x16xf32, #tpu.memory_space<vmem>>, vector<16xf32>,
      tpu.vector_store %arg10[%swap3A_838, %swap3A_839], %broadcast_in_dim3A_836 {strides = array<i32>} : memref<32x16xf32, #tpu.memory_space<vmem>>, vector<16xf32>,
      %eq3A_841 = arith.constant 4 : i32
      %eq3A_842 = vector.broadcast %eq3A_841 : i32 to vector<16xi32>
      %eq3A_843 = arith.cmpi eq, %iota3A, %eq3A_842 : vector<16xi32>
      %jit3A_844 = arith.constant 0.000000e+00 : f32
      %broadcast_in_dim3A_845 = vector.broadcast %jit3A_844 : f32 to vector<16xf32>
      %select_n3A_846 = arith.select %eq3A_843, %get3A_777, %broadcast_in_dim3A_845 : vector<16xi1>, vector<16xf32>
      %reduce_sum3A_847 = arith.constant true
      %reduce_sum3A_848 = vector.broadcast %reduce_sum3A_847 : i1 to vector<16xi1>
      %reduce_sum3A_849 = tpu.scan <sum>, %select_n3A_846 masked %reduce_sum3A_848 : vector<16xf32>, vector<16xi1> -> vector<16xf32>
      %reduce_sum3A_850 = vector.extract %reduce_sum3A_849[15] : f32 from vector<16xf32>
      %broadcast_in_dim3A_851 = vector.broadcast %reduce_sum3A_850 : f32 to vector<16xf32>
      %swap3A_852 = arith.constant 4 : i32
      %swap3A_853 = arith.index_cast %swap3A_852 : i32 to index
      %swap3A_854 = arith.constant 0 : index
      %swap3A_855 = tpu.vector_load %arg10[%swap3A_853, %swap3A_854] {strides = array<i32>} : memref<32x16xf32, #tpu.memory_space<vmem>>, vector<16xf32>,
      tpu.vector_store %arg10[%swap3A_853, %swap3A_854], %broadcast_in_dim3A_851 {strides = array<i32>} : memref<32x16xf32, #tpu.memory_space<vmem>>, vector<16xf32>,
      %eq3A_856 = arith.constant 5 : i32
      %eq3A_857 = vector.broadcast %eq3A_856 : i32 to vector<16xi32>
      %eq3A_858 = arith.cmpi eq, %iota3A, %eq3A_857 : vector<16xi32>
      %jit3A_859 = arith.constant 0.000000e+00 : f32
      %broadcast_in_dim3A_860 = vector.broadcast %jit3A_859 : f32 to vector<16xf32>
      %select_n3A_861 = arith.select %eq3A_858, %get3A_777, %broadcast_in_dim3A_860 : vector<16xi1>, vector<16xf32>
      %reduce_sum3A_862 = arith.constant true
      %reduce_sum3A_863 = vector.broadcast %reduce_sum3A_862 : i1 to vector<16xi1>
      %reduce_sum3A_864 = tpu.scan <sum>, %select_n3A_861 masked %reduce_sum3A_863 : vector<16xf32>, vector<16xi1> -> vector<16xf32>
      %reduce_sum3A_865 = vector.extract %reduce_sum3A_864[15] : f32 from vector<16xf32>
      %broadcast_in_dim3A_866 = vector.broadcast %reduce_sum3A_865 : f32 to vector<16xf32>
      %swap3A_867 = arith.constant 5 : i32
      %swap3A_868 = arith.index_cast %swap3A_867 : i32 to index
      %swap3A_869 = arith.constant 0 : index
      %swap3A_870 = tpu.vector_load %arg10[%swap3A_868, %swap3A_869] {strides = array<i32>} : memref<32x16xf32, #tpu.memory_space<vmem>>, vector<16xf32>,
      tpu.vector_store %arg10[%swap3A_868, %swap3A_869], %broadcast_in_dim3A_866 {strides = array<i32>} : memref<32x16xf32, #tpu.memory_space<vmem>>, vector<16xf32>,
      %eq3A_871 = arith.constant 6 : i32
      %eq3A_872 = vector.broadcast %eq3A_871 : i32 to vector<16xi32>
      %eq3A_873 = arith.cmpi eq, %iota3A, %eq3A_872 : vector<16xi32>
      %jit3A_874 = arith.constant 0.000000e+00 : f32
      %broadcast_in_dim3A_875 = vector.broadcast %jit3A_874 : f32 to vector<16xf32>
      %select_n3A_876 = arith.select %eq3A_873, %get3A_777, %broadcast_in_dim3A_875 : vector<16xi1>, vector<16xf32>
      %reduce_sum3A_877 = arith.constant true
      %reduce_sum3A_878 = vector.broadcast %reduce_sum3A_877 : i1 to vector<16xi1>
      %reduce_sum3A_879 = tpu.scan <sum>, %select_n3A_876 masked %reduce_sum3A_878 : vector<16xf32>, vector<16xi1> -> vector<16xf32>
      %reduce_sum3A_880 = vector.extract %reduce_sum3A_879[15] : f32 from vector<16xf32>
      %broadcast_in_dim3A_881 = vector.broadcast %reduce_sum3A_880 : f32 to vector<16xf32>
      %swap3A_882 = arith.constant 6 : i32
      %swap3A_883 = arith.index_cast %swap3A_882 : i32 to index
      %swap3A_884 = arith.constant 0 : index
      %swap3A_885 = tpu.vector_load %arg10[%swap3A_883, %swap3A_884] {strides = array<i32>} : memref<32x16xf32, #tpu.memory_space<vmem>>, vector<16xf32>,
      tpu.vector_store %arg10[%swap3A_883, %swap3A_884], %broadcast_in_dim3A_881 {strides = array<i32>} : memref<32x16xf32, #tpu.memory_space<vmem>>, vector<16xf32>,
      %eq3A_886 = arith.constant 7 : i32
      %eq3A_887 = vector.broadcast %eq3A_886 : i32 to vector<16xi32>
      %eq3A_888 = arith.cmpi eq, %iota3A, %eq3A_887 : vector<16xi32>
      %jit3A_889 = arith.constant 0.000000e+00 : f32
      %broadcast_in_dim3A_890 = vector.broadcast %jit3A_889 : f32 to vector<16xf32>
      %select_n3A_891 = arith.select %eq3A_888, %get3A_777, %broadcast_in_dim3A_890 : vector<16xi1>, vector<16xf32>
      %reduce_sum3A_892 = arith.constant true
      %reduce_sum3A_893 = vector.broadcast %reduce_sum3A_892 : i1 to vector<16xi1>
      %reduce_sum3A_894 = tpu.scan <sum>, %select_n3A_891 masked %reduce_sum3A_893 : vector<16xf32>, vector<16xi1> -> vector<16xf32>
      %reduce_sum3A_895 = vector.extract %reduce_sum3A_894[15] : f32 from vector<16xf32>
      %broadcast_in_dim3A_896 = vector.broadcast %reduce_sum3A_895 : f32 to vector<16xf32>
      %swap3A_897 = arith.constant 7 : i32
      %swap3A_898 = arith.index_cast %swap3A_897 : i32 to index
      %swap3A_899 = arith.constant 0 : index
      %swap3A_900 = tpu.vector_load %arg10[%swap3A_898, %swap3A_899] {strides = array<i32>} : memref<32x16xf32, #tpu.memory_space<vmem>>, vector<16xf32>,
      tpu.vector_store %arg10[%swap3A_898, %swap3A_899], %broadcast_in_dim3A_896 {strides = array<i32>} : memref<32x16xf32, #tpu.memory_space<vmem>>, vector<16xf32>,
      %eq3A_901 = arith.constant 8 : i32
      %eq3A_902 = vector.broadcast %eq3A_901 : i32 to vector<16xi32>
      %eq3A_903 = arith.cmpi eq, %iota3A, %eq3A_902 : vector<16xi32>
      %jit3A_904 = arith.constant 0.000000e+00 : f32
      %broadcast_in_dim3A_905 = vector.broadcast %jit3A_904 : f32 to vector<16xf32>
      %select_n3A_906 = arith.select %eq3A_903, %get3A_777, %broadcast_in_dim3A_905 : vector<16xi1>, vector<16xf32>
      %reduce_sum3A_907 = arith.constant true
      %reduce_sum3A_908 = vector.broadcast %reduce_sum3A_907 : i1 to vector<16xi1>
      %reduce_sum3A_909 = tpu.scan <sum>, %select_n3A_906 masked %reduce_sum3A_908 : vector<16xf32>, vector<16xi1> -> vector<16xf32>
      %reduce_sum3A_910 = vector.extract %reduce_sum3A_909[15] : f32 from vector<16xf32>
      %broadcast_in_dim3A_911 = vector.broadcast %reduce_sum3A_910 : f32 to vector<16xf32>
      %swap3A_912 = arith.constant 8 : i32
      %swap3A_913 = arith.index_cast %swap3A_912 : i32 to index
      %swap3A_914 = arith.constant 0 : index
      %swap3A_915 = tpu.vector_load %arg10[%swap3A_913, %swap3A_914] {strides = array<i32>} : memref<32x16xf32, #tpu.memory_space<vmem>>, vector<16xf32>,
      tpu.vector_store %arg10[%swap3A_913, %swap3A_914], %broadcast_in_dim3A_911 {strides = array<i32>} : memref<32x16xf32, #tpu.memory_space<vmem>>, vector<16xf32>,
      %eq3A_916 = arith.constant 9 : i32
      %eq3A_917 = vector.broadcast %eq3A_916 : i32 to vector<16xi32>
      %eq3A_918 = arith.cmpi eq, %iota3A, %eq3A_917 : vector<16xi32>
      %jit3A_919 = arith.constant 0.000000e+00 : f32
      %broadcast_in_dim3A_920 = vector.broadcast %jit3A_919 : f32 to vector<16xf32>
      %select_n3A_921 = arith.select %eq3A_918, %get3A_777, %broadcast_in_dim3A_920 : vector<16xi1>, vector<16xf32>
      %reduce_sum3A_922 = arith.constant true
      %reduce_sum3A_923 = vector.broadcast %reduce_sum3A_922 : i1 to vector<16xi1>
      %reduce_sum3A_924 = tpu.scan <sum>, %select_n3A_921 masked %reduce_sum3A_923 : vector<16xf32>, vector<16xi1> -> vector<16xf32>
      %reduce_sum3A_925 = vector.extract %reduce_sum3A_924[15] : f32 from vector<16xf32>
      %broadcast_in_dim3A_926 = vector.broadcast %reduce_sum3A_925 : f32 to vector<16xf32>
      %swap3A_927 = arith.constant 9 : i32
      %swap3A_928 = arith.index_cast %swap3A_927 : i32 to index
      %swap3A_929 = arith.constant 0 : index
      %swap3A_930 = tpu.vector_load %arg10[%swap3A_928, %swap3A_929] {strides = array<i32>} : memref<32x16xf32, #tpu.memory_space<vmem>>, vector<16xf32>,
      tpu.vector_store %arg10[%swap3A_928, %swap3A_929], %broadcast_in_dim3A_926 {strides = array<i32>} : memref<32x16xf32, #tpu.memory_space<vmem>>, vector<16xf32>,
      %eq3A_931 = arith.constant 10 : i32
      %eq3A_932 = vector.broadcast %eq3A_931 : i32 to vector<16xi32>
      %eq3A_933 = arith.cmpi eq, %iota3A, %eq3A_932 : vector<16xi32>
      %jit3A_934 = arith.constant 0.000000e+00 : f32
      %broadcast_in_dim3A_935 = vector.broadcast %jit3A_934 : f32 to vector<16xf32>
      %select_n3A_936 = arith.select %eq3A_933, %get3A_777, %broadcast_in_dim3A_935 : vector<16xi1>, vector<16xf32>
      %reduce_sum3A_937 = arith.constant true
      %reduce_sum3A_938 = vector.broadcast %reduce_sum3A_937 : i1 to vector<16xi1>
      %reduce_sum3A_939 = tpu.scan <sum>, %select_n3A_936 masked %reduce_sum3A_938 : vector<16xf32>, vector<16xi1> -> vector<16xf32>
      %reduce_sum3A_940 = vector.extract %reduce_sum3A_939[15] : f32 from vector<16xf32>
      %broadcast_in_dim3A_941 = vector.broadcast %reduce_sum3A_940 : f32 to vector<16xf32>
      %swap3A_942 = arith.constant 10 : i32
      %swap3A_943 = arith.index_cast %swap3A_942 : i32 to index
      %swap3A_944 = arith.constant 0 : index
      %swap3A_945 = tpu.vector_load %arg10[%swap3A_943, %swap3A_944] {strides = array<i32>} : memref<32x16xf32, #tpu.memory_space<vmem>>, vector<16xf32>,
      tpu.vector_store %arg10[%swap3A_943, %swap3A_944], %broadcast_in_dim3A_941 {strides = array<i32>} : memref<32x16xf32, #tpu.memory_space<vmem>>, vector<16xf32>,
      %eq3A_946 = arith.constant 11 : i32
      %eq3A_947 = vector.broadcast %eq3A_946 : i32 to vector<16xi32>
      %eq3A_948 = arith.cmpi eq, %iota3A, %eq3A_947 : vector<16xi32>
      %jit3A_949 = arith.constant 0.000000e+00 : f32
      %broadcast_in_dim3A_950 = vector.broadcast %jit3A_949 : f32 to vector<16xf32>
      %select_n3A_951 = arith.select %eq3A_948, %get3A_777, %broadcast_in_dim3A_950 : vector<16xi1>, vector<16xf32>
      %reduce_sum3A_952 = arith.constant true
      %reduce_sum3A_953 = vector.broadcast %reduce_sum3A_952 : i1 to vector<16xi1>
      %reduce_sum3A_954 = tpu.scan <sum>, %select_n3A_951 masked %reduce_sum3A_953 : vector<16xf32>, vector<16xi1> -> vector<16xf32>
      %reduce_sum3A_955 = vector.extract %reduce_sum3A_954[15] : f32 from vector<16xf32>
      %broadcast_in_dim3A_956 = vector.broadcast %reduce_sum3A_955 : f32 to vector<16xf32>
      %swap3A_957 = arith.constant 11 : i32
      %swap3A_958 = arith.index_cast %swap3A_957 : i32 to index
      %swap3A_959 = arith.constant 0 : index
      %swap3A_960 = tpu.vector_load %arg10[%swap3A_958, %swap3A_959] {strides = array<i32>} : memref<32x16xf32, #tpu.memory_space<vmem>>, vector<16xf32>,
      tpu.vector_store %arg10[%swap3A_958, %swap3A_959], %broadcast_in_dim3A_956 {strides = array<i32>} : memref<32x16xf32, #tpu.memory_space<vmem>>, vector<16xf32>,
      %eq3A_961 = arith.constant 12 : i32
      %eq3A_962 = vector.broadcast %eq3A_961 : i32 to vector<16xi32>
      %eq3A_963 = arith.cmpi eq, %iota3A, %eq3A_962 : vector<16xi32>
      %jit3A_964 = arith.constant 0.000000e+00 : f32
      %broadcast_in_dim3A_965 = vector.broadcast %jit3A_964 : f32 to vector<16xf32>
      %select_n3A_966 = arith.select %eq3A_963, %get3A_777, %broadcast_in_dim3A_965 : vector<16xi1>, vector<16xf32>
      %reduce_sum3A_967 = arith.constant true
      %reduce_sum3A_968 = vector.broadcast %reduce_sum3A_967 : i1 to vector<16xi1>
      %reduce_sum3A_969 = tpu.scan <sum>, %select_n3A_966 masked %reduce_sum3A_968 : vector<16xf32>, vector<16xi1> -> vector<16xf32>
      %reduce_sum3A_970 = vector.extract %reduce_sum3A_969[15] : f32 from vector<16xf32>
      %broadcast_in_dim3A_971 = vector.broadcast %reduce_sum3A_970 : f32 to vector<16xf32>
      %swap3A_972 = arith.constant 12 : i32
      %swap3A_973 = arith.index_cast %swap3A_972 : i32 to index
      %swap3A_974 = arith.constant 0 : index
      %swap3A_975 = tpu.vector_load %arg10[%swap3A_973, %swap3A_974] {strides = array<i32>} : memref<32x16xf32, #tpu.memory_space<vmem>>, vector<16xf32>,
      tpu.vector_store %arg10[%swap3A_973, %swap3A_974], %broadcast_in_dim3A_971 {strides = array<i32>} : memref<32x16xf32, #tpu.memory_space<vmem>>, vector<16xf32>,
      %eq3A_976 = arith.constant 13 : i32
      %eq3A_977 = vector.broadcast %eq3A_976 : i32 to vector<16xi32>
      %eq3A_978 = arith.cmpi eq, %iota3A, %eq3A_977 : vector<16xi32>
      %jit3A_979 = arith.constant 0.000000e+00 : f32
      %broadcast_in_dim3A_980 = vector.broadcast %jit3A_979 : f32 to vector<16xf32>
      %select_n3A_981 = arith.select %eq3A_978, %get3A_777, %broadcast_in_dim3A_980 : vector<16xi1>, vector<16xf32>
      %reduce_sum3A_982 = arith.constant true
      %reduce_sum3A_983 = vector.broadcast %reduce_sum3A_982 : i1 to vector<16xi1>
      %reduce_sum3A_984 = tpu.scan <sum>, %select_n3A_981 masked %reduce_sum3A_983 : vector<16xf32>, vector<16xi1> -> vector<16xf32>
      %reduce_sum3A_985 = vector.extract %reduce_sum3A_984[15] : f32 from vector<16xf32>
      %broadcast_in_dim3A_986 = vector.broadcast %reduce_sum3A_985 : f32 to vector<16xf32>
      %swap3A_987 = arith.constant 13 : i32
      %swap3A_988 = arith.index_cast %swap3A_987 : i32 to index
      %swap3A_989 = arith.constant 0 : index
      %swap3A_990 = tpu.vector_load %arg10[%swap3A_988, %swap3A_989] {strides = array<i32>} : memref<32x16xf32, #tpu.memory_space<vmem>>, vector<16xf32>,
      tpu.vector_store %arg10[%swap3A_988, %swap3A_989], %broadcast_in_dim3A_986 {strides = array<i32>} : memref<32x16xf32, #tpu.memory_space<vmem>>, vector<16xf32>,
      %eq3A_991 = arith.constant 14 : i32
      %eq3A_992 = vector.broadcast %eq3A_991 : i32 to vector<16xi32>
      %eq3A_993 = arith.cmpi eq, %iota3A, %eq3A_992 : vector<16xi32>
      %jit3A_994 = arith.constant 0.000000e+00 : f32
      %broadcast_in_dim3A_995 = vector.broadcast %jit3A_994 : f32 to vector<16xf32>
      %select_n3A_996 = arith.select %eq3A_993, %get3A_777, %broadcast_in_dim3A_995 : vector<16xi1>, vector<16xf32>
      %reduce_sum3A_997 = arith.constant true
      %reduce_sum3A_998 = vector.broadcast %reduce_sum3A_997 : i1 to vector<16xi1>
      %reduce_sum3A_999 = tpu.scan <sum>, %select_n3A_996 masked %reduce_sum3A_998 : vector<16xf32>, vector<16xi1> -> vector<16xf32>
      %reduce_sum3A_1000 = vector.extract %reduce_sum3A_999[15] : f32 from vector<16xf32>
      %broadcast_in_dim3A_1001 = vector.broadcast %reduce_sum3A_1000 : f32 to vector<16xf32>
      %swap3A_1002 = arith.constant 14 : i32
      %swap3A_1003 = arith.index_cast %swap3A_1002 : i32 to index
      %swap3A_1004 = arith.constant 0 : index
      %swap3A_1005 = tpu.vector_load %arg10[%swap3A_1003, %swap3A_1004] {strides = array<i32>} : memref<32x16xf32, #tpu.memory_space<vmem>>, vector<16xf32>,
      tpu.vector_store %arg10[%swap3A_1003, %swap3A_1004], %broadcast_in_dim3A_1001 {strides = array<i32>} : memref<32x16xf32, #tpu.memory_space<vmem>>, vector<16xf32>,
      %eq3A_1006 = arith.constant 15 : i32
      %eq3A_1007 = vector.broadcast %eq3A_1006 : i32 to vector<16xi32>
      %eq3A_1008 = arith.cmpi eq, %iota3A, %eq3A_1007 : vector<16xi32>
      %jit3A_1009 = arith.constant 0.000000e+00 : f32
      %broadcast_in_dim3A_1010 = vector.broadcast %jit3A_1009 : f32 to vector<16xf32>
      %select_n3A_1011 = arith.select %eq3A_1008, %get3A_777, %broadcast_in_dim3A_1010 : vector<16xi1>, vector<16xf32>
      %reduce_sum3A_1012 = arith.constant true
      %reduce_sum3A_1013 = vector.broadcast %reduce_sum3A_1012 : i1 to vector<16xi1>
      %reduce_sum3A_1014 = tpu.scan <sum>, %select_n3A_1011 masked %reduce_sum3A_1013 : vector<16xf32>, vector<16xi1> -> vector<16xf32>
      %reduce_sum3A_1015 = vector.extract %reduce_sum3A_1014[15] : f32 from vector<16xf32>
      %broadcast_in_dim3A_1016 = vector.broadcast %reduce_sum3A_1015 : f32 to vector<16xf32>
      %swap3A_1017 = arith.constant 15 : i32
      %swap3A_1018 = arith.index_cast %swap3A_1017 : i32 to index
      %swap3A_1019 = arith.constant 0 : index
      %swap3A_1020 = tpu.vector_load %arg10[%swap3A_1018, %swap3A_1019] {strides = array<i32>} : memref<32x16xf32, #tpu.memory_space<vmem>>, vector<16xf32>,
      tpu.vector_store %arg10[%swap3A_1018, %swap3A_1019], %broadcast_in_dim3A_1016 {strides = array<i32>} : memref<32x16xf32, #tpu.memory_space<vmem>>, vector<16xf32>,
      %eq3A_1021 = arith.constant 0 : i32
      %eq3A_1022 = vector.broadcast %eq3A_1021 : i32 to vector<16xi32>
      %eq3A_1023 = arith.cmpi eq, %iota3A, %eq3A_1022 : vector<16xi32>
      %jit3A_1024 = arith.constant 0.000000e+00 : f32
      %broadcast_in_dim3A_1025 = vector.broadcast %jit3A_1024 : f32 to vector<16xf32>
      %select_n3A_1026 = arith.select %eq3A_1023, %get3A_780, %broadcast_in_dim3A_1025 : vector<16xi1>, vector<16xf32>
      %reduce_sum3A_1027 = arith.constant true
      %reduce_sum3A_1028 = vector.broadcast %reduce_sum3A_1027 : i1 to vector<16xi1>
      %reduce_sum3A_1029 = tpu.scan <sum>, %select_n3A_1026 masked %reduce_sum3A_1028 : vector<16xf32>, vector<16xi1> -> vector<16xf32>
      %reduce_sum3A_1030 = vector.extract %reduce_sum3A_1029[15] : f32 from vector<16xf32>
      %broadcast_in_dim3A_1031 = vector.broadcast %reduce_sum3A_1030 : f32 to vector<16xf32>
      %swap3A_1032 = arith.constant 16 : i32
      %swap3A_1033 = arith.index_cast %swap3A_1032 : i32 to index
      %swap3A_1034 = arith.constant 0 : index
      %swap3A_1035 = tpu.vector_load %arg10[%swap3A_1033, %swap3A_1034] {strides = array<i32>} : memref<32x16xf32, #tpu.memory_space<vmem>>, vector<16xf32>,
      tpu.vector_store %arg10[%swap3A_1033, %swap3A_1034], %broadcast_in_dim3A_1031 {strides = array<i32>} : memref<32x16xf32, #tpu.memory_space<vmem>>, vector<16xf32>,
      %eq3A_1036 = arith.constant 1 : i32
      %eq3A_1037 = vector.broadcast %eq3A_1036 : i32 to vector<16xi32>
      %eq3A_1038 = arith.cmpi eq, %iota3A, %eq3A_1037 : vector<16xi32>
      %jit3A_1039 = arith.constant 0.000000e+00 : f32
      %broadcast_in_dim3A_1040 = vector.broadcast %jit3A_1039 : f32 to vector<16xf32>
      %select_n3A_1041 = arith.select %eq3A_1038, %get3A_780, %broadcast_in_dim3A_1040 : vector<16xi1>, vector<16xf32>
      %reduce_sum3A_1042 = arith.constant true
      %reduce_sum3A_1043 = vector.broadcast %reduce_sum3A_1042 : i1 to vector<16xi1>
      %reduce_sum3A_1044 = tpu.scan <sum>, %select_n3A_1041 masked %reduce_sum3A_1043 : vector<16xf32>, vector<16xi1> -> vector<16xf32>
      %reduce_sum3A_1045 = vector.extract %reduce_sum3A_1044[15] : f32 from vector<16xf32>
      %broadcast_in_dim3A_1046 = vector.broadcast %reduce_sum3A_1045 : f32 to vector<16xf32>
      %swap3A_1047 = arith.constant 17 : i32
      %swap3A_1048 = arith.index_cast %swap3A_1047 : i32 to index
      %swap3A_1049 = arith.constant 0 : index
      %swap3A_1050 = tpu.vector_load %arg10[%swap3A_1048, %swap3A_1049] {strides = array<i32>} : memref<32x16xf32, #tpu.memory_space<vmem>>, vector<16xf32>,
      tpu.vector_store %arg10[%swap3A_1048, %swap3A_1049], %broadcast_in_dim3A_1046 {strides = array<i32>} : memref<32x16xf32, #tpu.memory_space<vmem>>, vector<16xf32>,
      %eq3A_1051 = arith.constant 2 : i32
      %eq3A_1052 = vector.broadcast %eq3A_1051 : i32 to vector<16xi32>
      %eq3A_1053 = arith.cmpi eq, %iota3A, %eq3A_1052 : vector<16xi32>
      %jit3A_1054 = arith.constant 0.000000e+00 : f32
      %broadcast_in_dim3A_1055 = vector.broadcast %jit3A_1054 : f32 to vector<16xf32>
      %select_n3A_1056 = arith.select %eq3A_1053, %get3A_780, %broadcast_in_dim3A_1055 : vector<16xi1>, vector<16xf32>
      %reduce_sum3A_1057 = arith.constant true
      %reduce_sum3A_1058 = vector.broadcast %reduce_sum3A_1057 : i1 to vector<16xi1>
      %reduce_sum3A_1059 = tpu.scan <sum>, %select_n3A_1056 masked %reduce_sum3A_1058 : vector<16xf32>, vector<16xi1> -> vector<16xf32>
      %reduce_sum3A_1060 = vector.extract %reduce_sum3A_1059[15] : f32 from vector<16xf32>
      %broadcast_in_dim3A_1061 = vector.broadcast %reduce_sum3A_1060 : f32 to vector<16xf32>
      %swap3A_1062 = arith.constant 18 : i32
      %swap3A_1063 = arith.index_cast %swap3A_1062 : i32 to index
      %swap3A_1064 = arith.constant 0 : index
      %swap3A_1065 = tpu.vector_load %arg10[%swap3A_1063, %swap3A_1064] {strides = array<i32>} : memref<32x16xf32, #tpu.memory_space<vmem>>, vector<16xf32>,
      tpu.vector_store %arg10[%swap3A_1063, %swap3A_1064], %broadcast_in_dim3A_1061 {strides = array<i32>} : memref<32x16xf32, #tpu.memory_space<vmem>>, vector<16xf32>,
      %eq3A_1066 = arith.constant 3 : i32
      %eq3A_1067 = vector.broadcast %eq3A_1066 : i32 to vector<16xi32>
      %eq3A_1068 = arith.cmpi eq, %iota3A, %eq3A_1067 : vector<16xi32>
      %jit3A_1069 = arith.constant 0.000000e+00 : f32
      %broadcast_in_dim3A_1070 = vector.broadcast %jit3A_1069 : f32 to vector<16xf32>
      %select_n3A_1071 = arith.select %eq3A_1068, %get3A_780, %broadcast_in_dim3A_1070 : vector<16xi1>, vector<16xf32>
      %reduce_sum3A_1072 = arith.constant true
      %reduce_sum3A_1073 = vector.broadcast %reduce_sum3A_1072 : i1 to vector<16xi1>
      %reduce_sum3A_1074 = tpu.scan <sum>, %select_n3A_1071 masked %reduce_sum3A_1073 : vector<16xf32>, vector<16xi1> -> vector<16xf32>
      %reduce_sum3A_1075 = vector.extract %reduce_sum3A_1074[15] : f32 from vector<16xf32>
      %broadcast_in_dim3A_1076 = vector.broadcast %reduce_sum3A_1075 : f32 to vector<16xf32>
      %swap3A_1077 = arith.constant 19 : i32
      %swap3A_1078 = arith.index_cast %swap3A_1077 : i32 to index
      %swap3A_1079 = arith.constant 0 : index
      %swap3A_1080 = tpu.vector_load %arg10[%swap3A_1078, %swap3A_1079] {strides = array<i32>} : memref<32x16xf32, #tpu.memory_space<vmem>>, vector<16xf32>,
      tpu.vector_store %arg10[%swap3A_1078, %swap3A_1079], %broadcast_in_dim3A_1076 {strides = array<i32>} : memref<32x16xf32, #tpu.memory_space<vmem>>, vector<16xf32>,
      %eq3A_1081 = arith.constant 4 : i32
      %eq3A_1082 = vector.broadcast %eq3A_1081 : i32 to vector<16xi32>
      %eq3A_1083 = arith.cmpi eq, %iota3A, %eq3A_1082 : vector<16xi32>
      %jit3A_1084 = arith.constant 0.000000e+00 : f32
      %broadcast_in_dim3A_1085 = vector.broadcast %jit3A_1084 : f32 to vector<16xf32>
      %select_n3A_1086 = arith.select %eq3A_1083, %get3A_780, %broadcast_in_dim3A_1085 : vector<16xi1>, vector<16xf32>
      %reduce_sum3A_1087 = arith.constant true
      %reduce_sum3A_1088 = vector.broadcast %reduce_sum3A_1087 : i1 to vector<16xi1>
      %reduce_sum3A_1089 = tpu.scan <sum>, %select_n3A_1086 masked %reduce_sum3A_1088 : vector<16xf32>, vector<16xi1> -> vector<16xf32>
      %reduce_sum3A_1090 = vector.extract %reduce_sum3A_1089[15] : f32 from vector<16xf32>
      %broadcast_in_dim3A_1091 = vector.broadcast %reduce_sum3A_1090 : f32 to vector<16xf32>
      %swap3A_1092 = arith.constant 20 : i32
      %swap3A_1093 = arith.index_cast %swap3A_1092 : i32 to index
      %swap3A_1094 = arith.constant 0 : index
      %swap3A_1095 = tpu.vector_load %arg10[%swap3A_1093, %swap3A_1094] {strides = array<i32>} : memref<32x16xf32, #tpu.memory_space<vmem>>, vector<16xf32>,
      tpu.vector_store %arg10[%swap3A_1093, %swap3A_1094], %broadcast_in_dim3A_1091 {strides = array<i32>} : memref<32x16xf32, #tpu.memory_space<vmem>>, vector<16xf32>,
      %eq3A_1096 = arith.constant 5 : i32
      %eq3A_1097 = vector.broadcast %eq3A_1096 : i32 to vector<16xi32>
      %eq3A_1098 = arith.cmpi eq, %iota3A, %eq3A_1097 : vector<16xi32>
      %jit3A_1099 = arith.constant 0.000000e+00 : f32
      %broadcast_in_dim3A_1100 = vector.broadcast %jit3A_1099 : f32 to vector<16xf32>
      %select_n3A_1101 = arith.select %eq3A_1098, %get3A_780, %broadcast_in_dim3A_1100 : vector<16xi1>, vector<16xf32>
      %reduce_sum3A_1102 = arith.constant true
      %reduce_sum3A_1103 = vector.broadcast %reduce_sum3A_1102 : i1 to vector<16xi1>
      %reduce_sum3A_1104 = tpu.scan <sum>, %select_n3A_1101 masked %reduce_sum3A_1103 : vector<16xf32>, vector<16xi1> -> vector<16xf32>
      %reduce_sum3A_1105 = vector.extract %reduce_sum3A_1104[15] : f32 from vector<16xf32>
      %broadcast_in_dim3A_1106 = vector.broadcast %reduce_sum3A_1105 : f32 to vector<16xf32>
      %swap3A_1107 = arith.constant 21 : i32
      %swap3A_1108 = arith.index_cast %swap3A_1107 : i32 to index
      %swap3A_1109 = arith.constant 0 : index
      %swap3A_1110 = tpu.vector_load %arg10[%swap3A_1108, %swap3A_1109] {strides = array<i32>} : memref<32x16xf32, #tpu.memory_space<vmem>>, vector<16xf32>,
      tpu.vector_store %arg10[%swap3A_1108, %swap3A_1109], %broadcast_in_dim3A_1106 {strides = array<i32>} : memref<32x16xf32, #tpu.memory_space<vmem>>, vector<16xf32>,
      %eq3A_1111 = arith.constant 6 : i32
      %eq3A_1112 = vector.broadcast %eq3A_1111 : i32 to vector<16xi32>
      %eq3A_1113 = arith.cmpi eq, %iota3A, %eq3A_1112 : vector<16xi32>
      %jit3A_1114 = arith.constant 0.000000e+00 : f32
      %broadcast_in_dim3A_1115 = vector.broadcast %jit3A_1114 : f32 to vector<16xf32>
      %select_n3A_1116 = arith.select %eq3A_1113, %get3A_780, %broadcast_in_dim3A_1115 : vector<16xi1>, vector<16xf32>
      %reduce_sum3A_1117 = arith.constant true
      %reduce_sum3A_1118 = vector.broadcast %reduce_sum3A_1117 : i1 to vector<16xi1>
      %reduce_sum3A_1119 = tpu.scan <sum>, %select_n3A_1116 masked %reduce_sum3A_1118 : vector<16xf32>, vector<16xi1> -> vector<16xf32>
      %reduce_sum3A_1120 = vector.extract %reduce_sum3A_1119[15] : f32 from vector<16xf32>
      %broadcast_in_dim3A_1121 = vector.broadcast %reduce_sum3A_1120 : f32 to vector<16xf32>
      %swap3A_1122 = arith.constant 22 : i32
      %swap3A_1123 = arith.index_cast %swap3A_1122 : i32 to index
      %swap3A_1124 = arith.constant 0 : index
      %swap3A_1125 = tpu.vector_load %arg10[%swap3A_1123, %swap3A_1124] {strides = array<i32>} : memref<32x16xf32, #tpu.memory_space<vmem>>, vector<16xf32>,
      tpu.vector_store %arg10[%swap3A_1123, %swap3A_1124], %broadcast_in_dim3A_1121 {strides = array<i32>} : memref<32x16xf32, #tpu.memory_space<vmem>>, vector<16xf32>,
      %eq3A_1126 = arith.constant 7 : i32
      %eq3A_1127 = vector.broadcast %eq3A_1126 : i32 to vector<16xi32>
      %eq3A_1128 = arith.cmpi eq, %iota3A, %eq3A_1127 : vector<16xi32>
      %jit3A_1129 = arith.constant 0.000000e+00 : f32
      %broadcast_in_dim3A_1130 = vector.broadcast %jit3A_1129 : f32 to vector<16xf32>
      %select_n3A_1131 = arith.select %eq3A_1128, %get3A_780, %broadcast_in_dim3A_1130 : vector<16xi1>, vector<16xf32>
      %reduce_sum3A_1132 = arith.constant true
      %reduce_sum3A_1133 = vector.broadcast %reduce_sum3A_1132 : i1 to vector<16xi1>
      %reduce_sum3A_1134 = tpu.scan <sum>, %select_n3A_1131 masked %reduce_sum3A_1133 : vector<16xf32>, vector<16xi1> -> vector<16xf32>
      %reduce_sum3A_1135 = vector.extract %reduce_sum3A_1134[15] : f32 from vector<16xf32>
      %broadcast_in_dim3A_1136 = vector.broadcast %reduce_sum3A_1135 : f32 to vector<16xf32>
      %swap3A_1137 = arith.constant 23 : i32
      %swap3A_1138 = arith.index_cast %swap3A_1137 : i32 to index
      %swap3A_1139 = arith.constant 0 : index
      %swap3A_1140 = tpu.vector_load %arg10[%swap3A_1138, %swap3A_1139] {strides = array<i32>} : memref<32x16xf32, #tpu.memory_space<vmem>>, vector<16xf32>,
      tpu.vector_store %arg10[%swap3A_1138, %swap3A_1139], %broadcast_in_dim3A_1136 {strides = array<i32>} : memref<32x16xf32, #tpu.memory_space<vmem>>, vector<16xf32>,
      %eq3A_1141 = arith.constant 8 : i32
      %eq3A_1142 = vector.broadcast %eq3A_1141 : i32 to vector<16xi32>
      %eq3A_1143 = arith.cmpi eq, %iota3A, %eq3A_1142 : vector<16xi32>
      %jit3A_1144 = arith.constant 0.000000e+00 : f32
      %broadcast_in_dim3A_1145 = vector.broadcast %jit3A_1144 : f32 to vector<16xf32>
      %select_n3A_1146 = arith.select %eq3A_1143, %get3A_780, %broadcast_in_dim3A_1145 : vector<16xi1>, vector<16xf32>
      %reduce_sum3A_1147 = arith.constant true
      %reduce_sum3A_1148 = vector.broadcast %reduce_sum3A_1147 : i1 to vector<16xi1>
      %reduce_sum3A_1149 = tpu.scan <sum>, %select_n3A_1146 masked %reduce_sum3A_1148 : vector<16xf32>, vector<16xi1> -> vector<16xf32>
      %reduce_sum3A_1150 = vector.extract %reduce_sum3A_1149[15] : f32 from vector<16xf32>
      %broadcast_in_dim3A_1151 = vector.broadcast %reduce_sum3A_1150 : f32 to vector<16xf32>
      %swap3A_1152 = arith.constant 24 : i32
      %swap3A_1153 = arith.index_cast %swap3A_1152 : i32 to index
      %swap3A_1154 = arith.constant 0 : index
      %swap3A_1155 = tpu.vector_load %arg10[%swap3A_1153, %swap3A_1154] {strides = array<i32>} : memref<32x16xf32, #tpu.memory_space<vmem>>, vector<16xf32>,
      tpu.vector_store %arg10[%swap3A_1153, %swap3A_1154], %broadcast_in_dim3A_1151 {strides = array<i32>} : memref<32x16xf32, #tpu.memory_space<vmem>>, vector<16xf32>,
      %eq3A_1156 = arith.constant 9 : i32
      %eq3A_1157 = vector.broadcast %eq3A_1156 : i32 to vector<16xi32>
      %eq3A_1158 = arith.cmpi eq, %iota3A, %eq3A_1157 : vector<16xi32>
      %jit3A_1159 = arith.constant 0.000000e+00 : f32
      %broadcast_in_dim3A_1160 = vector.broadcast %jit3A_1159 : f32 to vector<16xf32>
      %select_n3A_1161 = arith.select %eq3A_1158, %get3A_780, %broadcast_in_dim3A_1160 : vector<16xi1>, vector<16xf32>
      %reduce_sum3A_1162 = arith.constant true
      %reduce_sum3A_1163 = vector.broadcast %reduce_sum3A_1162 : i1 to vector<16xi1>
      %reduce_sum3A_1164 = tpu.scan <sum>, %select_n3A_1161 masked %reduce_sum3A_1163 : vector<16xf32>, vector<16xi1> -> vector<16xf32>
      %reduce_sum3A_1165 = vector.extract %reduce_sum3A_1164[15] : f32 from vector<16xf32>
      %broadcast_in_dim3A_1166 = vector.broadcast %reduce_sum3A_1165 : f32 to vector<16xf32>
      %swap3A_1167 = arith.constant 25 : i32
      %swap3A_1168 = arith.index_cast %swap3A_1167 : i32 to index
      %swap3A_1169 = arith.constant 0 : index
      %swap3A_1170 = tpu.vector_load %arg10[%swap3A_1168, %swap3A_1169] {strides = array<i32>} : memref<32x16xf32, #tpu.memory_space<vmem>>, vector<16xf32>,
      tpu.vector_store %arg10[%swap3A_1168, %swap3A_1169], %broadcast_in_dim3A_1166 {strides = array<i32>} : memref<32x16xf32, #tpu.memory_space<vmem>>, vector<16xf32>,
      %eq3A_1171 = arith.constant 10 : i32
      %eq3A_1172 = vector.broadcast %eq3A_1171 : i32 to vector<16xi32>
      %eq3A_1173 = arith.cmpi eq, %iota3A, %eq3A_1172 : vector<16xi32>
      %jit3A_1174 = arith.constant 0.000000e+00 : f32
      %broadcast_in_dim3A_1175 = vector.broadcast %jit3A_1174 : f32 to vector<16xf32>
      %select_n3A_1176 = arith.select %eq3A_1173, %get3A_780, %broadcast_in_dim3A_1175 : vector<16xi1>, vector<16xf32>
      %reduce_sum3A_1177 = arith.constant true
      %reduce_sum3A_1178 = vector.broadcast %reduce_sum3A_1177 : i1 to vector<16xi1>
      %reduce_sum3A_1179 = tpu.scan <sum>, %select_n3A_1176 masked %reduce_sum3A_1178 : vector<16xf32>, vector<16xi1> -> vector<16xf32>
      %reduce_sum3A_1180 = vector.extract %reduce_sum3A_1179[15] : f32 from vector<16xf32>
      %broadcast_in_dim3A_1181 = vector.broadcast %reduce_sum3A_1180 : f32 to vector<16xf32>
      %swap3A_1182 = arith.constant 26 : i32
      %swap3A_1183 = arith.index_cast %swap3A_1182 : i32 to index
      %swap3A_1184 = arith.constant 0 : index
      %swap3A_1185 = tpu.vector_load %arg10[%swap3A_1183, %swap3A_1184] {strides = array<i32>} : memref<32x16xf32, #tpu.memory_space<vmem>>, vector<16xf32>,
      tpu.vector_store %arg10[%swap3A_1183, %swap3A_1184], %broadcast_in_dim3A_1181 {strides = array<i32>} : memref<32x16xf32, #tpu.memory_space<vmem>>, vector<16xf32>,
      %eq3A_1186 = arith.constant 11 : i32
      %eq3A_1187 = vector.broadcast %eq3A_1186 : i32 to vector<16xi32>
      %eq3A_1188 = arith.cmpi eq, %iota3A, %eq3A_1187 : vector<16xi32>
      %jit3A_1189 = arith.constant 0.000000e+00 : f32
      %broadcast_in_dim3A_1190 = vector.broadcast %jit3A_1189 : f32 to vector<16xf32>
      %select_n3A_1191 = arith.select %eq3A_1188, %get3A_780, %broadcast_in_dim3A_1190 : vector<16xi1>, vector<16xf32>
      %reduce_sum3A_1192 = arith.constant true
      %reduce_sum3A_1193 = vector.broadcast %reduce_sum3A_1192 : i1 to vector<16xi1>
      %reduce_sum3A_1194 = tpu.scan <sum>, %select_n3A_1191 masked %reduce_sum3A_1193 : vector<16xf32>, vector<16xi1> -> vector<16xf32>
      %reduce_sum3A_1195 = vector.extract %reduce_sum3A_1194[15] : f32 from vector<16xf32>
      %broadcast_in_dim3A_1196 = vector.broadcast %reduce_sum3A_1195 : f32 to vector<16xf32>
      %swap3A_1197 = arith.constant 27 : i32
      %swap3A_1198 = arith.index_cast %swap3A_1197 : i32 to index
      %swap3A_1199 = arith.constant 0 : index
      %swap3A_1200 = tpu.vector_load %arg10[%swap3A_1198, %swap3A_1199] {strides = array<i32>} : memref<32x16xf32, #tpu.memory_space<vmem>>, vector<16xf32>,
      tpu.vector_store %arg10[%swap3A_1198, %swap3A_1199], %broadcast_in_dim3A_1196 {strides = array<i32>} : memref<32x16xf32, #tpu.memory_space<vmem>>, vector<16xf32>,
      %eq3A_1201 = arith.constant 12 : i32
      %eq3A_1202 = vector.broadcast %eq3A_1201 : i32 to vector<16xi32>
      %eq3A_1203 = arith.cmpi eq, %iota3A, %eq3A_1202 : vector<16xi32>
      %jit3A_1204 = arith.constant 0.000000e+00 : f32
      %broadcast_in_dim3A_1205 = vector.broadcast %jit3A_1204 : f32 to vector<16xf32>
      %select_n3A_1206 = arith.select %eq3A_1203, %get3A_780, %broadcast_in_dim3A_1205 : vector<16xi1>, vector<16xf32>
      %reduce_sum3A_1207 = arith.constant true
      %reduce_sum3A_1208 = vector.broadcast %reduce_sum3A_1207 : i1 to vector<16xi1>
      %reduce_sum3A_1209 = tpu.scan <sum>, %select_n3A_1206 masked %reduce_sum3A_1208 : vector<16xf32>, vector<16xi1> -> vector<16xf32>
      %reduce_sum3A_1210 = vector.extract %reduce_sum3A_1209[15] : f32 from vector<16xf32>
      %broadcast_in_dim3A_1211 = vector.broadcast %reduce_sum3A_1210 : f32 to vector<16xf32>
      %swap3A_1212 = arith.constant 28 : i32
      %swap3A_1213 = arith.index_cast %swap3A_1212 : i32 to index
      %swap3A_1214 = arith.constant 0 : index
      %swap3A_1215 = tpu.vector_load %arg10[%swap3A_1213, %swap3A_1214] {strides = array<i32>} : memref<32x16xf32, #tpu.memory_space<vmem>>, vector<16xf32>,
      tpu.vector_store %arg10[%swap3A_1213, %swap3A_1214], %broadcast_in_dim3A_1211 {strides = array<i32>} : memref<32x16xf32, #tpu.memory_space<vmem>>, vector<16xf32>,
      %eq3A_1216 = arith.constant 13 : i32
      %eq3A_1217 = vector.broadcast %eq3A_1216 : i32 to vector<16xi32>
      %eq3A_1218 = arith.cmpi eq, %iota3A, %eq3A_1217 : vector<16xi32>
      %jit3A_1219 = arith.constant 0.000000e+00 : f32
      %broadcast_in_dim3A_1220 = vector.broadcast %jit3A_1219 : f32 to vector<16xf32>
      %select_n3A_1221 = arith.select %eq3A_1218, %get3A_780, %broadcast_in_dim3A_1220 : vector<16xi1>, vector<16xf32>
      %reduce_sum3A_1222 = arith.constant true
      %reduce_sum3A_1223 = vector.broadcast %reduce_sum3A_1222 : i1 to vector<16xi1>
      %reduce_sum3A_1224 = tpu.scan <sum>, %select_n3A_1221 masked %reduce_sum3A_1223 : vector<16xf32>, vector<16xi1> -> vector<16xf32>
      %reduce_sum3A_1225 = vector.extract %reduce_sum3A_1224[15] : f32 from vector<16xf32>
      %broadcast_in_dim3A_1226 = vector.broadcast %reduce_sum3A_1225 : f32 to vector<16xf32>
      %swap3A_1227 = arith.constant 29 : i32
      %swap3A_1228 = arith.index_cast %swap3A_1227 : i32 to index
      %swap3A_1229 = arith.constant 0 : index
      %swap3A_1230 = tpu.vector_load %arg10[%swap3A_1228, %swap3A_1229] {strides = array<i32>} : memref<32x16xf32, #tpu.memory_space<vmem>>, vector<16xf32>,
      tpu.vector_store %arg10[%swap3A_1228, %swap3A_1229], %broadcast_in_dim3A_1226 {strides = array<i32>} : memref<32x16xf32, #tpu.memory_space<vmem>>, vector<16xf32>,
      %eq3A_1231 = arith.constant 14 : i32
      %eq3A_1232 = vector.broadcast %eq3A_1231 : i32 to vector<16xi32>
      %eq3A_1233 = arith.cmpi eq, %iota3A, %eq3A_1232 : vector<16xi32>
      %jit3A_1234 = arith.constant 0.000000e+00 : f32
      %broadcast_in_dim3A_1235 = vector.broadcast %jit3A_1234 : f32 to vector<16xf32>
      %select_n3A_1236 = arith.select %eq3A_1233, %get3A_780, %broadcast_in_dim3A_1235 : vector<16xi1>, vector<16xf32>
      %reduce_sum3A_1237 = arith.constant true
      %reduce_sum3A_1238 = vector.broadcast %reduce_sum3A_1237 : i1 to vector<16xi1>
      %reduce_sum3A_1239 = tpu.scan <sum>, %select_n3A_1236 masked %reduce_sum3A_1238 : vector<16xf32>, vector<16xi1> -> vector<16xf32>
      %reduce_sum3A_1240 = vector.extract %reduce_sum3A_1239[15] : f32 from vector<16xf32>
      %broadcast_in_dim3A_1241 = vector.broadcast %reduce_sum3A_1240 : f32 to vector<16xf32>
      %swap3A_1242 = arith.constant 30 : i32
      %swap3A_1243 = arith.index_cast %swap3A_1242 : i32 to index
      %swap3A_1244 = arith.constant 0 : index
      %swap3A_1245 = tpu.vector_load %arg10[%swap3A_1243, %swap3A_1244] {strides = array<i32>} : memref<32x16xf32, #tpu.memory_space<vmem>>, vector<16xf32>,
      tpu.vector_store %arg10[%swap3A_1243, %swap3A_1244], %broadcast_in_dim3A_1241 {strides = array<i32>} : memref<32x16xf32, #tpu.memory_space<vmem>>, vector<16xf32>,
      %eq3A_1246 = arith.constant 15 : i32
      %eq3A_1247 = vector.broadcast %eq3A_1246 : i32 to vector<16xi32>
      %eq3A_1248 = arith.cmpi eq, %iota3A, %eq3A_1247 : vector<16xi32>
      %jit3A_1249 = arith.constant 0.000000e+00 : f32
      %broadcast_in_dim3A_1250 = vector.broadcast %jit3A_1249 : f32 to vector<16xf32>
      %select_n3A_1251 = arith.select %eq3A_1248, %get3A_780, %broadcast_in_dim3A_1250 : vector<16xi1>, vector<16xf32>
      %reduce_sum3A_1252 = arith.constant true
      %reduce_sum3A_1253 = vector.broadcast %reduce_sum3A_1252 : i1 to vector<16xi1>
      %reduce_sum3A_1254 = tpu.scan <sum>, %select_n3A_1251 masked %reduce_sum3A_1253 : vector<16xf32>, vector<16xi1> -> vector<16xf32>
      %reduce_sum3A_1255 = vector.extract %reduce_sum3A_1254[15] : f32 from vector<16xf32>
      %broadcast_in_dim3A_1256 = vector.broadcast %reduce_sum3A_1255 : f32 to vector<16xf32>
      %swap3A_1257 = arith.constant 31 : i32
      %swap3A_1258 = arith.index_cast %swap3A_1257 : i32 to index
      %swap3A_1259 = arith.constant 0 : index
      %swap3A_1260 = tpu.vector_load %arg10[%swap3A_1258, %swap3A_1259] {strides = array<i32>} : memref<32x16xf32, #tpu.memory_space<vmem>>, vector<16xf32>,
      tpu.vector_store %arg10[%swap3A_1258, %swap3A_1259], %broadcast_in_dim3A_1256 {strides = array<i32>} : memref<32x16xf32, #tpu.memory_space<vmem>>, vector<16xf32>,
      %dma_wait3A_1261 = arith.constant 1 : i32
      %dma_wait3A_1262 = arith.constant 0 : i32
      %dma_wait3A_1263 = arith.constant 0 : i32
      %dma_wait3A_1264 = tpu.memref_slice %arg9[%dma_wait3A_1261, %dma_wait3A_1262, %dma_wait3A_1263] : memref<2x32x768xf32, #tpu.memory_space<vmem>> -> memref<1x32x768xf32, #tpu.memory_space<vmem>>
      %dma_wait3A_1265 = tpu.memref_squeeze %dma_wait3A_1264 : memref<1x32x768xf32, #tpu.memory_space<vmem>> -> memref<32x768xf32, #tpu.memory_space<vmem>>
      %dma_wait3A_1266 = arith.constant 0 : i32
      %dma_wait3A_1267 = tpu.memref_slice %arg7[%add3A_767, %dma_wait3A_1266] : memref<128x32xi32, #tpu.memory_space<vmem>> -> memref<1x32xi32, #tpu.memory_space<vmem>>
      %dma_wait3A_1268 = tpu.memref_squeeze %dma_wait3A_1267 : memref<1x32xi32, #tpu.memory_space<vmem>> -> memref<32xi32, #tpu.memory_space<vmem>>
      %dma_wait3A_1269 = arith.constant 0 : i32
      %dma_wait3A_1270 = arith.constant 0 : i32
      %dma_wait3A_1271 = tpu.memref_slice %arg2[%dma_wait3A_1269, %dma_wait3A_1270] : memref<12288x768xf32, #tpu.memory_space<hbm>> -> memref<12288x768xf32, #tpu.memory_space<hbm>>
      tpu.wait_indirect_dma semaphore(%arg15 : memref<!tpu.dma_semaphore, #tpu.memory_space<semaphore_mem>>) src(%dma_wait3A_1271 : memref<12288x768xf32, #tpu.memory_space<hbm>>) dst(%dma_wait3A_1265 : memref<32x768xf32, #tpu.memory_space<vmem>>)
      %ge3A_1272 = arith.constant 2 : i32
      %ge3A_1273 = arith.cmpi sge, %add3A_767, %ge3A_1272 : i32
      %convert_element_type3A_1274 = arith.extui %ge3A_1273 : i1 to i32
      %cond3A_1275 = arith.constant 0 : i32
      %cond3A_1276 = arith.cmpi ne, %convert_element_type3A_1274, %cond3A_1275 : i32
      scf.if %cond3A_1276 {
        %add3A_1497 = arith.addi %mul3A_2, %add3A_767 : i32
        %sub3A_1498 = arith.constant 2 : i32
        %sub3A_1499 = arith.subi %add3A_1497, %sub3A_1498 : i32
        %dma_wait3A_1500 = arith.constant 0 : i32
        %dma_wait3A_1501 = tpu.memref_slice %arg6[%sub3A_1499, %dma_wait3A_1500] : memref<4096x768xf32, #tpu.memory_space<hbm>> -> memref<1x768xf32, #tpu.memory_space<hbm>>
        %dma_wait3A_1502 = tpu.memref_squeeze %dma_wait3A_1501 : memref<1x768xf32, #tpu.memory_space<hbm>> -> memref<768xf32, #tpu.memory_space<hbm>>
        %dma_wait3A_1503 = arith.constant 0 : i32
        %dma_wait3A_1504 = tpu.memref_slice %arg6[%sub3A_1499, %dma_wait3A_1503] : memref<4096x768xf32, #tpu.memory_space<hbm>> -> memref<1x768xf32, #tpu.memory_space<hbm>>
        %dma_wait3A_1505 = tpu.memref_squeeze %dma_wait3A_1504 : memref<1x768xf32, #tpu.memory_space<hbm>> -> memref<768xf32, #tpu.memory_space<hbm>>
        tpu.wait_dma2 semaphore(%arg17 : memref<!tpu.dma_semaphore, #tpu.memory_space<semaphore_mem>>) src(%arg13 : memref<768xf32, #tpu.memory_space<vmem>>) dst(%dma_wait3A_1505 : memref<768xf32, #tpu.memory_space<hbm>>)
      } else {
      }
      %get3A_1277 = arith.constant 0 : index
      %get3A_1278 = tpu.vector_load %arg11[%get3A_1277] {strides = array<i32>} : memref<768xf32, #tpu.memory_space<vmem>>, vector<16xf32>,
      %get3A_1279 = arith.constant 16 : index
      %get3A_1280 = tpu.vector_load %arg11[%get3A_1279] {strides = array<i32>} : memref<768xf32, #tpu.memory_space<vmem>>, vector<16xf32>,
      %get3A_1281 = arith.constant 32 : index
      %get3A_1282 = tpu.vector_load %arg11[%get3A_1281] {strides = array<i32>} : memref<768xf32, #tpu.memory_space<vmem>>, vector<16xf32>,
      %get3A_1283 = arith.constant 48 : index
      %get3A_1284 = tpu.vector_load %arg11[%get3A_1283] {strides = array<i32>} : memref<768xf32, #tpu.memory_space<vmem>>, vector<16xf32>,
      %get3A_1285 = arith.constant 64 : index
      %get3A_1286 = tpu.vector_load %arg11[%get3A_1285] {strides = array<i32>} : memref<768xf32, #tpu.memory_space<vmem>>, vector<16xf32>,
      %get3A_1287 = arith.constant 80 : index
      %get3A_1288 = tpu.vector_load %arg11[%get3A_1287] {strides = array<i32>} : memref<768xf32, #tpu.memory_space<vmem>>, vector<16xf32>,
      %get3A_1289 = arith.constant 96 : index
      %get3A_1290 = tpu.vector_load %arg11[%get3A_1289] {strides = array<i32>} : memref<768xf32, #tpu.memory_space<vmem>>, vector<16xf32>,
      %get3A_1291 = arith.constant 112 : index
      %get3A_1292 = tpu.vector_load %arg11[%get3A_1291] {strides = array<i32>} : memref<768xf32, #tpu.memory_space<vmem>>, vector<16xf32>,
      %get3A_1293 = arith.constant 128 : index
      %get3A_1294 = tpu.vector_load %arg11[%get3A_1293] {strides = array<i32>} : memref<768xf32, #tpu.memory_space<vmem>>, vector<16xf32>,
      %get3A_1295 = arith.constant 144 : index
      %get3A_1296 = tpu.vector_load %arg11[%get3A_1295] {strides = array<i32>} : memref<768xf32, #tpu.memory_space<vmem>>, vector<16xf32>,
      %get3A_1297 = arith.constant 160 : index
      %get3A_1298 = tpu.vector_load %arg11[%get3A_1297] {strides = array<i32>} : memref<768xf32, #tpu.memory_space<vmem>>, vector<16xf32>,
      %get3A_1299 = arith.constant 176 : index
      %get3A_1300 = tpu.vector_load %arg11[%get3A_1299] {strides = array<i32>} : memref<768xf32, #tpu.memory_space<vmem>>, vector<16xf32>,
      %get3A_1301 = arith.constant 192 : index
      %get3A_1302 = tpu.vector_load %arg11[%get3A_1301] {strides = array<i32>} : memref<768xf32, #tpu.memory_space<vmem>>, vector<16xf32>,
      %get3A_1303 = arith.constant 208 : index
      %get3A_1304 = tpu.vector_load %arg11[%get3A_1303] {strides = array<i32>} : memref<768xf32, #tpu.memory_space<vmem>>, vector<16xf32>,
      %get3A_1305 = arith.constant 224 : index
      %get3A_1306 = tpu.vector_load %arg11[%get3A_1305] {strides = array<i32>} : memref<768xf32, #tpu.memory_space<vmem>>, vector<16xf32>,
      %get3A_1307 = arith.constant 240 : index
      %get3A_1308 = tpu.vector_load %arg11[%get3A_1307] {strides = array<i32>} : memref<768xf32, #tpu.memory_space<vmem>>, vector<16xf32>,
      %scan3A_1309 = arith.constant 1 : i32
      %scan3A_1310 = arith.constant 0 : i32
      %scan3A_1311 = arith.constant 32 : i32
      %scan3A_1312 = arith.addi %scan3A_1310, %scan3A_1311 : i32
      %scan3A_1313 = arith.constant 1 : i32
      %scan3A_1314:16 = scf.for %scan3A_1497 = %scan3A_1310 to %scan3A_1312 step %scan3A_1313 iter_args(%scan3A_1498 = %get3A_1278, %scan3A_1499 = %get3A_1280, %scan3A_1500 = %get3A_1282, %scan3A_1501 = %get3A_1284, %scan3A_1502 = %get3A_1286, %scan3A_1503 = %get3A_1288, %scan3A_1504 = %get3A_1290, %scan3A_1505 = %get3A_1292, %scan3A_1506 = %get3A_1294, %scan3A_1507 = %get3A_1296, %scan3A_1508 = %get3A_1298, %scan3A_1509 = %get3A_1300, %scan3A_1510 = %get3A_1302, %scan3A_1511 = %get3A_1304, %scan3A_1512 = %get3A_1306, %scan3A_1513 = %get3A_1308) -> (vector<16xf32>, vector<16xf32>, vector<16xf32>, vector<16xf32>, vector<16xf32>, vector<16xf32>, vector<16xf32>, vector<16xf32>, vector<16xf32>, vector<16xf32>, vector<16xf32>, vector<16xf32>, vector<16xf32>, vector<16xf32>, vector<16xf32>, vector<16xf32>)  : i32 {
        %get3A_1514 = arith.index_cast %scan3A_1497 : i32 to index
        %get3A_1515 = arith.constant 0 : index
        %get3A_1516 = tpu.vector_load %arg10[%get3A_1514, %get3A_1515] {strides = array<i32>} : memref<32x16xf32, #tpu.memory_space<vmem>>, vector<16xf32>,
        %get3A_1517 = arith.constant 0 : i32
        %get3A_1518 = arith.constant 0 : i32
        %get3A_1519 = tpu.memref_slice %arg9[%scan3A_1309, %get3A_1517, %get3A_1518] : memref<2x32x768xf32, #tpu.memory_space<vmem>> -> memref<1x32x768xf32, #tpu.memory_space<vmem>>
        %get3A_1520 = tpu.memref_squeeze %get3A_1519 : memref<1x32x768xf32, #tpu.memory_space<vmem>> -> memref<32x768xf32, #tpu.memory_space<vmem>>
        %get3A_1521 = arith.index_cast %scan3A_1497 : i32 to index
        %get3A_1522 = arith.constant 0 : index
        %get3A_1523 = tpu.vector_load %get3A_1520[%get3A_1521, %get3A_1522] {strides = array<i32>} : memref<32x768xf32, #tpu.memory_space<vmem>>, vector<16xf32>,
        %mul3A_1524 = arith.mulf %get3A_1516, %get3A_1523 : vector<16xf32>
        %add3A_1525 = arith.addf %scan3A_1498, %mul3A_1524 : vector<16xf32>
        %get3A_1526 = arith.constant 0 : i32
        %get3A_1527 = arith.constant 0 : i32
        %get3A_1528 = tpu.memref_slice %arg9[%scan3A_1309, %get3A_1526, %get3A_1527] : memref<2x32x768xf32, #tpu.memory_space<vmem>> -> memref<1x32x768xf32, #tpu.memory_space<vmem>>
        %get3A_1529 = tpu.memref_squeeze %get3A_1528 : memref<1x32x768xf32, #tpu.memory_space<vmem>> -> memref<32x768xf32, #tpu.memory_space<vmem>>
        %get3A_1530 = arith.index_cast %scan3A_1497 : i32 to index
        %get3A_1531 = arith.constant 16 : index
        %get3A_1532 = tpu.vector_load %get3A_1529[%get3A_1530, %get3A_1531] {strides = array<i32>} : memref<32x768xf32, #tpu.memory_space<vmem>>, vector<16xf32>,
        %mul3A_1533 = arith.mulf %get3A_1516, %get3A_1532 : vector<16xf32>
        %add3A_1534 = arith.addf %scan3A_1499, %mul3A_1533 : vector<16xf32>
        %get3A_1535 = arith.constant 0 : i32
        %get3A_1536 = arith.constant 0 : i32
        %get3A_1537 = tpu.memref_slice %arg9[%scan3A_1309, %get3A_1535, %get3A_1536] : memref<2x32x768xf32, #tpu.memory_space<vmem>> -> memref<1x32x768xf32, #tpu.memory_space<vmem>>
        %get3A_1538 = tpu.memref_squeeze %get3A_1537 : memref<1x32x768xf32, #tpu.memory_space<vmem>> -> memref<32x768xf32, #tpu.memory_space<vmem>>
        %get3A_1539 = arith.index_cast %scan3A_1497 : i32 to index
        %get3A_1540 = arith.constant 32 : index
        %get3A_1541 = tpu.vector_load %get3A_1538[%get3A_1539, %get3A_1540] {strides = array<i32>} : memref<32x768xf32, #tpu.memory_space<vmem>>, vector<16xf32>,
        %mul3A_1542 = arith.mulf %get3A_1516, %get3A_1541 : vector<16xf32>
        %add3A_1543 = arith.addf %scan3A_1500, %mul3A_1542 : vector<16xf32>
        %get3A_1544 = arith.constant 0 : i32
        %get3A_1545 = arith.constant 0 : i32
        %get3A_1546 = tpu.memref_slice %arg9[%scan3A_1309, %get3A_1544, %get3A_1545] : memref<2x32x768xf32, #tpu.memory_space<vmem>> -> memref<1x32x768xf32, #tpu.memory_space<vmem>>
        %get3A_1547 = tpu.memref_squeeze %get3A_1546 : memref<1x32x768xf32, #tpu.memory_space<vmem>> -> memref<32x768xf32, #tpu.memory_space<vmem>>
        %get3A_1548 = arith.index_cast %scan3A_1497 : i32 to index
        %get3A_1549 = arith.constant 48 : index
        %get3A_1550 = tpu.vector_load %get3A_1547[%get3A_1548, %get3A_1549] {strides = array<i32>} : memref<32x768xf32, #tpu.memory_space<vmem>>, vector<16xf32>,
        %mul3A_1551 = arith.mulf %get3A_1516, %get3A_1550 : vector<16xf32>
        %add3A_1552 = arith.addf %scan3A_1501, %mul3A_1551 : vector<16xf32>
        %get3A_1553 = arith.constant 0 : i32
        %get3A_1554 = arith.constant 0 : i32
        %get3A_1555 = tpu.memref_slice %arg9[%scan3A_1309, %get3A_1553, %get3A_1554] : memref<2x32x768xf32, #tpu.memory_space<vmem>> -> memref<1x32x768xf32, #tpu.memory_space<vmem>>
        %get3A_1556 = tpu.memref_squeeze %get3A_1555 : memref<1x32x768xf32, #tpu.memory_space<vmem>> -> memref<32x768xf32, #tpu.memory_space<vmem>>
        %get3A_1557 = arith.index_cast %scan3A_1497 : i32 to index
        %get3A_1558 = arith.constant 64 : index
        %get3A_1559 = tpu.vector_load %get3A_1556[%get3A_1557, %get3A_1558] {strides = array<i32>} : memref<32x768xf32, #tpu.memory_space<vmem>>, vector<16xf32>,
        %mul3A_1560 = arith.mulf %get3A_1516, %get3A_1559 : vector<16xf32>
        %add3A_1561 = arith.addf %scan3A_1502, %mul3A_1560 : vector<16xf32>
        %get3A_1562 = arith.constant 0 : i32
        %get3A_1563 = arith.constant 0 : i32
        %get3A_1564 = tpu.memref_slice %arg9[%scan3A_1309, %get3A_1562, %get3A_1563] : memref<2x32x768xf32, #tpu.memory_space<vmem>> -> memref<1x32x768xf32, #tpu.memory_space<vmem>>
        %get3A_1565 = tpu.memref_squeeze %get3A_1564 : memref<1x32x768xf32, #tpu.memory_space<vmem>> -> memref<32x768xf32, #tpu.memory_space<vmem>>
        %get3A_1566 = arith.index_cast %scan3A_1497 : i32 to index
        %get3A_1567 = arith.constant 80 : index
        %get3A_1568 = tpu.vector_load %get3A_1565[%get3A_1566, %get3A_1567] {strides = array<i32>} : memref<32x768xf32, #tpu.memory_space<vmem>>, vector<16xf32>,
        %mul3A_1569 = arith.mulf %get3A_1516, %get3A_1568 : vector<16xf32>
        %add3A_1570 = arith.addf %scan3A_1503, %mul3A_1569 : vector<16xf32>
        %get3A_1571 = arith.constant 0 : i32
        %get3A_1572 = arith.constant 0 : i32
        %get3A_1573 = tpu.memref_slice %arg9[%scan3A_1309, %get3A_1571, %get3A_1572] : memref<2x32x768xf32, #tpu.memory_space<vmem>> -> memref<1x32x768xf32, #tpu.memory_space<vmem>>
        %get3A_1574 = tpu.memref_squeeze %get3A_1573 : memref<1x32x768xf32, #tpu.memory_space<vmem>> -> memref<32x768xf32, #tpu.memory_space<vmem>>
        %get3A_1575 = arith.index_cast %scan3A_1497 : i32 to index
        %get3A_1576 = arith.constant 96 : index
        %get3A_1577 = tpu.vector_load %get3A_1574[%get3A_1575, %get3A_1576] {strides = array<i32>} : memref<32x768xf32, #tpu.memory_space<vmem>>, vector<16xf32>,
        %mul3A_1578 = arith.mulf %get3A_1516, %get3A_1577 : vector<16xf32>
        %add3A_1579 = arith.addf %scan3A_1504, %mul3A_1578 : vector<16xf32>
        %get3A_1580 = arith.constant 0 : i32
        %get3A_1581 = arith.constant 0 : i32
        %get3A_1582 = tpu.memref_slice %arg9[%scan3A_1309, %get3A_1580, %get3A_1581] : memref<2x32x768xf32, #tpu.memory_space<vmem>> -> memref<1x32x768xf32, #tpu.memory_space<vmem>>
        %get3A_1583 = tpu.memref_squeeze %get3A_1582 : memref<1x32x768xf32, #tpu.memory_space<vmem>> -> memref<32x768xf32, #tpu.memory_space<vmem>>
        %get3A_1584 = arith.index_cast %scan3A_1497 : i32 to index
        %get3A_1585 = arith.constant 112 : index
        %get3A_1586 = tpu.vector_load %get3A_1583[%get3A_1584, %get3A_1585] {strides = array<i32>} : memref<32x768xf32, #tpu.memory_space<vmem>>, vector<16xf32>,
        %mul3A_1587 = arith.mulf %get3A_1516, %get3A_1586 : vector<16xf32>
        %add3A_1588 = arith.addf %scan3A_1505, %mul3A_1587 : vector<16xf32>
        %get3A_1589 = arith.constant 0 : i32
        %get3A_1590 = arith.constant 0 : i32
        %get3A_1591 = tpu.memref_slice %arg9[%scan3A_1309, %get3A_1589, %get3A_1590] : memref<2x32x768xf32, #tpu.memory_space<vmem>> -> memref<1x32x768xf32, #tpu.memory_space<vmem>>
        %get3A_1592 = tpu.memref_squeeze %get3A_1591 : memref<1x32x768xf32, #tpu.memory_space<vmem>> -> memref<32x768xf32, #tpu.memory_space<vmem>>
        %get3A_1593 = arith.index_cast %scan3A_1497 : i32 to index
        %get3A_1594 = arith.constant 128 : index
        %get3A_1595 = tpu.vector_load %get3A_1592[%get3A_1593, %get3A_1594] {strides = array<i32>} : memref<32x768xf32, #tpu.memory_space<vmem>>, vector<16xf32>,
        %mul3A_1596 = arith.mulf %get3A_1516, %get3A_1595 : vector<16xf32>
        %add3A_1597 = arith.addf %scan3A_1506, %mul3A_1596 : vector<16xf32>
        %get3A_1598 = arith.constant 0 : i32
        %get3A_1599 = arith.constant 0 : i32
        %get3A_1600 = tpu.memref_slice %arg9[%scan3A_1309, %get3A_1598, %get3A_1599] : memref<2x32x768xf32, #tpu.memory_space<vmem>> -> memref<1x32x768xf32, #tpu.memory_space<vmem>>
        %get3A_1601 = tpu.memref_squeeze %get3A_1600 : memref<1x32x768xf32, #tpu.memory_space<vmem>> -> memref<32x768xf32, #tpu.memory_space<vmem>>
        %get3A_1602 = arith.index_cast %scan3A_1497 : i32 to index
        %get3A_1603 = arith.constant 144 : index
        %get3A_1604 = tpu.vector_load %get3A_1601[%get3A_1602, %get3A_1603] {strides = array<i32>} : memref<32x768xf32, #tpu.memory_space<vmem>>, vector<16xf32>,
        %mul3A_1605 = arith.mulf %get3A_1516, %get3A_1604 : vector<16xf32>
        %add3A_1606 = arith.addf %scan3A_1507, %mul3A_1605 : vector<16xf32>
        %get3A_1607 = arith.constant 0 : i32
        %get3A_1608 = arith.constant 0 : i32
        %get3A_1609 = tpu.memref_slice %arg9[%scan3A_1309, %get3A_1607, %get3A_1608] : memref<2x32x768xf32, #tpu.memory_space<vmem>> -> memref<1x32x768xf32, #tpu.memory_space<vmem>>
        %get3A_1610 = tpu.memref_squeeze %get3A_1609 : memref<1x32x768xf32, #tpu.memory_space<vmem>> -> memref<32x768xf32, #tpu.memory_space<vmem>>
        %get3A_1611 = arith.index_cast %scan3A_1497 : i32 to index
        %get3A_1612 = arith.constant 160 : index
        %get3A_1613 = tpu.vector_load %get3A_1610[%get3A_1611, %get3A_1612] {strides = array<i32>} : memref<32x768xf32, #tpu.memory_space<vmem>>, vector<16xf32>,
        %mul3A_1614 = arith.mulf %get3A_1516, %get3A_1613 : vector<16xf32>
        %add3A_1615 = arith.addf %scan3A_1508, %mul3A_1614 : vector<16xf32>
        %get3A_1616 = arith.constant 0 : i32
        %get3A_1617 = arith.constant 0 : i32
        %get3A_1618 = tpu.memref_slice %arg9[%scan3A_1309, %get3A_1616, %get3A_1617] : memref<2x32x768xf32, #tpu.memory_space<vmem>> -> memref<1x32x768xf32, #tpu.memory_space<vmem>>
        %get3A_1619 = tpu.memref_squeeze %get3A_1618 : memref<1x32x768xf32, #tpu.memory_space<vmem>> -> memref<32x768xf32, #tpu.memory_space<vmem>>
        %get3A_1620 = arith.index_cast %scan3A_1497 : i32 to index
        %get3A_1621 = arith.constant 176 : index
        %get3A_1622 = tpu.vector_load %get3A_1619[%get3A_1620, %get3A_1621] {strides = array<i32>} : memref<32x768xf32, #tpu.memory_space<vmem>>, vector<16xf32>,
        %mul3A_1623 = arith.mulf %get3A_1516, %get3A_1622 : vector<16xf32>
        %add3A_1624 = arith.addf %scan3A_1509, %mul3A_1623 : vector<16xf32>
        %get3A_1625 = arith.constant 0 : i32
        %get3A_1626 = arith.constant 0 : i32
        %get3A_1627 = tpu.memref_slice %arg9[%scan3A_1309, %get3A_1625, %get3A_1626] : memref<2x32x768xf32, #tpu.memory_space<vmem>> -> memref<1x32x768xf32, #tpu.memory_space<vmem>>
        %get3A_1628 = tpu.memref_squeeze %get3A_1627 : memref<1x32x768xf32, #tpu.memory_space<vmem>> -> memref<32x768xf32, #tpu.memory_space<vmem>>
        %get3A_1629 = arith.index_cast %scan3A_1497 : i32 to index
        %get3A_1630 = arith.constant 192 : index
        %get3A_1631 = tpu.vector_load %get3A_1628[%get3A_1629, %get3A_1630] {strides = array<i32>} : memref<32x768xf32, #tpu.memory_space<vmem>>, vector<16xf32>,
        %mul3A_1632 = arith.mulf %get3A_1516, %get3A_1631 : vector<16xf32>
        %add3A_1633 = arith.addf %scan3A_1510, %mul3A_1632 : vector<16xf32>
        %get3A_1634 = arith.constant 0 : i32
        %get3A_1635 = arith.constant 0 : i32
        %get3A_1636 = tpu.memref_slice %arg9[%scan3A_1309, %get3A_1634, %get3A_1635] : memref<2x32x768xf32, #tpu.memory_space<vmem>> -> memref<1x32x768xf32, #tpu.memory_space<vmem>>
        %get3A_1637 = tpu.memref_squeeze %get3A_1636 : memref<1x32x768xf32, #tpu.memory_space<vmem>> -> memref<32x768xf32, #tpu.memory_space<vmem>>
        %get3A_1638 = arith.index_cast %scan3A_1497 : i32 to index
        %get3A_1639 = arith.constant 208 : index
        %get3A_1640 = tpu.vector_load %get3A_1637[%get3A_1638, %get3A_1639] {strides = array<i32>} : memref<32x768xf32, #tpu.memory_space<vmem>>, vector<16xf32>,
        %mul3A_1641 = arith.mulf %get3A_1516, %get3A_1640 : vector<16xf32>
        %add3A_1642 = arith.addf %scan3A_1511, %mul3A_1641 : vector<16xf32>
        %get3A_1643 = arith.constant 0 : i32
        %get3A_1644 = arith.constant 0 : i32
        %get3A_1645 = tpu.memref_slice %arg9[%scan3A_1309, %get3A_1643, %get3A_1644] : memref<2x32x768xf32, #tpu.memory_space<vmem>> -> memref<1x32x768xf32, #tpu.memory_space<vmem>>
        %get3A_1646 = tpu.memref_squeeze %get3A_1645 : memref<1x32x768xf32, #tpu.memory_space<vmem>> -> memref<32x768xf32, #tpu.memory_space<vmem>>
        %get3A_1647 = arith.index_cast %scan3A_1497 : i32 to index
        %get3A_1648 = arith.constant 224 : index
        %get3A_1649 = tpu.vector_load %get3A_1646[%get3A_1647, %get3A_1648] {strides = array<i32>} : memref<32x768xf32, #tpu.memory_space<vmem>>, vector<16xf32>,
        %mul3A_1650 = arith.mulf %get3A_1516, %get3A_1649 : vector<16xf32>
        %add3A_1651 = arith.addf %scan3A_1512, %mul3A_1650 : vector<16xf32>
        %get3A_1652 = arith.constant 0 : i32
        %get3A_1653 = arith.constant 0 : i32
        %get3A_1654 = tpu.memref_slice %arg9[%scan3A_1309, %get3A_1652, %get3A_1653] : memref<2x32x768xf32, #tpu.memory_space<vmem>> -> memref<1x32x768xf32, #tpu.memory_space<vmem>>
        %get3A_1655 = tpu.memref_squeeze %get3A_1654 : memref<1x32x768xf32, #tpu.memory_space<vmem>> -> memref<32x768xf32, #tpu.memory_space<vmem>>
        %get3A_1656 = arith.index_cast %scan3A_1497 : i32 to index
        %get3A_1657 = arith.constant 240 : index
        %get3A_1658 = tpu.vector_load %get3A_1655[%get3A_1656, %get3A_1657] {strides = array<i32>} : memref<32x768xf32, #tpu.memory_space<vmem>>, vector<16xf32>,
        %mul3A_1659 = arith.mulf %get3A_1516, %get3A_1658 : vector<16xf32>
        %add3A_1660 = arith.addf %scan3A_1513, %mul3A_1659 : vector<16xf32>
        scf.yield %add3A_1525, %add3A_1534, %add3A_1543, %add3A_1552, %add3A_1561, %add3A_1570, %add3A_1579, %add3A_1588, %add3A_1597, %add3A_1606, %add3A_1615, %add3A_1624, %add3A_1633, %add3A_1642, %add3A_1651, %add3A_1660 : vector<16xf32>, vector<16xf32>, vector<16xf32>, vector<16xf32>, vector<16xf32>, vector<16xf32>, vector<16xf32>, vector<16xf32>, vector<16xf32>, vector<16xf32>, vector<16xf32>, vector<16xf32>, vector<16xf32>, vector<16xf32>, vector<16xf32>, vector<16xf32>
      }
      %scan3A_1315 = arith.constant 32 : i32
      %swap3A_1316 = arith.constant 0 : index
      %swap3A_1317 = tpu.vector_load %arg13[%swap3A_1316] {strides = array<i32>} : memref<768xf32, #tpu.memory_space<vmem>>, vector<16xf32>,
      tpu.vector_store %arg13[%swap3A_1316], %scan3A_1314#0 {strides = array<i32>} : memref<768xf32, #tpu.memory_space<vmem>>, vector<16xf32>,
      %swap3A_1318 = arith.constant 16 : index
      %swap3A_1319 = tpu.vector_load %arg13[%swap3A_1318] {strides = array<i32>} : memref<768xf32, #tpu.memory_space<vmem>>, vector<16xf32>,
      tpu.vector_store %arg13[%swap3A_1318], %scan3A_1314#1 {strides = array<i32>} : memref<768xf32, #tpu.memory_space<vmem>>, vector<16xf32>,
      %swap3A_1320 = arith.constant 32 : index
      %swap3A_1321 = tpu.vector_load %arg13[%swap3A_1320] {strides = array<i32>} : memref<768xf32, #tpu.memory_space<vmem>>, vector<16xf32>,
      tpu.vector_store %arg13[%swap3A_1320], %scan3A_1314#2 {strides = array<i32>} : memref<768xf32, #tpu.memory_space<vmem>>, vector<16xf32>,
      %swap3A_1322 = arith.constant 48 : index
      %swap3A_1323 = tpu.vector_load %arg13[%swap3A_1322] {strides = array<i32>} : memref<768xf32, #tpu.memory_space<vmem>>, vector<16xf32>,
      tpu.vector_store %arg13[%swap3A_1322], %scan3A_1314#3 {strides = array<i32>} : memref<768xf32, #tpu.memory_space<vmem>>, vector<16xf32>,
      %swap3A_1324 = arith.constant 64 : index
      %swap3A_1325 = tpu.vector_load %arg13[%swap3A_1324] {strides = array<i32>} : memref<768xf32, #tpu.memory_space<vmem>>, vector<16xf32>,
      tpu.vector_store %arg13[%swap3A_1324], %scan3A_1314#4 {strides = array<i32>} : memref<768xf32, #tpu.memory_space<vmem>>, vector<16xf32>,
      %swap3A_1326 = arith.constant 80 : index
      %swap3A_1327 = tpu.vector_load %arg13[%swap3A_1326] {strides = array<i32>} : memref<768xf32, #tpu.memory_space<vmem>>, vector<16xf32>,
      tpu.vector_store %arg13[%swap3A_1326], %scan3A_1314#5 {strides = array<i32>} : memref<768xf32, #tpu.memory_space<vmem>>, vector<16xf32>,
      %swap3A_1328 = arith.constant 96 : index
      %swap3A_1329 = tpu.vector_load %arg13[%swap3A_1328] {strides = array<i32>} : memref<768xf32, #tpu.memory_space<vmem>>, vector<16xf32>,
      tpu.vector_store %arg13[%swap3A_1328], %scan3A_1314#6 {strides = array<i32>} : memref<768xf32, #tpu.memory_space<vmem>>, vector<16xf32>,
      %swap3A_1330 = arith.constant 112 : index
      %swap3A_1331 = tpu.vector_load %arg13[%swap3A_1330] {strides = array<i32>} : memref<768xf32, #tpu.memory_space<vmem>>, vector<16xf32>,
      tpu.vector_store %arg13[%swap3A_1330], %scan3A_1314#7 {strides = array<i32>} : memref<768xf32, #tpu.memory_space<vmem>>, vector<16xf32>,
      %swap3A_1332 = arith.constant 128 : index
      %swap3A_1333 = tpu.vector_load %arg13[%swap3A_1332] {strides = array<i32>} : memref<768xf32, #tpu.memory_space<vmem>>, vector<16xf32>,
      tpu.vector_store %arg13[%swap3A_1332], %scan3A_1314#8 {strides = array<i32>} : memref<768xf32, #tpu.memory_space<vmem>>, vector<16xf32>,
      %swap3A_1334 = arith.constant 144 : index
      %swap3A_1335 = tpu.vector_load %arg13[%swap3A_1334] {strides = array<i32>} : memref<768xf32, #tpu.memory_space<vmem>>, vector<16xf32>,
      tpu.vector_store %arg13[%swap3A_1334], %scan3A_1314#9 {strides = array<i32>} : memref<768xf32, #tpu.memory_space<vmem>>, vector<16xf32>,
      %swap3A_1336 = arith.constant 160 : index
      %swap3A_1337 = tpu.vector_load %arg13[%swap3A_1336] {strides = array<i32>} : memref<768xf32, #tpu.memory_space<vmem>>, vector<16xf32>,
      tpu.vector_store %arg13[%swap3A_1336], %scan3A_1314#10 {strides = array<i32>} : memref<768xf32, #tpu.memory_space<vmem>>, vector<16xf32>,
      %swap3A_1338 = arith.constant 176 : index
      %swap3A_1339 = tpu.vector_load %arg13[%swap3A_1338] {strides = array<i32>} : memref<768xf32, #tpu.memory_space<vmem>>, vector<16xf32>,
      tpu.vector_store %arg13[%swap3A_1338], %scan3A_1314#11 {strides = array<i32>} : memref<768xf32, #tpu.memory_space<vmem>>, vector<16xf32>,
      %swap3A_1340 = arith.constant 192 : index
      %swap3A_1341 = tpu.vector_load %arg13[%swap3A_1340] {strides = array<i32>} : memref<768xf32, #tpu.memory_space<vmem>>, vector<16xf32>,
      tpu.vector_store %arg13[%swap3A_1340], %scan3A_1314#12 {strides = array<i32>} : memref<768xf32, #tpu.memory_space<vmem>>, vector<16xf32>,
      %swap3A_1342 = arith.constant 208 : index
      %swap3A_1343 = tpu.vector_load %arg13[%swap3A_1342] {strides = array<i32>} : memref<768xf32, #tpu.memory_space<vmem>>, vector<16xf32>,
      tpu.vector_store %arg13[%swap3A_1342], %scan3A_1314#13 {strides = array<i32>} : memref<768xf32, #tpu.memory_space<vmem>>, vector<16xf32>,
      %swap3A_1344 = arith.constant 224 : index
      %swap3A_1345 = tpu.vector_load %arg13[%swap3A_1344] {strides = array<i32>} : memref<768xf32, #tpu.memory_space<vmem>>, vector<16xf32>,
      tpu.vector_store %arg13[%swap3A_1344], %scan3A_1314#14 {strides = array<i32>} : memref<768xf32, #tpu.memory_space<vmem>>, vector<16xf32>,
      %swap3A_1346 = arith.constant 240 : index
      %swap3A_1347 = tpu.vector_load %arg13[%swap3A_1346] {strides = array<i32>} : memref<768xf32, #tpu.memory_space<vmem>>, vector<16xf32>,
      tpu.vector_store %arg13[%swap3A_1346], %scan3A_1314#15 {strides = array<i32>} : memref<768xf32, #tpu.memory_space<vmem>>, vector<16xf32>,
      %get3A_1348 = arith.constant 256 : index
      %get3A_1349 = tpu.vector_load %arg11[%get3A_1348] {strides = array<i32>} : memref<768xf32, #tpu.memory_space<vmem>>, vector<16xf32>,
      %get3A_1350 = arith.constant 272 : index
      %get3A_1351 = tpu.vector_load %arg11[%get3A_1350] {strides = array<i32>} : memref<768xf32, #tpu.memory_space<vmem>>, vector<16xf32>,
      %get3A_1352 = arith.constant 288 : index
      %get3A_1353 = tpu.vector_load %arg11[%get3A_1352] {strides = array<i32>} : memref<768xf32, #tpu.memory_space<vmem>>, vector<16xf32>,
      %get3A_1354 = arith.constant 304 : index
      %get3A_1355 = tpu.vector_load %arg11[%get3A_1354] {strides = array<i32>} : memref<768xf32, #tpu.memory_space<vmem>>, vector<16xf32>,
      %get3A_1356 = arith.constant 320 : index
      %get3A_1357 = tpu.vector_load %arg11[%get3A_1356] {strides = array<i32>} : memref<768xf32, #tpu.memory_space<vmem>>, vector<16xf32>,
      %get3A_1358 = arith.constant 336 : index
      %get3A_1359 = tpu.vector_load %arg11[%get3A_1358] {strides = array<i32>} : memref<768xf32, #tpu.memory_space<vmem>>, vector<16xf32>,
      %get3A_1360 = arith.constant 352 : index
      %get3A_1361 = tpu.vector_load %arg11[%get3A_1360] {strides = array<i32>} : memref<768xf32, #tpu.memory_space<vmem>>, vector<16xf32>,
      %get3A_1362 = arith.constant 368 : index
      %get3A_1363 = tpu.vector_load %arg11[%get3A_1362] {strides = array<i32>} : memref<768xf32, #tpu.memory_space<vmem>>, vector<16xf32>,
      %get3A_1364 = arith.constant 384 : index
      %get3A_1365 = tpu.vector_load %arg11[%get3A_1364] {strides = array<i32>} : memref<768xf32, #tpu.memory_space<vmem>>, vector<16xf32>,
      %get3A_1366 = arith.constant 400 : index
      %get3A_1367 = tpu.vector_load %arg11[%get3A_1366] {strides = array<i32>} : memref<768xf32, #tpu.memory_space<vmem>>, vector<16xf32>,
      %get3A_1368 = arith.constant 416 : index
      %get3A_1369 = tpu.vector_load %arg11[%get3A_1368] {strides = array<i32>} : memref<768xf32, #tpu.memory_space<vmem>>, vector<16xf32>,
      %get3A_1370 = arith.constant 432 : index
      %get3A_1371 = tpu.vector_load %arg11[%get3A_1370] {strides = array<i32>} : memref<768xf32, #tpu.memory_space<vmem>>, vector<16xf32>,
      %get3A_1372 = arith.constant 448 : index
      %get3A_1373 = tpu.vector_load %arg11[%get3A_1372] {strides = array<i32>} : memref<768xf32, #tpu.memory_space<vmem>>, vector<16xf32>,
      %get3A_1374 = arith.constant 464 : index
      %get3A_1375 = tpu.vector_load %arg11[%get3A_1374] {strides = array<i32>} : memref<768xf32, #tpu.memory_space<vmem>>, vector<16xf32>,
      %get3A_1376 = arith.constant 480 : index
      %get3A_1377 = tpu.vector_load %arg11[%get3A_1376] {strides = array<i32>} : memref<768xf32, #tpu.memory_space<vmem>>, vector<16xf32>,
      %get3A_1378 = arith.constant 496 : index
      %get3A_1379 = tpu.vector_load %arg11[%get3A_1378] {strides = array<i32>} : memref<768xf32, #tpu.memory_space<vmem>>, vector<16xf32>,
      %scan3A_1380 = arith.constant 1 : i32
      %scan3A_1381 = arith.constant 0 : i32
      %scan3A_1382 = arith.constant 32 : i32
      %scan3A_1383 = arith.addi %scan3A_1381, %scan3A_1382 : i32
      %scan3A_1384 = arith.constant 1 : i32
      %scan3A_1385:16 = scf.for %scan3A_1497 = %scan3A_1381 to %scan3A_1383 step %scan3A_1384 iter_args(%scan3A_1498 = %get3A_1349, %scan3A_1499 = %get3A_1351, %scan3A_1500 = %get3A_1353, %scan3A_1501 = %get3A_1355, %scan3A_1502 = %get3A_1357, %scan3A_1503 = %get3A_1359, %scan3A_1504 = %get3A_1361, %scan3A_1505 = %get3A_1363, %scan3A_1506 = %get3A_1365, %scan3A_1507 = %get3A_1367, %scan3A_1508 = %get3A_1369, %scan3A_1509 = %get3A_1371, %scan3A_1510 = %get3A_1373, %scan3A_1511 = %get3A_1375, %scan3A_1512 = %get3A_1377, %scan3A_1513 = %get3A_1379) -> (vector<16xf32>, vector<16xf32>, vector<16xf32>, vector<16xf32>, vector<16xf32>, vector<16xf32>, vector<16xf32>, vector<16xf32>, vector<16xf32>, vector<16xf32>, vector<16xf32>, vector<16xf32>, vector<16xf32>, vector<16xf32>, vector<16xf32>, vector<16xf32>)  : i32 {
        %get3A_1514 = arith.index_cast %scan3A_1497 : i32 to index
        %get3A_1515 = arith.constant 0 : index
        %get3A_1516 = tpu.vector_load %arg10[%get3A_1514, %get3A_1515] {strides = array<i32>} : memref<32x16xf32, #tpu.memory_space<vmem>>, vector<16xf32>,
        %get3A_1517 = arith.constant 0 : i32
        %get3A_1518 = arith.constant 0 : i32
        %get3A_1519 = tpu.memref_slice %arg9[%scan3A_1380, %get3A_1517, %get3A_1518] : memref<2x32x768xf32, #tpu.memory_space<vmem>> -> memref<1x32x768xf32, #tpu.memory_space<vmem>>
        %get3A_1520 = tpu.memref_squeeze %get3A_1519 : memref<1x32x768xf32, #tpu.memory_space<vmem>> -> memref<32x768xf32, #tpu.memory_space<vmem>>
        %get3A_1521 = arith.index_cast %scan3A_1497 : i32 to index
        %get3A_1522 = arith.constant 256 : index
        %get3A_1523 = tpu.vector_load %get3A_1520[%get3A_1521, %get3A_1522] {strides = array<i32>} : memref<32x768xf32, #tpu.memory_space<vmem>>, vector<16xf32>,
        %mul3A_1524 = arith.mulf %get3A_1516, %get3A_1523 : vector<16xf32>
        %add3A_1525 = arith.addf %scan3A_1498, %mul3A_1524 : vector<16xf32>
        %get3A_1526 = arith.constant 0 : i32
        %get3A_1527 = arith.constant 0 : i32
        %get3A_1528 = tpu.memref_slice %arg9[%scan3A_1380, %get3A_1526, %get3A_1527] : memref<2x32x768xf32, #tpu.memory_space<vmem>> -> memref<1x32x768xf32, #tpu.memory_space<vmem>>
        %get3A_1529 = tpu.memref_squeeze %get3A_1528 : memref<1x32x768xf32, #tpu.memory_space<vmem>> -> memref<32x768xf32, #tpu.memory_space<vmem>>
        %get3A_1530 = arith.index_cast %scan3A_1497 : i32 to index
        %get3A_1531 = arith.constant 272 : index
        %get3A_1532 = tpu.vector_load %get3A_1529[%get3A_1530, %get3A_1531] {strides = array<i32>} : memref<32x768xf32, #tpu.memory_space<vmem>>, vector<16xf32>,
        %mul3A_1533 = arith.mulf %get3A_1516, %get3A_1532 : vector<16xf32>
        %add3A_1534 = arith.addf %scan3A_1499, %mul3A_1533 : vector<16xf32>
        %get3A_1535 = arith.constant 0 : i32
        %get3A_1536 = arith.constant 0 : i32
        %get3A_1537 = tpu.memref_slice %arg9[%scan3A_1380, %get3A_1535, %get3A_1536] : memref<2x32x768xf32, #tpu.memory_space<vmem>> -> memref<1x32x768xf32, #tpu.memory_space<vmem>>
        %get3A_1538 = tpu.memref_squeeze %get3A_1537 : memref<1x32x768xf32, #tpu.memory_space<vmem>> -> memref<32x768xf32, #tpu.memory_space<vmem>>
        %get3A_1539 = arith.index_cast %scan3A_1497 : i32 to index
        %get3A_1540 = arith.constant 288 : index
        %get3A_1541 = tpu.vector_load %get3A_1538[%get3A_1539, %get3A_1540] {strides = array<i32>} : memref<32x768xf32, #tpu.memory_space<vmem>>, vector<16xf32>,
        %mul3A_1542 = arith.mulf %get3A_1516, %get3A_1541 : vector<16xf32>
        %add3A_1543 = arith.addf %scan3A_1500, %mul3A_1542 : vector<16xf32>
        %get3A_1544 = arith.constant 0 : i32
        %get3A_1545 = arith.constant 0 : i32
        %get3A_1546 = tpu.memref_slice %arg9[%scan3A_1380, %get3A_1544, %get3A_1545] : memref<2x32x768xf32, #tpu.memory_space<vmem>> -> memref<1x32x768xf32, #tpu.memory_space<vmem>>
        %get3A_1547 = tpu.memref_squeeze %get3A_1546 : memref<1x32x768xf32, #tpu.memory_space<vmem>> -> memref<32x768xf32, #tpu.memory_space<vmem>>
        %get3A_1548 = arith.index_cast %scan3A_1497 : i32 to index
        %get3A_1549 = arith.constant 304 : index
        %get3A_1550 = tpu.vector_load %get3A_1547[%get3A_1548, %get3A_1549] {strides = array<i32>} : memref<32x768xf32, #tpu.memory_space<vmem>>, vector<16xf32>,
        %mul3A_1551 = arith.mulf %get3A_1516, %get3A_1550 : vector<16xf32>
        %add3A_1552 = arith.addf %scan3A_1501, %mul3A_1551 : vector<16xf32>
        %get3A_1553 = arith.constant 0 : i32
        %get3A_1554 = arith.constant 0 : i32
        %get3A_1555 = tpu.memref_slice %arg9[%scan3A_1380, %get3A_1553, %get3A_1554] : memref<2x32x768xf32, #tpu.memory_space<vmem>> -> memref<1x32x768xf32, #tpu.memory_space<vmem>>
        %get3A_1556 = tpu.memref_squeeze %get3A_1555 : memref<1x32x768xf32, #tpu.memory_space<vmem>> -> memref<32x768xf32, #tpu.memory_space<vmem>>
        %get3A_1557 = arith.index_cast %scan3A_1497 : i32 to index
        %get3A_1558 = arith.constant 320 : index
        %get3A_1559 = tpu.vector_load %get3A_1556[%get3A_1557, %get3A_1558] {strides = array<i32>} : memref<32x768xf32, #tpu.memory_space<vmem>>, vector<16xf32>,
        %mul3A_1560 = arith.mulf %get3A_1516, %get3A_1559 : vector<16xf32>
        %add3A_1561 = arith.addf %scan3A_1502, %mul3A_1560 : vector<16xf32>
        %get3A_1562 = arith.constant 0 : i32
        %get3A_1563 = arith.constant 0 : i32
        %get3A_1564 = tpu.memref_slice %arg9[%scan3A_1380, %get3A_1562, %get3A_1563] : memref<2x32x768xf32, #tpu.memory_space<vmem>> -> memref<1x32x768xf32, #tpu.memory_space<vmem>>
        %get3A_1565 = tpu.memref_squeeze %get3A_1564 : memref<1x32x768xf32, #tpu.memory_space<vmem>> -> memref<32x768xf32, #tpu.memory_space<vmem>>
        %get3A_1566 = arith.index_cast %scan3A_1497 : i32 to index
        %get3A_1567 = arith.constant 336 : index
        %get3A_1568 = tpu.vector_load %get3A_1565[%get3A_1566, %get3A_1567] {strides = array<i32>} : memref<32x768xf32, #tpu.memory_space<vmem>>, vector<16xf32>,
        %mul3A_1569 = arith.mulf %get3A_1516, %get3A_1568 : vector<16xf32>
        %add3A_1570 = arith.addf %scan3A_1503, %mul3A_1569 : vector<16xf32>
        %get3A_1571 = arith.constant 0 : i32
        %get3A_1572 = arith.constant 0 : i32
        %get3A_1573 = tpu.memref_slice %arg9[%scan3A_1380, %get3A_1571, %get3A_1572] : memref<2x32x768xf32, #tpu.memory_space<vmem>> -> memref<1x32x768xf32, #tpu.memory_space<vmem>>
        %get3A_1574 = tpu.memref_squeeze %get3A_1573 : memref<1x32x768xf32, #tpu.memory_space<vmem>> -> memref<32x768xf32, #tpu.memory_space<vmem>>
        %get3A_1575 = arith.index_cast %scan3A_1497 : i32 to index
        %get3A_1576 = arith.constant 352 : index
        %get3A_1577 = tpu.vector_load %get3A_1574[%get3A_1575, %get3A_1576] {strides = array<i32>} : memref<32x768xf32, #tpu.memory_space<vmem>>, vector<16xf32>,
        %mul3A_1578 = arith.mulf %get3A_1516, %get3A_1577 : vector<16xf32>
        %add3A_1579 = arith.addf %scan3A_1504, %mul3A_1578 : vector<16xf32>
        %get3A_1580 = arith.constant 0 : i32
        %get3A_1581 = arith.constant 0 : i32
        %get3A_1582 = tpu.memref_slice %arg9[%scan3A_1380, %get3A_1580, %get3A_1581] : memref<2x32x768xf32, #tpu.memory_space<vmem>> -> memref<1x32x768xf32, #tpu.memory_space<vmem>>
        %get3A_1583 = tpu.memref_squeeze %get3A_1582 : memref<1x32x768xf32, #tpu.memory_space<vmem>> -> memref<32x768xf32, #tpu.memory_space<vmem>>
        %get3A_1584 = arith.index_cast %scan3A_1497 : i32 to index
        %get3A_1585 = arith.constant 368 : index
        %get3A_1586 = tpu.vector_load %get3A_1583[%get3A_1584, %get3A_1585] {strides = array<i32>} : memref<32x768xf32, #tpu.memory_space<vmem>>, vector<16xf32>,
        %mul3A_1587 = arith.mulf %get3A_1516, %get3A_1586 : vector<16xf32>
        %add3A_1588 = arith.addf %scan3A_1505, %mul3A_1587 : vector<16xf32>
        %get3A_1589 = arith.constant 0 : i32
        %get3A_1590 = arith.constant 0 : i32
        %get3A_1591 = tpu.memref_slice %arg9[%scan3A_1380, %get3A_1589, %get3A_1590] : memref<2x32x768xf32, #tpu.memory_space<vmem>> -> memref<1x32x768xf32, #tpu.memory_space<vmem>>
        %get3A_1592 = tpu.memref_squeeze %get3A_1591 : memref<1x32x768xf32, #tpu.memory_space<vmem>> -> memref<32x768xf32, #tpu.memory_space<vmem>>
        %get3A_1593 = arith.index_cast %scan3A_1497 : i32 to index
        %get3A_1594 = arith.constant 384 : index
        %get3A_1595 = tpu.vector_load %get3A_1592[%get3A_1593, %get3A_1594] {strides = array<i32>} : memref<32x768xf32, #tpu.memory_space<vmem>>, vector<16xf32>,
        %mul3A_1596 = arith.mulf %get3A_1516, %get3A_1595 : vector<16xf32>
        %add3A_1597 = arith.addf %scan3A_1506, %mul3A_1596 : vector<16xf32>
        %get3A_1598 = arith.constant 0 : i32
        %get3A_1599 = arith.constant 0 : i32
        %get3A_1600 = tpu.memref_slice %arg9[%scan3A_1380, %get3A_1598, %get3A_1599] : memref<2x32x768xf32, #tpu.memory_space<vmem>> -> memref<1x32x768xf32, #tpu.memory_space<vmem>>
        %get3A_1601 = tpu.memref_squeeze %get3A_1600 : memref<1x32x768xf32, #tpu.memory_space<vmem>> -> memref<32x768xf32, #tpu.memory_space<vmem>>
        %get3A_1602 = arith.index_cast %scan3A_1497 : i32 to index
        %get3A_1603 = arith.constant 400 : index
        %get3A_1604 = tpu.vector_load %get3A_1601[%get3A_1602, %get3A_1603] {strides = array<i32>} : memref<32x768xf32, #tpu.memory_space<vmem>>, vector<16xf32>,
        %mul3A_1605 = arith.mulf %get3A_1516, %get3A_1604 : vector<16xf32>
        %add3A_1606 = arith.addf %scan3A_1507, %mul3A_1605 : vector<16xf32>
        %get3A_1607 = arith.constant 0 : i32
        %get3A_1608 = arith.constant 0 : i32
        %get3A_1609 = tpu.memref_slice %arg9[%scan3A_1380, %get3A_1607, %get3A_1608] : memref<2x32x768xf32, #tpu.memory_space<vmem>> -> memref<1x32x768xf32, #tpu.memory_space<vmem>>
        %get3A_1610 = tpu.memref_squeeze %get3A_1609 : memref<1x32x768xf32, #tpu.memory_space<vmem>> -> memref<32x768xf32, #tpu.memory_space<vmem>>
        %get3A_1611 = arith.index_cast %scan3A_1497 : i32 to index
        %get3A_1612 = arith.constant 416 : index
        %get3A_1613 = tpu.vector_load %get3A_1610[%get3A_1611, %get3A_1612] {strides = array<i32>} : memref<32x768xf32, #tpu.memory_space<vmem>>, vector<16xf32>,
        %mul3A_1614 = arith.mulf %get3A_1516, %get3A_1613 : vector<16xf32>
        %add3A_1615 = arith.addf %scan3A_1508, %mul3A_1614 : vector<16xf32>
        %get3A_1616 = arith.constant 0 : i32
        %get3A_1617 = arith.constant 0 : i32
        %get3A_1618 = tpu.memref_slice %arg9[%scan3A_1380, %get3A_1616, %get3A_1617] : memref<2x32x768xf32, #tpu.memory_space<vmem>> -> memref<1x32x768xf32, #tpu.memory_space<vmem>>
        %get3A_1619 = tpu.memref_squeeze %get3A_1618 : memref<1x32x768xf32, #tpu.memory_space<vmem>> -> memref<32x768xf32, #tpu.memory_space<vmem>>
        %get3A_1620 = arith.index_cast %scan3A_1497 : i32 to index
        %get3A_1621 = arith.constant 432 : index
        %get3A_1622 = tpu.vector_load %get3A_1619[%get3A_1620, %get3A_1621] {strides = array<i32>} : memref<32x768xf32, #tpu.memory_space<vmem>>, vector<16xf32>,
        %mul3A_1623 = arith.mulf %get3A_1516, %get3A_1622 : vector<16xf32>
        %add3A_1624 = arith.addf %scan3A_1509, %mul3A_1623 : vector<16xf32>
        %get3A_1625 = arith.constant 0 : i32
        %get3A_1626 = arith.constant 0 : i32
        %get3A_1627 = tpu.memref_slice %arg9[%scan3A_1380, %get3A_1625, %get3A_1626] : memref<2x32x768xf32, #tpu.memory_space<vmem>> -> memref<1x32x768xf32, #tpu.memory_space<vmem>>
        %get3A_1628 = tpu.memref_squeeze %get3A_1627 : memref<1x32x768xf32, #tpu.memory_space<vmem>> -> memref<32x768xf32, #tpu.memory_space<vmem>>
        %get3A_1629 = arith.index_cast %scan3A_1497 : i32 to index
        %get3A_1630 = arith.constant 448 : index
        %get3A_1631 = tpu.vector_load %get3A_1628[%get3A_1629, %get3A_1630] {strides = array<i32>} : memref<32x768xf32, #tpu.memory_space<vmem>>, vector<16xf32>,
        %mul3A_1632 = arith.mulf %get3A_1516, %get3A_1631 : vector<16xf32>
        %add3A_1633 = arith.addf %scan3A_1510, %mul3A_1632 : vector<16xf32>
        %get3A_1634 = arith.constant 0 : i32
        %get3A_1635 = arith.constant 0 : i32
        %get3A_1636 = tpu.memref_slice %arg9[%scan3A_1380, %get3A_1634, %get3A_1635] : memref<2x32x768xf32, #tpu.memory_space<vmem>> -> memref<1x32x768xf32, #tpu.memory_space<vmem>>
        %get3A_1637 = tpu.memref_squeeze %get3A_1636 : memref<1x32x768xf32, #tpu.memory_space<vmem>> -> memref<32x768xf32, #tpu.memory_space<vmem>>
        %get3A_1638 = arith.index_cast %scan3A_1497 : i32 to index
        %get3A_1639 = arith.constant 464 : index
        %get3A_1640 = tpu.vector_load %get3A_1637[%get3A_1638, %get3A_1639] {strides = array<i32>} : memref<32x768xf32, #tpu.memory_space<vmem>>, vector<16xf32>,
        %mul3A_1641 = arith.mulf %get3A_1516, %get3A_1640 : vector<16xf32>
        %add3A_1642 = arith.addf %scan3A_1511, %mul3A_1641 : vector<16xf32>
        %get3A_1643 = arith.constant 0 : i32
        %get3A_1644 = arith.constant 0 : i32
        %get3A_1645 = tpu.memref_slice %arg9[%scan3A_1380, %get3A_1643, %get3A_1644] : memref<2x32x768xf32, #tpu.memory_space<vmem>> -> memref<1x32x768xf32, #tpu.memory_space<vmem>>
        %get3A_1646 = tpu.memref_squeeze %get3A_1645 : memref<1x32x768xf32, #tpu.memory_space<vmem>> -> memref<32x768xf32, #tpu.memory_space<vmem>>
        %get3A_1647 = arith.index_cast %scan3A_1497 : i32 to index
        %get3A_1648 = arith.constant 480 : index
        %get3A_1649 = tpu.vector_load %get3A_1646[%get3A_1647, %get3A_1648] {strides = array<i32>} : memref<32x768xf32, #tpu.memory_space<vmem>>, vector<16xf32>,
        %mul3A_1650 = arith.mulf %get3A_1516, %get3A_1649 : vector<16xf32>
        %add3A_1651 = arith.addf %scan3A_1512, %mul3A_1650 : vector<16xf32>
        %get3A_1652 = arith.constant 0 : i32
        %get3A_1653 = arith.constant 0 : i32
        %get3A_1654 = tpu.memref_slice %arg9[%scan3A_1380, %get3A_1652, %get3A_1653] : memref<2x32x768xf32, #tpu.memory_space<vmem>> -> memref<1x32x768xf32, #tpu.memory_space<vmem>>
        %get3A_1655 = tpu.memref_squeeze %get3A_1654 : memref<1x32x768xf32, #tpu.memory_space<vmem>> -> memref<32x768xf32, #tpu.memory_space<vmem>>
        %get3A_1656 = arith.index_cast %scan3A_1497 : i32 to index
        %get3A_1657 = arith.constant 496 : index
        %get3A_1658 = tpu.vector_load %get3A_1655[%get3A_1656, %get3A_1657] {strides = array<i32>} : memref<32x768xf32, #tpu.memory_space<vmem>>, vector<16xf32>,
        %mul3A_1659 = arith.mulf %get3A_1516, %get3A_1658 : vector<16xf32>
        %add3A_1660 = arith.addf %scan3A_1513, %mul3A_1659 : vector<16xf32>
        scf.yield %add3A_1525, %add3A_1534, %add3A_1543, %add3A_1552, %add3A_1561, %add3A_1570, %add3A_1579, %add3A_1588, %add3A_1597, %add3A_1606, %add3A_1615, %add3A_1624, %add3A_1633, %add3A_1642, %add3A_1651, %add3A_1660 : vector<16xf32>, vector<16xf32>, vector<16xf32>, vector<16xf32>, vector<16xf32>, vector<16xf32>, vector<16xf32>, vector<16xf32>, vector<16xf32>, vector<16xf32>, vector<16xf32>, vector<16xf32>, vector<16xf32>, vector<16xf32>, vector<16xf32>, vector<16xf32>
      }
      %scan3A_1386 = arith.constant 32 : i32
      %swap3A_1387 = arith.constant 256 : index
      %swap3A_1388 = tpu.vector_load %arg13[%swap3A_1387] {strides = array<i32>} : memref<768xf32, #tpu.memory_space<vmem>>, vector<16xf32>,
      tpu.vector_store %arg13[%swap3A_1387], %scan3A_1385#0 {strides = array<i32>} : memref<768xf32, #tpu.memory_space<vmem>>, vector<16xf32>,
      %swap3A_1389 = arith.constant 272 : index
      %swap3A_1390 = tpu.vector_load %arg13[%swap3A_1389] {strides = array<i32>} : memref<768xf32, #tpu.memory_space<vmem>>, vector<16xf32>,
      tpu.vector_store %arg13[%swap3A_1389], %scan3A_1385#1 {strides = array<i32>} : memref<768xf32, #tpu.memory_space<vmem>>, vector<16xf32>,
      %swap3A_1391 = arith.constant 288 : index
      %swap3A_1392 = tpu.vector_load %arg13[%swap3A_1391] {strides = array<i32>} : memref<768xf32, #tpu.memory_space<vmem>>, vector<16xf32>,
      tpu.vector_store %arg13[%swap3A_1391], %scan3A_1385#2 {strides = array<i32>} : memref<768xf32, #tpu.memory_space<vmem>>, vector<16xf32>,
      %swap3A_1393 = arith.constant 304 : index
      %swap3A_1394 = tpu.vector_load %arg13[%swap3A_1393] {strides = array<i32>} : memref<768xf32, #tpu.memory_space<vmem>>, vector<16xf32>,
      tpu.vector_store %arg13[%swap3A_1393], %scan3A_1385#3 {strides = array<i32>} : memref<768xf32, #tpu.memory_space<vmem>>, vector<16xf32>,
      %swap3A_1395 = arith.constant 320 : index
      %swap3A_1396 = tpu.vector_load %arg13[%swap3A_1395] {strides = array<i32>} : memref<768xf32, #tpu.memory_space<vmem>>, vector<16xf32>,
      tpu.vector_store %arg13[%swap3A_1395], %scan3A_1385#4 {strides = array<i32>} : memref<768xf32, #tpu.memory_space<vmem>>, vector<16xf32>,
      %swap3A_1397 = arith.constant 336 : index
      %swap3A_1398 = tpu.vector_load %arg13[%swap3A_1397] {strides = array<i32>} : memref<768xf32, #tpu.memory_space<vmem>>, vector<16xf32>,
      tpu.vector_store %arg13[%swap3A_1397], %scan3A_1385#5 {strides = array<i32>} : memref<768xf32, #tpu.memory_space<vmem>>, vector<16xf32>,
      %swap3A_1399 = arith.constant 352 : index
      %swap3A_1400 = tpu.vector_load %arg13[%swap3A_1399] {strides = array<i32>} : memref<768xf32, #tpu.memory_space<vmem>>, vector<16xf32>,
      tpu.vector_store %arg13[%swap3A_1399], %scan3A_1385#6 {strides = array<i32>} : memref<768xf32, #tpu.memory_space<vmem>>, vector<16xf32>,
      %swap3A_1401 = arith.constant 368 : index
      %swap3A_1402 = tpu.vector_load %arg13[%swap3A_1401] {strides = array<i32>} : memref<768xf32, #tpu.memory_space<vmem>>, vector<16xf32>,
      tpu.vector_store %arg13[%swap3A_1401], %scan3A_1385#7 {strides = array<i32>} : memref<768xf32, #tpu.memory_space<vmem>>, vector<16xf32>,
      %swap3A_1403 = arith.constant 384 : index
      %swap3A_1404 = tpu.vector_load %arg13[%swap3A_1403] {strides = array<i32>} : memref<768xf32, #tpu.memory_space<vmem>>, vector<16xf32>,
      tpu.vector_store %arg13[%swap3A_1403], %scan3A_1385#8 {strides = array<i32>} : memref<768xf32, #tpu.memory_space<vmem>>, vector<16xf32>,
      %swap3A_1405 = arith.constant 400 : index
      %swap3A_1406 = tpu.vector_load %arg13[%swap3A_1405] {strides = array<i32>} : memref<768xf32, #tpu.memory_space<vmem>>, vector<16xf32>,
      tpu.vector_store %arg13[%swap3A_1405], %scan3A_1385#9 {strides = array<i32>} : memref<768xf32, #tpu.memory_space<vmem>>, vector<16xf32>,
      %swap3A_1407 = arith.constant 416 : index
      %swap3A_1408 = tpu.vector_load %arg13[%swap3A_1407] {strides = array<i32>} : memref<768xf32, #tpu.memory_space<vmem>>, vector<16xf32>,
      tpu.vector_store %arg13[%swap3A_1407], %scan3A_1385#10 {strides = array<i32>} : memref<768xf32, #tpu.memory_space<vmem>>, vector<16xf32>,
      %swap3A_1409 = arith.constant 432 : index
      %swap3A_1410 = tpu.vector_load %arg13[%swap3A_1409] {strides = array<i32>} : memref<768xf32, #tpu.memory_space<vmem>>, vector<16xf32>,
      tpu.vector_store %arg13[%swap3A_1409], %scan3A_1385#11 {strides = array<i32>} : memref<768xf32, #tpu.memory_space<vmem>>, vector<16xf32>,
      %swap3A_1411 = arith.constant 448 : index
      %swap3A_1412 = tpu.vector_load %arg13[%swap3A_1411] {strides = array<i32>} : memref<768xf32, #tpu.memory_space<vmem>>, vector<16xf32>,
      tpu.vector_store %arg13[%swap3A_1411], %scan3A_1385#12 {strides = array<i32>} : memref<768xf32, #tpu.memory_space<vmem>>, vector<16xf32>,
      %swap3A_1413 = arith.constant 464 : index
      %swap3A_1414 = tpu.vector_load %arg13[%swap3A_1413] {strides = array<i32>} : memref<768xf32, #tpu.memory_space<vmem>>, vector<16xf32>,
      tpu.vector_store %arg13[%swap3A_1413], %scan3A_1385#13 {strides = array<i32>} : memref<768xf32, #tpu.memory_space<vmem>>, vector<16xf32>,
      %swap3A_1415 = arith.constant 480 : index
      %swap3A_1416 = tpu.vector_load %arg13[%swap3A_1415] {strides = array<i32>} : memref<768xf32, #tpu.memory_space<vmem>>, vector<16xf32>,
      tpu.vector_store %arg13[%swap3A_1415], %scan3A_1385#14 {strides = array<i32>} : memref<768xf32, #tpu.memory_space<vmem>>, vector<16xf32>,
      %swap3A_1417 = arith.constant 496 : index
      %swap3A_1418 = tpu.vector_load %arg13[%swap3A_1417] {strides = array<i32>} : memref<768xf32, #tpu.memory_space<vmem>>, vector<16xf32>,
      tpu.vector_store %arg13[%swap3A_1417], %scan3A_1385#15 {strides = array<i32>} : memref<768xf32, #tpu.memory_space<vmem>>, vector<16xf32>,
      %get3A_1419 = arith.constant 512 : index
      %get3A_1420 = tpu.vector_load %arg11[%get3A_1419] {strides = array<i32>} : memref<768xf32, #tpu.memory_space<vmem>>, vector<16xf32>,
      %get3A_1421 = arith.constant 528 : index
      %get3A_1422 = tpu.vector_load %arg11[%get3A_1421] {strides = array<i32>} : memref<768xf32, #tpu.memory_space<vmem>>, vector<16xf32>,
      %get3A_1423 = arith.constant 544 : index
      %get3A_1424 = tpu.vector_load %arg11[%get3A_1423] {strides = array<i32>} : memref<768xf32, #tpu.memory_space<vmem>>, vector<16xf32>,
      %get3A_1425 = arith.constant 560 : index
      %get3A_1426 = tpu.vector_load %arg11[%get3A_1425] {strides = array<i32>} : memref<768xf32, #tpu.memory_space<vmem>>, vector<16xf32>,
      %get3A_1427 = arith.constant 576 : index
      %get3A_1428 = tpu.vector_load %arg11[%get3A_1427] {strides = array<i32>} : memref<768xf32, #tpu.memory_space<vmem>>, vector<16xf32>,
      %get3A_1429 = arith.constant 592 : index
      %get3A_1430 = tpu.vector_load %arg11[%get3A_1429] {strides = array<i32>} : memref<768xf32, #tpu.memory_space<vmem>>, vector<16xf32>,
      %get3A_1431 = arith.constant 608 : index
      %get3A_1432 = tpu.vector_load %arg11[%get3A_1431] {strides = array<i32>} : memref<768xf32, #tpu.memory_space<vmem>>, vector<16xf32>,
      %get3A_1433 = arith.constant 624 : index
      %get3A_1434 = tpu.vector_load %arg11[%get3A_1433] {strides = array<i32>} : memref<768xf32, #tpu.memory_space<vmem>>, vector<16xf32>,
      %get3A_1435 = arith.constant 640 : index
      %get3A_1436 = tpu.vector_load %arg11[%get3A_1435] {strides = array<i32>} : memref<768xf32, #tpu.memory_space<vmem>>, vector<16xf32>,
      %get3A_1437 = arith.constant 656 : index
      %get3A_1438 = tpu.vector_load %arg11[%get3A_1437] {strides = array<i32>} : memref<768xf32, #tpu.memory_space<vmem>>, vector<16xf32>,
      %get3A_1439 = arith.constant 672 : index
      %get3A_1440 = tpu.vector_load %arg11[%get3A_1439] {strides = array<i32>} : memref<768xf32, #tpu.memory_space<vmem>>, vector<16xf32>,
      %get3A_1441 = arith.constant 688 : index
      %get3A_1442 = tpu.vector_load %arg11[%get3A_1441] {strides = array<i32>} : memref<768xf32, #tpu.memory_space<vmem>>, vector<16xf32>,
      %get3A_1443 = arith.constant 704 : index
      %get3A_1444 = tpu.vector_load %arg11[%get3A_1443] {strides = array<i32>} : memref<768xf32, #tpu.memory_space<vmem>>, vector<16xf32>,
      %get3A_1445 = arith.constant 720 : index
      %get3A_1446 = tpu.vector_load %arg11[%get3A_1445] {strides = array<i32>} : memref<768xf32, #tpu.memory_space<vmem>>, vector<16xf32>,
      %get3A_1447 = arith.constant 736 : index
      %get3A_1448 = tpu.vector_load %arg11[%get3A_1447] {strides = array<i32>} : memref<768xf32, #tpu.memory_space<vmem>>, vector<16xf32>,
      %get3A_1449 = arith.constant 752 : index
      %get3A_1450 = tpu.vector_load %arg11[%get3A_1449] {strides = array<i32>} : memref<768xf32, #tpu.memory_space<vmem>>, vector<16xf32>,
      %scan3A_1451 = arith.constant 1 : i32
      %scan3A_1452 = arith.constant 0 : i32
      %scan3A_1453 = arith.constant 32 : i32
      %scan3A_1454 = arith.addi %scan3A_1452, %scan3A_1453 : i32
      %scan3A_1455 = arith.constant 1 : i32
      %scan3A_1456:16 = scf.for %scan3A_1497 = %scan3A_1452 to %scan3A_1454 step %scan3A_1455 iter_args(%scan3A_1498 = %get3A_1420, %scan3A_1499 = %get3A_1422, %scan3A_1500 = %get3A_1424, %scan3A_1501 = %get3A_1426, %scan3A_1502 = %get3A_1428, %scan3A_1503 = %get3A_1430, %scan3A_1504 = %get3A_1432, %scan3A_1505 = %get3A_1434, %scan3A_1506 = %get3A_1436, %scan3A_1507 = %get3A_1438, %scan3A_1508 = %get3A_1440, %scan3A_1509 = %get3A_1442, %scan3A_1510 = %get3A_1444, %scan3A_1511 = %get3A_1446, %scan3A_1512 = %get3A_1448, %scan3A_1513 = %get3A_1450) -> (vector<16xf32>, vector<16xf32>, vector<16xf32>, vector<16xf32>, vector<16xf32>, vector<16xf32>, vector<16xf32>, vector<16xf32>, vector<16xf32>, vector<16xf32>, vector<16xf32>, vector<16xf32>, vector<16xf32>, vector<16xf32>, vector<16xf32>, vector<16xf32>)  : i32 {
        %get3A_1514 = arith.index_cast %scan3A_1497 : i32 to index
        %get3A_1515 = arith.constant 0 : index
        %get3A_1516 = tpu.vector_load %arg10[%get3A_1514, %get3A_1515] {strides = array<i32>} : memref<32x16xf32, #tpu.memory_space<vmem>>, vector<16xf32>,
        %get3A_1517 = arith.constant 0 : i32
        %get3A_1518 = arith.constant 0 : i32
        %get3A_1519 = tpu.memref_slice %arg9[%scan3A_1451, %get3A_1517, %get3A_1518] : memref<2x32x768xf32, #tpu.memory_space<vmem>> -> memref<1x32x768xf32, #tpu.memory_space<vmem>>
        %get3A_1520 = tpu.memref_squeeze %get3A_1519 : memref<1x32x768xf32, #tpu.memory_space<vmem>> -> memref<32x768xf32, #tpu.memory_space<vmem>>
        %get3A_1521 = arith.index_cast %scan3A_1497 : i32 to index
        %get3A_1522 = arith.constant 512 : index
        %get3A_1523 = tpu.vector_load %get3A_1520[%get3A_1521, %get3A_1522] {strides = array<i32>} : memref<32x768xf32, #tpu.memory_space<vmem>>, vector<16xf32>,
        %mul3A_1524 = arith.mulf %get3A_1516, %get3A_1523 : vector<16xf32>
        %add3A_1525 = arith.addf %scan3A_1498, %mul3A_1524 : vector<16xf32>
        %get3A_1526 = arith.constant 0 : i32
        %get3A_1527 = arith.constant 0 : i32
        %get3A_1528 = tpu.memref_slice %arg9[%scan3A_1451, %get3A_1526, %get3A_1527] : memref<2x32x768xf32, #tpu.memory_space<vmem>> -> memref<1x32x768xf32, #tpu.memory_space<vmem>>
        %get3A_1529 = tpu.memref_squeeze %get3A_1528 : memref<1x32x768xf32, #tpu.memory_space<vmem>> -> memref<32x768xf32, #tpu.memory_space<vmem>>
        %get3A_1530 = arith.index_cast %scan3A_1497 : i32 to index
        %get3A_1531 = arith.constant 528 : index
        %get3A_1532 = tpu.vector_load %get3A_1529[%get3A_1530, %get3A_1531] {strides = array<i32>} : memref<32x768xf32, #tpu.memory_space<vmem>>, vector<16xf32>,
        %mul3A_1533 = arith.mulf %get3A_1516, %get3A_1532 : vector<16xf32>
        %add3A_1534 = arith.addf %scan3A_1499, %mul3A_1533 : vector<16xf32>
        %get3A_1535 = arith.constant 0 : i32
        %get3A_1536 = arith.constant 0 : i32
        %get3A_1537 = tpu.memref_slice %arg9[%scan3A_1451, %get3A_1535, %get3A_1536] : memref<2x32x768xf32, #tpu.memory_space<vmem>> -> memref<1x32x768xf32, #tpu.memory_space<vmem>>
        %get3A_1538 = tpu.memref_squeeze %get3A_1537 : memref<1x32x768xf32, #tpu.memory_space<vmem>> -> memref<32x768xf32, #tpu.memory_space<vmem>>
        %get3A_1539 = arith.index_cast %scan3A_1497 : i32 to index
        %get3A_1540 = arith.constant 544 : index
        %get3A_1541 = tpu.vector_load %get3A_1538[%get3A_1539, %get3A_1540] {strides = array<i32>} : memref<32x768xf32, #tpu.memory_space<vmem>>, vector<16xf32>,
        %mul3A_1542 = arith.mulf %get3A_1516, %get3A_1541 : vector<16xf32>
        %add3A_1543 = arith.addf %scan3A_1500, %mul3A_1542 : vector<16xf32>
        %get3A_1544 = arith.constant 0 : i32
        %get3A_1545 = arith.constant 0 : i32
        %get3A_1546 = tpu.memref_slice %arg9[%scan3A_1451, %get3A_1544, %get3A_1545] : memref<2x32x768xf32, #tpu.memory_space<vmem>> -> memref<1x32x768xf32, #tpu.memory_space<vmem>>
        %get3A_1547 = tpu.memref_squeeze %get3A_1546 : memref<1x32x768xf32, #tpu.memory_space<vmem>> -> memref<32x768xf32, #tpu.memory_space<vmem>>
        %get3A_1548 = arith.index_cast %scan3A_1497 : i32 to index
        %get3A_1549 = arith.constant 560 : index
        %get3A_1550 = tpu.vector_load %get3A_1547[%get3A_1548, %get3A_1549] {strides = array<i32>} : memref<32x768xf32, #tpu.memory_space<vmem>>, vector<16xf32>,
        %mul3A_1551 = arith.mulf %get3A_1516, %get3A_1550 : vector<16xf32>
        %add3A_1552 = arith.addf %scan3A_1501, %mul3A_1551 : vector<16xf32>
        %get3A_1553 = arith.constant 0 : i32
        %get3A_1554 = arith.constant 0 : i32
        %get3A_1555 = tpu.memref_slice %arg9[%scan3A_1451, %get3A_1553, %get3A_1554] : memref<2x32x768xf32, #tpu.memory_space<vmem>> -> memref<1x32x768xf32, #tpu.memory_space<vmem>>
        %get3A_1556 = tpu.memref_squeeze %get3A_1555 : memref<1x32x768xf32, #tpu.memory_space<vmem>> -> memref<32x768xf32, #tpu.memory_space<vmem>>
        %get3A_1557 = arith.index_cast %scan3A_1497 : i32 to index
        %get3A_1558 = arith.constant 576 : index
        %get3A_1559 = tpu.vector_load %get3A_1556[%get3A_1557, %get3A_1558] {strides = array<i32>} : memref<32x768xf32, #tpu.memory_space<vmem>>, vector<16xf32>,
        %mul3A_1560 = arith.mulf %get3A_1516, %get3A_1559 : vector<16xf32>
        %add3A_1561 = arith.addf %scan3A_1502, %mul3A_1560 : vector<16xf32>
        %get3A_1562 = arith.constant 0 : i32
        %get3A_1563 = arith.constant 0 : i32
        %get3A_1564 = tpu.memref_slice %arg9[%scan3A_1451, %get3A_1562, %get3A_1563] : memref<2x32x768xf32, #tpu.memory_space<vmem>> -> memref<1x32x768xf32, #tpu.memory_space<vmem>>
        %get3A_1565 = tpu.memref_squeeze %get3A_1564 : memref<1x32x768xf32, #tpu.memory_space<vmem>> -> memref<32x768xf32, #tpu.memory_space<vmem>>
        %get3A_1566 = arith.index_cast %scan3A_1497 : i32 to index
        %get3A_1567 = arith.constant 592 : index
        %get3A_1568 = tpu.vector_load %get3A_1565[%get3A_1566, %get3A_1567] {strides = array<i32>} : memref<32x768xf32, #tpu.memory_space<vmem>>, vector<16xf32>,
        %mul3A_1569 = arith.mulf %get3A_1516, %get3A_1568 : vector<16xf32>
        %add3A_1570 = arith.addf %scan3A_1503, %mul3A_1569 : vector<16xf32>
        %get3A_1571 = arith.constant 0 : i32
        %get3A_1572 = arith.constant 0 : i32
        %get3A_1573 = tpu.memref_slice %arg9[%scan3A_1451, %get3A_1571, %get3A_1572] : memref<2x32x768xf32, #tpu.memory_space<vmem>> -> memref<1x32x768xf32, #tpu.memory_space<vmem>>
        %get3A_1574 = tpu.memref_squeeze %get3A_1573 : memref<1x32x768xf32, #tpu.memory_space<vmem>> -> memref<32x768xf32, #tpu.memory_space<vmem>>
        %get3A_1575 = arith.index_cast %scan3A_1497 : i32 to index
        %get3A_1576 = arith.constant 608 : index
        %get3A_1577 = tpu.vector_load %get3A_1574[%get3A_1575, %get3A_1576] {strides = array<i32>} : memref<32x768xf32, #tpu.memory_space<vmem>>, vector<16xf32>,
        %mul3A_1578 = arith.mulf %get3A_1516, %get3A_1577 : vector<16xf32>
        %add3A_1579 = arith.addf %scan3A_1504, %mul3A_1578 : vector<16xf32>
        %get3A_1580 = arith.constant 0 : i32
        %get3A_1581 = arith.constant 0 : i32
        %get3A_1582 = tpu.memref_slice %arg9[%scan3A_1451, %get3A_1580, %get3A_1581] : memref<2x32x768xf32, #tpu.memory_space<vmem>> -> memref<1x32x768xf32, #tpu.memory_space<vmem>>
        %get3A_1583 = tpu.memref_squeeze %get3A_1582 : memref<1x32x768xf32, #tpu.memory_space<vmem>> -> memref<32x768xf32, #tpu.memory_space<vmem>>
        %get3A_1584 = arith.index_cast %scan3A_1497 : i32 to index
        %get3A_1585 = arith.constant 624 : index
        %get3A_1586 = tpu.vector_load %get3A_1583[%get3A_1584, %get3A_1585] {strides = array<i32>} : memref<32x768xf32, #tpu.memory_space<vmem>>, vector<16xf32>,
        %mul3A_1587 = arith.mulf %get3A_1516, %get3A_1586 : vector<16xf32>
        %add3A_1588 = arith.addf %scan3A_1505, %mul3A_1587 : vector<16xf32>
        %get3A_1589 = arith.constant 0 : i32
        %get3A_1590 = arith.constant 0 : i32
        %get3A_1591 = tpu.memref_slice %arg9[%scan3A_1451, %get3A_1589, %get3A_1590] : memref<2x32x768xf32, #tpu.memory_space<vmem>> -> memref<1x32x768xf32, #tpu.memory_space<vmem>>
        %get3A_1592 = tpu.memref_squeeze %get3A_1591 : memref<1x32x768xf32, #tpu.memory_space<vmem>> -> memref<32x768xf32, #tpu.memory_space<vmem>>
        %get3A_1593 = arith.index_cast %scan3A_1497 : i32 to index
        %get3A_1594 = arith.constant 640 : index
        %get3A_1595 = tpu.vector_load %get3A_1592[%get3A_1593, %get3A_1594] {strides = array<i32>} : memref<32x768xf32, #tpu.memory_space<vmem>>, vector<16xf32>,
        %mul3A_1596 = arith.mulf %get3A_1516, %get3A_1595 : vector<16xf32>
        %add3A_1597 = arith.addf %scan3A_1506, %mul3A_1596 : vector<16xf32>
        %get3A_1598 = arith.constant 0 : i32
        %get3A_1599 = arith.constant 0 : i32
        %get3A_1600 = tpu.memref_slice %arg9[%scan3A_1451, %get3A_1598, %get3A_1599] : memref<2x32x768xf32, #tpu.memory_space<vmem>> -> memref<1x32x768xf32, #tpu.memory_space<vmem>>
        %get3A_1601 = tpu.memref_squeeze %get3A_1600 : memref<1x32x768xf32, #tpu.memory_space<vmem>> -> memref<32x768xf32, #tpu.memory_space<vmem>>
        %get3A_1602 = arith.index_cast %scan3A_1497 : i32 to index
        %get3A_1603 = arith.constant 656 : index
        %get3A_1604 = tpu.vector_load %get3A_1601[%get3A_1602, %get3A_1603] {strides = array<i32>} : memref<32x768xf32, #tpu.memory_space<vmem>>, vector<16xf32>,
        %mul3A_1605 = arith.mulf %get3A_1516, %get3A_1604 : vector<16xf32>
        %add3A_1606 = arith.addf %scan3A_1507, %mul3A_1605 : vector<16xf32>
        %get3A_1607 = arith.constant 0 : i32
        %get3A_1608 = arith.constant 0 : i32
        %get3A_1609 = tpu.memref_slice %arg9[%scan3A_1451, %get3A_1607, %get3A_1608] : memref<2x32x768xf32, #tpu.memory_space<vmem>> -> memref<1x32x768xf32, #tpu.memory_space<vmem>>
        %get3A_1610 = tpu.memref_squeeze %get3A_1609 : memref<1x32x768xf32, #tpu.memory_space<vmem>> -> memref<32x768xf32, #tpu.memory_space<vmem>>
        %get3A_1611 = arith.index_cast %scan3A_1497 : i32 to index
        %get3A_1612 = arith.constant 672 : index
        %get3A_1613 = tpu.vector_load %get3A_1610[%get3A_1611, %get3A_1612] {strides = array<i32>} : memref<32x768xf32, #tpu.memory_space<vmem>>, vector<16xf32>,
        %mul3A_1614 = arith.mulf %get3A_1516, %get3A_1613 : vector<16xf32>
        %add3A_1615 = arith.addf %scan3A_1508, %mul3A_1614 : vector<16xf32>
        %get3A_1616 = arith.constant 0 : i32
        %get3A_1617 = arith.constant 0 : i32
        %get3A_1618 = tpu.memref_slice %arg9[%scan3A_1451, %get3A_1616, %get3A_1617] : memref<2x32x768xf32, #tpu.memory_space<vmem>> -> memref<1x32x768xf32, #tpu.memory_space<vmem>>
        %get3A_1619 = tpu.memref_squeeze %get3A_1618 : memref<1x32x768xf32, #tpu.memory_space<vmem>> -> memref<32x768xf32, #tpu.memory_space<vmem>>
        %get3A_1620 = arith.index_cast %scan3A_1497 : i32 to index
        %get3A_1621 = arith.constant 688 : index
        %get3A_1622 = tpu.vector_load %get3A_1619[%get3A_1620, %get3A_1621] {strides = array<i32>} : memref<32x768xf32, #tpu.memory_space<vmem>>, vector<16xf32>,
        %mul3A_1623 = arith.mulf %get3A_1516, %get3A_1622 : vector<16xf32>
        %add3A_1624 = arith.addf %scan3A_1509, %mul3A_1623 : vector<16xf32>
        %get3A_1625 = arith.constant 0 : i32
        %get3A_1626 = arith.constant 0 : i32
        %get3A_1627 = tpu.memref_slice %arg9[%scan3A_1451, %get3A_1625, %get3A_1626] : memref<2x32x768xf32, #tpu.memory_space<vmem>> -> memref<1x32x768xf32, #tpu.memory_space<vmem>>
        %get3A_1628 = tpu.memref_squeeze %get3A_1627 : memref<1x32x768xf32, #tpu.memory_space<vmem>> -> memref<32x768xf32, #tpu.memory_space<vmem>>
        %get3A_1629 = arith.index_cast %scan3A_1497 : i32 to index
        %get3A_1630 = arith.constant 704 : index
        %get3A_1631 = tpu.vector_load %get3A_1628[%get3A_1629, %get3A_1630] {strides = array<i32>} : memref<32x768xf32, #tpu.memory_space<vmem>>, vector<16xf32>,
        %mul3A_1632 = arith.mulf %get3A_1516, %get3A_1631 : vector<16xf32>
        %add3A_1633 = arith.addf %scan3A_1510, %mul3A_1632 : vector<16xf32>
        %get3A_1634 = arith.constant 0 : i32
        %get3A_1635 = arith.constant 0 : i32
        %get3A_1636 = tpu.memref_slice %arg9[%scan3A_1451, %get3A_1634, %get3A_1635] : memref<2x32x768xf32, #tpu.memory_space<vmem>> -> memref<1x32x768xf32, #tpu.memory_space<vmem>>
        %get3A_1637 = tpu.memref_squeeze %get3A_1636 : memref<1x32x768xf32, #tpu.memory_space<vmem>> -> memref<32x768xf32, #tpu.memory_space<vmem>>
        %get3A_1638 = arith.index_cast %scan3A_1497 : i32 to index
        %get3A_1639 = arith.constant 720 : index
        %get3A_1640 = tpu.vector_load %get3A_1637[%get3A_1638, %get3A_1639] {strides = array<i32>} : memref<32x768xf32, #tpu.memory_space<vmem>>, vector<16xf32>,
        %mul3A_1641 = arith.mulf %get3A_1516, %get3A_1640 : vector<16xf32>
        %add3A_1642 = arith.addf %scan3A_1511, %mul3A_1641 : vector<16xf32>
        %get3A_1643 = arith.constant 0 : i32
        %get3A_1644 = arith.constant 0 : i32
        %get3A_1645 = tpu.memref_slice %arg9[%scan3A_1451, %get3A_1643, %get3A_1644] : memref<2x32x768xf32, #tpu.memory_space<vmem>> -> memref<1x32x768xf32, #tpu.memory_space<vmem>>
        %get3A_1646 = tpu.memref_squeeze %get3A_1645 : memref<1x32x768xf32, #tpu.memory_space<vmem>> -> memref<32x768xf32, #tpu.memory_space<vmem>>
        %get3A_1647 = arith.index_cast %scan3A_1497 : i32 to index
        %get3A_1648 = arith.constant 736 : index
        %get3A_1649 = tpu.vector_load %get3A_1646[%get3A_1647, %get3A_1648] {strides = array<i32>} : memref<32x768xf32, #tpu.memory_space<vmem>>, vector<16xf32>,
        %mul3A_1650 = arith.mulf %get3A_1516, %get3A_1649 : vector<16xf32>
        %add3A_1651 = arith.addf %scan3A_1512, %mul3A_1650 : vector<16xf32>
        %get3A_1652 = arith.constant 0 : i32
        %get3A_1653 = arith.constant 0 : i32
        %get3A_1654 = tpu.memref_slice %arg9[%scan3A_1451, %get3A_1652, %get3A_1653] : memref<2x32x768xf32, #tpu.memory_space<vmem>> -> memref<1x32x768xf32, #tpu.memory_space<vmem>>
        %get3A_1655 = tpu.memref_squeeze %get3A_1654 : memref<1x32x768xf32, #tpu.memory_space<vmem>> -> memref<32x768xf32, #tpu.memory_space<vmem>>
        %get3A_1656 = arith.index_cast %scan3A_1497 : i32 to index
        %get3A_1657 = arith.constant 752 : index
        %get3A_1658 = tpu.vector_load %get3A_1655[%get3A_1656, %get3A_1657] {strides = array<i32>} : memref<32x768xf32, #tpu.memory_space<vmem>>, vector<16xf32>,
        %mul3A_1659 = arith.mulf %get3A_1516, %get3A_1658 : vector<16xf32>
        %add3A_1660 = arith.addf %scan3A_1513, %mul3A_1659 : vector<16xf32>
        scf.yield %add3A_1525, %add3A_1534, %add3A_1543, %add3A_1552, %add3A_1561, %add3A_1570, %add3A_1579, %add3A_1588, %add3A_1597, %add3A_1606, %add3A_1615, %add3A_1624, %add3A_1633, %add3A_1642, %add3A_1651, %add3A_1660 : vector<16xf32>, vector<16xf32>, vector<16xf32>, vector<16xf32>, vector<16xf32>, vector<16xf32>, vector<16xf32>, vector<16xf32>, vector<16xf32>, vector<16xf32>, vector<16xf32>, vector<16xf32>, vector<16xf32>, vector<16xf32>, vector<16xf32>, vector<16xf32>
      }
      %scan3A_1457 = arith.constant 32 : i32
      %swap3A_1458 = arith.constant 512 : index
      %swap3A_1459 = tpu.vector_load %arg13[%swap3A_1458] {strides = array<i32>} : memref<768xf32, #tpu.memory_space<vmem>>, vector<16xf32>,
      tpu.vector_store %arg13[%swap3A_1458], %scan3A_1456#0 {strides = array<i32>} : memref<768xf32, #tpu.memory_space<vmem>>, vector<16xf32>,
      %swap3A_1460 = arith.constant 528 : index
      %swap3A_1461 = tpu.vector_load %arg13[%swap3A_1460] {strides = array<i32>} : memref<768xf32, #tpu.memory_space<vmem>>, vector<16xf32>,
      tpu.vector_store %arg13[%swap3A_1460], %scan3A_1456#1 {strides = array<i32>} : memref<768xf32, #tpu.memory_space<vmem>>, vector<16xf32>,
      %swap3A_1462 = arith.constant 544 : index
      %swap3A_1463 = tpu.vector_load %arg13[%swap3A_1462] {strides = array<i32>} : memref<768xf32, #tpu.memory_space<vmem>>, vector<16xf32>,
      tpu.vector_store %arg13[%swap3A_1462], %scan3A_1456#2 {strides = array<i32>} : memref<768xf32, #tpu.memory_space<vmem>>, vector<16xf32>,
      %swap3A_1464 = arith.constant 560 : index
      %swap3A_1465 = tpu.vector_load %arg13[%swap3A_1464] {strides = array<i32>} : memref<768xf32, #tpu.memory_space<vmem>>, vector<16xf32>,
      tpu.vector_store %arg13[%swap3A_1464], %scan3A_1456#3 {strides = array<i32>} : memref<768xf32, #tpu.memory_space<vmem>>, vector<16xf32>,
      %swap3A_1466 = arith.constant 576 : index
      %swap3A_1467 = tpu.vector_load %arg13[%swap3A_1466] {strides = array<i32>} : memref<768xf32, #tpu.memory_space<vmem>>, vector<16xf32>,
      tpu.vector_store %arg13[%swap3A_1466], %scan3A_1456#4 {strides = array<i32>} : memref<768xf32, #tpu.memory_space<vmem>>, vector<16xf32>,
      %swap3A_1468 = arith.constant 592 : index
      %swap3A_1469 = tpu.vector_load %arg13[%swap3A_1468] {strides = array<i32>} : memref<768xf32, #tpu.memory_space<vmem>>, vector<16xf32>,
      tpu.vector_store %arg13[%swap3A_1468], %scan3A_1456#5 {strides = array<i32>} : memref<768xf32, #tpu.memory_space<vmem>>, vector<16xf32>,
      %swap3A_1470 = arith.constant 608 : index
      %swap3A_1471 = tpu.vector_load %arg13[%swap3A_1470] {strides = array<i32>} : memref<768xf32, #tpu.memory_space<vmem>>, vector<16xf32>,
      tpu.vector_store %arg13[%swap3A_1470], %scan3A_1456#6 {strides = array<i32>} : memref<768xf32, #tpu.memory_space<vmem>>, vector<16xf32>,
      %swap3A_1472 = arith.constant 624 : index
      %swap3A_1473 = tpu.vector_load %arg13[%swap3A_1472] {strides = array<i32>} : memref<768xf32, #tpu.memory_space<vmem>>, vector<16xf32>,
      tpu.vector_store %arg13[%swap3A_1472], %scan3A_1456#7 {strides = array<i32>} : memref<768xf32, #tpu.memory_space<vmem>>, vector<16xf32>,
      %swap3A_1474 = arith.constant 640 : index
      %swap3A_1475 = tpu.vector_load %arg13[%swap3A_1474] {strides = array<i32>} : memref<768xf32, #tpu.memory_space<vmem>>, vector<16xf32>,
      tpu.vector_store %arg13[%swap3A_1474], %scan3A_1456#8 {strides = array<i32>} : memref<768xf32, #tpu.memory_space<vmem>>, vector<16xf32>,
      %swap3A_1476 = arith.constant 656 : index
      %swap3A_1477 = tpu.vector_load %arg13[%swap3A_1476] {strides = array<i32>} : memref<768xf32, #tpu.memory_space<vmem>>, vector<16xf32>,
      tpu.vector_store %arg13[%swap3A_1476], %scan3A_1456#9 {strides = array<i32>} : memref<768xf32, #tpu.memory_space<vmem>>, vector<16xf32>,
      %swap3A_1478 = arith.constant 672 : index
      %swap3A_1479 = tpu.vector_load %arg13[%swap3A_1478] {strides = array<i32>} : memref<768xf32, #tpu.memory_space<vmem>>, vector<16xf32>,
      tpu.vector_store %arg13[%swap3A_1478], %scan3A_1456#10 {strides = array<i32>} : memref<768xf32, #tpu.memory_space<vmem>>, vector<16xf32>,
      %swap3A_1480 = arith.constant 688 : index
      %swap3A_1481 = tpu.vector_load %arg13[%swap3A_1480] {strides = array<i32>} : memref<768xf32, #tpu.memory_space<vmem>>, vector<16xf32>,
      tpu.vector_store %arg13[%swap3A_1480], %scan3A_1456#11 {strides = array<i32>} : memref<768xf32, #tpu.memory_space<vmem>>, vector<16xf32>,
      %swap3A_1482 = arith.constant 704 : index
      %swap3A_1483 = tpu.vector_load %arg13[%swap3A_1482] {strides = array<i32>} : memref<768xf32, #tpu.memory_space<vmem>>, vector<16xf32>,
      tpu.vector_store %arg13[%swap3A_1482], %scan3A_1456#12 {strides = array<i32>} : memref<768xf32, #tpu.memory_space<vmem>>, vector<16xf32>,
      %swap3A_1484 = arith.constant 720 : index
      %swap3A_1485 = tpu.vector_load %arg13[%swap3A_1484] {strides = array<i32>} : memref<768xf32, #tpu.memory_space<vmem>>, vector<16xf32>,
      tpu.vector_store %arg13[%swap3A_1484], %scan3A_1456#13 {strides = array<i32>} : memref<768xf32, #tpu.memory_space<vmem>>, vector<16xf32>,
      %swap3A_1486 = arith.constant 736 : index
      %swap3A_1487 = tpu.vector_load %arg13[%swap3A_1486] {strides = array<i32>} : memref<768xf32, #tpu.memory_space<vmem>>, vector<16xf32>,
      tpu.vector_store %arg13[%swap3A_1486], %scan3A_1456#14 {strides = array<i32>} : memref<768xf32, #tpu.memory_space<vmem>>, vector<16xf32>,
      %swap3A_1488 = arith.constant 752 : index
      %swap3A_1489 = tpu.vector_load %arg13[%swap3A_1488] {strides = array<i32>} : memref<768xf32, #tpu.memory_space<vmem>>, vector<16xf32>,
      tpu.vector_store %arg13[%swap3A_1488], %scan3A_1456#15 {strides = array<i32>} : memref<768xf32, #tpu.memory_space<vmem>>, vector<16xf32>,
      %add3A_1490 = arith.addi %mul3A_2, %add3A_767 : i32
      %dma_start3A_1491 = arith.constant 0 : i32
      %dma_start3A_1492 = tpu.memref_slice %arg6[%add3A_1490, %dma_start3A_1491] : memref<4096x768xf32, #tpu.memory_space<hbm>> -> memref<1x768xf32, #tpu.memory_space<hbm>>
      %dma_start3A_1493 = tpu.memref_squeeze %dma_start3A_1492 : memref<1x768xf32, #tpu.memory_space<hbm>> -> memref<768xf32, #tpu.memory_space<hbm>>
      %dma_start3A_1494 = arith.constant 0 : i32
      %dma_start3A_1495 = tpu.memref_slice %arg6[%add3A_1490, %dma_start3A_1494] : memref<4096x768xf32, #tpu.memory_space<hbm>> -> memref<1x768xf32, #tpu.memory_space<hbm>>
      %dma_start3A_1496 = tpu.memref_squeeze %dma_start3A_1495 : memref<1x768xf32, #tpu.memory_space<hbm>> -> memref<768xf32, #tpu.memory_space<hbm>>
      tpu.enqueue_dma source(%arg13 : memref<768xf32, #tpu.memory_space<vmem>>) target(%dma_start3A_1496 : memref<768xf32, #tpu.memory_space<hbm>>) target_semaphore(%arg17 : memref<!tpu.dma_semaphore, #tpu.memory_space<semaphore_mem>>)
    }
    %scan3A_18 = arith.constant 64 : i32
    %add3A_19 = arith.constant 128 : i32
    %add3A_20 = arith.addi %mul3A_2, %add3A_19 : i32
    %sub3A = arith.constant 2 : i32
    %sub3A_21 = arith.subi %add3A_20, %sub3A : i32
    %add3A_22 = arith.constant 0 : i32
    %add3A_23 = arith.addi %sub3A_21, %add3A_22 : i32
    %dma_wait3A = arith.constant 0 : i32
    %dma_wait3A_24 = tpu.memref_slice %arg6[%add3A_23, %dma_wait3A] : memref<4096x768xf32, #tpu.memory_space<hbm>> -> memref<1x768xf32, #tpu.memory_space<hbm>>
    %dma_wait3A_25 = tpu.memref_squeeze %dma_wait3A_24 : memref<1x768xf32, #tpu.memory_space<hbm>> -> memref<768xf32, #tpu.memory_space<hbm>>
    %dma_wait3A_26 = arith.constant 0 : i32
    %dma_wait3A_27 = tpu.memref_slice %arg6[%add3A_23, %dma_wait3A_26] : memref<4096x768xf32, #tpu.memory_space<hbm>> -> memref<1x768xf32, #tpu.memory_space<hbm>>
    %dma_wait3A_28 = tpu.memref_squeeze %dma_wait3A_27 : memref<1x768xf32, #tpu.memory_space<hbm>> -> memref<768xf32, #tpu.memory_space<hbm>>
    tpu.wait_dma2 semaphore(%arg16 : memref<!tpu.dma_semaphore, #tpu.memory_space<semaphore_mem>>) src(%arg12 : memref<768xf32, #tpu.memory_space<vmem>>) dst(%dma_wait3A_28 : memref<768xf32, #tpu.memory_space<hbm>>)
    %add3A_29 = arith.constant 128 : i32
    %add3A_30 = arith.addi %mul3A_2, %add3A_29 : i32
    %sub3A_31 = arith.constant 2 : i32
    %sub3A_32 = arith.subi %add3A_30, %sub3A_31 : i32
    %add3A_33 = arith.constant 1 : i32
    %add3A_34 = arith.addi %sub3A_32, %add3A_33 : i32
    %dma_wait3A_35 = arith.constant 0 : i32
    %dma_wait3A_36 = tpu.memref_slice %arg6[%add3A_34, %dma_wait3A_35] : memref<4096x768xf32, #tpu.memory_space<hbm>> -> memref<1x768xf32, #tpu.memory_space<hbm>>
    %dma_wait3A_37 = tpu.memref_squeeze %dma_wait3A_36 : memref<1x768xf32, #tpu.memory_space<hbm>> -> memref<768xf32, #tpu.memory_space<hbm>>
    %dma_wait3A_38 = arith.constant 0 : i32
    %dma_wait3A_39 = tpu.memref_slice %arg6[%add3A_34, %dma_wait3A_38] : memref<4096x768xf32, #tpu.memory_space<hbm>> -> memref<1x768xf32, #tpu.memory_space<hbm>>
    %dma_wait3A_40 = tpu.memref_squeeze %dma_wait3A_39 : memref<1x768xf32, #tpu.memory_space<hbm>> -> memref<768xf32, #tpu.memory_space<hbm>>
    tpu.wait_dma2 semaphore(%arg17 : memref<!tpu.dma_semaphore, #tpu.memory_space<semaphore_mem>>) src(%arg13 : memref<768xf32, #tpu.memory_space<vmem>>) dst(%dma_wait3A_40 : memref<768xf32, #tpu.memory_space<hbm>>)
    return
  }
}

module attributes {stable_mosaic.version = 14 : i64} {
  func.func @_encode_topk_kernel(%arg0: i32, %arg1: memref<256x768xf32, #tpu.memory_space<vmem>>, %arg2: memref<12288x768xf32, #tpu.memory_space<vmem>>, %arg3: memref<1x12288xf32, #tpu.memory_space<vmem>>, %arg4: memref<1x768xf32, #tpu.memory_space<vmem>>, %arg5: memref<256x32xf32, #tpu.memory_space<vmem>>, %arg6: memref<256x32xi32, #tpu.memory_space<vmem>>, %arg7: memref<256x12288xf32, #tpu.memory_space<vmem>>) attributes {dimension_semantics = [#tpu.dimension_semantics<arbitrary>], iteration_bounds = array<i64: 16>, scalar_prefetch = 0 : i64, scratch_operands = 1 : i64, tpu.core_type = #tpu.core_type<tc>, window_params = [{transform_indices = @transform_0, window_bounds = array<i64: 256, 768>}, {pipeline_mode = #tpu.pipeline_mode<synchronous>, transform_indices = @transform_1, window_bounds = array<i64: 12288, 768>}, {pipeline_mode = #tpu.pipeline_mode<synchronous>, transform_indices = @transform_2, window_bounds = array<i64: 1, 12288>}, {pipeline_mode = #tpu.pipeline_mode<synchronous>, transform_indices = @transform_3, window_bounds = array<i64: 1, 768>}, {transform_indices = @transform_4, window_bounds = array<i64: 256, 32>}, {transform_indices = @transform_5, window_bounds = array<i64: 256, 32>}]} {
    %get3A = arith.constant 0 : index
    %get3A_0 = arith.constant 0 : index
    %get3A_1 = vector.load %arg1[%get3A, %get3A_0] : memref<256x768xf32, #tpu.memory_space<vmem>>, vector<256x768xf32>
    %get3A_2 = arith.constant 0 : index
    %get3A_3 = arith.constant 0 : index
    %get3A_4 = vector.load %arg4[%get3A_2, %get3A_3] : memref<1x768xf32, #tpu.memory_space<vmem>>, vector<1x768xf32>
    %sub3A = vector.broadcast %get3A_4 : vector<1x768xf32> to vector<256x768xf32>
    %sub3A_5 = arith.subf %get3A_1, %sub3A : vector<256x768xf32>
    %get3A_6 = arith.constant 0 : index
    %get3A_7 = arith.constant 0 : index
    %get3A_8 = vector.load %arg2[%get3A_6, %get3A_7] : memref<12288x768xf32, #tpu.memory_space<vmem>>, vector<1536x768xf32>
    %dot_general3A = arith.constant dense<0.000000e+00> : vector<256x1536xf32>
    %dot_general3A_9 = tpu.matmul %sub3A_5, %get3A_8, %dot_general3A {dimension_numbers = #tpu.dot_dimension_numbers<[1], [1], [0], [0], [0, 0, 1, 0], [], []>, transpose_lhs_hint = false} : vector<256x768xf32>, vector<1536x768xf32>, vector<256x1536xf32> -> vector<256x1536xf32>
    %get3A_10 = arith.constant 0 : index
    %get3A_11 = arith.constant 0 : index
    %get3A_12 = vector.load %arg3[%get3A_10, %get3A_11] : memref<1x12288xf32, #tpu.memory_space<vmem>>, vector<1x1536xf32>
    %get3A_13 = vector.shape_cast %get3A_12 : vector<1x1536xf32> to vector<1536xf32>
    %broadcast_in_dim3A = vector.shape_cast %get3A_13 : vector<1536xf32> to vector<1x1536xf32>
    %add3A = vector.broadcast %broadcast_in_dim3A : vector<1x1536xf32> to vector<256x1536xf32>
    %add3A_14 = arith.addf %dot_general3A_9, %add3A : vector<256x1536xf32>
    %max3A = arith.constant 0.000000e+00 : f32
    %max3A_15 = vector.broadcast %max3A : f32 to vector<256x1536xf32>
    %max3A_16 = arith.maximumf %add3A_14, %max3A_15 : vector<256x1536xf32>
    %swap3A = arith.constant 0 : index
    %swap3A_17 = arith.constant 0 : index
    %swap3A_18 = vector.load %arg7[%swap3A, %swap3A_17] : memref<256x12288xf32, #tpu.memory_space<vmem>>, vector<256x1536xf32>
    tpu.vector_store %arg7[%swap3A, %swap3A_17], %max3A_16 {strides = array<i32>} : memref<256x12288xf32, #tpu.memory_space<vmem>>, vector<256x1536xf32>,
    %get3A_19 = arith.constant 1536 : index
    %get3A_20 = arith.constant 0 : index
    %get3A_21 = vector.load %arg2[%get3A_19, %get3A_20] : memref<12288x768xf32, #tpu.memory_space<vmem>>, vector<1536x768xf32>
    %dot_general3A_22 = arith.constant dense<0.000000e+00> : vector<256x1536xf32>
    %dot_general3A_23 = tpu.matmul %sub3A_5, %get3A_21, %dot_general3A_22 {dimension_numbers = #tpu.dot_dimension_numbers<[1], [1], [0], [0], [0, 0, 1, 0], [], []>, transpose_lhs_hint = false} : vector<256x768xf32>, vector<1536x768xf32>, vector<256x1536xf32> -> vector<256x1536xf32>
    %get3A_24 = arith.constant 0 : index
    %get3A_25 = arith.constant 1536 : index
    %get3A_26 = vector.load %arg3[%get3A_24, %get3A_25] : memref<1x12288xf32, #tpu.memory_space<vmem>>, vector<1x1536xf32>
    %get3A_27 = vector.shape_cast %get3A_26 : vector<1x1536xf32> to vector<1536xf32>
    %broadcast_in_dim3A_28 = vector.shape_cast %get3A_27 : vector<1536xf32> to vector<1x1536xf32>
    %add3A_29 = vector.broadcast %broadcast_in_dim3A_28 : vector<1x1536xf32> to vector<256x1536xf32>
    %add3A_30 = arith.addf %dot_general3A_23, %add3A_29 : vector<256x1536xf32>
    %max3A_31 = arith.constant 0.000000e+00 : f32
    %max3A_32 = vector.broadcast %max3A_31 : f32 to vector<256x1536xf32>
    %max3A_33 = arith.maximumf %add3A_30, %max3A_32 : vector<256x1536xf32>
    %swap3A_34 = arith.constant 0 : index
    %swap3A_35 = arith.constant 1536 : index
    %swap3A_36 = vector.load %arg7[%swap3A_34, %swap3A_35] : memref<256x12288xf32, #tpu.memory_space<vmem>>, vector<256x1536xf32>
    tpu.vector_store %arg7[%swap3A_34, %swap3A_35], %max3A_33 {strides = array<i32>} : memref<256x12288xf32, #tpu.memory_space<vmem>>, vector<256x1536xf32>,
    %get3A_37 = arith.constant 3072 : index
    %get3A_38 = arith.constant 0 : index
    %get3A_39 = vector.load %arg2[%get3A_37, %get3A_38] : memref<12288x768xf32, #tpu.memory_space<vmem>>, vector<1536x768xf32>
    %dot_general3A_40 = arith.constant dense<0.000000e+00> : vector<256x1536xf32>
    %dot_general3A_41 = tpu.matmul %sub3A_5, %get3A_39, %dot_general3A_40 {dimension_numbers = #tpu.dot_dimension_numbers<[1], [1], [0], [0], [0, 0, 1, 0], [], []>, transpose_lhs_hint = false} : vector<256x768xf32>, vector<1536x768xf32>, vector<256x1536xf32> -> vector<256x1536xf32>
    %get3A_42 = arith.constant 0 : index
    %get3A_43 = arith.constant 3072 : index
    %get3A_44 = vector.load %arg3[%get3A_42, %get3A_43] : memref<1x12288xf32, #tpu.memory_space<vmem>>, vector<1x1536xf32>
    %get3A_45 = vector.shape_cast %get3A_44 : vector<1x1536xf32> to vector<1536xf32>
    %broadcast_in_dim3A_46 = vector.shape_cast %get3A_45 : vector<1536xf32> to vector<1x1536xf32>
    %add3A_47 = vector.broadcast %broadcast_in_dim3A_46 : vector<1x1536xf32> to vector<256x1536xf32>
    %add3A_48 = arith.addf %dot_general3A_41, %add3A_47 : vector<256x1536xf32>
    %max3A_49 = arith.constant 0.000000e+00 : f32
    %max3A_50 = vector.broadcast %max3A_49 : f32 to vector<256x1536xf32>
    %max3A_51 = arith.maximumf %add3A_48, %max3A_50 : vector<256x1536xf32>
    %swap3A_52 = arith.constant 0 : index
    %swap3A_53 = arith.constant 3072 : index
    %swap3A_54 = vector.load %arg7[%swap3A_52, %swap3A_53] : memref<256x12288xf32, #tpu.memory_space<vmem>>, vector<256x1536xf32>
    tpu.vector_store %arg7[%swap3A_52, %swap3A_53], %max3A_51 {strides = array<i32>} : memref<256x12288xf32, #tpu.memory_space<vmem>>, vector<256x1536xf32>,
    %get3A_55 = arith.constant 4608 : index
    %get3A_56 = arith.constant 0 : index
    %get3A_57 = vector.load %arg2[%get3A_55, %get3A_56] : memref<12288x768xf32, #tpu.memory_space<vmem>>, vector<1536x768xf32>
    %dot_general3A_58 = arith.constant dense<0.000000e+00> : vector<256x1536xf32>
    %dot_general3A_59 = tpu.matmul %sub3A_5, %get3A_57, %dot_general3A_58 {dimension_numbers = #tpu.dot_dimension_numbers<[1], [1], [0], [0], [0, 0, 1, 0], [], []>, transpose_lhs_hint = false} : vector<256x768xf32>, vector<1536x768xf32>, vector<256x1536xf32> -> vector<256x1536xf32>
    %get3A_60 = arith.constant 0 : index
    %get3A_61 = arith.constant 4608 : index
    %get3A_62 = vector.load %arg3[%get3A_60, %get3A_61] : memref<1x12288xf32, #tpu.memory_space<vmem>>, vector<1x1536xf32>
    %get3A_63 = vector.shape_cast %get3A_62 : vector<1x1536xf32> to vector<1536xf32>
    %broadcast_in_dim3A_64 = vector.shape_cast %get3A_63 : vector<1536xf32> to vector<1x1536xf32>
    %add3A_65 = vector.broadcast %broadcast_in_dim3A_64 : vector<1x1536xf32> to vector<256x1536xf32>
    %add3A_66 = arith.addf %dot_general3A_59, %add3A_65 : vector<256x1536xf32>
    %max3A_67 = arith.constant 0.000000e+00 : f32
    %max3A_68 = vector.broadcast %max3A_67 : f32 to vector<256x1536xf32>
    %max3A_69 = arith.maximumf %add3A_66, %max3A_68 : vector<256x1536xf32>
    %swap3A_70 = arith.constant 0 : index
    %swap3A_71 = arith.constant 4608 : index
    %swap3A_72 = vector.load %arg7[%swap3A_70, %swap3A_71] : memref<256x12288xf32, #tpu.memory_space<vmem>>, vector<256x1536xf32>
    tpu.vector_store %arg7[%swap3A_70, %swap3A_71], %max3A_69 {strides = array<i32>} : memref<256x12288xf32, #tpu.memory_space<vmem>>, vector<256x1536xf32>,
    %get3A_73 = arith.constant 6144 : index
    %get3A_74 = arith.constant 0 : index
    %get3A_75 = vector.load %arg2[%get3A_73, %get3A_74] : memref<12288x768xf32, #tpu.memory_space<vmem>>, vector<1536x768xf32>
    %dot_general3A_76 = arith.constant dense<0.000000e+00> : vector<256x1536xf32>
    %dot_general3A_77 = tpu.matmul %sub3A_5, %get3A_75, %dot_general3A_76 {dimension_numbers = #tpu.dot_dimension_numbers<[1], [1], [0], [0], [0, 0, 1, 0], [], []>, transpose_lhs_hint = false} : vector<256x768xf32>, vector<1536x768xf32>, vector<256x1536xf32> -> vector<256x1536xf32>
    %get3A_78 = arith.constant 0 : index
    %get3A_79 = arith.constant 6144 : index
    %get3A_80 = vector.load %arg3[%get3A_78, %get3A_79] : memref<1x12288xf32, #tpu.memory_space<vmem>>, vector<1x1536xf32>
    %get3A_81 = vector.shape_cast %get3A_80 : vector<1x1536xf32> to vector<1536xf32>
    %broadcast_in_dim3A_82 = vector.shape_cast %get3A_81 : vector<1536xf32> to vector<1x1536xf32>
    %add3A_83 = vector.broadcast %broadcast_in_dim3A_82 : vector<1x1536xf32> to vector<256x1536xf32>
    %add3A_84 = arith.addf %dot_general3A_77, %add3A_83 : vector<256x1536xf32>
    %max3A_85 = arith.constant 0.000000e+00 : f32
    %max3A_86 = vector.broadcast %max3A_85 : f32 to vector<256x1536xf32>
    %max3A_87 = arith.maximumf %add3A_84, %max3A_86 : vector<256x1536xf32>
    %swap3A_88 = arith.constant 0 : index
    %swap3A_89 = arith.constant 6144 : index
    %swap3A_90 = vector.load %arg7[%swap3A_88, %swap3A_89] : memref<256x12288xf32, #tpu.memory_space<vmem>>, vector<256x1536xf32>
    tpu.vector_store %arg7[%swap3A_88, %swap3A_89], %max3A_87 {strides = array<i32>} : memref<256x12288xf32, #tpu.memory_space<vmem>>, vector<256x1536xf32>,
    %get3A_91 = arith.constant 7680 : index
    %get3A_92 = arith.constant 0 : index
    %get3A_93 = vector.load %arg2[%get3A_91, %get3A_92] : memref<12288x768xf32, #tpu.memory_space<vmem>>, vector<1536x768xf32>
    %dot_general3A_94 = arith.constant dense<0.000000e+00> : vector<256x1536xf32>
    %dot_general3A_95 = tpu.matmul %sub3A_5, %get3A_93, %dot_general3A_94 {dimension_numbers = #tpu.dot_dimension_numbers<[1], [1], [0], [0], [0, 0, 1, 0], [], []>, transpose_lhs_hint = false} : vector<256x768xf32>, vector<1536x768xf32>, vector<256x1536xf32> -> vector<256x1536xf32>
    %get3A_96 = arith.constant 0 : index
    %get3A_97 = arith.constant 7680 : index
    %get3A_98 = vector.load %arg3[%get3A_96, %get3A_97] : memref<1x12288xf32, #tpu.memory_space<vmem>>, vector<1x1536xf32>
    %get3A_99 = vector.shape_cast %get3A_98 : vector<1x1536xf32> to vector<1536xf32>
    %broadcast_in_dim3A_100 = vector.shape_cast %get3A_99 : vector<1536xf32> to vector<1x1536xf32>
    %add3A_101 = vector.broadcast %broadcast_in_dim3A_100 : vector<1x1536xf32> to vector<256x1536xf32>
    %add3A_102 = arith.addf %dot_general3A_95, %add3A_101 : vector<256x1536xf32>
    %max3A_103 = arith.constant 0.000000e+00 : f32
    %max3A_104 = vector.broadcast %max3A_103 : f32 to vector<256x1536xf32>
    %max3A_105 = arith.maximumf %add3A_102, %max3A_104 : vector<256x1536xf32>
    %swap3A_106 = arith.constant 0 : index
    %swap3A_107 = arith.constant 7680 : index
    %swap3A_108 = vector.load %arg7[%swap3A_106, %swap3A_107] : memref<256x12288xf32, #tpu.memory_space<vmem>>, vector<256x1536xf32>
    tpu.vector_store %arg7[%swap3A_106, %swap3A_107], %max3A_105 {strides = array<i32>} : memref<256x12288xf32, #tpu.memory_space<vmem>>, vector<256x1536xf32>,
    %get3A_109 = arith.constant 9216 : index
    %get3A_110 = arith.constant 0 : index
    %get3A_111 = vector.load %arg2[%get3A_109, %get3A_110] : memref<12288x768xf32, #tpu.memory_space<vmem>>, vector<1536x768xf32>
    %dot_general3A_112 = arith.constant dense<0.000000e+00> : vector<256x1536xf32>
    %dot_general3A_113 = tpu.matmul %sub3A_5, %get3A_111, %dot_general3A_112 {dimension_numbers = #tpu.dot_dimension_numbers<[1], [1], [0], [0], [0, 0, 1, 0], [], []>, transpose_lhs_hint = false} : vector<256x768xf32>, vector<1536x768xf32>, vector<256x1536xf32> -> vector<256x1536xf32>
    %get3A_114 = arith.constant 0 : index
    %get3A_115 = arith.constant 9216 : index
    %get3A_116 = vector.load %arg3[%get3A_114, %get3A_115] : memref<1x12288xf32, #tpu.memory_space<vmem>>, vector<1x1536xf32>
    %get3A_117 = vector.shape_cast %get3A_116 : vector<1x1536xf32> to vector<1536xf32>
    %broadcast_in_dim3A_118 = vector.shape_cast %get3A_117 : vector<1536xf32> to vector<1x1536xf32>
    %add3A_119 = vector.broadcast %broadcast_in_dim3A_118 : vector<1x1536xf32> to vector<256x1536xf32>
    %add3A_120 = arith.addf %dot_general3A_113, %add3A_119 : vector<256x1536xf32>
    %max3A_121 = arith.constant 0.000000e+00 : f32
    %max3A_122 = vector.broadcast %max3A_121 : f32 to vector<256x1536xf32>
    %max3A_123 = arith.maximumf %add3A_120, %max3A_122 : vector<256x1536xf32>
    %swap3A_124 = arith.constant 0 : index
    %swap3A_125 = arith.constant 9216 : index
    %swap3A_126 = vector.load %arg7[%swap3A_124, %swap3A_125] : memref<256x12288xf32, #tpu.memory_space<vmem>>, vector<256x1536xf32>
    tpu.vector_store %arg7[%swap3A_124, %swap3A_125], %max3A_123 {strides = array<i32>} : memref<256x12288xf32, #tpu.memory_space<vmem>>, vector<256x1536xf32>,
    %get3A_127 = arith.constant 10752 : index
    %get3A_128 = arith.constant 0 : index
    %get3A_129 = vector.load %arg2[%get3A_127, %get3A_128] : memref<12288x768xf32, #tpu.memory_space<vmem>>, vector<1536x768xf32>
    %dot_general3A_130 = arith.constant dense<0.000000e+00> : vector<256x1536xf32>
    %dot_general3A_131 = tpu.matmul %sub3A_5, %get3A_129, %dot_general3A_130 {dimension_numbers = #tpu.dot_dimension_numbers<[1], [1], [0], [0], [0, 0, 1, 0], [], []>, transpose_lhs_hint = false} : vector<256x768xf32>, vector<1536x768xf32>, vector<256x1536xf32> -> vector<256x1536xf32>
    %get3A_132 = arith.constant 0 : index
    %get3A_133 = arith.constant 10752 : index
    %get3A_134 = vector.load %arg3[%get3A_132, %get3A_133] : memref<1x12288xf32, #tpu.memory_space<vmem>>, vector<1x1536xf32>
    %get3A_135 = vector.shape_cast %get3A_134 : vector<1x1536xf32> to vector<1536xf32>
    %broadcast_in_dim3A_136 = vector.shape_cast %get3A_135 : vector<1536xf32> to vector<1x1536xf32>
    %add3A_137 = vector.broadcast %broadcast_in_dim3A_136 : vector<1x1536xf32> to vector<256x1536xf32>
    %add3A_138 = arith.addf %dot_general3A_131, %add3A_137 : vector<256x1536xf32>
    %max3A_139 = arith.constant 0.000000e+00 : f32
    %max3A_140 = vector.broadcast %max3A_139 : f32 to vector<256x1536xf32>
    %max3A_141 = arith.maximumf %add3A_138, %max3A_140 : vector<256x1536xf32>
    %swap3A_142 = arith.constant 0 : index
    %swap3A_143 = arith.constant 10752 : index
    %swap3A_144 = vector.load %arg7[%swap3A_142, %swap3A_143] : memref<256x12288xf32, #tpu.memory_space<vmem>>, vector<256x1536xf32>
    tpu.vector_store %arg7[%swap3A_142, %swap3A_143], %max3A_141 {strides = array<i32>} : memref<256x12288xf32, #tpu.memory_space<vmem>>, vector<256x1536xf32>,
    %iota3A = tpu.iota {dimensions = array<i32: 1>} : vector<256x12288xi32>
    %iota3A_145 = tpu.iota {dimensions = array<i32: 1>} : vector<256x32xi32>
    %broadcast_in_dim3A_146 = arith.constant 0.000000e+00 : f32
    %broadcast_in_dim3A_147 = vector.broadcast %broadcast_in_dim3A_146 : f32 to vector<256x32xf32>
    %broadcast_in_dim3A_148 = arith.constant 0 : i32
    %broadcast_in_dim3A_149 = vector.broadcast %broadcast_in_dim3A_148 : i32 to vector<256x32xi32>
    %scan3A = arith.constant 1073741824 : i32
    %scan3A_150 = arith.constant 0 : i32
    %scan3A_151 = arith.constant 32 : i32
    %scan3A_152 = arith.addi %scan3A_150, %scan3A_151 : i32
    %scan3A_153 = arith.constant 1 : i32
    %scan3A_154:2 = scf.for %scan3A_162 = %scan3A_150 to %scan3A_152 step %scan3A_153 iter_args(%scan3A_163 = %broadcast_in_dim3A_147, %scan3A_164 = %broadcast_in_dim3A_149) -> (vector<256x32xf32>, vector<256x32xi32>)  : i32 {
      %get3A_165 = arith.constant 0 : index
      %get3A_166 = arith.constant 0 : index
      %get3A_167 = vector.load %arg7[%get3A_165, %get3A_166] : memref<256x12288xf32, #tpu.memory_space<vmem>>, vector<256x12288xf32>
      %reduce_max3A = arith.constant dense<0xFF800000> : vector<256xf32>
      %reduce_max3A_168 = vector.multi_reduction <maximumf>, %get3A_167, %reduce_max3A [1] : vector<256x12288xf32> to vector<256xf32>
      %broadcast_in_dim3A_169 = vector.shape_cast %reduce_max3A_168 : vector<256xf32> to vector<256x1xf32>
      %eq3A = vector.broadcast %broadcast_in_dim3A_169 : vector<256x1xf32> to vector<256x12288xf32>
      %eq3A_170 = arith.cmpf oeq, %get3A_167, %eq3A : vector<256x12288xf32>
      %broadcast_in_dim3A_171 = vector.broadcast %scan3A : i32 to vector<256x12288xi32>
      %select_n3A = arith.select %eq3A_170, %iota3A, %broadcast_in_dim3A_171 : vector<256x12288xi1>, vector<256x12288xi32>
      %reduce_min3A = arith.constant dense<2147483647> : vector<256xi32>
      %reduce_min3A_172 = vector.multi_reduction <minsi>, %select_n3A, %reduce_min3A [1] : vector<256x12288xi32> to vector<256xi32>
      %broadcast_in_dim3A_173 = vector.shape_cast %reduce_min3A_172 : vector<256xi32> to vector<256x1xi32>
      %eq3A_174 = vector.broadcast %broadcast_in_dim3A_173 : vector<256x1xi32> to vector<256x12288xi32>
      %eq3A_175 = arith.cmpi eq, %iota3A, %eq3A_174 : vector<256x12288xi32>
      %jit3A = arith.constant 0xFF800000 : f32
      %broadcast_in_dim3A_176 = vector.broadcast %jit3A : f32 to vector<256x12288xf32>
      %select_n3A_177 = arith.select %eq3A_175, %broadcast_in_dim3A_176, %get3A_167 : vector<256x12288xi1>, vector<256x12288xf32>
      %swap3A_178 = arith.constant 0 : index
      %swap3A_179 = arith.constant 0 : index
      %swap3A_180 = vector.load %arg7[%swap3A_178, %swap3A_179] : memref<256x12288xf32, #tpu.memory_space<vmem>>, vector<256x12288xf32>
      tpu.vector_store %arg7[%swap3A_178, %swap3A_179], %select_n3A_177 {strides = array<i32>} : memref<256x12288xf32, #tpu.memory_space<vmem>>, vector<256x12288xf32>,
      %eq3A_181 = vector.broadcast %scan3A_162 : i32 to vector<256x32xi32>
      %eq3A_182 = arith.cmpi eq, %iota3A_145, %eq3A_181 : vector<256x32xi32>
      %broadcast_in_dim3A_183 = vector.shape_cast %broadcast_in_dim3A_169 : vector<256x1xf32> to vector<256x1xf32>
      %broadcast_in_dim3A_184 = vector.broadcast %broadcast_in_dim3A_183 : vector<256x1xf32> to vector<256x32xf32>
      %select_n3A_185 = arith.select %eq3A_182, %broadcast_in_dim3A_184, %scan3A_163 : vector<256x32xi1>, vector<256x32xf32>
      %eq3A_186 = vector.broadcast %scan3A_162 : i32 to vector<256x32xi32>
      %eq3A_187 = arith.cmpi eq, %iota3A_145, %eq3A_186 : vector<256x32xi32>
      %broadcast_in_dim3A_188 = vector.shape_cast %broadcast_in_dim3A_173 : vector<256x1xi32> to vector<256x1xi32>
      %broadcast_in_dim3A_189 = vector.broadcast %broadcast_in_dim3A_188 : vector<256x1xi32> to vector<256x32xi32>
      %select_n3A_190 = arith.select %eq3A_187, %broadcast_in_dim3A_189, %scan3A_164 : vector<256x32xi1>, vector<256x32xi32>
      scf.yield %select_n3A_185, %select_n3A_190 : vector<256x32xf32>, vector<256x32xi32>
    }
    %scan3A_155 = arith.constant 32 : i32
    %swap3A_156 = arith.constant 0 : index
    %swap3A_157 = arith.constant 0 : index
    %swap3A_158 = vector.load %arg5[%swap3A_156, %swap3A_157] : memref<256x32xf32, #tpu.memory_space<vmem>>, vector<256x32xf32>
    tpu.vector_store %arg5[%swap3A_156, %swap3A_157], %scan3A_154#0 {strides = array<i32>} : memref<256x32xf32, #tpu.memory_space<vmem>>, vector<256x32xf32>,
    %swap3A_159 = arith.constant 0 : index
    %swap3A_160 = arith.constant 0 : index
    %swap3A_161 = vector.load %arg6[%swap3A_159, %swap3A_160] : memref<256x32xi32, #tpu.memory_space<vmem>>, vector<256x32xi32>
    tpu.vector_store %arg6[%swap3A_159, %swap3A_160], %scan3A_154#1 {strides = array<i32>} : memref<256x32xi32, #tpu.memory_space<vmem>>, vector<256x32xi32>,
    return
  }
  func.func @transform_0(%arg0: i32) -> (i32, i32) {
    %c0_i32 = arith.constant 0 : i32
    %c0_i32_0 = arith.constant 0 : i32
    return %arg0, %c0_i32 : i32, i32
  }
  func.func @transform_1(%arg0: i32) -> (i32, i32) {
    %c0_i32 = arith.constant 0 : i32
    %c0_i32_0 = arith.constant 0 : i32
    %c0_i32_1 = arith.constant 0 : i32
    return %c0_i32, %c0_i32_0 : i32, i32
  }
  func.func @transform_2(%arg0: i32) -> (i32, i32) {
    %c0_i32 = arith.constant 0 : i32
    %c0_i32_0 = arith.constant 0 : i32
    %c0_i32_1 = arith.constant 0 : i32
    return %c0_i32, %c0_i32_0 : i32, i32
  }
  func.func @transform_3(%arg0: i32) -> (i32, i32) {
    %c0_i32 = arith.constant 0 : i32
    %c0_i32_0 = arith.constant 0 : i32
    %c0_i32_1 = arith.constant 0 : i32
    return %c0_i32, %c0_i32_0 : i32, i32
  }
  func.func @transform_4(%arg0: i32) -> (i32, i32) {
    %c0_i32 = arith.constant 0 : i32
    %c0_i32_0 = arith.constant 0 : i32
    return %arg0, %c0_i32 : i32, i32
  }
  func.func @transform_5(%arg0: i32) -> (i32, i32) {
    %c0_i32 = arith.constant 0 : i32
    %c0_i32_0 = arith.constant 0 : i32
    return %arg0, %c0_i32 : i32, i32
  }
}

module attributes {stable_mosaic.version = 14 : i64} {
  func.func @_loss_kernel(%arg0: memref<4096x768xf32, #tpu.memory_space<vmem>>, %arg1: memref<4096x768xf32, #tpu.memory_space<vmem>>, %arg2: memref<1x1xf32, #tpu.memory_space<smem>>, %arg3: memref<1x1xf32, #tpu.memory_space<smem>>) attributes {dimension_semantics = [], scalar_prefetch = 0 : i64, scratch_operands = 0 : i64, tpu.core_type = #tpu.core_type<tc>} {
    %get3A = arith.constant 0 : index
    %get3A_0 = arith.constant 0 : index
    %get3A_1 = vector.load %arg0[%get3A, %get3A_0] : memref<4096x768xf32, #tpu.memory_space<vmem>>, vector<4096x768xf32>
    %get3A_2 = arith.constant 0 : index
    %get3A_3 = arith.constant 0 : index
    %get3A_4 = vector.load %arg1[%get3A_2, %get3A_3] : memref<4096x768xf32, #tpu.memory_space<vmem>>, vector<4096x768xf32>
    %sub3A = arith.subf %get3A_4, %get3A_1 : vector<4096x768xf32>
    %mul3A = arith.mulf %sub3A, %sub3A : vector<4096x768xf32>
    %reduce_sum3A = vector.shape_cast %mul3A : vector<4096x768xf32> to vector<1x4096x768xf32>
    %reduce_sum3A_5 = arith.constant dense<0.000000e+00> : vector<1xf32>
    %reduce_sum3A_6 = vector.multi_reduction <add>, %reduce_sum3A, %reduce_sum3A_5 [1, 2] : vector<1x4096x768xf32> to vector<1xf32>
    %reduce_sum3A_7 = vector.shape_cast %reduce_sum3A_6 : vector<1xf32> to vector<1x1x1xf32>
    %reduce_sum3A_8 = vector.extract %reduce_sum3A_7[0, 0, 0] : f32 from vector<1x1x1xf32>
    %swap3A = arith.constant 0 : index
    %swap3A_9 = arith.constant 0 : index
    %swap3A_10 = memref.load %arg2[%swap3A, %swap3A_9] : memref<1x1xf32, #tpu.memory_space<smem>>
    memref.store %reduce_sum3A_8, %arg2[%swap3A, %swap3A_9] : memref<1x1xf32, #tpu.memory_space<smem>>
    %reduce_sum3A_11 = arith.constant dense<0.000000e+00> : vector<768xf32>
    %reduce_sum3A_12 = vector.multi_reduction <add>, %get3A_1, %reduce_sum3A_11 [0] : vector<4096x768xf32> to vector<768xf32>
    %broadcast_in_dim3A = vector.shape_cast %reduce_sum3A_12 : vector<768xf32> to vector<1x768xf32>
    %div3A = arith.constant 4.096000e+03 : f32
    %div3A_13 = vector.broadcast %div3A : f32 to vector<1x768xf32>
    %div3A_14 = arith.divf %broadcast_in_dim3A, %div3A_13 : vector<1x768xf32>
    %sub3A_15 = vector.broadcast %div3A_14 : vector<1x768xf32> to vector<4096x768xf32>
    %sub3A_16 = arith.subf %get3A_1, %sub3A_15 : vector<4096x768xf32>
    %mul3A_17 = arith.mulf %sub3A_16, %sub3A_16 : vector<4096x768xf32>
    %reduce_sum3A_18 = vector.shape_cast %mul3A_17 : vector<4096x768xf32> to vector<1x4096x768xf32>
    %reduce_sum3A_19 = arith.constant dense<0.000000e+00> : vector<1xf32>
    %reduce_sum3A_20 = vector.multi_reduction <add>, %reduce_sum3A_18, %reduce_sum3A_19 [1, 2] : vector<1x4096x768xf32> to vector<1xf32>
    %reduce_sum3A_21 = vector.shape_cast %reduce_sum3A_20 : vector<1xf32> to vector<1x1x1xf32>
    %reduce_sum3A_22 = vector.extract %reduce_sum3A_21[0, 0, 0] : f32 from vector<1x1x1xf32>
    %swap3A_23 = arith.constant 0 : index
    %swap3A_24 = arith.constant 0 : index
    %swap3A_25 = memref.load %arg3[%swap3A_23, %swap3A_24] : memref<1x1xf32, #tpu.memory_space<smem>>
    memref.store %reduce_sum3A_22, %arg3[%swap3A_23, %swap3A_24] : memref<1x1xf32, #tpu.memory_space<smem>>
    return
  }
}

</mosaic_0001>

<sc_bundles>
// kernel: kernel.5.cloned.1.call-start
scs
__scs_entry_jumppad:
0x0: {  	(pc) =	sbr.rel $0x88, $3  }
0x1: {  	(tag) =	ssettag $0x0;
	lr =	simm.s32 $0x1  }
0x2: {  	[smem:$0x3F9C] =	sst lr;
	_ =	strace $0xD0000000  }
0x3: {  	_ = 	snop  }
0x4: {  	_ = 	snop  }
0x5: {  	_ = 	snop  }
0x6: {  	_ = 	snop  }
0x7: {  	_ = 	snop  }
__scs_overlays_trampoline_lowered:
0x8: {  	[smem:$0x3FAB] =	sst s0  }
0x9: {  	[smem:$0x3FAC] =	sst s1  }
0xa: {  	[smem:$0x3FAD] =	sst s2  }
0xb: {  	[smem:$0x3FAE] =	sst s3  }
0xc: {  	[smem:$0x3FAF] =	sst s4  }
0xd: {  	[smem:$0x3FB0] =	sst s5  }
0xe: {  	[smem:$0x3FB1] =	sst s6  }
0xf: {  	[smem:$0x3FB2] =	sst s7  }
0x10: {  	[smem:$0x3FB3] =	sst s8  }
0x11: {  	[smem:$0x3FB4] =	sst s9;
	s0 =	simm.s32 @!p0 $0x0  }
0x12: {  	s1 =	sld [smem:$0x3F9A];
	s0 =	simm.s32 @p0 $0x1  }
0x13: {  	[smem:$0x3FB5] =	sst s0;
	s0 =	simm.s32 @!p1 $0x0  }
0x14: {  	s2 =	sld [smem:$0x3F99];
	s0 =	simm.s32 @p1 $0x1  }
0x15: {  	[smem:$0x3FB6] =	sst s0;
	s0 =	simm.s32 @!p2 $0x0  }
0x16: {  	s3 =	sld [smem:$0x3FDB];
	s0 =	simm.s32 @p2 $0x1  }
0x17: {  	s4 =	simm.s32 $0x1BF5;
	[smem:$0x3FB8] =	sst s0  }
0x18: {  	s0 =	sld [smem:$0x3F9B];
	_ =	swait.ge [sflag:s4], $0x0  }
0x19: {  	s7 =	sld [smem:$0x3F9C]  }
0x1a: {  	s8 =	sadd.s32 $0xFFFFE003, lr  }
0x1b: {  	s9 =	sadd.s32 $0xFFFFFEF7, lr;
	s5 =	simm.s32 $0xFFFFFFFF;
	p2 =	slt.u32 s8, $0xFFFFF086  }
0x1c: {  	p1 =	slt.u32 s9, $0xF7A;
	s5 =	simm.s32 @!p2 $0x0  }
0x1d: {  	s5 =	simm.s32 @p1 $0x1;
	p0 =	seq.s32 s7, s2  }
0x1e: {  	s7 =	smul.u32 @!p0 $0xF7A, s2;
	p2 =	seq.s32 @!p0 s5, $0x0  }
0x1f: {  	s9 =	smul.u32 $0xF7A, s1;
	s8 =	simm.s32 @!p0 $0x1BF5;
	p2 =	por !p2, p0  }
0x20: {  	[sflag:s8] =	ssyncset.s32 @!p0 $0xFFFFF086;
	s6 =	sadd.s32 @!p0 s3, s7;
	s7 =	simm.s32 @!p0 $0x108  }
0x21: {  	s3 =	sadd.s32 s3, s9;
	s6 =	sadd.s32 @!p0 $0x88, s6;
	s7 =	simm.s32 @p2 $0x1082  }
0x22: {  	[simem:s7], [sflag:s8] =	dma.local @!p0 [hbm:s6], $0xF7A  }
0x23: {  	s9 =	sor.u32 $0xD0000000, s2;
	s6 =	simm.s32 $0x108;
	_ =	swait.ge @!p0 [sflag:s8], $0x0  }
0x24: {  	s3 =	sadd.s32 $0x88, s3;
	s6 =	simm.s32 @!p1 $0x1082;
	[sflag:s4] =	ssyncset.s32 $0xFFFFF086  }
0x25: {  	[simem:s6], [sflag:s4] =	dma.local [hbm:s3], $0xF7A  }
0x26: {  	[smem:$0x3F9C] =	sst s1;
	(tag) =	ssettag s2;
	_ =	strace s9  }
0x27: {  	s1 =	sld [smem:$0x3FAC]  }
0x28: {  	s2 =	sld [smem:$0x3FAD]  }
0x29: {  	s4 =	sld [smem:$0x3FAF]  }
0x2a: {  	p0 =	seq.s32 s5, $0x0;
	s5 =	sld [smem:$0x3FB0]  }
0x2b: {  	s6 =	sld [smem:$0x3FB1]  }
0x2c: {  	s7 =	sld [smem:$0x3FB2]  }
0x2d: {  	s3 =	simm.s32 $0x108;
	s8 =	sld [smem:$0x3FB3]  }
0x2e: {  	s3 =	simm.s32 @!p0 $0x1082;
	s9 =	sld [smem:$0x3FB4]  }
0x2f: {  	lr =	sadd.s32 s0, s3;
	s0 =	sld [smem:$0x3FAB]  }
0x30: {  	s3 =	sld [smem:$0x3FAE]  }
0x31: {  	[smem:$0x3FB7] =	sst s10  }
0x32: {  	s10 =	sld [smem:$0x3FB5];
	_ =	sdelay $0x3  }
0x33: {  	p0 =	seq.s32 s10, $0x1;
	s10 =	sld [smem:$0x3FB7];
	_ =	sdelay $0x3  }
0x34: {  	[smem:$0x3FB7] =	sst s10  }
0x35: {  	s10 =	sld [smem:$0x3FB6];
	_ =	sdelay $0x3  }
0x36: {  	p1 =	seq.s32 s10, $0x1;
	s10 =	sld [smem:$0x3FB7];
	_ =	sdelay $0x3  }
0x37: {  	[smem:$0x3FB7] =	sst s10  }
0x38: {  	s10 =	sld [smem:$0x3FB8]  }
0x39: {  	_ = 	snop;
	(pc) =	sbr.ind lr, $3  }
0x3a: {  	_ = 	snop  }
0x3b: {  	_ = 	snop  }
0x3c: {  	p2 =	seq.s32 s10, $0x1;
	s10 =	sld [smem:$0x3FB7]  }
0x3d: {  	_ =	shalt  }
0x3e: {  	_ =	shalt  }
0x3f: {  	_ =	shalt  }
0x40: {  	_ =	shalt  }
0x41: {  	_ =	shalt  }
0x42: {  	_ =	shalt  }
0x43: {  	_ =	shalt  }
0x44: {  	_ =	shalt  }
0x45: {  	_ =	shalt  }
0x46: {  	_ =	shalt  }
0x47: {  	_ =	shalt  }
0x48: {  	_ =	shalt  }
0x49: {  	_ =	shalt  }
0x4a: {  	_ =	shalt  }
0x4b: {  	_ =	shalt  }
0x4c: {  	_ =	shalt  }
0x4d: {  	_ =	shalt  }
0x4e: {  	_ =	shalt  }
0x4f: {  	_ =	shalt  }
0x50: {  	_ =	shalt  }
0x51: {  	_ =	shalt  }
0x52: {  	_ =	shalt  }
0x53: {  	_ =	shalt  }
0x54: {  	_ =	shalt  }
0x55: {  	_ =	shalt  }
0x56: {  	_ =	shalt  }
0x57: {  	_ =	shalt  }
0x58: {  	_ =	shalt  }
0x59: {  	_ =	shalt  }
0x5a: {  	_ =	shalt  }
0x5b: {  	_ =	shalt  }
0x5c: {  	_ =	shalt  }
0x5d: {  	_ =	shalt  }
0x5e: {  	_ =	shalt  }
0x5f: {  	_ =	shalt  }
0x60: {  	_ =	shalt  }
0x61: {  	_ =	shalt  }
0x62: {  	_ =	shalt  }
0x63: {  	_ =	shalt  }
0x64: {  	_ =	shalt  }
0x65: {  	_ =	shalt  }
0x66: {  	_ =	shalt  }
0x67: {  	_ =	shalt  }
0x68: {  	_ =	shalt  }
0x69: {  	_ =	shalt  }
0x6a: {  	_ =	shalt  }
0x6b: {  	_ =	shalt  }
0x6c: {  	_ =	shalt  }
0x6d: {  	_ =	shalt  }
0x6e: {  	_ =	shalt  }
0x6f: {  	_ =	shalt  }
0x70: {  	_ =	shalt  }
0x71: {  	_ =	shalt  }
0x72: {  	_ =	shalt  }
0x73: {  	_ =	shalt  }
0x74: {  	_ =	shalt  }
0x75: {  	_ =	shalt  }
0x76: {  	_ =	shalt  }
0x77: {  	_ =	shalt  }
0x78: {  	_ =	shalt  }
0x79: {  	_ =	shalt  }
0x7a: {  	_ =	shalt  }
0x7b: {  	_ =	shalt  }
0x7c: {  	_ =	shalt  }
0x7d: {  	_ =	shalt  }
0x7e: {  	_ =	shalt  }
0x7f: {  	_ =	shalt  }
0x80: {  	_ =	shalt  }
0x81: {  	_ =	shalt  }
0x82: {  	_ =	shalt  }
0x83: {  	_ =	shalt  }
0x84: {  	_ =	shalt  }
0x85: {  	_ =	shalt  }
0x86: {  	_ =	shalt  }
0x87: {  	_ =	shalt  }
.Lfunc_end0:
.L_simem_size_0:
called_computation_lowered:
.L_overlay_start_0:
0x88: {  	s2 =	sld [smem:$0x3FD9]  }
0x89: {  	s3 =	sld [smem:$0x3FFE];
	_ =	sdelay $0x1  }
0x8a: {  	s1 =	srdreg.scid  }
0x8b: {  	s0 =	sand.u32 $0x1, s1  }
0x8c: {  	s14 =	sshll.u32 s0, $0xA;
	s2 =	sadd.s32 s3, s2  }
0x8d: {  	s2 =	sadd.s32 s2, s14  }
0x8e: {  	[smem:$0x3FC3] =	sst s2  }
0x8f: {  	_ = 	snop  }
0x90: {  	s2 =	sld [smem:$0x3FD0];
	_ =	sdelay $0x1  }
0x91: {  	s15 =	sld [smem:$0x3FC6]  }
0x92: {  	s5 =	simm.s32 $0xA;
	s6 =	simm.s32 $0x10;
	s4 =	sld [smem:$0x3FC5]  }
0x93: {  	[smem:s6], [sflag:s5] =	dma.local [hbm:s2], $0x1  }
0x94: {  	_ =	swait.eq [sflag:s5], $0x1  }
0x95: {  	[sflag:s5] =	ssyncset.done $0x0  }
0x96: {  	[sflag:s5] =	ssyncadd.s32 $0xFFFFFFFF  }
0x97: {  	s16 =	sld [smem:$0x10];
	(tm) =	ssettm $0x1  }
0x98: {  	s17 =	sld [smem:$0x3FFB];
	_ =	sdelay $0x3  }
0x99: {  	_ =	strace s17  }
0x9a: {  	s5 =	sld [smem:$0x3FFC];
	_ =	sdelay $0x3  }
0x9b: {  	_ =	strace s5  }
0x9c: {  	s5 =	sld [smem:$0x3FFD];
	_ =	sdelay $0x3  }
0x9d: {  	_ =	strace s5  }
0x9e: {  	_ =	strace $0x8FFFFFFF  }
0x9f: {  	s18 =	sld [smem:$0x3FDB];
	_ =	sdelay $0x1  }
0xa0: {  	s19 =	simm.s32 $_scs_section_size  }
0xa1: {  	s7 =	simm.s32 $_size__tile_overlayer_lowered;
	s8 =	simm.s32 $_tile_overlayer_lowered  }
0xa2: {  	s22 =	simm.s32 $0x1BFF;
	s21 =	sshll.u32 s8, $0x1;
	s5 =	sadd.s32 s19, s18  }
0xa3: {  	s9 =	simm.s32 $0x0;
	s20 =	sshll.u32 s7, $0x1;
	s7 =	sadd.s32 s21, s5  }
0xa4: {  	[timem:s9], [sflag:s22] =	dma.local [hbm:s7], s20  }
0xa5: {  	_ =	swait.ge [sflag:s22], s20  }
0xa6: {  	s6 =	ssub.s32 $0x0, s20;
	[sflag:s22] =	ssyncset.done $0x0  }
0xa7: {  	[sflag:s22] =	ssyncadd.s32 s6;
	_ =	sdelay $0x1  }
0xa8: {  	s23 =	simm.s32 $0x1B8B  }
0xa9: {  	_ =	swait.ge [sflag:s23], $0x1  }
0xaa: {  	[sflag:s23] =	ssyncset.done $0x0  }
0xab: {  	s25 =	simm.s32 $0x1B8E;
	s24 =	sld [smem:$0x3FFE];
	[sflag:s23] =	ssyncadd.s32 $0xFFFFFFFF  }
0xac: {  	s26 =	simm.s32 $execute0_lowered;
	[smem:$0x3FD2] =	sst s25  }
0xad: {  	s7 =	sshll.u32 s26, $0x1;
	_ =	strace $0x80000046;
	[dreg:$0x1] =	wrdreg $0xFFFFFFFF  }
0xae: {  	s28 =	simm.s32 $_size_execute0_lowered;
	s5 =	sadd.s32 s5, s7;
	[dreg:$0x0] =	wrdreg $0x0  }
0xaf: {  	s7 =	sshll.u32 s28, $0x1;
	[dreg:$0x2] =	wrdreg s5  }
0xb0: {  	[dreg:$0x3] =	wrdreg s7  }
0xb1: {  	[dreg:$0x4] =	wrdreg $0xC0  }
0xb2: {  	_ =	task [dreg:s9], $0x5FFFF  }
0xb3: {  	[dreg:$0x1] =	wrdreg $0xFFFFFFFF  }
0xb4: {  	[dreg:$0x0] =	wrdreg $0x60  }
0xb5: {  	[dreg:$0x2] =	wrdreg s15  }
0xb6: {  	[dreg:$0x3] =	wrdreg s24  }
0xb7: {  	[dreg:$0x4] =	wrdreg s4  }
0xb8: {  	[dreg:$0x5] =	wrdreg s16  }
0xb9: {  	[dreg:$0x6] =	wrdreg $0x9  }
0xba: {  	_ =	task.clear_ibuf [dreg:s9], $0x7FFFF;
	_ =	strace $0x90000046  }
0xbb: {  	s29 =	simm.s32 $0x9;
	_ =	strace $0x80000048  }
0xbc: {  	_ =	swait.ge [sflag:s29], $0x1  }
0xbd: {  	[sflag:s29] =	ssyncadd.s32 $0xFFFFFFFF  }
0xbe: {  	_ =	strace $0x90000048  }
0xbf: {  	_ =	sfence  }
0xc0: {  	s30 =	sld [smem:$0x0];
	_ =	sdelay $0x2  }
0xc1: {  	s31 =	sshll.u32 s1, $0xD;
	s1 =	sshrl.u32 s1, $0x2  }
0xc2: {  	s3 =	sand.u32 $0x4000, s31;
	s1 =	sadd.s32 s1, s30  }
0xc3: {  	s0 =	sor.u32 s3, s0;
	s1 =	sshll.u32 s1, $0x11  }
0xc4: {  	s0 =	sor.u32 s1, s0  }
0xc5: {  	s0 =	sadd.s32 $0x8F2B, s0  }
0xc6: {  	[sflag:s0] =	ssyncadd.remote.s32 $0x1  }
0xc7: {  	_ =	sfence.sel $0xFFFF  }
0xc8: {  	[dreg:$0x0] =	wrdreg $0xFFFFFFFF;
	(pc) =	sbr.abs _section_cstart, $3  }
0xc9: {  	[dreg:$0x1] =	wrdreg $0xFFFFFFFF  }
0xca: {  	_ =	task.clear_ibuf [dreg:s9], $0x2FFFF;
	_ =	strace $0x9FFFFFFF  }
0xcb: {  	(tm) =	ssettm $0x7FFFFFFF  }
tec
execute0_lowered:
.L_overlay_start_1:
0x0: {  	(tag) =	ssettag $0x1  }
0x1: {  	s1 =	rddreg [dreg:$0x0]  }
0x2: {  	s0 =	rddreg [dreg:$0x1];
	s2 =	srdreg.scid  }
0x3: {  	s3 =	stileid.u32;
	s4 =	rddreg [dreg:$0x3]  }
0x4: {  	s5 =	simm.s32 $0x0;
	s31 =	simm.s32 $0xF800;
	s13 =	simm.s32 $0x11800  }
0x5: {  	s14 =	simm.s32 $0x12000;
	s15 =	simm.s32 $0x12800;
	s16 =	simm.s32 $0x13000  }
0x6: {  	s17 =	simm.s32 $0x13800;
	s18 =	simm.s32 $0x1;
	s19 =	simm.s32 $0x80  }
0x7: {  	s20 =	simm.s32 $0x400;
	s21 =	simm.s32 $0x15300;
	s22 =	simm.s32 $0x2  }
0x8: {  	s23 =	simm.s32 $0x15600;
	s11 =	simm.s32 $0x0;
	s2 =	sand.u32 $0x1, s2  }
0x9: {  	vm0 =	vmmov $0xffff;
	v3 =	vimm.s32 $0x0;
	s3 =	sshll.u32 s3, $0x8;
	s6 =	sshll.u32 s2, $0x7;
	s2 =	ssub.s32 $0x2, s2  }
0xa: {  	[smem:$0x7FF] =	sst s5;
	v3 =	vsel vm0, $0xFFFFFFFF, v3;
	s6 =	sor.u32 s6, s3;
	s28 =	sshrl.u32 s2, $0x1  }
0xb: {  	vm1 =	vmmov $0x1;
	_ =	strace $0x80000047;
	[tilespmem:$0x1FFD0] =	vst v3;
	v3 =	vimm.s32 $0x0;
	s3 =	sshll.u32 s6, $0x4;
	s2 =	ssub.s32 s2, s28  }
0xc: {  	s9 =	sadd.s32 $0x100, s1;
	v3 =	vsel vm1, $0xFFFFFFFF, v3;
	s0 =	sadd.s32 s3, s0;
	s30 =	smax.u32 s2, $0x1  }
0xd: {  	v2 =	vlaneseq.u32;
	s10 =	sadd.s32 $0x200, s1;
	vm1 =	vmmov $0x7fff;
	[tilespmem:$0x1FFE0] =	vst v3;
	v3 =	vimm.s32 $0x0;
	s29 =	sadd.s32 $0x10E00, s0;
	[dreg:$0x7] =	wrdreg s30  }
0xe: {  	v1 =	vshrl.u32 v2, $0x3;
	v0 =	vand.u32 $0x7, v2;
	s2 =	simm.s32 $0x10000;
	v3 =	vsel vm1, $0xFFFFFFFF, v3;
	s0 =	sadd.s32 $0xE00, s0;
	[dreg:$0x5] =	wrdreg s29  }
0xf: {  	v2 =	vor.u32 $0x8, v2;
	vm0 =	vcmask $0xB10;
	v1 =	vmul.u32 $0x8, v1;
	s3 =	simm.s32 $0x11000;
	[tilespmem:$0x1FFF0] =	vst v3;
	[dreg:$0x6] =	wrdreg s0;
	s0 =	simm.s32 $0x10800  }
.LBB2_1:
0x10: {  	[dreg:$0x8] =	wrdreg s11  }
0x11: {  	s7 =	rddreg [dreg:$0x5];
	s8 =	simm.s32 $0x5  }
0x12: {  	[tilespmem:s5], [sflag:$0x5] =	stream.linear.gather [hbm4b:s7+s5], $0x4000, $0x38;
	[tilespmem:$0x15900] =	vst v63  }
0x13: {  	_ =	swait.ge [sflag:s8], $0x4000  }
0x14: {  	[sflag:s8] =	ssyncset.done $0x0  }
0x15: {  	s24 =	simm.s32 $0x4000;
	s12 =	rddreg [dreg:$0x6];
	[sflag:s8] =	ssyncadd.s32 $0xFFFFC000  }
0x16: {  	[tilespmem:s24], [sflag:$0x5] =	stream.linear.gather [hbm4b:s12+s5], $0x4000, $0x38;
	[tilespmem:$0x15900] =	vst v63  }
0x17: {  	_ =	swait.ge [sflag:s8], $0x4000  }
0x18: {  	[sflag:s8] =	ssyncset.done $0x0  }
0x19: {  	[sflag:s8] =	ssyncadd.s32 $0xFFFFC000  }
0x1a: {  	s26 =	simm.s32 $0x15000;
	s25 =	rddreg [dreg:$0x2]  }
0x1b: {  	[tilespmem:s26], [sflag:$0x5] =	stream.linear.gather [hbm4b:s25+s5], $0x300, $0x38;
	[tilespmem:$0x15900] =	vst v63  }
0x1c: {  	_ =	swait.ge [sflag:s8], $0x300  }
0x1d: {  	[sflag:s8] =	ssyncset.done $0x0  }
0x1e: {  	[sflag:s8] =	ssyncadd.s32 $0xFFFFFD00  }
0x1f: {  	v3 =	vld [tilespmem:$0x0];
	_ =	sdelay $0x4  }
0x20: {  	v4 =	vshrl.u32 v3, $0x3  }
0x21: {  	v4 =	vmul.u32 $0x30, v4  }
0x22: {  	v3 =	vand.u32 $0x7, v3  }
0x23: {  	v3 =	vor.u32 v3, v4  }
0x24: {  	v4 =	vperm.xlane v3, v0  }
0x25: {  	v5 =	vld [tilespmem:$0x1FFD0]  }
0x26: {  	v4 =	vadd.s32 v1, v4;
	_ =	sdelay $0x3  }
0x27: {  	s28 =	simm.s32 $0x8000;
	vm1 =	vnez.u8 v5;
	v3 =	vperm.xlane v3, v2  }
0x28: {  	[tilespmem:s28], [sflag:$0x1] =	stream.indirect_vreg.gather [hbm4b:s1+s5], $0x80, v4, vm1, $0xb8;
	[tilespmem:$0x15900] =	vst v63  }
0x29: {  	s29 =	simm.s32 $0x8800;
	v3 =	vadd.s32 v1, v3  }
0x2a: {  	[tilespmem:s29], [sflag:$0x1] =	stream.indirect_vreg.gather [hbm4b:s9+s5], $0x80, v4, vm1, $0xb8;
	[tilespmem:$0x15900] =	vst v63  }
0x2b: {  	s30 =	simm.s32 $0x9000  }
0x2c: {  	[tilespmem:s30], [sflag:$0x1] =	stream.indirect_vreg.gather [hbm4b:s10+s5], $0x80, v4, vm1, $0xb8;
	[tilespmem:$0x15900] =	vst v63  }
0x2d: {  	s8 =	simm.s32 $0x9800  }
0x2e: {  	[tilespmem:s8], [sflag:$0x1] =	stream.indirect_vreg.gather [hbm4b:s1+s5], $0x80, v3, vm1, $0xb8;
	[tilespmem:$0x15900] =	vst v63  }
0x2f: {  	s11 =	simm.s32 $0xA000  }
0x30: {  	[tilespmem:s11], [sflag:$0x1] =	stream.indirect_vreg.gather [hbm4b:s9+s5], $0x80, v3, vm1, $0xb8;
	[tilespmem:$0x15900] =	vst v63  }
0x31: {  	s12 =	simm.s32 $0xA800  }
0x32: {  	[tilespmem:s12], [sflag:$0x1] =	stream.indirect_vreg.gather [hbm4b:s10+s5], $0x80, v3, vm1, $0xb8;
	[tilespmem:$0x15900] =	vst v63  }
0x33: {  	v3 =	vld [tilespmem:$0x10];
	_ =	sdelay $0x4  }
0x34: {  	v63 =	vshrl.u32 v3, $0x3  }
0x35: {  	v4 =	vmul.u32 $0x30, v63  }
0x36: {  	v3 =	vand.u32 $0x7, v3  }
0x37: {  	v3 =	vor.u32 v3, v4  }
0x38: {  	v4 =	vperm.xlane v3, v0;
	_ =	sdelay $0x1  }
0x39: {  	v4 =	vadd.s32 v1, v4;
	_ =	sdelay $0x3  }
0x3a: {  	s24 =	simm.s32 $0xB000;
	v3 =	vperm.xlane v3, v2  }
0x3b: {  	[tilespmem:s24], [sflag:$0x1] =	stream.indirect_vreg.gather [hbm4b:s1+s5], $0x80, v4, vm1, $0xb8;
	[tilespmem:$0x15900] =	vst v63  }
0x3c: {  	s25 =	simm.s32 $0xB800;
	v3 =	vadd.s32 v1, v3  }
0x3d: {  	[tilespmem:s25], [sflag:$0x1] =	stream.indirect_vreg.gather [hbm4b:s9+s5], $0x80, v4, vm1, $0xb8;
	[tilespmem:$0x15900] =	vst v63  }
0x3e: {  	s26 =	simm.s32 $0xC000  }
0x3f: {  	[tilespmem:s26], [sflag:$0x1] =	stream.indirect_vreg.gather [hbm4b:s10+s5], $0x80, v4, vm1, $0xb8;
	[tilespmem:$0x15900] =	vst v63  }
0x40: {  	s28 =	simm.s32 $0xC800  }
0x41: {  	[tilespmem:s28], [sflag:$0x1] =	stream.indirect_vreg.gather [hbm4b:s1+s5], $0x80, v3, vm1, $0xb8;
	[tilespmem:$0x15900] =	vst v63  }
0x42: {  	s29 =	simm.s32 $0xD000  }
0x43: {  	[tilespmem:s29], [sflag:$0x1] =	stream.indirect_vreg.gather [hbm4b:s9+s5], $0x80, v3, vm1, $0xb8;
	[tilespmem:$0x15900] =	vst v63  }
0x44: {  	s7 =	simm.s32 $0x0;
	s30 =	simm.s32 $0xD800  }
0x45: {  	[tilespmem:s30], [sflag:$0x1] =	stream.indirect_vreg.gather [hbm4b:s10+s5], $0x80, v3, vm1, $0xb8;
	[tilespmem:$0x15900] =	vst v63  }
.LBB2_2:
0x46: {  	s8 =	sshllo.u32 s7, $0x1  }
0x47: {  	s8 =	sshll.u32 s8, $0x7  }
0x48: {  	s11 =	sand.u32 $0x3FFFFF80, s8  }
0x49: {  	v3 =	vld [tilespmem:s11+$0x0];
	_ =	sdelay $0x4  }
0x4a: {  	v4 =	vshrl.u32 v3, $0x3  }
0x4b: {  	v4 =	vmul.u32 $0x30, v4  }
0x4c: {  	v3 =	vand.u32 $0x7, v3  }
0x4d: {  	v3 =	vor.u32 v3, v4  }
0x4e: {  	v4 =	vperm.xlane v3, v0  }
0x4f: {  	v5 =	vld [tilespmem:$0x1FFD0]  }
0x50: {  	v4 =	vadd.s32 v1, v4;
	_ =	sdelay $0x3  }
0x51: {  	s12 =	simm.s32 $0xE000;
	vm1 =	vnez.u8 v5;
	v3 =	vperm.xlane v3, v2  }
0x52: {  	[tilespmem:s12], [sflag:$0x2] =	stream.indirect_vreg.gather [hbm4b:s1+s5], $0x80, v4, vm1, $0xb8;
	[tilespmem:$0x15900] =	vst v63  }
0x53: {  	s25 =	simm.s32 $0xE800;
	v3 =	vadd.s32 v1, v3  }
0x54: {  	[tilespmem:s25], [sflag:$0x2] =	stream.indirect_vreg.gather [hbm4b:s9+s5], $0x80, v4, vm1, $0xb8;
	[tilespmem:$0x15900] =	vst v63  }
0x55: {  	s26 =	simm.s32 $0xF000  }
0x56: {  	[tilespmem:s26], [sflag:$0x2] =	stream.indirect_vreg.gather [hbm4b:s10+s5], $0x80, v4, vm1, $0xb8;
	[tilespmem:$0x15900] =	vst v63  }
0x57: {  	_ = 	snop  }
0x58: {  	[tilespmem:s31], [sflag:$0x2] =	stream.indirect_vreg.gather [hbm4b:s1+s5], $0x80, v3, vm1, $0xb8;
	[tilespmem:$0x15900] =	vst v63  }
0x59: {  	_ = 	snop  }
0x5a: {  	[tilespmem:s2], [sflag:$0x2] =	stream.indirect_vreg.gather [hbm4b:s9+s5], $0x80, v3, vm1, $0xb8;
	[tilespmem:$0x15900] =	vst v63  }
0x5b: {  	_ = 	snop  }
0x5c: {  	[tilespmem:s0], [sflag:$0x2] =	stream.indirect_vreg.gather [hbm4b:s10+s5], $0x80, v3, vm1, $0xb8;
	[tilespmem:$0x15900] =	vst v63  }
0x5d: {  	v3 =	vld [tilespmem:s11+$0x10];
	_ =	sdelay $0x4  }
0x5e: {  	v4 =	vshrl.u32 v3, $0x3  }
0x5f: {  	v4 =	vmul.u32 $0x30, v4  }
0x60: {  	v3 =	vand.u32 $0x7, v3  }
0x61: {  	v3 =	vor.u32 v3, v4  }
0x62: {  	v4 =	vperm.xlane v3, v0;
	_ =	sdelay $0x1  }
0x63: {  	v4 =	vadd.s32 v1, v4;
	_ =	sdelay $0x3  }
0x64: {  	v3 =	vperm.xlane v3, v2  }
0x65: {  	[tilespmem:s3], [sflag:$0x2] =	stream.indirect_vreg.gather [hbm4b:s1+s5], $0x80, v4, vm1, $0xb8;
	[tilespmem:$0x15900] =	vst v63  }
0x66: {  	v3 =	vadd.s32 v1, v3  }
0x67: {  	[tilespmem:s13], [sflag:$0x2] =	stream.indirect_vreg.gather [hbm4b:s9+s5], $0x80, v4, vm1, $0xb8;
	[tilespmem:$0x15900] =	vst v63  }
0x68: {  	_ = 	snop  }
0x69: {  	[tilespmem:s14], [sflag:$0x2] =	stream.indirect_vreg.gather [hbm4b:s10+s5], $0x80, v4, vm1, $0xb8;
	[tilespmem:$0x15900] =	vst v63  }
0x6a: {  	_ = 	snop  }
0x6b: {  	[tilespmem:s15], [sflag:$0x2] =	stream.indirect_vreg.gather [hbm4b:s1+s5], $0x80, v3, vm1, $0xb8;
	[tilespmem:$0x15900] =	vst v63  }
0x6c: {  	_ = 	snop  }
0x6d: {  	[tilespmem:s16], [sflag:$0x2] =	stream.indirect_vreg.gather [hbm4b:s9+s5], $0x80, v3, vm1, $0xb8;
	[tilespmem:$0x15900] =	vst v63  }
0x6e: {  	s24 =	sshll.u32 s7, $0x8  }
0x6f: {  	v4 =	vld [tilespmem:$0x1FFE0];
	[tilespmem:s17], [sflag:$0x2] =	stream.indirect_vreg.gather [hbm4b:s10+s5], $0x80, v3, vm1, $0xb8  }
0x70: {  	v3 =	vld [tilespmem:s24+$0x4000];
	_ =	sdelay $0x3  }
0x71: {  	vm6 =	vnez.u8 v4  }
0x72: {  	vm4 =	vcmask $0x308;
	v4 =	vnsel vm6, $0x0, v3  }
0x73: {  	vm5 =	vcmask $0x70C;
	(xrf2) =	vadd.scan.msk.f32 $0xffff, v4;
	v4 =	vsel vm4, $0x0, v3  }
0x74: {  	(xrf2) =	vadd.scan.msk.f32 $0xffff, v4;
	v4 =	vsel vm5, $0x0, v3  }
0x75: {  	vm7 =	vcmask $0xF14;
	(xrf2) =	vadd.scan.msk.f32 $0xffff, v4;
	v4 =	vsel vm0, $0x0, v3  }
0x76: {  	vm8 =	vcmask $0x1318;
	(xrf2) =	vadd.scan.msk.f32 $0xffff, v4;
	v4 =	vsel vm7, $0x0, v3  }
0x77: {  	vm9 =	vcmask $0x171C;
	(xrf2) =	vadd.scan.msk.f32 $0xffff, v4;
	v4 =	vsel vm8, $0x0, v3  }
0x78: {  	vm10 =	vcmask $0x1B20;
	(xrf2) =	vadd.scan.msk.f32 $0xffff, v4;
	v4 =	vsel vm9, $0x0, v3  }
0x79: {  	vm11 =	vcmask $0x1F24;
	(xrf2) =	vadd.scan.msk.f32 $0xffff, v4;
	v4 =	vsel vm10, $0x0, v3  }
0x7a: {  	vm12 =	vcmask $0x2328;
	(xrf2) =	vadd.scan.msk.f32 $0xffff, v4;
	v4 =	vsel vm11, $0x0, v3  }
0x7b: {  	vm13 =	vcmask $0x272C;
	(xrf2) =	vadd.scan.msk.f32 $0xffff, v4;
	v4 =	vsel vm12, $0x0, v3  }
0x7c: {  	vm14 =	vcmask $0x2B30;
	(xrf2) =	vadd.scan.msk.f32 $0xffff, v4;
	v4 =	vsel vm13, $0x0, v3  }
0x7d: {  	vm15 =	vcmask $0x2F34;
	v6, _, _ =	vpop (xrf2);
	(xrf2) =	vadd.scan.msk.f32 $0xffff, v4;
	v4 =	vsel vm14, $0x0, v3  }
0x7e: {  	vm1 =	vcmask $0x3338;
	v6 =	vbroadcast v6, $0xF;
	v7, _, _ =	vpop (xrf2);
	(xrf2) =	vadd.scan.msk.f32 $0xffff, v4;
	v4 =	vsel vm15, $0x0, v3  }
0x7f: {  	vm2 =	vcmask $0x373C;
	v7 =	vbroadcast v7, $0xF;
	v8, _, _ =	vpop (xrf2);
	(xrf2) =	vadd.scan.msk.f32 $0xffff, v4;
	v4 =	vsel vm1, $0x0, v3  }
0x80: {  	v5 =	vld [tilespmem:s24+$0x4010];
	[tilespmem:$0x14000] =	vst v6;
	v6 =	vbroadcast v8, $0xF;
	v8, _, _ =	vpop (xrf2);
	(xrf2) =	vadd.scan.msk.f32 $0xffff, v4;
	v4 =	vsel vm2, $0x0, v3  }
0x81: {  	[tilespmem:$0x14080] =	vst v7;
	v7 =	vbroadcast v8, $0xF;
	v8, _, _ =	vpop (xrf2);
	(xrf2) =	vadd.scan.msk.f32 $0xffff, v4;
	v4 =	vld [tilespmem:$0x1FFF0];
	_ =	sdelay $0x4  }
0x82: {  	vm3 =	vnez.u8 v4  }
0x83: {  	v3 =	vsel vm3, $0x0, v3  }
0x84: {  	[tilespmem:$0x14100] =	vst v6;
	v6, _, _ =	vpop (xrf2);
	v4 =	vbroadcast v8, $0xF;
	(xrf2) =	vadd.scan.msk.f32 $0xffff, v3;
	v3 =	vnsel vm6, $0x0, v5  }
0x85: {  	[tilespmem:$0x14180] =	vst v7;
	v6 =	vbroadcast v6, $0xF;
	v7, _, _ =	vpop (xrf2);
	(xrf2) =	vadd.scan.msk.f32 $0xffff, v3;
	v3 =	vsel vm4, $0x0, v5  }
0x86: {  	[tilespmem:$0x14200] =	vst v4;
	v4 =	vbroadcast v7, $0xF;
	v7, _, _ =	vpop (xrf2);
	(xrf2) =	vadd.scan.msk.f32 $0xffff, v3;
	v3 =	vsel vm5, $0x0, v5  }
0x87: {  	[tilespmem:$0x14280] =	vst v6;
	v6 =	vbroadcast v7, $0xF;
	v7, _, _ =	vpop (xrf2);
	(xrf2) =	vadd.scan.msk.f32 $0xffff, v3;
	v3 =	vsel vm0, $0x0, v5  }
0x88: {  	[tilespmem:$0x14300] =	vst v4;
	v4 =	vbroadcast v7, $0xF;
	v7, _, _ =	vpop (xrf2);
	(xrf2) =	vadd.scan.msk.f32 $0xffff, v3;
	v3 =	vsel vm7, $0x0, v5  }
0x89: {  	[tilespmem:$0x14380] =	vst v6;
	v6 =	vbroadcast v7, $0xF;
	v7, _, _ =	vpop (xrf2);
	(xrf2) =	vadd.scan.msk.f32 $0xffff, v3;
	v3 =	vsel vm8, $0x0, v5  }
0x8a: {  	[tilespmem:$0x14400] =	vst v4;
	v4 =	vbroadcast v7, $0xF;
	v7, _, _ =	vpop (xrf2);
	(xrf2) =	vadd.scan.msk.f32 $0xffff, v3;
	v3 =	vsel vm9, $0x0, v5  }
0x8b: {  	[tilespmem:$0x14480] =	vst v6;
	v6 =	vbroadcast v7, $0xF;
	v7, _, _ =	vpop (xrf2);
	(xrf2) =	vadd.scan.msk.f32 $0xffff, v3;
	v3 =	vsel vm10, $0x0, v5  }
0x8c: {  	[tilespmem:$0x14500] =	vst v4;
	v4 =	vbroadcast v7, $0xF;
	v7, _, _ =	vpop (xrf2);
	(xrf2) =	vadd.scan.msk.f32 $0xffff, v3;
	v3 =	vsel vm11, $0x0, v5  }
0x8d: {  	[tilespmem:$0x14580] =	vst v6;
	v6 =	vbroadcast v7, $0xF;
	v7, _, _ =	vpop (xrf2);
	(xrf2) =	vadd.scan.msk.f32 $0xffff, v3;
	v3 =	vsel vm12, $0x0, v5  }
0x8e: {  	[tilespmem:$0x14600] =	vst v4;
	v4 =	vbroadcast v7, $0xF;
	v7, _, _ =	vpop (xrf2);
	(xrf2) =	vadd.scan.msk.f32 $0xffff, v3;
	v3 =	vsel vm13, $0x0, v5  }
0x8f: {  	[tilespmem:$0x14680] =	vst v6;
	v6 =	vbroadcast v7, $0xF;
	v7, _, _ =	vpop (xrf2);
	(xrf2) =	vadd.scan.msk.f32 $0xffff, v3;
	v3 =	vsel vm14, $0x0, v5  }
0x90: {  	[tilespmem:$0x14700] =	vst v4;
	v4 =	vbroadcast v7, $0xF;
	v7, _, _ =	vpop (xrf2);
	(xrf2) =	vadd.scan.msk.f32 $0xffff, v3;
	v3 =	vsel vm15, $0x0, v5  }
0x91: {  	[tilespmem:$0x14780] =	vst v6;
	v6 =	vbroadcast v7, $0xF;
	v7, _, _ =	vpop (xrf2);
	(xrf2) =	vadd.scan.msk.f32 $0xffff, v3;
	v3 =	vsel vm1, $0x0, v5  }
0x92: {  	[tilespmem:$0x14800] =	vst v4;
	v4 =	vbroadcast v7, $0xF;
	v7, _, _ =	vpop (xrf2);
	(xrf2) =	vadd.scan.msk.f32 $0xffff, v3;
	v3 =	vsel vm2, $0x0, v5  }
0x93: {  	[tilespmem:$0x14880] =	vst v6;
	v6 =	vbroadcast v7, $0xF;
	v7, _, _ =	vpop (xrf2);
	(xrf2) =	vadd.scan.msk.f32 $0xffff, v3;
	v3 =	vsel vm3, $0x0, v5  }
0x94: {  	[tilespmem:$0x14900] =	vst v4;
	v4 =	vbroadcast v7, $0xF  }
0x95: {  	v5, _, _ =	vpop (xrf2);
	(xrf2) =	vadd.scan.msk.f32 $0xffff, v3  }
0x96: {  	[tilespmem:$0x14980] =	vst v6;
	v5 =	vbroadcast v5, $0xF;
	v3, _, _ =	vpop (xrf2)  }
0x97: {  	[tilespmem:$0x14A00] =	vst v4;
	v6, _, _ =	vpop (xrf2);
	v3 =	vbroadcast v3, $0xF  }
0x98: {  	[tilespmem:$0x14A80] =	vst v5;
	v4, _, _ =	vpop (xrf2);
	v5 =	vbroadcast v6, $0xF  }
0x99: {  	v6, _, _ =	vpop (xrf2);
	[tilespmem:$0x14B00] =	vst v3;
	v3 =	vbroadcast v4, $0xF  }
0x9a: {  	v4, _, _ =	vpop (xrf2);
	[tilespmem:$0x14B80] =	vst v5;
	v5 =	vbroadcast v6, $0xF  }
0x9b: {  	v6, _, _ =	vpop (xrf2);
	[tilespmem:$0x14C00] =	vst v3;
	v3 =	vbroadcast v4, $0xF  }
0x9c: {  	v4, _, _ =	vpop (xrf2);
	[tilespmem:$0x14C80] =	vst v5;
	v5 =	vbroadcast v6, $0xF  }
0x9d: {  	v6, _, _ =	vpop (xrf2);
	[tilespmem:$0x14D00] =	vst v3;
	v3 =	vbroadcast v4, $0xF  }
0x9e: {  	v4, _, _ =	vpop (xrf2);
	[tilespmem:$0x14D80] =	vst v5;
	v5 =	vbroadcast v6, $0xF  }
0x9f: {  	[tilespmem:$0x14E00] =	vst v3;
	v3 =	vbroadcast v4, $0xF;
	v4, _, _ =	vpop (xrf2)  }
0xa0: {  	[tilespmem:$0x14E80] =	vst v5;
	v4 =	vbroadcast v4, $0xF  }
0xa1: {  	[tilespmem:$0x14F00] =	vst v3  }
0xa2: {  	[tilespmem:$0x14F80] =	vst v4  }
0xa3: {  	_ =	swait.ge [sflag:s18], $0x6000  }
0xa4: {  	p0 =	seq.s32 s7, $0x0;
	[sflag:s18] =	ssyncset.done $0x0  }
0xa5: {  	s11 =	simm.s32 @!p0 $0x3;
	[sflag:s18] =	ssyncadd.s32 $0xFFFFA000  }
0xa6: {  	_ =	swait.ge @!p0 [sflag:s11], $0x300  }
0xa7: {  	[sflag:s11] =	ssyncset.done @!p0 $0x0  }
0xa8: {  	[sflag:s11] =	ssyncadd.s32 @!p0 $0xFFFFFD00  }
0xa9: {  	v15 =	vld [tilespmem:$0x15000]  }
0xaa: {  	v16 =	vld [tilespmem:$0x15010]  }
0xab: {  	v18 =	vld [tilespmem:$0x15020]  }
0xac: {  	v20 =	vld [tilespmem:$0x15030]  }
0xad: {  	v26 =	vld [tilespmem:$0x15040]  }
0xae: {  	v14 =	vld [tilespmem:$0x15050]  }
0xaf: {  	v12 =	vld [tilespmem:$0x15060]  }
0xb0: {  	v13 =	vld [tilespmem:$0x15070]  }
0xb1: {  	v11 =	vld [tilespmem:$0x15080]  }
0xb2: {  	v10 =	vld [tilespmem:$0x15090]  }
0xb3: {  	v9 =	vld [tilespmem:$0x150A0]  }
0xb4: {  	v8 =	vld [tilespmem:$0x150B0]  }
0xb5: {  	s30 =	simm.s32 $0x0;
	v6 =	vld [tilespmem:$0x150C0]  }
0xb6: {  	s11 =	smul.u32 $0x6000, s30;
	v4 =	vld [tilespmem:$0x150D0]  }
0xb7: {  	s12 =	simm.s32 $0x0;
	v3 =	vld [tilespmem:$0x150E0]  }
0xb8: {  	s25 =	simm.s32 $0x14000;
	s26 =	sand.u32 $0x380, s12;
	v5 =	vld [tilespmem:$0x150F0];
	s11 =	sshra.s32 s11, $0x2  }
0xb9: {  	v7 =	vld [tilespmem:s25+$0x0];
	s26 =	sor.u32 s26, s11  }
0xba: {  	v17 =	vld [tilespmem:s26+$0x8470]  }
0xbb: {  	v19 =	vld [tilespmem:s26+$0x8000]  }
0xbc: {  	v21 =	vld [tilespmem:s26+$0x8010]  }
0xbd: {  	v22 =	vld [tilespmem:s26+$0x8020]  }
0xbe: {  	v24 =	vld [tilespmem:s26+$0x8030]  }
0xbf: {  	v25 =	vld [tilespmem:s26+$0x8040]  }
0xc0: {  	v27 =	vld [tilespmem:s26+$0x8050]  }
0xc1: {  	v28 =	vld [tilespmem:s26+$0x8060];
	v17 =	vmul.f32 v17, v7  }
0xc2: {  	v23 =	vld [tilespmem:s26+$0x8070];
	v19 =	vmul.f32 v19, v7;
	v21 =	vmul.f32 v21, v7  }
0xc3: {  	vm6 =	vmmov vm0;
	v29 =	vmul.f32 v22, v7;
	v30 =	vmul.f32 v24, v7;
	v24 =	vld [tilespmem:s26+$0x8400]  }
0xc4: {  	v22 =	vld [tilespmem:s26+$0x8410];
	v5 =	vadd.f32 v17, v5;
	v17 =	vadd.f32 v21, v16;
	v16 =	vmul.f32 v25, v7  }
0xc5: {  	v19 =	vadd.f32 v19, v15;
	v18 =	vadd.f32 v29, v18;
	v21 =	vld [tilespmem:s26+$0x8420];
	v25 =	vmul.f32 v27, v7  }
0xc6: {  	s29 =	simm.s32 $0x0;
	s28 =	simm.s32 $0x2;
	s11 =	sshll.u32 s7, $0x1;
	v15 =	vadd.f32 v30, v20;
	v20 =	vld [tilespmem:s26+$0x8430];
	v16 =	vadd.f32 v16, v26;
	v26 =	vmul.f32 v28, v7  }
.LBB2_3:
0xc7: {  	p1 =	sne.s32 s28, $0x1F;
	s29 =	smul.u32 $0x6000, s29;
	v14 =	vadd.f32 v25, v14;
	v23 =	vmul.f32 v23, v7;
	v25 =	vld [tilespmem:s26+$0x8440]  }
0xc8: {  	s12 =	sadd.s32 $0x80, s12;
	v12 =	vadd.f32 v26, v12;
	v24 =	vmul.f32 v24, v7;
	v26 =	vld [tilespmem:s26+$0x8450]  }
0xc9: {  	s25 =	sadd.s32 $0x80, s25;
	s30 =	sand.u32 $0x380, s12;
	s29 =	sshra.s32 s29, $0x2;
	v13 =	vadd.f32 v23, v13;
	v22 =	vmul.f32 v22, v7;
	v23 =	vld [tilespmem:s26+$0x8460]  }
0xca: {  	v27 =	vld [tilespmem:s25+$0x0];
	s26 =	sor.u32 s30, s29;
	v11 =	vadd.f32 v24, v11;
	v21 =	vmul.f32 v21, v7  }
0xcb: {  	v24 =	vld [tilespmem:s26+$0x8470];
	v10 =	vadd.f32 v22, v10;
	v20 =	vmul.f32 v20, v7  }
0xcc: {  	v22 =	vld [tilespmem:s26+$0x8000];
	v9 =	vadd.f32 v21, v9;
	v21 =	vmul.f32 v25, v7  }
0xcd: {  	v25 =	vld [tilespmem:s26+$0x8010];
	v8 =	vadd.f32 v20, v8;
	v20 =	vmul.f32 v26, v7  }
0xce: {  	v26 =	vld [tilespmem:s26+$0x8020];
	v6 =	vadd.f32 v21, v6;
	v21 =	vmul.f32 v23, v7  }
0xcf: {  	v28 =	vld [tilespmem:s26+$0x8030];
	v4 =	vadd.f32 v20, v4;
	v7 =	vmov v27  }
0xd0: {  	v20 =	vld [tilespmem:s26+$0x8040];
	v23 =	vmul.f32 v24, v7;
	v3 =	vadd.f32 v21, v3  }
0xd1: {  	v21 =	vmul.f32 v22, v7;
	v27 =	vld [tilespmem:s26+$0x8050]  }
0xd2: {  	v22 =	vmul.f32 v25, v7;
	v29 =	vld [tilespmem:s26+$0x8060];
	v5 =	vadd.f32 v23, v5  }
.Ltmp0:
0xd3: {  	v19 =	vadd.f32 v21, v19;
	v21 =	vmul.f32 v26, v7;
	v23 =	vld [tilespmem:s26+$0x8070];
	(pc) =	sbr.rel @p1 .LBB2_3-.Ltmp0, $4  }
0xd4: {  	v17 =	vadd.f32 v22, v17;
	v25 =	vmul.f32 v28, v7;
	v24 =	vld [tilespmem:s26+$0x8400]  }
0xd5: {  	v18 =	vadd.f32 v21, v18;
	v20 =	vmul.f32 v20, v7;
	v22 =	vld [tilespmem:s26+$0x8410]  }
0xd6: {  	v15 =	vadd.f32 v25, v15;
	v25 =	vmul.f32 v27, v7;
	v21 =	vld [tilespmem:s26+$0x8420]  }
0xd7: {  	s29 =	sshrl.u32 s28, $0x3;
	s28 =	sadd.s32 $0x1, s28;
	v16 =	vadd.f32 v20, v16;
	v26 =	vmul.f32 v29, v7;
	v20 =	vld [tilespmem:s26+$0x8430]  }
0xd8: {  	v27 =	vld [tilespmem:s26+$0x8440]  }
0xd9: {  	s28 =	smul.u32 $0x6000, s29;
	v28 =	vld [tilespmem:s26+$0x8450]  }
0xda: {  	s12 =	sadd.s32 $0x80, s12;
	v29 =	vld [tilespmem:s26+$0x8460]  }
0xdb: {  	s25 =	sadd.s32 $0x80, s25;
	v62 =	vld [tilespmem:$0x15100];
	s12 =	sand.u32 $0x380, s12;
	s28 =	sshra.s32 s28, $0x2  }
0xdc: {  	v30 =	vld [tilespmem:s25+$0x0];
	s12 =	sor.u32 s12, s28  }
0xdd: {  	v31 =	vld [tilespmem:s12+$0x8470]  }
0xde: {  	v32 =	vld [tilespmem:s12+$0x8000]  }
0xdf: {  	v33 =	vld [tilespmem:s12+$0x8010]  }
0xe0: {  	v34 =	vld [tilespmem:s12+$0x8020]  }
0xe1: {  	v35 =	vld [tilespmem:s12+$0x8030]  }
0xe2: {  	v36 =	vld [tilespmem:s12+$0x8040]  }
0xe3: {  	v37 =	vld [tilespmem:s12+$0x8050]  }
0xe4: {  	v38 =	vld [tilespmem:s12+$0x8060]  }
0xe5: {  	v39 =	vld [tilespmem:s12+$0x8070]  }
0xe6: {  	v40 =	vld [tilespmem:s12+$0x8400]  }
0xe7: {  	v23 =	vmul.f32 v23, v7;
	v41 =	vld [tilespmem:s12+$0x8410]  }
0xe8: {  	v14 =	vadd.f32 v25, v14;
	v24 =	vmul.f32 v24, v7;
	v42 =	vld [tilespmem:s12+$0x8420];
	v25 =	vmul.f32 v32, v30  }
0xe9: {  	v12 =	vadd.f32 v26, v12;
	v13 =	vadd.f32 v23, v13;
	v60 =	vld [tilespmem:s12+$0x8430];
	v23 =	vmul.f32 v33, v30  }
0xea: {  	v24 =	vadd.f32 v24, v11;
	v26 =	vld [tilespmem:s12+$0x8440];
	v11 =	vadd.f32 v25, v19;
	v19 =	vmul.f32 v34, v30  }
0xeb: {  	v22 =	vmul.f32 v22, v7;
	v61 =	vld [tilespmem:s12+$0x8460];
	v17 =	vadd.f32 v23, v17;
	v23 =	vmul.f32 v35, v30  }
0xec: {  	v25 =	vld [tilespmem:s12+$0x8450];
	v18 =	vadd.f32 v19, v18;
	v19 =	vmul.f32 v21, v7;
	v21 =	vmul.f32 v36, v30;
	[tilespmem:$0x15300] =	vst v11  }
0xed: {  	v10 =	vadd.f32 v22, v10;
	v11 =	vadd.f32 v23, v15;
	v15 =	vmul.f32 v37, v30;
	[tilespmem:$0x15310] =	vst v17;
	v17 =	vld [tilespmem:$0x15110]  }
0xee: {  	v9 =	vadd.f32 v19, v9;
	v16 =	vadd.f32 v21, v16;
	v19 =	vmul.f32 v38, v30;
	[tilespmem:$0x15320] =	vst v18;
	v18 =	vld [tilespmem:$0x15120]  }
0xef: {  	v14 =	vadd.f32 v15, v14;
	v15 =	vmul.f32 v20, v7;
	v20 =	vmul.f32 v39, v30;
	[tilespmem:$0x15330] =	vst v11;
	v21 =	vld [tilespmem:$0x15130]  }
0xf0: {  	v22 =	vmul.f32 v40, v30;
	v11 =	vld [tilespmem:$0x15150];
	v12 =	vadd.f32 v19, v12;
	v19 =	vmul.f32 v27, v7;
	[tilespmem:$0x15340] =	vst v16  }
0xf1: {  	v16 =	vld [tilespmem:$0x15140];
	v8 =	vadd.f32 v15, v8;
	v13 =	vadd.f32 v20, v13;
	v15 =	vmul.f32 v41, v30;
	[tilespmem:$0x15350] =	vst v14  }
0xf2: {  	v14 =	vadd.f32 v22, v24;
	v20 =	vmul.f32 v60, v30;
	v6 =	vadd.f32 v19, v6;
	[tilespmem:$0x15360] =	vst v12;
	v12 =	vld [tilespmem:$0x15160]  }
0xf3: {  	v19 =	vmul.f32 v42, v30;
	v10 =	vadd.f32 v15, v10;
	v15 =	vmul.f32 v28, v7;
	[tilespmem:$0x15370] =	vst v13;
	v13 =	vld [tilespmem:$0x15170]  }
0xf4: {  	v22 =	vmul.f32 v26, v30;
	v7 =	vmul.f32 v29, v7;
	[tilespmem:$0x15380] =	vst v14;
	v14 =	vld [tilespmem:$0x15180];
	v8 =	vadd.f32 v20, v8  }
0xf5: {  	v19 =	vadd.f32 v19, v9;
	v4 =	vadd.f32 v15, v4;
	v15 =	vmul.f32 v25, v30;
	[tilespmem:$0x15390] =	vst v10;
	v9 =	vld [tilespmem:$0x15190]  }
0xf6: {  	v20 =	vmul.f32 v61, v30;
	v3 =	vadd.f32 v7, v3;
	v6 =	vadd.f32 v22, v6;
	v10 =	vld [tilespmem:$0x151A0];
	[tilespmem:$0x153B0] =	vst v8  }
0xf7: {  	v7 =	vld [tilespmem:$0x151B0];
	[tilespmem:$0x153A0] =	vst v19;
	v19 =	vmul.f32 v31, v30;
	v4 =	vadd.f32 v15, v4  }
0xf8: {  	s26 =	simm.s32 $0x0;
	v3 =	vadd.f32 v20, v3;
	[tilespmem:$0x153C0] =	vst v6;
	v6 =	vld [tilespmem:$0x151C0]  }
0xf9: {  	s30 =	smul.u32 $0x6000, s26;
	v5 =	vadd.f32 v19, v5;
	[tilespmem:$0x153D0] =	vst v4;
	v4 =	vld [tilespmem:$0x151D0]  }
0xfa: {  	s12 =	simm.s32 $0x0;
	[tilespmem:$0x153E0] =	vst v3;
	v3 =	vld [tilespmem:$0x151E0]  }
0xfb: {  	s25 =	simm.s32 $0x14000;
	s26 =	sshra.s32 s30, $0x2;
	s28 =	sand.u32 $0x380, s12;
	[tilespmem:$0x153F0] =	vst v5;
	v5 =	vld [tilespmem:$0x151F0]  }
0xfc: {  	s26 =	sor.u32 s28, s26;
	v8 =	vld [tilespmem:s25+$0x0]  }
0xfd: {  	v15 =	vld [tilespmem:s26+$0x8C70]  }
0xfe: {  	v19 =	vld [tilespmem:s26+$0x8800]  }
0xff: {  	v20 =	vld [tilespmem:s26+$0x8810]  }
0x100: {  	v22 =	vld [tilespmem:s26+$0x8820]  }
0x101: {  	v24 =	vld [tilespmem:s26+$0x8830]  }
0x102: {  	v25 =	vld [tilespmem:s26+$0x8840]  }
0x103: {  	v26 =	vld [tilespmem:s26+$0x8850]  }
0x104: {  	v27 =	vld [tilespmem:s26+$0x8860];
	v15 =	vmul.f32 v15, v8  }
0x105: {  	vm5 =	vcmask $0x70C;
	v23 =	vld [tilespmem:s26+$0x8870];
	v20 =	vmul.f32 v20, v8  }
0x106: {  	v63 =	vmul.f32 v24, v8;
	v24 =	vld [tilespmem:s26+$0x8C00];
	v5 =	vadd.f32 v15, v5;
	v15 =	vmul.f32 v22, v8  }
0x107: {  	v19 =	vmul.f32 v19, v8;
	v17 =	vadd.f32 v20, v17;
	v20 =	vmul.f32 v25, v8;
	v22 =	vld [tilespmem:s26+$0x8C10]  }
0x108: {  	v25 =	vmul.f32 v26, v8;
	v18 =	vadd.f32 v15, v18;
	v15 =	vadd.f32 v63, v21;
	v21 =	vld [tilespmem:s26+$0x8C20]  }
0x109: {  	s29 =	simm.s32 $0x0;
	s28 =	simm.s32 $0x2;
	v19 =	vadd.f32 v19, v62;
	v26 =	vmul.f32 v27, v8;
	v16 =	vadd.f32 v20, v16;
	v20 =	vld [tilespmem:s26+$0x8C30]  }
.LBB2_5:
0x10a: {  	p1 =	sne.s32 s28, $0x1F;
	s29 =	smul.u32 $0x6000, s29;
	v11 =	vadd.f32 v25, v11;
	v23 =	vmul.f32 v23, v8;
	v25 =	vld [tilespmem:s26+$0x8C40]  }
0x10b: {  	s12 =	sadd.s32 $0x80, s12;
	v12 =	vadd.f32 v26, v12;
	v24 =	vmul.f32 v24, v8;
	v26 =	vld [tilespmem:s26+$0x8C50]  }
0x10c: {  	s25 =	sadd.s32 $0x80, s25;
	s30 =	sand.u32 $0x380, s12;
	s29 =	sshra.s32 s29, $0x2;
	v13 =	vadd.f32 v23, v13;
	v22 =	vmul.f32 v22, v8;
	v23 =	vld [tilespmem:s26+$0x8C60]  }
0x10d: {  	v27 =	vld [tilespmem:s25+$0x0];
	s26 =	sor.u32 s30, s29;
	v14 =	vadd.f32 v24, v14;
	v21 =	vmul.f32 v21, v8  }
0x10e: {  	v24 =	vld [tilespmem:s26+$0x8C70];
	v9 =	vadd.f32 v22, v9;
	v20 =	vmul.f32 v20, v8  }
0x10f: {  	v22 =	vld [tilespmem:s26+$0x8800];
	v10 =	vadd.f32 v21, v10;
	v21 =	vmul.f32 v25, v8  }
0x110: {  	v25 =	vld [tilespmem:s26+$0x8810];
	v7 =	vadd.f32 v20, v7;
	v20 =	vmul.f32 v26, v8  }
0x111: {  	v26 =	vld [tilespmem:s26+$0x8820];
	v6 =	vadd.f32 v21, v6;
	v21 =	vmul.f32 v23, v8  }
0x112: {  	v28 =	vld [tilespmem:s26+$0x8830];
	v4 =	vadd.f32 v20, v4;
	v8 =	vmov v27  }
0x113: {  	v20 =	vld [tilespmem:s26+$0x8840];
	v23 =	vmul.f32 v24, v8;
	v3 =	vadd.f32 v21, v3  }
0x114: {  	v21 =	vmul.f32 v22, v8;
	v27 =	vld [tilespmem:s26+$0x8850]  }
0x115: {  	v22 =	vmul.f32 v25, v8;
	v29 =	vld [tilespmem:s26+$0x8860];
	v5 =	vadd.f32 v23, v5  }
.Ltmp1:
0x116: {  	v19 =	vadd.f32 v21, v19;
	v21 =	vmul.f32 v26, v8;
	v23 =	vld [tilespmem:s26+$0x8870];
	(pc) =	sbr.rel @p1 .LBB2_5-.Ltmp1, $4  }
0x117: {  	v17 =	vadd.f32 v22, v17;
	v25 =	vmul.f32 v28, v8;
	v24 =	vld [tilespmem:s26+$0x8C00]  }
0x118: {  	v18 =	vadd.f32 v21, v18;
	v20 =	vmul.f32 v20, v8;
	v22 =	vld [tilespmem:s26+$0x8C10]  }
0x119: {  	v15 =	vadd.f32 v25, v15;
	v25 =	vmul.f32 v27, v8;
	v21 =	vld [tilespmem:s26+$0x8C20]  }
0x11a: {  	s29 =	sshrl.u32 s28, $0x3;
	s28 =	sadd.s32 $0x1, s28;
	v16 =	vadd.f32 v20, v16;
	v26 =	vmul.f32 v29, v8;
	v20 =	vld [tilespmem:s26+$0x8C30]  }
0x11b: {  	v27 =	vld [tilespmem:s26+$0x8C40]  }
0x11c: {  	s28 =	smul.u32 $0x6000, s29;
	v28 =	vld [tilespmem:s26+$0x8C50]  }
0x11d: {  	s12 =	sadd.s32 $0x80, s12;
	v29 =	vld [tilespmem:s26+$0x8C60]  }
0x11e: {  	s25 =	sadd.s32 $0x80, s25;
	v62 =	vld [tilespmem:$0x15230];
	s12 =	sand.u32 $0x380, s12;
	s28 =	sshra.s32 s28, $0x2  }
0x11f: {  	v30 =	vld [tilespmem:s25+$0x0];
	s12 =	sor.u32 s12, s28  }
0x120: {  	v31 =	vld [tilespmem:s12+$0x8C70]  }
0x121: {  	v32 =	vld [tilespmem:s12+$0x8800]  }
0x122: {  	v33 =	vld [tilespmem:s12+$0x8810]  }
0x123: {  	v34 =	vld [tilespmem:s12+$0x8820]  }
0x124: {  	v35 =	vld [tilespmem:s12+$0x8830]  }
0x125: {  	v36 =	vld [tilespmem:s12+$0x8840]  }
0x126: {  	v37 =	vld [tilespmem:s12+$0x8850]  }
0x127: {  	v38 =	vld [tilespmem:s12+$0x8860]  }
0x128: {  	v39 =	vld [tilespmem:s12+$0x8870]  }
0x129: {  	v40 =	vld [tilespmem:s12+$0x8C00]  }
0x12a: {  	v23 =	vmul.f32 v23, v8;
	v41 =	vld [tilespmem:s12+$0x8C10]  }
0x12b: {  	v11 =	vadd.f32 v25, v11;
	v24 =	vmul.f32 v24, v8;
	v42 =	vld [tilespmem:s12+$0x8C20];
	v25 =	vmul.f32 v32, v30  }
0x12c: {  	v12 =	vadd.f32 v26, v12;
	v13 =	vadd.f32 v23, v13;
	v60 =	vld [tilespmem:s12+$0x8C30];
	v23 =	vmul.f32 v33, v30  }
0x12d: {  	v14 =	vadd.f32 v24, v14;
	v26 =	vld [tilespmem:s12+$0x8C40];
	v24 =	vmul.f32 v34, v30;
	v19 =	vadd.f32 v25, v19  }
0x12e: {  	v22 =	vmul.f32 v22, v8;
	v61 =	vld [tilespmem:s12+$0x8C60];
	v17 =	vadd.f32 v23, v17;
	v23 =	vmul.f32 v35, v30  }
0x12f: {  	v21 =	vmul.f32 v21, v8;
	v25 =	vld [tilespmem:s12+$0x8C50];
	v18 =	vadd.f32 v24, v18;
	v24 =	vmul.f32 v36, v30;
	[tilespmem:$0x15400] =	vst v19  }
0x130: {  	v22 =	vadd.f32 v22, v9;
	v19 =	vld [tilespmem:$0x15200];
	v9 =	vadd.f32 v23, v15;
	v15 =	vmul.f32 v37, v30;
	[tilespmem:$0x15410] =	vst v17  }
0x131: {  	v21 =	vadd.f32 v21, v10;
	v17 =	vld [tilespmem:$0x15210];
	v10 =	vadd.f32 v24, v16;
	v16 =	vmul.f32 v38, v30;
	[tilespmem:$0x15420] =	vst v18  }
0x132: {  	v18 =	vld [tilespmem:$0x15220];
	v11 =	vadd.f32 v15, v11;
	v15 =	vmul.f32 v20, v8;
	v20 =	vmul.f32 v39, v30;
	[tilespmem:$0x15430] =	vst v9  }
0x133: {  	v23 =	vmul.f32 v40, v30;
	v12 =	vadd.f32 v16, v12;
	v16 =	vmul.f32 v27, v8;
	[tilespmem:$0x15440] =	vst v10;
	v27 =	vld [tilespmem:$0x15240]  }
0x134: {  	v9 =	vld [tilespmem:$0x15250];
	v7 =	vadd.f32 v15, v7;
	v13 =	vadd.f32 v20, v13;
	v15 =	vmul.f32 v41, v30;
	[tilespmem:$0x15450] =	vst v11  }
0x135: {  	v10 =	vld [tilespmem:$0x15260];
	v11 =	vadd.f32 v23, v14;
	v14 =	vmul.f32 v42, v30;
	[tilespmem:$0x15460] =	vst v12  }
0x136: {  	v6 =	vadd.f32 v16, v6;
	v16 =	vmul.f32 v60, v30;
	v12 =	vadd.f32 v15, v22;
	[tilespmem:$0x15470] =	vst v13;
	v13 =	vld [tilespmem:$0x15270]  }
0x137: {  	v15 =	vmul.f32 v28, v8;
	v21 =	vadd.f32 v14, v21;
	v22 =	vmul.f32 v26, v30;
	[tilespmem:$0x15480] =	vst v11;
	v14 =	vld [tilespmem:$0x15280]  }
0x138: {  	v20 =	vmul.f32 v29, v8;
	v7 =	vadd.f32 v16, v7;
	v8 =	vld [tilespmem:$0x15290];
	v16 =	vmul.f32 v31, v30;
	[tilespmem:$0x15490] =	vst v12  }
0x139: {  	v11 =	vld [tilespmem:$0x152A0];
	v4 =	vadd.f32 v15, v4;
	v15 =	vmul.f32 v25, v30;
	v6 =	vadd.f32 v22, v6;
	[tilespmem:$0x154A0] =	vst v21  }
0x13a: {  	v3 =	vadd.f32 v20, v3;
	v12 =	vmul.f32 v61, v30;
	[tilespmem:$0x154B0] =	vst v7;
	v7 =	vld [tilespmem:$0x152B0];
	v5 =	vadd.f32 v16, v5  }
0x13b: {  	s26 =	simm.s32 $0x0;
	v4 =	vadd.f32 v15, v4;
	[tilespmem:$0x154C0] =	vst v6;
	v6 =	vld [tilespmem:$0x152C0]  }
0x13c: {  	s30 =	smul.u32 $0x6000, s26;
	v3 =	vadd.f32 v12, v3;
	[tilespmem:$0x154F0] =	vst v5;
	v5 =	vld [tilespmem:$0x152F0]  }
0x13d: {  	s12 =	simm.s32 $0x0;
	[tilespmem:$0x154D0] =	vst v4;
	v4 =	vld [tilespmem:$0x152D0]  }
0x13e: {  	s25 =	simm.s32 $0x14000;
	s26 =	sshra.s32 s30, $0x2;
	s28 =	sand.u32 $0x380, s12;
	[tilespmem:$0x154E0] =	vst v3;
	v3 =	vld [tilespmem:$0x152E0]  }
0x13f: {  	s26 =	sor.u32 s28, s26;
	v12 =	vld [tilespmem:s25+$0x0]  }
0x140: {  	v15 =	vld [tilespmem:s26+$0x9470]  }
0x141: {  	v16 =	vld [tilespmem:s26+$0x9000]  }
0x142: {  	v20 =	vld [tilespmem:s26+$0x9010]  }
0x143: {  	v21 =	vld [tilespmem:s26+$0x9020]  }
0x144: {  	v22 =	vld [tilespmem:s26+$0x9030]  }
0x145: {  	v25 =	vld [tilespmem:s26+$0x9040]  }
0x146: {  	v26 =	vld [tilespmem:s26+$0x9050]  }
0x147: {  	v63 =	vld [tilespmem:s26+$0x9060];
	v15 =	vmul.f32 v15, v12  }
0x148: {  	vm4 =	vcmask $0x308;
	v23 =	vld [tilespmem:s26+$0x9070];
	v16 =	vmul.f32 v16, v12  }
0x149: {  	v24 =	vld [tilespmem:s26+$0x9400];
	v5 =	vadd.f32 v15, v5;
	v15 =	vmul.f32 v21, v12;
	v21 =	vmul.f32 v22, v12  }
0x14a: {  	v20 =	vmul.f32 v20, v12;
	v19 =	vadd.f32 v16, v19;
	v16 =	vmul.f32 v25, v12;
	v22 =	vld [tilespmem:s26+$0x9410]  }
0x14b: {  	v25 =	vmul.f32 v26, v12;
	v18 =	vadd.f32 v15, v18;
	v15 =	vadd.f32 v21, v62;
	v21 =	vld [tilespmem:s26+$0x9420]  }
0x14c: {  	s29 =	simm.s32 $0x0;
	s28 =	simm.s32 $0x2;
	v17 =	vadd.f32 v20, v17;
	v26 =	vmul.f32 v63, v12;
	v20 =	vld [tilespmem:s26+$0x9430];
	v16 =	vadd.f32 v16, v27  }
.LBB2_7:
0x14d: {  	p1 =	sne.s32 s28, $0x1F;
	s29 =	smul.u32 $0x6000, s29;
	v9 =	vadd.f32 v25, v9;
	v23 =	vmul.f32 v23, v12;
	v25 =	vld [tilespmem:s26+$0x9440]  }
0x14e: {  	s12 =	sadd.s32 $0x80, s12;
	v10 =	vadd.f32 v26, v10;
	v24 =	vmul.f32 v24, v12;
	v26 =	vld [tilespmem:s26+$0x9450]  }
0x14f: {  	s25 =	sadd.s32 $0x80, s25;
	s30 =	sand.u32 $0x380, s12;
	s29 =	sshra.s32 s29, $0x2;
	v13 =	vadd.f32 v23, v13;
	v22 =	vmul.f32 v22, v12;
	v23 =	vld [tilespmem:s26+$0x9460]  }
0x150: {  	v27 =	vld [tilespmem:s25+$0x0];
	s26 =	sor.u32 s30, s29;
	v14 =	vadd.f32 v24, v14;
	v21 =	vmul.f32 v21, v12  }
0x151: {  	v24 =	vld [tilespmem:s26+$0x9470];
	v8 =	vadd.f32 v22, v8;
	v20 =	vmul.f32 v20, v12  }
0x152: {  	v22 =	vld [tilespmem:s26+$0x9000];
	v11 =	vadd.f32 v21, v11;
	v21 =	vmul.f32 v25, v12  }
0x153: {  	v25 =	vld [tilespmem:s26+$0x9010];
	v7 =	vadd.f32 v20, v7;
	v20 =	vmul.f32 v26, v12  }
0x154: {  	v26 =	vld [tilespmem:s26+$0x9020];
	v6 =	vadd.f32 v21, v6;
	v21 =	vmul.f32 v23, v12  }
0x155: {  	v28 =	vld [tilespmem:s26+$0x9030];
	v4 =	vadd.f32 v20, v4;
	v12 =	vmov v27  }
0x156: {  	v20 =	vld [tilespmem:s26+$0x9040];
	v23 =	vmul.f32 v24, v12;
	v3 =	vadd.f32 v21, v3  }
0x157: {  	v21 =	vmul.f32 v22, v12;
	v27 =	vld [tilespmem:s26+$0x9050]  }
0x158: {  	v22 =	vmul.f32 v25, v12;
	v29 =	vld [tilespmem:s26+$0x9060];
	v5 =	vadd.f32 v23, v5  }
.Ltmp2:
0x159: {  	v19 =	vadd.f32 v21, v19;
	v21 =	vmul.f32 v26, v12;
	v23 =	vld [tilespmem:s26+$0x9070];
	(pc) =	sbr.rel @p1 .LBB2_7-.Ltmp2, $4  }
0x15a: {  	v17 =	vadd.f32 v22, v17;
	v25 =	vmul.f32 v28, v12;
	v24 =	vld [tilespmem:s26+$0x9400]  }
0x15b: {  	v18 =	vadd.f32 v21, v18;
	v20 =	vmul.f32 v20, v12;
	v22 =	vld [tilespmem:s26+$0x9410]  }
0x15c: {  	v15 =	vadd.f32 v25, v15;
	v25 =	vmul.f32 v27, v12;
	v21 =	vld [tilespmem:s26+$0x9420]  }
0x15d: {  	s29 =	sshrl.u32 s28, $0x3;
	s28 =	sadd.s32 $0x1, s28;
	v16 =	vadd.f32 v20, v16;
	v26 =	vmul.f32 v29, v12;
	v20 =	vld [tilespmem:s26+$0x9430]  }
0x15e: {  	s28 =	smul.u32 $0x6000, s29;
	v27 =	vld [tilespmem:s26+$0x9440]  }
0x15f: {  	v28 =	vld [tilespmem:s26+$0x9450];
	s12 =	sadd.s32 $0x80, s12  }
0x160: {  	v29 =	vld [tilespmem:s26+$0x9460];
	s25 =	sadd.s32 $0x80, s25;
	s12 =	sand.u32 $0x380, s12;
	s28 =	sshra.s32 s28, $0x2  }
0x161: {  	v30 =	vld [tilespmem:s25+$0x0];
	s12 =	sor.u32 s12, s28  }
0x162: {  	v31 =	vld [tilespmem:s12+$0x9470]  }
0x163: {  	v32 =	vld [tilespmem:s12+$0x9000]  }
0x164: {  	v33 =	vld [tilespmem:s12+$0x9010]  }
0x165: {  	v34 =	vld [tilespmem:s12+$0x9020]  }
0x166: {  	v35 =	vld [tilespmem:s12+$0x9030]  }
0x167: {  	v36 =	vld [tilespmem:s12+$0x9040]  }
0x168: {  	v37 =	vld [tilespmem:s12+$0x9050]  }
0x169: {  	v38 =	vld [tilespmem:s12+$0x9060]  }
0x16a: {  	v39 =	vld [tilespmem:s12+$0x9070]  }
0x16b: {  	v40 =	vld [tilespmem:s12+$0x9400]  }
0x16c: {  	v23 =	vmul.f32 v23, v12;
	v41 =	vld [tilespmem:s12+$0x9410]  }
0x16d: {  	v9 =	vadd.f32 v25, v9;
	v24 =	vmul.f32 v24, v12;
	v42 =	vld [tilespmem:s12+$0x9420];
	v25 =	vmul.f32 v32, v30  }
0x16e: {  	v10 =	vadd.f32 v26, v10;
	v13 =	vadd.f32 v23, v13;
	v59 =	vld [tilespmem:s12+$0x9430];
	v23 =	vmul.f32 v33, v30  }
0x16f: {  	v14 =	vadd.f32 v24, v14;
	v26 =	vld [tilespmem:s12+$0x9440];
	v24 =	vmul.f32 v34, v30;
	v19 =	vadd.f32 v25, v19  }
0x170: {  	v22 =	vmul.f32 v22, v12;
	v60 =	vld [tilespmem:s12+$0x9460];
	v17 =	vadd.f32 v23, v17;
	v23 =	vmul.f32 v35, v30  }
0x171: {  	v25 =	vld [tilespmem:s12+$0x9450];
	v18 =	vadd.f32 v24, v18;
	[tilespmem:$0x15500] =	vst v19;
	v19 =	vmul.f32 v21, v12;
	v21 =	vmul.f32 v36, v30  }
0x172: {  	v8 =	vadd.f32 v22, v8;
	v15 =	vadd.f32 v23, v15;
	[tilespmem:$0x15510] =	vst v17;
	v17 =	vmul.f32 v37, v30  }
0x173: {  	[tilespmem:$0x15520] =	vst v18;
	v18 =	vmul.f32 v38, v30;
	v11 =	vadd.f32 v19, v11;
	v16 =	vadd.f32 v21, v16  }
0x174: {  	v9 =	vadd.f32 v17, v9;
	[tilespmem:$0x15530] =	vst v15;
	v15 =	vmul.f32 v20, v12;
	v17 =	vmul.f32 v39, v30  }
0x175: {  	v10 =	vadd.f32 v18, v10;
	v18 =	vmul.f32 v40, v30;
	[tilespmem:$0x15540] =	vst v16;
	v16 =	vmul.f32 v27, v12  }
0x176: {  	v7 =	vadd.f32 v15, v7;
	v13 =	vadd.f32 v17, v13;
	v15 =	vmul.f32 v41, v30;
	[tilespmem:$0x15550] =	vst v9  }
0x177: {  	v9 =	vmul.f32 v28, v12;
	v14 =	vadd.f32 v18, v14;
	v17 =	vmul.f32 v42, v30;
	[tilespmem:$0x15560] =	vst v10  }
0x178: {  	v10 =	vmul.f32 v59, v30;
	v12 =	vmul.f32 v29, v12;
	v8 =	vadd.f32 v15, v8;
	[tilespmem:$0x15570] =	vst v13  }
0x179: {  	v6 =	vadd.f32 v16, v6;
	v11 =	vadd.f32 v17, v11;
	v13 =	vmul.f32 v26, v30;
	[tilespmem:$0x15580] =	vst v14  }
0x17a: {  	s11 =	sor.u32 s6, s11;
	v4 =	vadd.f32 v9, v4;
	v7 =	vadd.f32 v10, v7;
	v9 =	vmul.f32 v25, v30;
	[tilespmem:$0x15590] =	vst v8  }
0x17b: {  	s11 =	sshrl.u32 s11, $0x3;
	v10 =	vmul.f32 v31, v30;
	v6 =	vadd.f32 v13, v6;
	[tilespmem:$0x155A0] =	vst v11  }
0x17c: {  	s11 =	smul.u32 $0x1800, s11;
	v3 =	vadd.f32 v12, v3;
	v8 =	vmul.f32 v60, v30;
	v4 =	vadd.f32 v9, v4;
	[tilespmem:$0x155B0] =	vst v7  }
0x17d: {  	s25 =	sand.u32 $0x300, s24;
	v5 =	vadd.f32 v10, v5;
	[tilespmem:$0x155C0] =	vst v6  }
0x17e: {  	s12 =	sor.u32 s25, s11;
	v3 =	vadd.f32 v8, v3;
	[tilespmem:$0x155D0] =	vst v4  }
0x17f: {  	s12 =	sshrl.u32 s12, $0x3;
	[tilespmem:$0x155F0] =	vst v5  }
0x180: {  	p1 =	seq.s32 s7, $0x3F;
	s12 =	sadd.s32 s4, s12;
	[tilespmem:$0x155E0] =	vst v3  }
0x181: {  	[hbm4b:s12+s19] =	stream.strided.scatter [tilespmem:s21], [sflag:$0x3], $0x300, s20, s19, $0x38;
	[tilespmem:$0x15900] =	vst v63  }
0x182: {  	s12 =	sshll.u32 @!p1 s7, $0x8  }
0x183: {  	s12 =	sand.u32 @!p1 $0x3FFFFF00, s12  }
0x184: {  	v3 =	vld @!p1 [tilespmem:s12+$0x100];
	_ =	sdelay $0x4  }
0x185: {  	v4 =	vshrl.u32 @!p1 v3, $0x3  }
0x186: {  	v4 =	vmul.u32 @!p1 $0x30, v4  }
0x187: {  	v5 =	vlaneseq.u32 @!p1;
	v3 =	vand.u32 @!p1 $0x7, v3  }
0x188: {  	v6 =	vshrl.u32 @!p1 v5, $0x3;
	v3 =	vor.u32 @!p1 v3, v4;
	v4 =	vand.u32 @!p1 $0x7, v5  }
0x189: {  	v6 =	vmul.u32 @!p1 $0x8, v6;
	v7 =	vperm.xlane @!p1 v3, v4;
	_ =	sdelay $0x1  }
0x18a: {  	v7 =	vadd.s32 @!p1 v6, v7;
	_ =	sdelay $0x2  }
0x18b: {  	v5 =	vor.u32 @!p1 $0x8, v5  }
0x18c: {  	vm3 =	vmmov @!p1 $0xffff;
	s24 =	simm.s32 @!p1 $0x0;
	s25 =	simm.s32 @!p1 $0x8000;
	v3 =	vperm.xlane @!p1 v3, v5  }
0x18d: {  	[tilespmem:s25], [sflag:$0x1] =	stream.indirect_vreg.gather @!p1 [hbm4b:s1+s24], $0x80, v7, vm3, $0xb8;
	[tilespmem:$0x15900] =	vst v63  }
0x18e: {  	v3 =	vadd.s32 @!p1 v6, v3;
	s25 =	simm.s32 @!p1 $0x8800  }
0x18f: {  	[tilespmem:s25], [sflag:$0x1] =	stream.indirect_vreg.gather @!p1 [hbm4b:s9+s24], $0x80, v7, vm3, $0xb8;
	[tilespmem:$0x15900] =	vst v63  }
0x190: {  	s25 =	simm.s32 @!p1 $0x9000  }
0x191: {  	[tilespmem:s25], [sflag:$0x1] =	stream.indirect_vreg.gather @!p1 [hbm4b:s10+s24], $0x80, v7, vm3, $0xb8;
	[tilespmem:$0x15900] =	vst v63  }
0x192: {  	s25 =	simm.s32 @!p1 $0x9800  }
0x193: {  	[tilespmem:s25], [sflag:$0x1] =	stream.indirect_vreg.gather @!p1 [hbm4b:s1+s24], $0x80, v3, vm3, $0xb8;
	[tilespmem:$0x15900] =	vst v63  }
0x194: {  	s25 =	simm.s32 @!p1 $0xA000  }
0x195: {  	[tilespmem:s25], [sflag:$0x1] =	stream.indirect_vreg.gather @!p1 [hbm4b:s9+s24], $0x80, v3, vm3, $0xb8;
	[tilespmem:$0x15900] =	vst v63  }
0x196: {  	s25 =	simm.s32 @!p1 $0xA800  }
0x197: {  	[tilespmem:s25], [sflag:$0x1] =	stream.indirect_vreg.gather @!p1 [hbm4b:s10+s24], $0x80, v3, vm3, $0xb8;
	[tilespmem:$0x15900] =	vst v63  }
0x198: {  	v3 =	vld @!p1 [tilespmem:s12+$0x110];
	_ =	sdelay $0x4  }
0x199: {  	v7 =	vshrl.u32 @!p1 v3, $0x3  }
0x19a: {  	v7 =	vmul.u32 @!p1 $0x30, v7  }
0x19b: {  	v3 =	vand.u32 @!p1 $0x7, v3  }
0x19c: {  	v3 =	vor.u32 @!p1 v3, v7  }
0x19d: {  	v4 =	vperm.xlane @!p1 v3, v4;
	_ =	sdelay $0x1  }
0x19e: {  	v4 =	vadd.s32 @!p1 v6, v4;
	_ =	sdelay $0x3  }
0x19f: {  	s12 =	simm.s32 @!p1 $0xB000;
	v3 =	vperm.xlane @!p1 v3, v5  }
0x1a0: {  	[tilespmem:s12], [sflag:$0x1] =	stream.indirect_vreg.gather @!p1 [hbm4b:s1+s24], $0x80, v4, vm3, $0xb8;
	[tilespmem:$0x15900] =	vst v63  }
0x1a1: {  	v3 =	vadd.s32 @!p1 v6, v3;
	s12 =	simm.s32 @!p1 $0xB800  }
0x1a2: {  	[tilespmem:s12], [sflag:$0x1] =	stream.indirect_vreg.gather @!p1 [hbm4b:s9+s24], $0x80, v4, vm3, $0xb8;
	[tilespmem:$0x15900] =	vst v63  }
0x1a3: {  	s12 =	simm.s32 @!p1 $0xC000  }
0x1a4: {  	[tilespmem:s12], [sflag:$0x1] =	stream.indirect_vreg.gather @!p1 [hbm4b:s10+s24], $0x80, v4, vm3, $0xb8;
	[tilespmem:$0x15900] =	vst v63  }
0x1a5: {  	s12 =	simm.s32 @!p1 $0xC800  }
0x1a6: {  	[tilespmem:s12], [sflag:$0x1] =	stream.indirect_vreg.gather @!p1 [hbm4b:s1+s24], $0x80, v3, vm3, $0xb8;
	[tilespmem:$0x15900] =	vst v63  }
0x1a7: {  	s12 =	simm.s32 @!p1 $0xD000  }
0x1a8: {  	[tilespmem:s12], [sflag:$0x1] =	stream.indirect_vreg.gather @!p1 [hbm4b:s9+s24], $0x80, v3, vm3, $0xb8;
	[tilespmem:$0x15900] =	vst v63  }
0x1a9: {  	s12 =	simm.s32 @!p1 $0xD800  }
0x1aa: {  	v4 =	vld [tilespmem:$0x1FFE0];
	[tilespmem:s12], [sflag:$0x1] =	stream.indirect_vreg.gather @!p1 [hbm4b:s10+s24], $0x80, v3, vm3, $0xb8  }
0x1ab: {  	v3 =	vld [tilespmem:s8+$0x4000];
	_ =	sdelay $0x3  }
0x1ac: {  	vm15 =	vnez.u8 v4  }
0x1ad: {  	v4 =	vnsel vm15, $0x0, v3  }
0x1ae: {  	(xrf2) =	vadd.scan.msk.f32 $0xffff, v4;
	v4 =	vsel vm4, $0x0, v3  }
0x1af: {  	(xrf2) =	vadd.scan.msk.f32 $0xffff, v4;
	v4 =	vsel vm5, $0x0, v3  }
0x1b0: {  	vm0 =	vmmov vm6;
	(xrf2) =	vadd.scan.msk.f32 $0xffff, v4;
	v4 =	vsel vm6, $0x0, v3;
	vm6 =	vcmask $0xF14  }
0x1b1: {  	vm7 =	vcmask $0x1318;
	(xrf2) =	vadd.scan.msk.f32 $0xffff, v4;
	v4 =	vsel vm6, $0x0, v3  }
0x1b2: {  	vm8 =	vcmask $0x171C;
	(xrf2) =	vadd.scan.msk.f32 $0xffff, v4;
	v4 =	vsel vm7, $0x0, v3  }
0x1b3: {  	vm9 =	vcmask $0x1B20;
	(xrf2) =	vadd.scan.msk.f32 $0xffff, v4;
	v4 =	vsel vm8, $0x0, v3  }
0x1b4: {  	vm10 =	vcmask $0x1F24;
	(xrf2) =	vadd.scan.msk.f32 $0xffff, v4;
	v4 =	vsel vm9, $0x0, v3  }
0x1b5: {  	vm11 =	vcmask $0x2328;
	(xrf2) =	vadd.scan.msk.f32 $0xffff, v4;
	v4 =	vsel vm10, $0x0, v3  }
0x1b6: {  	vm12 =	vcmask $0x272C;
	(xrf2) =	vadd.scan.msk.f32 $0xffff, v4;
	v4 =	vsel vm11, $0x0, v3  }
0x1b7: {  	vm13 =	vcmask $0x2B30;
	(xrf2) =	vadd.scan.msk.f32 $0xffff, v4;
	v4 =	vsel vm12, $0x0, v3  }
0x1b8: {  	vm14 =	vcmask $0x2F34;
	v6, _, _ =	vpop (xrf2);
	(xrf2) =	vadd.scan.msk.f32 $0xffff, v4;
	v4 =	vsel vm13, $0x0, v3  }
0x1b9: {  	vm1 =	vcmask $0x3338;
	v6 =	vbroadcast v6, $0xF;
	v7, _, _ =	vpop (xrf2);
	(xrf2) =	vadd.scan.msk.f32 $0xffff, v4;
	v4 =	vsel vm14, $0x0, v3  }
0x1ba: {  	vm2 =	vcmask $0x373C;
	v7 =	vbroadcast v7, $0xF;
	v8, _, _ =	vpop (xrf2);
	(xrf2) =	vadd.scan.msk.f32 $0xffff, v4;
	v4 =	vsel vm1, $0x0, v3  }
0x1bb: {  	v5 =	vld [tilespmem:s8+$0x4010];
	[tilespmem:$0x14000] =	vst v6;
	v6 =	vbroadcast v8, $0xF;
	v8, _, _ =	vpop (xrf2);
	(xrf2) =	vadd.scan.msk.f32 $0xffff, v4;
	v4 =	vsel vm2, $0x0, v3  }
0x1bc: {  	[tilespmem:$0x14080] =	vst v7;
	v7 =	vbroadcast v8, $0xF;
	v8, _, _ =	vpop (xrf2);
	(xrf2) =	vadd.scan.msk.f32 $0xffff, v4;
	v4 =	vld [tilespmem:$0x1FFF0];
	_ =	sdelay $0x4  }
0x1bd: {  	vm3 =	vnez.u8 v4  }
0x1be: {  	v3 =	vsel vm3, $0x0, v3  }
0x1bf: {  	[tilespmem:$0x14100] =	vst v6;
	v6, _, _ =	vpop (xrf2);
	v4 =	vbroadcast v8, $0xF;
	(xrf2) =	vadd.scan.msk.f32 $0xffff, v3;
	v3 =	vnsel vm15, $0x0, v5  }
0x1c0: {  	[tilespmem:$0x14180] =	vst v7;
	v6 =	vbroadcast v6, $0xF;
	v7, _, _ =	vpop (xrf2);
	(xrf2) =	vadd.scan.msk.f32 $0xffff, v3;
	v3 =	vsel vm4, $0x0, v5  }
0x1c1: {  	[tilespmem:$0x14200] =	vst v4;
	v4 =	vbroadcast v7, $0xF;
	v7, _, _ =	vpop (xrf2);
	(xrf2) =	vadd.scan.msk.f32 $0xffff, v3;
	v3 =	vsel vm5, $0x0, v5  }
0x1c2: {  	[tilespmem:$0x14280] =	vst v6;
	v6 =	vbroadcast v7, $0xF;
	v7, _, _ =	vpop (xrf2);
	(xrf2) =	vadd.scan.msk.f32 $0xffff, v3;
	v3 =	vsel vm0, $0x0, v5  }
0x1c3: {  	[tilespmem:$0x14300] =	vst v4;
	v4 =	vbroadcast v7, $0xF;
	v7, _, _ =	vpop (xrf2);
	(xrf2) =	vadd.scan.msk.f32 $0xffff, v3;
	v3 =	vsel vm6, $0x0, v5  }
0x1c4: {  	[tilespmem:$0x14380] =	vst v6;
	v6 =	vbroadcast v7, $0xF;
	v7, _, _ =	vpop (xrf2);
	(xrf2) =	vadd.scan.msk.f32 $0xffff, v3;
	v3 =	vsel vm7, $0x0, v5  }
0x1c5: {  	[tilespmem:$0x14400] =	vst v4;
	v4 =	vbroadcast v7, $0xF;
	v7, _, _ =	vpop (xrf2);
	(xrf2) =	vadd.scan.msk.f32 $0xffff, v3;
	v3 =	vsel vm8, $0x0, v5  }
0x1c6: {  	[tilespmem:$0x14480] =	vst v6;
	v6 =	vbroadcast v7, $0xF;
	v7, _, _ =	vpop (xrf2);
	(xrf2) =	vadd.scan.msk.f32 $0xffff, v3;
	v3 =	vsel vm9, $0x0, v5  }
0x1c7: {  	[tilespmem:$0x14500] =	vst v4;
	v4 =	vbroadcast v7, $0xF;
	v7, _, _ =	vpop (xrf2);
	(xrf2) =	vadd.scan.msk.f32 $0xffff, v3;
	v3 =	vsel vm10, $0x0, v5  }
0x1c8: {  	[tilespmem:$0x14580] =	vst v6;
	v6 =	vbroadcast v7, $0xF;
	v7, _, _ =	vpop (xrf2);
	(xrf2) =	vadd.scan.msk.f32 $0xffff, v3;
	v3 =	vsel vm11, $0x0, v5  }
0x1c9: {  	[tilespmem:$0x14600] =	vst v4;
	v4 =	vbroadcast v7, $0xF;
	v7, _, _ =	vpop (xrf2);
	(xrf2) =	vadd.scan.msk.f32 $0xffff, v3;
	v3 =	vsel vm12, $0x0, v5  }
0x1ca: {  	[tilespmem:$0x14680] =	vst v6;
	v6 =	vbroadcast v7, $0xF;
	v7, _, _ =	vpop (xrf2);
	(xrf2) =	vadd.scan.msk.f32 $0xffff, v3;
	v3 =	vsel vm13, $0x0, v5  }
0x1cb: {  	[tilespmem:$0x14700] =	vst v4;
	v4 =	vbroadcast v7, $0xF;
	v7, _, _ =	vpop (xrf2);
	(xrf2) =	vadd.scan.msk.f32 $0xffff, v3;
	v3 =	vsel vm14, $0x0, v5  }
0x1cc: {  	[tilespmem:$0x14780] =	vst v6;
	v6 =	vbroadcast v7, $0xF;
	v7, _, _ =	vpop (xrf2);
	(xrf2) =	vadd.scan.msk.f32 $0xffff, v3;
	v3 =	vsel vm1, $0x0, v5  }
0x1cd: {  	[tilespmem:$0x14800] =	vst v4;
	v4 =	vbroadcast v7, $0xF;
	v7, _, _ =	vpop (xrf2);
	(xrf2) =	vadd.scan.msk.f32 $0xffff, v3;
	v3 =	vsel vm2, $0x0, v5  }
0x1ce: {  	[tilespmem:$0x14880] =	vst v6;
	v6 =	vbroadcast v7, $0xF;
	v7, _, _ =	vpop (xrf2);
	(xrf2) =	vadd.scan.msk.f32 $0xffff, v3;
	v3 =	vsel vm3, $0x0, v5  }
0x1cf: {  	[tilespmem:$0x14900] =	vst v4;
	v4 =	vbroadcast v7, $0xF  }
0x1d0: {  	v5, _, _ =	vpop (xrf2);
	(xrf2) =	vadd.scan.msk.f32 $0xffff, v3  }
0x1d1: {  	[tilespmem:$0x14980] =	vst v6;
	v5 =	vbroadcast v5, $0xF;
	v3, _, _ =	vpop (xrf2)  }
0x1d2: {  	[tilespmem:$0x14A00] =	vst v4;
	v6, _, _ =	vpop (xrf2);
	v3 =	vbroadcast v3, $0xF  }
0x1d3: {  	[tilespmem:$0x14A80] =	vst v5;
	v4, _, _ =	vpop (xrf2);
	v5 =	vbroadcast v6, $0xF  }
0x1d4: {  	v6, _, _ =	vpop (xrf2);
	[tilespmem:$0x14B00] =	vst v3;
	v3 =	vbroadcast v4, $0xF  }
0x1d5: {  	v4, _, _ =	vpop (xrf2);
	[tilespmem:$0x14B80] =	vst v5;
	v5 =	vbroadcast v6, $0xF  }
0x1d6: {  	v6, _, _ =	vpop (xrf2);
	[tilespmem:$0x14C00] =	vst v3;
	v3 =	vbroadcast v4, $0xF  }
0x1d7: {  	v4, _, _ =	vpop (xrf2);
	[tilespmem:$0x14C80] =	vst v5;
	v5 =	vbroadcast v6, $0xF  }
0x1d8: {  	v6, _, _ =	vpop (xrf2);
	[tilespmem:$0x14D00] =	vst v3;
	v3 =	vbroadcast v4, $0xF  }
0x1d9: {  	v4, _, _ =	vpop (xrf2);
	[tilespmem:$0x14D80] =	vst v5;
	v5 =	vbroadcast v6, $0xF  }
0x1da: {  	[tilespmem:$0x14E00] =	vst v3;
	v3 =	vbroadcast v4, $0xF;
	v4, _, _ =	vpop (xrf2)  }
0x1db: {  	[tilespmem:$0x14E80] =	vst v5;
	v4 =	vbroadcast v4, $0xF  }
0x1dc: {  	[tilespmem:$0x14F00] =	vst v3  }
0x1dd: {  	[tilespmem:$0x14F80] =	vst v4  }
0x1de: {  	_ =	swait.ge [sflag:s22], $0x6000  }
0x1df: {  	[sflag:s22] =	ssyncset.done $0x0  }
0x1e0: {  	s12 =	simm.s32 @!p0 $0x4;
	[sflag:s22] =	ssyncadd.s32 $0xFFFFA000  }
0x1e1: {  	_ =	swait.ge @!p0 [sflag:s12], $0x300  }
0x1e2: {  	[sflag:s12] =	ssyncset.done @!p0 $0x0  }
0x1e3: {  	[sflag:s12] =	ssyncadd.s32 @!p0 $0xFFFFFD00  }
0x1e4: {  	v15 =	vld [tilespmem:$0x15000]  }
0x1e5: {  	v16 =	vld [tilespmem:$0x15010]  }
0x1e6: {  	v18 =	vld [tilespmem:$0x15020]  }
0x1e7: {  	v20 =	vld [tilespmem:$0x15030]  }
0x1e8: {  	v26 =	vld [tilespmem:$0x15040]  }
0x1e9: {  	v14 =	vld [tilespmem:$0x15050]  }
0x1ea: {  	v12 =	vld [tilespmem:$0x15060]  }
0x1eb: {  	v13 =	vld [tilespmem:$0x15070]  }
0x1ec: {  	v11 =	vld [tilespmem:$0x15080]  }
0x1ed: {  	v10 =	vld [tilespmem:$0x15090]  }
0x1ee: {  	v9 =	vld [tilespmem:$0x150A0]  }
0x1ef: {  	v8 =	vld [tilespmem:$0x150B0]  }
0x1f0: {  	s26 =	simm.s32 $0x0;
	v6 =	vld [tilespmem:$0x150C0]  }
0x1f1: {  	s29 =	smul.u32 $0x6000, s26;
	v4 =	vld [tilespmem:$0x150D0]  }
0x1f2: {  	s12 =	simm.s32 $0x0;
	v3 =	vld [tilespmem:$0x150E0]  }
0x1f3: {  	s25 =	sshra.s32 s29, $0x2;
	s24 =	simm.s32 $0x14000;
	v5 =	vld [tilespmem:$0x150F0];
	s30 =	sand.u32 $0x380, s12  }
0x1f4: {  	v7 =	vld [tilespmem:s24+$0x0];
	s25 =	sor.u32 s30, s25  }
0x1f5: {  	v17 =	vld [tilespmem:s25+$0xE470]  }
0x1f6: {  	v19 =	vld [tilespmem:s25+$0xE000]  }
0x1f7: {  	v21 =	vld [tilespmem:s25+$0xE010]  }
0x1f8: {  	v22 =	vld [tilespmem:s25+$0xE020]  }
0x1f9: {  	v24 =	vld [tilespmem:s25+$0xE030]  }
0x1fa: {  	v25 =	vld [tilespmem:s25+$0xE040]  }
0x1fb: {  	v27 =	vld [tilespmem:s25+$0xE050]  }
0x1fc: {  	v61 =	vld [tilespmem:s25+$0xE060];
	v17 =	vmul.f32 v17, v7  }
0x1fd: {  	v23 =	vld [tilespmem:s25+$0xE070];
	v19 =	vmul.f32 v19, v7;
	v21 =	vmul.f32 v21, v7  }
0x1fe: {  	v62 =	vmul.f32 v22, v7;
	v63 =	vmul.f32 v24, v7;
	v24 =	vld [tilespmem:s25+$0xE400]  }
0x1ff: {  	v22 =	vld [tilespmem:s25+$0xE410];
	v5 =	vadd.f32 v17, v5;
	v17 =	vadd.f32 v21, v16;
	v16 =	vmul.f32 v25, v7  }
0x200: {  	v19 =	vadd.f32 v19, v15;
	v18 =	vadd.f32 v62, v18;
	v21 =	vld [tilespmem:s25+$0xE420];
	v25 =	vmul.f32 v27, v7  }
0x201: {  	s26 =	simm.s32 $0x2;
	s28 =	simm.s32 $0x0;
	v15 =	vadd.f32 v63, v20;
	v20 =	vld [tilespmem:s25+$0xE430];
	v16 =	vadd.f32 v16, v26;
	v26 =	vmul.f32 v61, v7  }
.LBB2_9:
0x202: {  	p0 =	sne.s32 s26, $0x1F;
	s28 =	smul.u32 $0x6000, s28;
	v14 =	vadd.f32 v25, v14;
	v23 =	vmul.f32 v23, v7;
	v25 =	vld [tilespmem:s25+$0xE440]  }
0x203: {  	s12 =	sadd.s32 $0x80, s12;
	v12 =	vadd.f32 v26, v12;
	v24 =	vmul.f32 v24, v7;
	v26 =	vld [tilespmem:s25+$0xE450]  }
0x204: {  	s24 =	sadd.s32 $0x80, s24;
	s29 =	sand.u32 $0x380, s12;
	s28 =	sshra.s32 s28, $0x2;
	v13 =	vadd.f32 v23, v13;
	v22 =	vmul.f32 v22, v7;
	v23 =	vld [tilespmem:s25+$0xE460]  }
0x205: {  	v27 =	vld [tilespmem:s24+$0x0];
	s25 =	sor.u32 s29, s28;
	v11 =	vadd.f32 v24, v11;
	v21 =	vmul.f32 v21, v7  }
0x206: {  	v24 =	vld [tilespmem:s25+$0xE470];
	v10 =	vadd.f32 v22, v10;
	v20 =	vmul.f32 v20, v7  }
0x207: {  	v22 =	vld [tilespmem:s25+$0xE000];
	v9 =	vadd.f32 v21, v9;
	v21 =	vmul.f32 v25, v7  }
0x208: {  	v25 =	vld [tilespmem:s25+$0xE010];
	v8 =	vadd.f32 v20, v8;
	v20 =	vmul.f32 v26, v7  }
0x209: {  	v26 =	vld [tilespmem:s25+$0xE020];
	v6 =	vadd.f32 v21, v6;
	v21 =	vmul.f32 v23, v7  }
0x20a: {  	v28 =	vld [tilespmem:s25+$0xE030];
	v4 =	vadd.f32 v20, v4;
	v7 =	vmov v27  }
0x20b: {  	v20 =	vld [tilespmem:s25+$0xE040];
	v23 =	vmul.f32 v24, v7;
	v3 =	vadd.f32 v21, v3  }
0x20c: {  	v21 =	vmul.f32 v22, v7;
	v27 =	vld [tilespmem:s25+$0xE050]  }
0x20d: {  	v22 =	vmul.f32 v25, v7;
	v29 =	vld [tilespmem:s25+$0xE060];
	v5 =	vadd.f32 v23, v5  }
.Ltmp3:
0x20e: {  	v19 =	vadd.f32 v21, v19;
	v21 =	vmul.f32 v26, v7;
	v23 =	vld [tilespmem:s25+$0xE070];
	(pc) =	sbr.rel @p0 .LBB2_9-.Ltmp3, $4  }
0x20f: {  	v17 =	vadd.f32 v22, v17;
	v25 =	vmul.f32 v28, v7;
	v24 =	vld [tilespmem:s25+$0xE400]  }
0x210: {  	v18 =	vadd.f32 v21, v18;
	v20 =	vmul.f32 v20, v7;
	v22 =	vld [tilespmem:s25+$0xE410]  }
0x211: {  	v15 =	vadd.f32 v25, v15;
	v25 =	vmul.f32 v27, v7;
	v21 =	vld [tilespmem:s25+$0xE420]  }
0x212: {  	s28 =	sshrl.u32 s26, $0x3;
	s26 =	sadd.s32 $0x1, s26;
	v16 =	vadd.f32 v20, v16;
	v26 =	vmul.f32 v29, v7;
	v20 =	vld [tilespmem:s25+$0xE430]  }
0x213: {  	v27 =	vld [tilespmem:s25+$0xE440]  }
0x214: {  	s26 =	smul.u32 $0x6000, s28;
	v28 =	vld [tilespmem:s25+$0xE450]  }
0x215: {  	s12 =	sadd.s32 $0x80, s12;
	v29 =	vld [tilespmem:s25+$0xE460]  }
0x216: {  	s24 =	sadd.s32 $0x80, s24;
	v62 =	vld [tilespmem:$0x15100];
	s12 =	sand.u32 $0x380, s12;
	s26 =	sshra.s32 s26, $0x2  }
0x217: {  	v30 =	vld [tilespmem:s24+$0x0];
	s12 =	sor.u32 s12, s26  }
0x218: {  	v31 =	vld [tilespmem:s12+$0xE470]  }
0x219: {  	v32 =	vld [tilespmem:s12+$0xE000]  }
0x21a: {  	v33 =	vld [tilespmem:s12+$0xE010]  }
0x21b: {  	v34 =	vld [tilespmem:s12+$0xE020]  }
0x21c: {  	v35 =	vld [tilespmem:s12+$0xE030]  }
0x21d: {  	v36 =	vld [tilespmem:s12+$0xE040]  }
0x21e: {  	v37 =	vld [tilespmem:s12+$0xE050]  }
0x21f: {  	v38 =	vld [tilespmem:s12+$0xE060]  }
0x220: {  	v39 =	vld [tilespmem:s12+$0xE070]  }
0x221: {  	v40 =	vld [tilespmem:s12+$0xE400]  }
0x222: {  	v23 =	vmul.f32 v23, v7;
	v41 =	vld [tilespmem:s12+$0xE410]  }
0x223: {  	v14 =	vadd.f32 v25, v14;
	v24 =	vmul.f32 v24, v7;
	v42 =	vld [tilespmem:s12+$0xE420];
	v25 =	vmul.f32 v32, v30  }
0x224: {  	v12 =	vadd.f32 v26, v12;
	v13 =	vadd.f32 v23, v13;
	v60 =	vld [tilespmem:s12+$0xE430];
	v23 =	vmul.f32 v33, v30  }
0x225: {  	v24 =	vadd.f32 v24, v11;
	v26 =	vld [tilespmem:s12+$0xE440];
	v11 =	vadd.f32 v25, v19;
	v19 =	vmul.f32 v34, v30  }
0x226: {  	v22 =	vmul.f32 v22, v7;
	v61 =	vld [tilespmem:s12+$0xE460];
	v17 =	vadd.f32 v23, v17;
	v23 =	vmul.f32 v35, v30  }
0x227: {  	v25 =	vld [tilespmem:s12+$0xE450];
	v18 =	vadd.f32 v19, v18;
	v19 =	vmul.f32 v21, v7;
	v21 =	vmul.f32 v36, v30;
	[tilespmem:$0x15600] =	vst v11  }
0x228: {  	v10 =	vadd.f32 v22, v10;
	v11 =	vadd.f32 v23, v15;
	v15 =	vmul.f32 v37, v30;
	[tilespmem:$0x15610] =	vst v17;
	v17 =	vld [tilespmem:$0x15110]  }
0x229: {  	v9 =	vadd.f32 v19, v9;
	v16 =	vadd.f32 v21, v16;
	v19 =	vmul.f32 v38, v30;
	[tilespmem:$0x15620] =	vst v18;
	v18 =	vld [tilespmem:$0x15120]  }
0x22a: {  	v14 =	vadd.f32 v15, v14;
	v15 =	vmul.f32 v20, v7;
	v20 =	vmul.f32 v39, v30;
	[tilespmem:$0x15630] =	vst v11;
	v21 =	vld [tilespmem:$0x15130]  }
0x22b: {  	v22 =	vmul.f32 v40, v30;
	v11 =	vld [tilespmem:$0x15150];
	v12 =	vadd.f32 v19, v12;
	v19 =	vmul.f32 v27, v7;
	[tilespmem:$0x15640] =	vst v16  }
0x22c: {  	v16 =	vld [tilespmem:$0x15140];
	v8 =	vadd.f32 v15, v8;
	v13 =	vadd.f32 v20, v13;
	v15 =	vmul.f32 v41, v30;
	[tilespmem:$0x15650] =	vst v14  }
0x22d: {  	v14 =	vadd.f32 v22, v24;
	v20 =	vmul.f32 v60, v30;
	v6 =	vadd.f32 v19, v6;
	[tilespmem:$0x15660] =	vst v12;
	v12 =	vld [tilespmem:$0x15160]  }
0x22e: {  	v19 =	vmul.f32 v42, v30;
	v10 =	vadd.f32 v15, v10;
	v15 =	vmul.f32 v28, v7;
	[tilespmem:$0x15670] =	vst v13;
	v13 =	vld [tilespmem:$0x15170]  }
0x22f: {  	v22 =	vmul.f32 v26, v30;
	v7 =	vmul.f32 v29, v7;
	[tilespmem:$0x15680] =	vst v14;
	v14 =	vld [tilespmem:$0x15180];
	v8 =	vadd.f32 v20, v8  }
0x230: {  	v19 =	vadd.f32 v19, v9;
	v4 =	vadd.f32 v15, v4;
	v15 =	vmul.f32 v25, v30;
	[tilespmem:$0x15690] =	vst v10;
	v9 =	vld [tilespmem:$0x15190]  }
0x231: {  	v20 =	vmul.f32 v61, v30;
	v3 =	vadd.f32 v7, v3;
	v6 =	vadd.f32 v22, v6;
	v10 =	vld [tilespmem:$0x151A0];
	[tilespmem:$0x156B0] =	vst v8  }
0x232: {  	v7 =	vld [tilespmem:$0x151B0];
	[tilespmem:$0x156A0] =	vst v19;
	v19 =	vmul.f32 v31, v30;
	v4 =	vadd.f32 v15, v4  }
0x233: {  	s26 =	simm.s32 $0x0;
	v3 =	vadd.f32 v20, v3;
	[tilespmem:$0x156C0] =	vst v6;
	v6 =	vld [tilespmem:$0x151C0]  }
0x234: {  	s29 =	smul.u32 $0x6000, s26;
	v5 =	vadd.f32 v19, v5;
	[tilespmem:$0x156D0] =	vst v4;
	v4 =	vld [tilespmem:$0x151D0]  }
0x235: {  	s12 =	simm.s32 $0x0;
	[tilespmem:$0x156E0] =	vst v3;
	v3 =	vld [tilespmem:$0x151E0]  }
0x236: {  	s24 =	simm.s32 $0x14000;
	s25 =	sshra.s32 s29, $0x2;
	s30 =	sand.u32 $0x380, s12;
	[tilespmem:$0x156F0] =	vst v5;
	v5 =	vld [tilespmem:$0x151F0]  }
0x237: {  	s25 =	sor.u32 s30, s25;
	v8 =	vld [tilespmem:s24+$0x0]  }
0x238: {  	v15 =	vld [tilespmem:s25+$0xEC70]  }
0x239: {  	v19 =	vld [tilespmem:s25+$0xE800]  }
0x23a: {  	v20 =	vld [tilespmem:s25+$0xE810]  }
0x23b: {  	v22 =	vld [tilespmem:s25+$0xE820]  }
0x23c: {  	v24 =	vld [tilespmem:s25+$0xE830]  }
0x23d: {  	v25 =	vld [tilespmem:s25+$0xE840]  }
0x23e: {  	v26 =	vld [tilespmem:s25+$0xE850]  }
0x23f: {  	v27 =	vld [tilespmem:s25+$0xE860];
	v15 =	vmul.f32 v15, v8  }
0x240: {  	v23 =	vld [tilespmem:s25+$0xE870];
	v20 =	vmul.f32 v20, v8  }
0x241: {  	v63 =	vmul.f32 v24, v8;
	v24 =	vld [tilespmem:s25+$0xEC00];
	v5 =	vadd.f32 v15, v5;
	v15 =	vmul.f32 v22, v8  }
0x242: {  	v19 =	vmul.f32 v19, v8;
	v17 =	vadd.f32 v20, v17;
	v20 =	vmul.f32 v25, v8;
	v22 =	vld [tilespmem:s25+$0xEC10]  }
0x243: {  	v25 =	vmul.f32 v26, v8;
	v18 =	vadd.f32 v15, v18;
	v15 =	vadd.f32 v63, v21;
	v21 =	vld [tilespmem:s25+$0xEC20]  }
0x244: {  	s28 =	simm.s32 $0x0;
	s26 =	simm.s32 $0x2;
	v19 =	vadd.f32 v19, v62;
	v26 =	vmul.f32 v27, v8;
	v16 =	vadd.f32 v20, v16;
	v20 =	vld [tilespmem:s25+$0xEC30]  }
.LBB2_11:
0x245: {  	p0 =	sne.s32 s26, $0x1F;
	s28 =	smul.u32 $0x6000, s28;
	v11 =	vadd.f32 v25, v11;
	v23 =	vmul.f32 v23, v8;
	v25 =	vld [tilespmem:s25+$0xEC40]  }
0x246: {  	s12 =	sadd.s32 $0x80, s12;
	v12 =	vadd.f32 v26, v12;
	v24 =	vmul.f32 v24, v8;
	v26 =	vld [tilespmem:s25+$0xEC50]  }
0x247: {  	s24 =	sadd.s32 $0x80, s24;
	s29 =	sand.u32 $0x380, s12;
	s28 =	sshra.s32 s28, $0x2;
	v13 =	vadd.f32 v23, v13;
	v22 =	vmul.f32 v22, v8;
	v23 =	vld [tilespmem:s25+$0xEC60]  }
0x248: {  	v27 =	vld [tilespmem:s24+$0x0];
	s25 =	sor.u32 s29, s28;
	v14 =	vadd.f32 v24, v14;
	v21 =	vmul.f32 v21, v8  }
0x249: {  	v24 =	vld [tilespmem:s25+$0xEC70];
	v9 =	vadd.f32 v22, v9;
	v20 =	vmul.f32 v20, v8  }
0x24a: {  	v22 =	vld [tilespmem:s25+$0xE800];
	v10 =	vadd.f32 v21, v10;
	v21 =	vmul.f32 v25, v8  }
0x24b: {  	v25 =	vld [tilespmem:s25+$0xE810];
	v7 =	vadd.f32 v20, v7;
	v20 =	vmul.f32 v26, v8  }
0x24c: {  	v26 =	vld [tilespmem:s25+$0xE820];
	v6 =	vadd.f32 v21, v6;
	v21 =	vmul.f32 v23, v8  }
0x24d: {  	v28 =	vld [tilespmem:s25+$0xE830];
	v4 =	vadd.f32 v20, v4;
	v8 =	vmov v27  }
0x24e: {  	v20 =	vld [tilespmem:s25+$0xE840];
	v23 =	vmul.f32 v24, v8;
	v3 =	vadd.f32 v21, v3  }
0x24f: {  	v21 =	vmul.f32 v22, v8;
	v27 =	vld [tilespmem:s25+$0xE850]  }
0x250: {  	v22 =	vmul.f32 v25, v8;
	v29 =	vld [tilespmem:s25+$0xE860];
	v5 =	vadd.f32 v23, v5  }
.Ltmp4:
0x251: {  	v19 =	vadd.f32 v21, v19;
	v21 =	vmul.f32 v26, v8;
	v23 =	vld [tilespmem:s25+$0xE870];
	(pc) =	sbr.rel @p0 .LBB2_11-.Ltmp4, $4  }
0x252: {  	v17 =	vadd.f32 v22, v17;
	v25 =	vmul.f32 v28, v8;
	v24 =	vld [tilespmem:s25+$0xEC00]  }
0x253: {  	v18 =	vadd.f32 v21, v18;
	v20 =	vmul.f32 v20, v8;
	v22 =	vld [tilespmem:s25+$0xEC10]  }
0x254: {  	v15 =	vadd.f32 v25, v15;
	v25 =	vmul.f32 v27, v8;
	v21 =	vld [tilespmem:s25+$0xEC20]  }
0x255: {  	s28 =	sshrl.u32 s26, $0x3;
	s26 =	sadd.s32 $0x1, s26;
	v16 =	vadd.f32 v20, v16;
	v26 =	vmul.f32 v29, v8;
	v20 =	vld [tilespmem:s25+$0xEC30]  }
0x256: {  	v27 =	vld [tilespmem:s25+$0xEC40]  }
0x257: {  	s26 =	smul.u32 $0x6000, s28;
	v28 =	vld [tilespmem:s25+$0xEC50]  }
0x258: {  	s12 =	sadd.s32 $0x80, s12;
	v29 =	vld [tilespmem:s25+$0xEC60]  }
0x259: {  	s24 =	sadd.s32 $0x80, s24;
	v62 =	vld [tilespmem:$0x15220];
	s12 =	sand.u32 $0x380, s12;
	s26 =	sshra.s32 s26, $0x2  }
0x25a: {  	v30 =	vld [tilespmem:s24+$0x0];
	s12 =	sor.u32 s12, s26  }
0x25b: {  	v31 =	vld [tilespmem:s12+$0xEC70]  }
0x25c: {  	v32 =	vld [tilespmem:s12+$0xE800]  }
0x25d: {  	v33 =	vld [tilespmem:s12+$0xE810]  }
0x25e: {  	v34 =	vld [tilespmem:s12+$0xE820]  }
0x25f: {  	v35 =	vld [tilespmem:s12+$0xE830]  }
0x260: {  	v36 =	vld [tilespmem:s12+$0xE840]  }
0x261: {  	v37 =	vld [tilespmem:s12+$0xE850]  }
0x262: {  	v38 =	vld [tilespmem:s12+$0xE860]  }
0x263: {  	v39 =	vld [tilespmem:s12+$0xE870]  }
0x264: {  	v40 =	vld [tilespmem:s12+$0xEC00]  }
0x265: {  	v23 =	vmul.f32 v23, v8;
	v11 =	vadd.f32 v25, v11;
	v24 =	vmul.f32 v24, v8;
	v41 =	vld [tilespmem:s12+$0xEC10]  }
0x266: {  	v12 =	vadd.f32 v26, v12;
	v22 =	vmul.f32 v22, v8;
	v42 =	vld [tilespmem:s12+$0xEC20];
	v25 =	vmul.f32 v32, v30  }
0x267: {  	v13 =	vadd.f32 v23, v13;
	v21 =	vmul.f32 v21, v8;
	v60 =	vld [tilespmem:s12+$0xEC30];
	v23 =	vmul.f32 v33, v30  }
0x268: {  	v14 =	vadd.f32 v24, v14;
	v26 =	vld [tilespmem:s12+$0xEC40];
	v24 =	vmul.f32 v34, v30;
	v19 =	vadd.f32 v25, v19  }
0x269: {  	v61 =	vld [tilespmem:s12+$0xEC60];
	v10 =	vadd.f32 v21, v10;
	v21 =	vmul.f32 v38, v30;
	v17 =	vadd.f32 v23, v17  }
0x26a: {  	v25 =	vld [tilespmem:s12+$0xEC50];
	v23 =	vmul.f32 v35, v30;
	v18 =	vadd.f32 v24, v18;
	[tilespmem:$0x15700] =	vst v19  }
0x26b: {  	v22 =	vadd.f32 v22, v9;
	v24 =	vmul.f32 v36, v30;
	v12 =	vadd.f32 v21, v12;
	v19 =	vld [tilespmem:$0x15200];
	[tilespmem:$0x15710] =	vst v17  }
0x26c: {  	v21 =	vmul.f32 v27, v8;
	v9 =	vadd.f32 v23, v15;
	v15 =	vmul.f32 v37, v30;
	v17 =	vld [tilespmem:$0x15210];
	[tilespmem:$0x15720] =	vst v18  }
0x26d: {  	v16 =	vadd.f32 v24, v16;
	v18 =	vmul.f32 v39, v30;
	v23 =	vmul.f32 v40, v30;
	[tilespmem:$0x15760] =	vst v12;
	v12 =	vld [tilespmem:$0x15260]  }
0x26e: {  	v6 =	vadd.f32 v21, v6;
	v11 =	vadd.f32 v15, v11;
	v15 =	vmul.f32 v20, v8;
	[tilespmem:$0x15730] =	vst v9;
	v20 =	vld [tilespmem:$0x15230]  }
0x26f: {  	v21 =	vmul.f32 v28, v8;
	[tilespmem:$0x15740] =	vst v16;
	v16 =	vld [tilespmem:$0x15240];
	v13 =	vadd.f32 v18, v13;
	v18 =	vmul.f32 v42, v30  }
0x270: {  	v9 =	vld [tilespmem:$0x15250];
	v7 =	vadd.f32 v15, v7;
	v15 =	vmul.f32 v41, v30;
	[tilespmem:$0x15750] =	vst v11;
	v11 =	vadd.f32 v23, v14  }
0x271: {  	v8 =	vmul.f32 v29, v8;
	[tilespmem:$0x15770] =	vst v13;
	v14 =	vld [tilespmem:$0x15270];
	v10 =	vadd.f32 v18, v10;
	v18 =	vmul.f32 v26, v30  }
0x272: {  	v13 =	vld [tilespmem:$0x15290];
	v15 =	vadd.f32 v15, v22;
	v22 =	vmul.f32 v60, v30;
	[tilespmem:$0x15780] =	vst v11  }
0x273: {  	v3 =	vadd.f32 v8, v3;
	v8 =	vld [tilespmem:$0x152B0];
	v6 =	vadd.f32 v18, v6;
	[tilespmem:$0x157A0] =	vst v10;
	v10 =	vmul.f32 v31, v30  }
0x274: {  	v4 =	vadd.f32 v21, v4;
	v11 =	vld [tilespmem:$0x15280];
	v21 =	vadd.f32 v22, v7;
	v22 =	vmul.f32 v25, v30;
	[tilespmem:$0x15790] =	vst v15  }
0x275: {  	v15 =	vmul.f32 v61, v30;
	v7 =	vld [tilespmem:$0x152A0];
	[tilespmem:$0x157C0] =	vst v6;
	v5 =	vadd.f32 v10, v5  }
0x276: {  	s26 =	simm.s32 $0x0;
	v6 =	vld [tilespmem:$0x152C0];
	v4 =	vadd.f32 v22, v4;
	[tilespmem:$0x157B0] =	vst v21  }
0x277: {  	s29 =	smul.u32 $0x6000, s26;
	v3 =	vadd.f32 v15, v3;
	[tilespmem:$0x157F0] =	vst v5;
	v5 =	vld [tilespmem:$0x152F0]  }
0x278: {  	s12 =	simm.s32 $0x0;
	[tilespmem:$0x157D0] =	vst v4;
	v4 =	vld [tilespmem:$0x152D0]  }
0x279: {  	s24 =	simm.s32 $0x14000;
	s25 =	sshra.s32 s29, $0x2;
	s30 =	sand.u32 $0x380, s12;
	[tilespmem:$0x157E0] =	vst v3;
	v3 =	vld [tilespmem:$0x152E0]  }
0x27a: {  	s25 =	sor.u32 s30, s25;
	v10 =	vld [tilespmem:s24+$0x0]  }
0x27b: {  	v15 =	vld [tilespmem:s25+$0xF470]  }
0x27c: {  	v18 =	vld [tilespmem:s25+$0xF000]  }
0x27d: {  	v21 =	vld [tilespmem:s25+$0xF010]  }
0x27e: {  	v22 =	vld [tilespmem:s25+$0xF020]  }
0x27f: {  	v23 =	vld [tilespmem:s25+$0xF030]  }
0x280: {  	v25 =	vld [tilespmem:s25+$0xF040]  }
0x281: {  	v26 =	vld [tilespmem:s25+$0xF050]  }
0x282: {  	v27 =	vld [tilespmem:s25+$0xF060];
	v15 =	vmul.f32 v15, v10  }
0x283: {  	v24 =	vld [tilespmem:s25+$0xF070];
	v18 =	vmul.f32 v18, v10;
	v21 =	vmul.f32 v21, v10  }
0x284: {  	v63 =	vmul.f32 v23, v10;
	v23 =	vld [tilespmem:s25+$0xF400];
	v5 =	vadd.f32 v15, v5;
	v15 =	vmul.f32 v22, v10  }
0x285: {  	v19 =	vadd.f32 v18, v19;
	v18 =	vadd.f32 v21, v17;
	v21 =	vmul.f32 v25, v10;
	v22 =	vld [tilespmem:s25+$0xF410]  }
0x286: {  	v25 =	vmul.f32 v26, v10;
	v17 =	vadd.f32 v15, v62;
	v15 =	vadd.f32 v63, v20;
	v20 =	vld [tilespmem:s25+$0xF420]  }
0x287: {  	s28 =	simm.s32 $0x0;
	s26 =	simm.s32 $0x2;
	v26 =	vmul.f32 v27, v10;
	v16 =	vadd.f32 v21, v16;
	v21 =	vld [tilespmem:s25+$0xF430]  }
.LBB2_13:
0x288: {  	p0 =	sne.s32 s26, $0x1F;
	s28 =	smul.u32 $0x6000, s28;
	v9 =	vadd.f32 v25, v9;
	v24 =	vmul.f32 v24, v10;
	v25 =	vld [tilespmem:s25+$0xF440]  }
0x289: {  	s12 =	sadd.s32 $0x80, s12;
	v12 =	vadd.f32 v26, v12;
	v23 =	vmul.f32 v23, v10;
	v26 =	vld [tilespmem:s25+$0xF450]  }
0x28a: {  	s24 =	sadd.s32 $0x80, s24;
	s29 =	sand.u32 $0x380, s12;
	s28 =	sshra.s32 s28, $0x2;
	v14 =	vadd.f32 v24, v14;
	v22 =	vmul.f32 v22, v10;
	v24 =	vld [tilespmem:s25+$0xF460]  }
0x28b: {  	v27 =	vld [tilespmem:s24+$0x0];
	s25 =	sor.u32 s29, s28;
	v11 =	vadd.f32 v23, v11;
	v20 =	vmul.f32 v20, v10  }
0x28c: {  	v23 =	vld [tilespmem:s25+$0xF470];
	v13 =	vadd.f32 v22, v13;
	v21 =	vmul.f32 v21, v10  }
0x28d: {  	v22 =	vld [tilespmem:s25+$0xF000];
	v7 =	vadd.f32 v20, v7;
	v20 =	vmul.f32 v25, v10  }
0x28e: {  	v25 =	vld [tilespmem:s25+$0xF010];
	v8 =	vadd.f32 v21, v8;
	v21 =	vmul.f32 v26, v10  }
0x28f: {  	v26 =	vld [tilespmem:s25+$0xF020];
	v6 =	vadd.f32 v20, v6;
	v20 =	vmul.f32 v24, v10  }
0x290: {  	v28 =	vld [tilespmem:s25+$0xF030];
	v4 =	vadd.f32 v21, v4;
	v10 =	vmov v27  }
0x291: {  	v21 =	vld [tilespmem:s25+$0xF040];
	v23 =	vmul.f32 v23, v10;
	v3 =	vadd.f32 v20, v3  }
0x292: {  	v20 =	vmul.f32 v22, v10;
	v27 =	vld [tilespmem:s25+$0xF050]  }
0x293: {  	v22 =	vmul.f32 v25, v10;
	v29 =	vld [tilespmem:s25+$0xF060];
	v5 =	vadd.f32 v23, v5  }
.Ltmp5:
0x294: {  	v19 =	vadd.f32 v20, v19;
	v20 =	vmul.f32 v26, v10;
	v24 =	vld [tilespmem:s25+$0xF070];
	(pc) =	sbr.rel @p0 .LBB2_13-.Ltmp5, $4  }
0x295: {  	v18 =	vadd.f32 v22, v18;
	v25 =	vmul.f32 v28, v10;
	v23 =	vld [tilespmem:s25+$0xF400]  }
0x296: {  	v17 =	vadd.f32 v20, v17;
	v21 =	vmul.f32 v21, v10;
	v22 =	vld [tilespmem:s25+$0xF410]  }
0x297: {  	v15 =	vadd.f32 v25, v15;
	v25 =	vmul.f32 v27, v10;
	v20 =	vld [tilespmem:s25+$0xF420]  }
0x298: {  	s28 =	sshrl.u32 s26, $0x3;
	s26 =	sadd.s32 $0x1, s26;
	v16 =	vadd.f32 v21, v16;
	v26 =	vmul.f32 v29, v10;
	v21 =	vld [tilespmem:s25+$0xF430]  }
0x299: {  	s26 =	smul.u32 $0x6000, s28;
	v27 =	vld [tilespmem:s25+$0xF440]  }
0x29a: {  	v28 =	vld [tilespmem:s25+$0xF450];
	s12 =	sadd.s32 $0x80, s12  }
0x29b: {  	v29 =	vld [tilespmem:s25+$0xF460];
	s24 =	sadd.s32 $0x80, s24;
	s12 =	sand.u32 $0x380, s12;
	s26 =	sshra.s32 s26, $0x2  }
0x29c: {  	v30 =	vld [tilespmem:s24+$0x0];
	s12 =	sor.u32 s12, s26  }
0x29d: {  	v31 =	vld [tilespmem:s12+$0xF470]  }
0x29e: {  	v32 =	vld [tilespmem:s12+$0xF000]  }
0x29f: {  	v33 =	vld [tilespmem:s12+$0xF010]  }
0x2a0: {  	v34 =	vld [tilespmem:s12+$0xF020]  }
0x2a1: {  	v35 =	vld [tilespmem:s12+$0xF030]  }
0x2a2: {  	v36 =	vld [tilespmem:s12+$0xF040]  }
0x2a3: {  	v37 =	vld [tilespmem:s12+$0xF050]  }
0x2a4: {  	v38 =	vld [tilespmem:s12+$0xF060]  }
0x2a5: {  	v39 =	vld [tilespmem:s12+$0xF070]  }
0x2a6: {  	v40 =	vld [tilespmem:s12+$0xF400]  }
0x2a7: {  	v24 =	vmul.f32 v24, v10;
	v41 =	vld [tilespmem:s12+$0xF410]  }
0x2a8: {  	v9 =	vadd.f32 v25, v9;
	v12 =	vadd.f32 v26, v12;
	v42 =	vld [tilespmem:s12+$0xF420];
	v59 =	vmul.f32 v32, v30  }
0x2a9: {  	v23 =	vmul.f32 v23, v10;
	v14 =	vadd.f32 v24, v14;
	v60 =	vld [tilespmem:s12+$0xF430];
	v61 =	vmul.f32 v33, v30  }
0x2aa: {  	v22 =	vmul.f32 v22, v10;
	v62 =	vld [tilespmem:s12+$0xF440];
	v63 =	vmul.f32 v34, v30;
	v19 =	vadd.f32 v59, v19  }
0x2ab: {  	v11 =	vadd.f32 v23, v11;
	v43 =	vld [tilespmem:s12+$0xF450];
	v44 =	vmul.f32 v35, v30;
	v18 =	vadd.f32 v61, v18  }
0x2ac: {  	v47 =	vmul.f32 v20, v10;
	v45 =	vld [tilespmem:s12+$0xF460];
	v46 =	vmul.f32 v36, v30;
	v17 =	vadd.f32 v63, v17;
	[tilespmem:$0x15800] =	vst v19  }
0x2ad: {  	v13 =	vadd.f32 v22, v13;
	v48 =	vmul.f32 v37, v30;
	v15 =	vadd.f32 v44, v15;
	[tilespmem:$0x15810] =	vst v18  }
0x2ae: {  	v49 =	vmul.f32 v21, v10;
	v50 =	vmul.f32 v38, v30;
	v16 =	vadd.f32 v46, v16;
	[tilespmem:$0x15820] =	vst v17  }
0x2af: {  	v7 =	vadd.f32 v47, v7;
	v51 =	vmul.f32 v39, v30;
	v9 =	vadd.f32 v48, v9;
	[tilespmem:$0x15830] =	vst v15  }
0x2b0: {  	v53 =	vmul.f32 v27, v10;
	v52 =	vmul.f32 v40, v30;
	v12 =	vadd.f32 v50, v12;
	[tilespmem:$0x15840] =	vst v16  }
0x2b1: {  	v55 =	vmul.f32 v28, v10;
	v54 =	vmul.f32 v41, v30;
	v14 =	vadd.f32 v51, v14;
	[tilespmem:$0x15850] =	vst v9  }
0x2b2: {  	v8 =	vadd.f32 v49, v8;
	v56 =	vmul.f32 v42, v30;
	v11 =	vadd.f32 v52, v11;
	[tilespmem:$0x15860] =	vst v12  }
0x2b3: {  	v6 =	vadd.f32 v53, v6;
	v58 =	vmul.f32 v60, v30;
	v57 =	vadd.f32 v54, v13;
	[tilespmem:$0x15870] =	vst v14  }
0x2b4: {  	v4 =	vadd.f32 v55, v4;
	v60 =	vmul.f32 v62, v30;
	v7 =	vadd.f32 v56, v7;
	[tilespmem:$0x15880] =	vst v11  }
0x2b5: {  	v59 =	vmul.f32 v29, v10;
	v8 =	vadd.f32 v58, v8;
	v61 =	vmul.f32 v43, v30;
	[tilespmem:$0x15890] =	vst v57  }
0x2b6: {  	s7 =	sadd.s32 $0x1, s7;
	v6 =	vadd.f32 v60, v6;
	v63 =	vmul.f32 v31, v30;
	[tilespmem:$0x158A0] =	vst v7  }
0x2b7: {  	p0 =	sne.s32 s7, $0x40;
	v62 =	vmul.f32 v45, v30;
	v3 =	vadd.f32 v59, v3;
	v4 =	vadd.f32 v61, v4;
	[tilespmem:$0x158B0] =	vst v8  }
.Ltmp6:
0x2b8: {  	s8 =	sand.u32 $0x380, s8;
	[tilespmem:$0x158C0] =	vst v6;
	v5 =	vadd.f32 v63, v5;
	(pc) =	sbr.rel @p0 .LBB2_2-.Ltmp6, $4  }
0x2b9: {  	s8 =	sor.u32 s8, s11;
	v3 =	vadd.f32 v62, v3;
	[tilespmem:$0x158D0] =	vst v4  }
0x2ba: {  	s8 =	sshrl.u32 s8, $0x3;
	[tilespmem:$0x158F0] =	vst v5  }
0x2bb: {  	s8 =	sadd.s32 s4, s8;
	[tilespmem:$0x158E0] =	vst v3  }
0x2bc: {  	[hbm4b:s8+s19] =	stream.strided.scatter [tilespmem:s23], [sflag:$0x4], $0x300, s20, s19, $0x38;
	[tilespmem:$0x15900] =	vst v63  }
0x2bd: {  	s7 =	simm.s32 $0x3  }
0x2be: {  	_ =	swait.ge [sflag:s7], $0x300  }
0x2bf: {  	[sflag:s7] =	ssyncset.done $0x0  }
0x2c0: {  	s8 =	simm.s32 $0x4;
	[sflag:s7] =	ssyncadd.s32 $0xFFFFFD00  }
0x2c1: {  	_ =	swait.ge [sflag:s8], $0x300  }
0x2c2: {  	s11 =	rddreg [dreg:$0x8]  }
0x2c3: {  	s30 =	rddreg [dreg:$0x7];
	s11 =	sadd.s32 $0x1, s11  }
0x2c4: {  	p0 =	sne.s32 s11, s30  }
.Ltmp7:
0x2c5: {  	_ = 	snop;
	(pc) =	sbr.rel @p0 .LBB2_1-.Ltmp7, $3  }
0x2c6: {  	_ =	sdelay $0x1  }
0x2c7: {  	[sflag:s8] =	ssyncset.done $0x0  }
0x2c8: {  	[sflag:s8] =	ssyncadd.s32 $0xFFFFFD00  }
0x2c9: {  	_ =	sfence.sel $0x180000  }
0x2ca: {  	[bflag:$0x0] =	sbarrier.arrive $0xFFFF  }
0x2cb: {  	_ =	strace $0x90000047  }
0x2cc: {  	s0 =	stileid.u32;
	[bflag:$0x2] =	sbarrier.arrive $0xFFFF  }
0x2cd: {  	p0 =	sne.s32 s0, $0x0;
	s0 =	rddreg [dreg:$0x4]  }
0x2ce: {  	s0 =	sadd.s32 @!p0 $0x100000, s0  }
0x2cf: {  	[sflag:s0] =	ssyncadd.tile.s32 @!p0 $0x1;
	_ =	shalt  }
.Lfunc_end2:
_tile_overlayer_lowered:
.L_overlay_start_2:
0x2d0: {  	(tag) =	ssettag $0x2  }
0x2d1: {  	s0 =	rddreg [dreg:$0x0];
	s2 =	stileid.u32  }
0x2d2: {  	s1 =	rddreg [dreg:$0x1];
	p0 =	sne.s32 s2, $0x0  }
0x2d3: {  	s3 =	rddreg [dreg:$0x2];
	[bflag:$0x3] =	sbarrier.arrive $0xFFFF;
	s2 =	simm.s32 @!p0 $0x1C05  }
0x2d4: {  	[timem:s3], [sflag:s2] =	dma.local @!p0 [hbm:s0], s1  }
0x2d5: {  	s0 =	simm.s32 @!p0 $0x5  }
0x2d6: {  	_ =	swait.ge @!p0 [sflag:s0], s1  }
0x2d7: {  	s1 =	ssub.s32 @!p0 $0x0, s1;
	[sflag:s0] =	ssyncset.done @!p0 $0x0  }
0x2d8: {  	[sflag:s0] =	ssyncadd.s32 @!p0 s1  }
0x2d9: {  	[bflag:$0x3] =	sbarrier.arrive $0xFFFF  }
0x2da: {  	_ =	shalt  }

</sc_bundles>
